<compile_context>
chip_gen: v7x
topology: tpu7x:2x2x1
jax: 0.10.2.dev20260603
libtpu: 0.0.44.dev20260713+nightly
codegen_flags: <defaults>
</compile_context>

<pallas_src>
import functools

import jax
import jax.numpy as jnp
from jax import lax
from jax.experimental import pallas as pl
from jax.experimental.pallas import tpu as pltpu
from jax.experimental.pallas import tpu_sc as plsc

N = 10000
E = 320000
D = 128
H = 128
OUT = 128
EPS = 0.0
BN_EPS = 1e-5

NC = 2
NS = 16
NW = NC * NS
CH = 128
CPW = 81
E_PAD = NW * CPW * CH
N_PAD = 10240
RPT = N_PAD // NS
DH = D // 2


@functools.cache
def _sc_mesh():
    return plsc.VectorSubcoreMesh(core_axis_name="c", subcore_axis_name="s",
                                  num_cores=NC, num_subcores=NS)


def _aggr_body(h_hbm, src_hbm, dst_hbm, out_hbm,
               sidx, didx, rows0, rows1, rows2, h_sh, acc_sh,
               gsem0, gsem1, gsem2, ssem0, ssem1, ssem2):
    core = lax.axis_index("c")
    s = lax.axis_index("s")
    wid = core * NS + s

    pltpu.sync_copy(src_hbm.at[pl.ds(wid * CPW, CPW)], sidx)
    pltpu.sync_copy(dst_hbm.at[pl.ds(wid * CPW, CPW)], didx)

    rows = (rows0, rows1, rows2)
    gsem = (gsem0, gsem1, gsem2)
    ssem = (ssem0, ssem1, ssem2)
    zeros16 = jnp.zeros((16,), jnp.float32)

    for half in range(2):
        pltpu.sync_copy(h_hbm.at[half, pl.ds(s * RPT, RPT)],
                        h_sh.at[pl.ds(s * RPT, RPT)])

        def _zb(i, carry):
            r = i // (DH // 16)
            col = (i % (DH // 16)) * 16
            rows0[r, pl.ds(col, 16)] = zeros16
            return carry

        lax.fori_loop(0, CH * (DH // 16), _zb, 0)

        def _za(j, carry):
            pltpu.sync_copy(rows0, acc_sh.at[pl.ds(s * RPT + j * CH, CH)])
            return carry

        lax.fori_loop(0, RPT // CH, _za, 0)
        plsc.subcore_barrier()

        pltpu.async_copy(h_sh.at[sidx.at[0]], rows0, gsem0)
        pltpu.async_copy(h_sh.at[sidx.at[1]], rows1, gsem1)

        def _trip(i, carry):
            for b in range(3):
                c = 3 * i + b
                pltpu.make_async_copy(h_sh.at[sidx.at[c]],
                                      rows[b], gsem[b]).wait()
                pltpu.async_copy(rows[b], acc_sh.at[didx.at[c]],
                                 ssem[b], add=True)
                nb = (b + 2) % 3

                @pl.when((c >= 1) & (c + 2 < CPW))
                def _():
                    pltpu.make_async_copy(rows[nb], acc_sh.at[didx.at[c]],
                                          ssem[nb]).wait()

                @pl.when(c + 2 < CPW)
                def _():
                    pltpu.async_copy(h_sh.at[sidx.at[c + 2]],
                                     rows[nb], gsem[nb])
            return carry

        lax.fori_loop(0, CPW // 3, _trip, 0)
        for tail in range(3):
            b = (CPW - 3 + tail) % 3
            pltpu.make_async_copy(rows[b], acc_sh.at[didx.at[0]],
                                  ssem[b]).wait()
        plsc.subcore_barrier()

        pltpu.sync_copy(acc_sh.at[pl.ds(s * RPT, RPT)],
                        out_hbm.at[core, half, pl.ds(s * RPT, RPT)])


@functools.cache
def _aggr():
    return pl.kernel(
        _aggr_body,
        out_type=jax.ShapeDtypeStruct((NC, 2, N_PAD, DH), jnp.float32),
        mesh=_sc_mesh(),
        compiler_params=pltpu.CompilerParams(use_tc_tiling_on_sc=False),
        scratch_types=[
            pltpu.VMEM((CPW, CH), jnp.int32),
            pltpu.VMEM((CPW, CH), jnp.int32),
            pltpu.VMEM((CH, DH), jnp.float32),
            pltpu.VMEM((CH, DH), jnp.float32),
            pltpu.VMEM((CH, DH), jnp.float32),
            pltpu.VMEM_SHARED((N_PAD, DH), jnp.float32),
            pltpu.VMEM_SHARED((N_PAD, DH), jnp.float32),
            pltpu.SemaphoreType.DMA,
            pltpu.SemaphoreType.DMA,
            pltpu.SemaphoreType.DMA,
            pltpu.SemaphoreType.DMA,
            pltpu.SemaphoreType.DMA,
            pltpu.SemaphoreType.DMA,
        ],
    )


def _mlp_block(z, W1, b1, g, beta, W2, b2):
    y = jnp.dot(z, W1, preferred_element_type=jnp.float32) + b1
    mu = jnp.mean(y, axis=0, keepdims=True)
    var = jnp.mean((y - mu) ** 2, axis=0, keepdims=True)
    y = (y - mu) / jnp.sqrt(var + BN_EPS) * g + beta
    y = jnp.maximum(y, 0.0)
    return jnp.dot(y, W2, preferred_element_type=jnp.float32) + b2


def _gin_input(h_ref, p_ref):
    h = jnp.concatenate(
        [h_ref[0, pl.ds(0, N), :], h_ref[1, pl.ds(0, N), :]], axis=1)
    a0 = p_ref[0, 0, pl.ds(0, N), :] + p_ref[1, 0, pl.ds(0, N), :]
    a1 = p_ref[0, 1, pl.ds(0, N), :] + p_ref[1, 1, pl.ds(0, N), :]
    return (1.0 + EPS) * h + jnp.concatenate([a0, a1], axis=1)


def _layer_kernel(h_ref, p_ref, W1_ref, b1_ref, g_ref, beta_ref,
                  W2_ref, b2_ref, o_ref):
    z = _gin_input(h_ref, p_ref)
    out = _mlp_block(z, W1_ref[...], b1_ref[...], g_ref[...], beta_ref[...],
                     W2_ref[...], b2_ref[...])
    h2 = jnp.maximum(out, 0.0)
    zpad = jnp.zeros((N_PAD - N, DH), jnp.float32)
    o_ref[0, pl.ds(0, N), :] = h2[:, :DH]
    o_ref[1, pl.ds(0, N), :] = h2[:, DH:]
    o_ref[0, pl.ds(N, N_PAD - N), :] = zpad
    o_ref[1, pl.ds(N, N_PAD - N), :] = zpad


def _final_kernel(h_ref, p_ref, W1_ref, b1_ref, g_ref, beta_ref,
                  W2_ref, b2_ref, Wc1_ref, bc1_ref, Wc2_ref, bc2_ref, o_ref):
    z = _gin_input(h_ref, p_ref)
    out = _mlp_block(z, W1_ref[...], b1_ref[...], g_ref[...], beta_ref[...],
                     W2_ref[...], b2_ref[...])
    h3 = jnp.maximum(out, 0.0)
    hc = jnp.maximum(
        jnp.dot(h3, Wc1_ref[...], preferred_element_type=jnp.float32)
        + bc1_ref[...], 0.0)
    o_ref[...] = (jnp.dot(hc, Wc2_ref[...], preferred_element_type=jnp.float32)
                  + bc2_ref[...])


_layer = pl.pallas_call(
    _layer_kernel,
    out_shape=jax.ShapeDtypeStruct((2, N_PAD, DH), jnp.float32),
)

_final = pl.pallas_call(
    _final_kernel,
    out_shape=jax.ShapeDtypeStruct((N, OUT), jnp.float32),
)


def kernel(x, edge_index, W0_1, b0_1, g0, beta0, W0_2, b0_2,
           W1_1, b1_1, g1, beta1, W1_2, b1_2,
           W2_1, b2_1, g2, beta2, W2_2, b2_2, Wc1, bc1, Wc2, bc2):
    src = edge_index[0]
    dst = edge_index[1]
    pad = jnp.full((E_PAD - E,), N, dtype=jnp.int32)
    src_p = jnp.concatenate([src, pad]).reshape(NW * CPW, CH)
    dst_p = jnp.concatenate([dst, pad]).reshape(NW * CPW, CH)

    h = (jnp.zeros((2, N_PAD, DH), jnp.float32)
         .at[0, :N].set(x[:, :DH]).at[1, :N].set(x[:, DH:]))

    params = [
        (W0_1, b0_1, g0, beta0, W0_2, b0_2),
        (W1_1, b1_1, g1, beta1, W1_2, b1_2),
        (W2_1, b2_1, g2, beta2, W2_2, b2_2),
    ]

    def row(v):
        return v.reshape(1, -1)

    aggr = _aggr()
    for i in range(2):
        W1, b1, g, beta, W2, b2 = params[i]
        partials = aggr(h, src_p, dst_p)
        h = _layer(h, partials, W1, row(b1), row(g), row(beta), W2, row(b2))

    W1, b1, g, beta, W2, b2 = params[2]
    partials = aggr(h, src_p, dst_p)
    return _final(h, partials, W1, row(b1), row(g), row(beta), W2, row(b2),
                  Wc1, row(bc1), Wc2, row(bc2))

# --- scband reference (transcript-rebuilt; emitter-appended) ---
"""Pipeline reference for scband-distributed-gin-30520037606035 (READ-ONLY COPY).

The authoritative reference and input builder live on the scoring server;
editing this copy changes nothing except your own understanding.
"""

import jax, jax.numpy as jnp
import numpy as np

N = 10000
E = 320000
D = 128
H = 128
OUT = 128
EPS = 0.0
BN_EPS = 1e-5


def _mlp_bn(h, W1, b1, g, beta, W2, b2):
    h = h @ W1 + b1
    mu = jnp.mean(h, axis=0, keepdims=True)
    var = jnp.var(h, axis=0, keepdims=True)
    h = (h - mu) / jnp.sqrt(var + BN_EPS) * g + beta
    h = jax.nn.relu(h)
    return h @ W2 + b2


def _gin_conv(x, src, dst, W1, b1, g, beta, W2, b2):
    aggr = jnp.zeros_like(x).at[dst].add(x[src])
    return _mlp_bn((1.0 + EPS) * x + aggr, W1, b1, g, beta, W2, b2)


def setup_inputs(seed: int = 0):
    key = jax.random.key(seed)
    inp = {}
    inp["x"] = jax.random.normal(jax.random.fold_in(key, 0), (N, D), dtype=jnp.float32)
    inp["edge_index"] = jax.random.randint(jax.random.fold_in(key, 1), (2, E), 0, N, dtype=jnp.int32)
    k = 2
    for i in range(3):
        din = D if i == 0 else H
        inp[f"W{i}_1"] = jax.random.normal(jax.random.fold_in(key, k), (din, H), dtype=jnp.float32) / np.sqrt(din); k += 1
        inp[f"b{i}_1"] = jnp.zeros((H,), dtype=jnp.float32)
        inp[f"g{i}"] = jnp.ones((H,), dtype=jnp.float32)
        inp[f"beta{i}"] = jnp.zeros((H,), dtype=jnp.float32)
        inp[f"W{i}_2"] = jax.random.normal(jax.random.fold_in(key, k), (H, H), dtype=jnp.float32) / np.sqrt(H); k += 1
        inp[f"b{i}_2"] = jnp.zeros((H,), dtype=jnp.float32)
    inp["Wc1"] = jax.random.normal(jax.random.fold_in(key, k), (H, H), dtype=jnp.float32) / np.sqrt(H); k += 1
    inp["bc1"] = jnp.zeros((H,), dtype=jnp.float32)
    inp["Wc2"] = jax.random.normal(jax.random.fold_in(key, k), (H, OUT), dtype=jnp.float32) / np.sqrt(H); k += 1
    inp["bc2"] = jnp.zeros((OUT,), dtype=jnp.float32)
    return inp


def reference(x, edge_index, W0_1, b0_1, g0, beta0, W0_2, b0_2, W1_1, b1_1, g1, beta1, W1_2, b1_2, W2_1, b2_1, g2, beta2, W2_2, b2_2, Wc1, bc1, Wc2, bc2):
    src = edge_index[0]
    dst = edge_index[1]
    layer_params = [
        (W0_1, b0_1, g0, beta0, W0_2, b0_2),
        (W1_1, b1_1, g1, beta1, W1_2, b1_2),
        (W2_1, b2_1, g2, beta2, W2_2, b2_2),
    ]
    h = x
    for p in layer_params:
        h = _gin_conv(h, src, dst, *p)
        h = jax.nn.relu(h)
    h2 = jax.nn.relu(h @ Wc1 + bc1)
    return h2 @ Wc2 + bc2

if __name__ == "__main__":
    import jax
    _d = setup_inputs()
    print(jax.jit(kernel)(*tuple(_d.values())))

</pallas_src>

<mosaic_0001>
#map = affine_map<(d0, d1) -> (0, 0, 0)>
#map1 = affine_map<(d0, d1) -> (0, 0)>
#map2 = affine_map<(d0, d1) -> (0, 0, 0, 0)>
module attributes {stable_mosaic.version = 14 : i64} {
  func.func @_aggr_body(%arg0: i32, %arg1: i32, %arg2: memref<2x10240x64xf32, #tpu.memory_space<hbm>>, %arg3: memref<2592x128xi32, #tpu.memory_space<hbm>>, %arg4: memref<2592x128xi32, #tpu.memory_space<hbm>>, %arg5: memref<2x2x10240x64xf32, #tpu.memory_space<hbm>>, %arg6: memref<81x128xi32, #tpu.memory_space<vmem>>, %arg7: memref<81x128xi32, #tpu.memory_space<vmem>>, %arg8: memref<128x64xf32, #tpu.memory_space<vmem>>, %arg9: memref<128x64xf32, #tpu.memory_space<vmem>>, %arg10: memref<128x64xf32, #tpu.memory_space<vmem>>, %arg11: memref<10240x64xf32, #tpu.memory_space<vmem_shared>>, %arg12: memref<10240x64xf32, #tpu.memory_space<vmem_shared>>, %arg13: memref<!tpu.dma_semaphore, #tpu.memory_space<semaphore_mem>>, %arg14: memref<!tpu.dma_semaphore, #tpu.memory_space<semaphore_mem>>, %arg15: memref<!tpu.dma_semaphore, #tpu.memory_space<semaphore_mem>>, %arg16: memref<!tpu.dma_semaphore, #tpu.memory_space<semaphore_mem>>, %arg17: memref<!tpu.dma_semaphore, #tpu.memory_space<semaphore_mem>>, %arg18: memref<!tpu.dma_semaphore, #tpu.memory_space<semaphore_mem>>) attributes {dimension_semantics = [#tpu.dimension_semantics<core_parallel>, #tpu.dimension_semantics<subcore_parallel>], iteration_bounds = array<i64: 2, 16>, scalar_prefetch = 0 : i64, scratch_operands = 13 : i64, tpu.core_type = #tpu.core_type<sc_vector_subcore>, window_params = [{transform_indices = #map}, {transform_indices = #map1}, {transform_indices = #map1}, {transform_indices = #map2}]} {
    %mul3A = arith.constant 16 : i32
    %mul3A_0 = arith.muli %arg0, %mul3A : i32
    %add3A = arith.addi %mul3A_0, %arg1 : i32
    %mul3A_1 = arith.constant 81 : i32
    %mul3A_2 = arith.muli %add3A, %mul3A_1 : i32
    "tpu.region"() ({
      %run_scoped3A_131 = tpu.sem_alloc : memref<!tpu.dma_semaphore, #tpu.memory_space<semaphore_mem>>
      %dma_start3A_132 = arith.constant 0 : i32
      %dma_start3A_133 = tpu.memref_slice %arg3[%mul3A_2, %dma_start3A_132] : memref<2592x128xi32, #tpu.memory_space<hbm>> -> memref<81x128xi32, #tpu.memory_space<hbm>>
      %dma_start3A_134 = arith.constant 0 : i32
      %dma_start3A_135 = tpu.memref_slice %arg3[%mul3A_2, %dma_start3A_134] : memref<2592x128xi32, #tpu.memory_space<hbm>> -> memref<81x128xi32, #tpu.memory_space<hbm>>
      tpu.enqueue_dma source(%dma_start3A_135 : memref<81x128xi32, #tpu.memory_space<hbm>>) target(%arg6 : memref<81x128xi32, #tpu.memory_space<vmem>>) target_semaphore(%run_scoped3A_131 : memref<!tpu.dma_semaphore, #tpu.memory_space<semaphore_mem>>)
      %dma_wait3A_136 = arith.constant 0 : i32
      %dma_wait3A_137 = tpu.memref_slice %arg3[%mul3A_2, %dma_wait3A_136] : memref<2592x128xi32, #tpu.memory_space<hbm>> -> memref<81x128xi32, #tpu.memory_space<hbm>>
      %dma_wait3A_138 = arith.constant 0 : i32
      %dma_wait3A_139 = tpu.memref_slice %arg3[%mul3A_2, %dma_wait3A_138] : memref<2592x128xi32, #tpu.memory_space<hbm>> -> memref<81x128xi32, #tpu.memory_space<hbm>>
      tpu.wait_dma2 semaphore(%run_scoped3A_131 : memref<!tpu.dma_semaphore, #tpu.memory_space<semaphore_mem>>) src(%dma_wait3A_139 : memref<81x128xi32, #tpu.memory_space<hbm>>) dst(%arg6 : memref<81x128xi32, #tpu.memory_space<vmem>>)
      tpu.yield
    }) : () -> ()
    %mul3A_3 = arith.constant 81 : i32
    %mul3A_4 = arith.muli %add3A, %mul3A_3 : i32
    "tpu.region"() ({
      %run_scoped3A_131 = tpu.sem_alloc : memref<!tpu.dma_semaphore, #tpu.memory_space<semaphore_mem>>
      %dma_start3A_132 = arith.constant 0 : i32
      %dma_start3A_133 = tpu.memref_slice %arg4[%mul3A_4, %dma_start3A_132] : memref<2592x128xi32, #tpu.memory_space<hbm>> -> memref<81x128xi32, #tpu.memory_space<hbm>>
      %dma_start3A_134 = arith.constant 0 : i32
      %dma_start3A_135 = tpu.memref_slice %arg4[%mul3A_4, %dma_start3A_134] : memref<2592x128xi32, #tpu.memory_space<hbm>> -> memref<81x128xi32, #tpu.memory_space<hbm>>
      tpu.enqueue_dma source(%dma_start3A_135 : memref<81x128xi32, #tpu.memory_space<hbm>>) target(%arg7 : memref<81x128xi32, #tpu.memory_space<vmem>>) target_semaphore(%run_scoped3A_131 : memref<!tpu.dma_semaphore, #tpu.memory_space<semaphore_mem>>)
      %dma_wait3A_136 = arith.constant 0 : i32
      %dma_wait3A_137 = tpu.memref_slice %arg4[%mul3A_4, %dma_wait3A_136] : memref<2592x128xi32, #tpu.memory_space<hbm>> -> memref<81x128xi32, #tpu.memory_space<hbm>>
      %dma_wait3A_138 = arith.constant 0 : i32
      %dma_wait3A_139 = tpu.memref_slice %arg4[%mul3A_4, %dma_wait3A_138] : memref<2592x128xi32, #tpu.memory_space<hbm>> -> memref<81x128xi32, #tpu.memory_space<hbm>>
      tpu.wait_dma2 semaphore(%run_scoped3A_131 : memref<!tpu.dma_semaphore, #tpu.memory_space<semaphore_mem>>) src(%dma_wait3A_139 : memref<81x128xi32, #tpu.memory_space<hbm>>) dst(%arg7 : memref<81x128xi32, #tpu.memory_space<vmem>>)
      tpu.yield
    }) : () -> ()
    %broadcast_in_dim3A = arith.constant 0.000000e+00 : f32
    %broadcast_in_dim3A_5 = vector.broadcast %broadcast_in_dim3A : f32 to vector<16xf32>
    %mul3A_6 = arith.constant 640 : i32
    %mul3A_7 = arith.muli %arg1, %mul3A_6 : i32
    %mul3A_8 = arith.constant 640 : i32
    %mul3A_9 = arith.muli %arg1, %mul3A_8 : i32
    %run_scoped3A = arith.constant 0 : i32
    "tpu.region"() ({
      %run_scoped3A_131 = tpu.sem_alloc : memref<!tpu.dma_semaphore, #tpu.memory_space<semaphore_mem>>
      %dma_start3A_132 = arith.constant 0 : i32
      %dma_start3A_133 = tpu.memref_slice %arg11[%mul3A_9, %dma_start3A_132] : memref<10240x64xf32, #tpu.memory_space<vmem_shared>> -> memref<640x64xf32, #tpu.memory_space<vmem_shared>>
      %dma_start3A_134 = arith.constant 0 : i32
      %dma_start3A_135 = tpu.memref_slice %arg2[%run_scoped3A, %mul3A_7, %dma_start3A_134] : memref<2x10240x64xf32, #tpu.memory_space<hbm>> -> memref<1x640x64xf32, #tpu.memory_space<hbm>>
      %dma_start3A_136 = tpu.memref_squeeze %dma_start3A_135 : memref<1x640x64xf32, #tpu.memory_space<hbm>> -> memref<640x64xf32, #tpu.memory_space<hbm>>
      tpu.enqueue_dma source(%dma_start3A_136 : memref<640x64xf32, #tpu.memory_space<hbm>>) target(%dma_start3A_133 : memref<640x64xf32, #tpu.memory_space<vmem_shared>>) target_semaphore(%run_scoped3A_131 : memref<!tpu.dma_semaphore, #tpu.memory_space<semaphore_mem>>)
      %dma_wait3A_137 = arith.constant 0 : i32
      %dma_wait3A_138 = tpu.memref_slice %arg11[%mul3A_9, %dma_wait3A_137] : memref<10240x64xf32, #tpu.memory_space<vmem_shared>> -> memref<640x64xf32, #tpu.memory_space<vmem_shared>>
      %dma_wait3A_139 = arith.constant 0 : i32
      %dma_wait3A_140 = tpu.memref_slice %arg2[%run_scoped3A, %mul3A_7, %dma_wait3A_139] : memref<2x10240x64xf32, #tpu.memory_space<hbm>> -> memref<1x640x64xf32, #tpu.memory_space<hbm>>
      %dma_wait3A_141 = tpu.memref_squeeze %dma_wait3A_140 : memref<1x640x64xf32, #tpu.memory_space<hbm>> -> memref<640x64xf32, #tpu.memory_space<hbm>>
      tpu.wait_dma2 semaphore(%run_scoped3A_131 : memref<!tpu.dma_semaphore, #tpu.memory_space<semaphore_mem>>) src(%dma_wait3A_141 : memref<640x64xf32, #tpu.memory_space<hbm>>) dst(%dma_wait3A_138 : memref<640x64xf32, #tpu.memory_space<vmem_shared>>)
      tpu.yield
    }) : () -> ()
    %scan3A = arith.constant 0 : i32
    %scan3A_10 = arith.constant 0 : i32
    %scan3A_11 = arith.constant 512 : i32
    %scan3A_12 = arith.addi %scan3A_10, %scan3A_11 : i32
    %scan3A_13 = arith.constant 1 : i32
    scf.for %scan3A_131 = %scan3A_10 to %scan3A_12 step %scan3A_13  : i32 {
      %jit3A = arith.constant 4 : i32
      %div3A = arith.divsi %scan3A_131, %jit3A : i32
      %sign3A = arith.constant 0 : i32
      %sign3A_132 = arith.cmpi sgt, %scan3A_131, %sign3A : i32
      %sign3A_133 = arith.extui %sign3A_132 : i1 to i32
      %sign3A_134 = arith.constant 0 : i32
      %sign3A_135 = arith.cmpi slt, %scan3A_131, %sign3A_134 : i32
      %sign3A_136 = arith.extui %sign3A_135 : i1 to i32
      %sign3A_137 = arith.subi %sign3A_133, %sign3A_136 : i32
      %sign3A_138 = arith.constant 0 : i32
      %sign3A_139 = arith.cmpi sgt, %jit3A, %sign3A_138 : i32
      %sign3A_140 = arith.extui %sign3A_139 : i1 to i32
      %sign3A_141 = arith.constant 0 : i32
      %sign3A_142 = arith.cmpi slt, %jit3A, %sign3A_141 : i32
      %sign3A_143 = arith.extui %sign3A_142 : i1 to i32
      %sign3A_144 = arith.subi %sign3A_140, %sign3A_143 : i32
      %ne3A = arith.cmpi ne, %sign3A_137, %sign3A_144 : i32
      %rem3A = arith.remsi %scan3A_131, %jit3A : i32
      %ne3A_145 = arith.constant 0 : i32
      %ne3A_146 = arith.cmpi ne, %rem3A, %ne3A_145 : i32
      %and3A = arith.andi %ne3A, %ne3A_146 : i1
      %sub3A = arith.constant 1 : i32
      %sub3A_147 = arith.subi %div3A, %sub3A : i32
      %select_n3A = arith.select %and3A, %sub3A_147, %div3A : i32
      %jit3A_148 = arith.constant 4 : i32
      %eq3A = arith.constant 0 : i32
      %eq3A_149 = arith.cmpi eq, %jit3A_148, %eq3A : i32
      %jit3A_150 = arith.constant 1 : i32
      %select_n3A_151 = arith.select %eq3A_149, %jit3A_150, %jit3A_148 : i32
      %rem3A_152 = arith.remsi %scan3A_131, %select_n3A_151 : i32
      %ne3A_153 = arith.constant 0 : i32
      %ne3A_154 = arith.cmpi ne, %rem3A_152, %ne3A_153 : i32
      %lt3A = arith.constant 0 : i32
      %lt3A_155 = arith.cmpi slt, %rem3A_152, %lt3A : i32
      %lt3A_156 = arith.constant 0 : i32
      %lt3A_157 = arith.cmpi slt, %select_n3A_151, %lt3A_156 : i32
      %ne3A_158 = arith.xori %lt3A_155, %lt3A_157 : i1
      %and3A_159 = arith.andi %ne3A_158, %ne3A_154 : i1
      %add3A_160 = arith.addi %rem3A_152, %select_n3A_151 : i32
      %select_n3A_161 = arith.select %and3A_159, %add3A_160, %rem3A_152 : i32
      %mul3A_162 = arith.constant 16 : i32
      %mul3A_163 = arith.muli %select_n3A_161, %mul3A_162 : i32
      %swap3A = arith.index_cast %select_n3A : i32 to index
      %swap3A_164 = arith.index_cast %mul3A_163 : i32 to index
      %swap3A_165 = tpu.vector_load %arg8[%swap3A, %swap3A_164] {strides = array<i32>} : memref<128x64xf32, #tpu.memory_space<vmem>>, vector<1x16xf32>,
      %swap3A_166 = vector.shape_cast %swap3A_165 : vector<1x16xf32> to vector<16xf32>
      %swap3A_167 = vector.shape_cast %broadcast_in_dim3A_5 : vector<16xf32> to vector<1x16xf32>
      tpu.vector_store %arg8[%swap3A, %swap3A_164], %swap3A_167 {strides = array<i32>} : memref<128x64xf32, #tpu.memory_space<vmem>>, vector<1x16xf32>,
    }
    %scan3A_14 = arith.constant 512 : i32
    %scan3A_15 = arith.constant 0 : i32
    %scan3A_16 = arith.constant 0 : i32
    %scan3A_17 = arith.constant 5 : i32
    %scan3A_18 = arith.addi %scan3A_16, %scan3A_17 : i32
    %scan3A_19 = arith.constant 1 : i32
    scf.for %scan3A_131 = %scan3A_16 to %scan3A_18 step %scan3A_19  : i32 {
      %mul3A_132 = arith.constant 640 : i32
      %mul3A_133 = arith.muli %arg1, %mul3A_132 : i32
      %mul3A_134 = arith.constant 128 : i32
      %mul3A_135 = arith.muli %scan3A_131, %mul3A_134 : i32
      %add3A_136 = arith.addi %mul3A_133, %mul3A_135 : i32
      "tpu.region"() ({
        %run_scoped3A_137 = tpu.sem_alloc : memref<!tpu.dma_semaphore, #tpu.memory_space<semaphore_mem>>
        %dma_start3A_138 = arith.constant 0 : i32
        %dma_start3A_139 = tpu.memref_slice %arg12[%add3A_136, %dma_start3A_138] : memref<10240x64xf32, #tpu.memory_space<vmem_shared>> -> memref<128x64xf32, #tpu.memory_space<vmem_shared>>
        %dma_start3A_140 = arith.constant 0 : i32
        %dma_start3A_141 = tpu.memref_slice %arg12[%add3A_136, %dma_start3A_140] : memref<10240x64xf32, #tpu.memory_space<vmem_shared>> -> memref<128x64xf32, #tpu.memory_space<vmem_shared>>
        tpu.enqueue_dma source(%arg8 : memref<128x64xf32, #tpu.memory_space<vmem>>) target(%dma_start3A_141 : memref<128x64xf32, #tpu.memory_space<vmem_shared>>) target_semaphore(%run_scoped3A_137 : memref<!tpu.dma_semaphore, #tpu.memory_space<semaphore_mem>>)
        %dma_wait3A_142 = arith.constant 0 : i32
        %dma_wait3A_143 = tpu.memref_slice %arg12[%add3A_136, %dma_wait3A_142] : memref<10240x64xf32, #tpu.memory_space<vmem_shared>> -> memref<128x64xf32, #tpu.memory_space<vmem_shared>>
        %dma_wait3A_144 = arith.constant 0 : i32
        %dma_wait3A_145 = tpu.memref_slice %arg12[%add3A_136, %dma_wait3A_144] : memref<10240x64xf32, #tpu.memory_space<vmem_shared>> -> memref<128x64xf32, #tpu.memory_space<vmem_shared>>
        tpu.wait_dma2 semaphore(%run_scoped3A_137 : memref<!tpu.dma_semaphore, #tpu.memory_space<semaphore_mem>>) src(%arg8 : memref<128x64xf32, #tpu.memory_space<vmem>>) dst(%dma_wait3A_145 : memref<128x64xf32, #tpu.memory_space<vmem_shared>>)
        tpu.yield
      }) : () -> ()
    }
    %scan3A_20 = arith.constant 5 : i32
    %barrier3A = arith.constant 0 : index
    tpu.barrier barrier_id(%barrier3A)
    %dma_start3A = arith.constant 0 : i32
    %dma_start3A_21 = arith.constant 0 : i32
    %dma_start3A_22 = tpu.memref_slice %arg6[%dma_start3A, %dma_start3A_21] : memref<81x128xi32, #tpu.memory_space<vmem>> -> memref<1x128xi32, #tpu.memory_space<vmem>>
    %dma_start3A_23 = tpu.memref_squeeze %dma_start3A_22 : memref<1x128xi32, #tpu.memory_space<vmem>> -> memref<128xi32, #tpu.memory_space<vmem>>
    %dma_start3A_24 = arith.constant 0 : i32
    %dma_start3A_25 = arith.constant 0 : i32
    %dma_start3A_26 = tpu.memref_slice %arg11[%dma_start3A_24, %dma_start3A_25] : memref<10240x64xf32, #tpu.memory_space<vmem_shared>> -> memref<10240x64xf32, #tpu.memory_space<vmem_shared>>
    tpu.enqueue_indirect_dma source(%dma_start3A_26 : memref<10240x64xf32, #tpu.memory_space<vmem_shared>>) target(%arg8 : memref<128x64xf32, #tpu.memory_space<vmem>>) offsets(%dma_start3A_23 : memref<128xi32, #tpu.memory_space<vmem>>) semaphore(%arg13 : memref<!tpu.dma_semaphore, #tpu.memory_space<semaphore_mem>>)
    %dma_start3A_27 = arith.constant 1 : i32
    %dma_start3A_28 = arith.constant 0 : i32
    %dma_start3A_29 = tpu.memref_slice %arg6[%dma_start3A_27, %dma_start3A_28] : memref<81x128xi32, #tpu.memory_space<vmem>> -> memref<1x128xi32, #tpu.memory_space<vmem>>
    %dma_start3A_30 = tpu.memref_squeeze %dma_start3A_29 : memref<1x128xi32, #tpu.memory_space<vmem>> -> memref<128xi32, #tpu.memory_space<vmem>>
    %dma_start3A_31 = arith.constant 0 : i32
    %dma_start3A_32 = arith.constant 0 : i32
    %dma_start3A_33 = tpu.memref_slice %arg11[%dma_start3A_31, %dma_start3A_32] : memref<10240x64xf32, #tpu.memory_space<vmem_shared>> -> memref<10240x64xf32, #tpu.memory_space<vmem_shared>>
    tpu.enqueue_indirect_dma source(%dma_start3A_33 : memref<10240x64xf32, #tpu.memory_space<vmem_shared>>) target(%arg9 : memref<128x64xf32, #tpu.memory_space<vmem>>) offsets(%dma_start3A_30 : memref<128xi32, #tpu.memory_space<vmem>>) semaphore(%arg14 : memref<!tpu.dma_semaphore, #tpu.memory_space<semaphore_mem>>)
    %scan3A_34 = arith.constant 0 : i32
    %scan3A_35 = arith.constant 0 : i32
    %scan3A_36 = arith.constant 27 : i32
    %scan3A_37 = arith.addi %scan3A_35, %scan3A_36 : i32
    %scan3A_38 = arith.constant 1 : i32
    scf.for %scan3A_131 = %scan3A_35 to %scan3A_37 step %scan3A_38  : i32 {
      %mul3A_132 = arith.constant 3 : i32
      %mul3A_133 = arith.muli %mul3A_132, %scan3A_131 : i32
      %add3A_134 = arith.constant 0 : i32
      %add3A_135 = arith.addi %mul3A_133, %add3A_134 : i32
      %dma_wait3A_136 = arith.constant 0 : i32
      %dma_wait3A_137 = tpu.memref_slice %arg6[%add3A_135, %dma_wait3A_136] : memref<81x128xi32, #tpu.memory_space<vmem>> -> memref<1x128xi32, #tpu.memory_space<vmem>>
      %dma_wait3A_138 = tpu.memref_squeeze %dma_wait3A_137 : memref<1x128xi32, #tpu.memory_space<vmem>> -> memref<128xi32, #tpu.memory_space<vmem>>
      %dma_wait3A_139 = arith.constant 0 : i32
      %dma_wait3A_140 = arith.constant 0 : i32
      %dma_wait3A_141 = tpu.memref_slice %arg11[%dma_wait3A_139, %dma_wait3A_140] : memref<10240x64xf32, #tpu.memory_space<vmem_shared>> -> memref<10240x64xf32, #tpu.memory_space<vmem_shared>>
      tpu.wait_indirect_dma semaphore(%arg13 : memref<!tpu.dma_semaphore, #tpu.memory_space<semaphore_mem>>) src(%dma_wait3A_141 : memref<10240x64xf32, #tpu.memory_space<vmem_shared>>) dst(%arg8 : memref<128x64xf32, #tpu.memory_space<vmem>>)
      %dma_start3A_142 = arith.constant 0 : i32
      %dma_start3A_143 = tpu.memref_slice %arg7[%add3A_135, %dma_start3A_142] : memref<81x128xi32, #tpu.memory_space<vmem>> -> memref<1x128xi32, #tpu.memory_space<vmem>>
      %dma_start3A_144 = tpu.memref_squeeze %dma_start3A_143 : memref<1x128xi32, #tpu.memory_space<vmem>> -> memref<128xi32, #tpu.memory_space<vmem>>
      %dma_start3A_145 = arith.constant 0 : i32
      %dma_start3A_146 = arith.constant 0 : i32
      %dma_start3A_147 = tpu.memref_slice %arg12[%dma_start3A_145, %dma_start3A_146] : memref<10240x64xf32, #tpu.memory_space<vmem_shared>> -> memref<10240x64xf32, #tpu.memory_space<vmem_shared>>
      tpu.enqueue_indirect_dma source(%arg8 : memref<128x64xf32, #tpu.memory_space<vmem>>) target(%dma_start3A_147 : memref<10240x64xf32, #tpu.memory_space<vmem_shared>>) offsets(%dma_start3A_144 : memref<128xi32, #tpu.memory_space<vmem>>) semaphore(%arg16 : memref<!tpu.dma_semaphore, #tpu.memory_space<semaphore_mem>>) {add = true}
      %ge3A = arith.constant 1 : i32
      %ge3A_148 = arith.cmpi sge, %add3A_135, %ge3A : i32
      %add3A_149 = arith.constant 2 : i32
      %add3A_150 = arith.addi %add3A_135, %add3A_149 : i32
      %lt3A = arith.constant 81 : i32
      %lt3A_151 = arith.cmpi slt, %add3A_150, %lt3A : i32
      %and3A = arith.andi %ge3A_148, %lt3A_151 : i1
      %convert_element_type3A = arith.extui %and3A : i1 to i32
      %cond3A = arith.constant 0 : i32
      %cond3A_152 = arith.cmpi ne, %convert_element_type3A, %cond3A : i32
      scf.if %cond3A_152 {
        %dma_wait3A_226 = arith.constant 0 : i32
        %dma_wait3A_227 = tpu.memref_slice %arg7[%add3A_135, %dma_wait3A_226] : memref<81x128xi32, #tpu.memory_space<vmem>> -> memref<1x128xi32, #tpu.memory_space<vmem>>
        %dma_wait3A_228 = tpu.memref_squeeze %dma_wait3A_227 : memref<1x128xi32, #tpu.memory_space<vmem>> -> memref<128xi32, #tpu.memory_space<vmem>>
        %dma_wait3A_229 = arith.constant 0 : i32
        %dma_wait3A_230 = arith.constant 0 : i32
        %dma_wait3A_231 = tpu.memref_slice %arg12[%dma_wait3A_229, %dma_wait3A_230] : memref<10240x64xf32, #tpu.memory_space<vmem_shared>> -> memref<10240x64xf32, #tpu.memory_space<vmem_shared>>
        tpu.wait_indirect_dma semaphore(%arg18 : memref<!tpu.dma_semaphore, #tpu.memory_space<semaphore_mem>>) src(%arg10 : memref<128x64xf32, #tpu.memory_space<vmem>>) dst(%dma_wait3A_231 : memref<10240x64xf32, #tpu.memory_space<vmem_shared>>)
      } else {
      }
      %add3A_153 = arith.constant 2 : i32
      %add3A_154 = arith.addi %add3A_135, %add3A_153 : i32
      %lt3A_155 = arith.constant 81 : i32
      %lt3A_156 = arith.cmpi slt, %add3A_154, %lt3A_155 : i32
      %convert_element_type3A_157 = arith.extui %lt3A_156 : i1 to i32
      %cond3A_158 = arith.constant 0 : i32
      %cond3A_159 = arith.cmpi ne, %convert_element_type3A_157, %cond3A_158 : i32
      scf.if %cond3A_159 {
        %add3A_226 = arith.constant 2 : i32
        %add3A_227 = arith.addi %add3A_135, %add3A_226 : i32
        %dma_start3A_228 = arith.constant 0 : i32
        %dma_start3A_229 = tpu.memref_slice %arg6[%add3A_227, %dma_start3A_228] : memref<81x128xi32, #tpu.memory_space<vmem>> -> memref<1x128xi32, #tpu.memory_space<vmem>>
        %dma_start3A_230 = tpu.memref_squeeze %dma_start3A_229 : memref<1x128xi32, #tpu.memory_space<vmem>> -> memref<128xi32, #tpu.memory_space<vmem>>
        %dma_start3A_231 = arith.constant 0 : i32
        %dma_start3A_232 = arith.constant 0 : i32
        %dma_start3A_233 = tpu.memref_slice %arg11[%dma_start3A_231, %dma_start3A_232] : memref<10240x64xf32, #tpu.memory_space<vmem_shared>> -> memref<10240x64xf32, #tpu.memory_space<vmem_shared>>
        tpu.enqueue_indirect_dma source(%dma_start3A_233 : memref<10240x64xf32, #tpu.memory_space<vmem_shared>>) target(%arg10 : memref<128x64xf32, #tpu.memory_space<vmem>>) offsets(%dma_start3A_230 : memref<128xi32, #tpu.memory_space<vmem>>) semaphore(%arg15 : memref<!tpu.dma_semaphore, #tpu.memory_space<semaphore_mem>>)
      } else {
      }
      %mul3A_160 = arith.constant 3 : i32
      %mul3A_161 = arith.muli %mul3A_160, %scan3A_131 : i32
      %add3A_162 = arith.constant 1 : i32
      %add3A_163 = arith.addi %mul3A_161, %add3A_162 : i32
      %dma_wait3A_164 = arith.constant 0 : i32
      %dma_wait3A_165 = tpu.memref_slice %arg6[%add3A_163, %dma_wait3A_164] : memref<81x128xi32, #tpu.memory_space<vmem>> -> memref<1x128xi32, #tpu.memory_space<vmem>>
      %dma_wait3A_166 = tpu.memref_squeeze %dma_wait3A_165 : memref<1x128xi32, #tpu.memory_space<vmem>> -> memref<128xi32, #tpu.memory_space<vmem>>
      %dma_wait3A_167 = arith.constant 0 : i32
      %dma_wait3A_168 = arith.constant 0 : i32
      %dma_wait3A_169 = tpu.memref_slice %arg11[%dma_wait3A_167, %dma_wait3A_168] : memref<10240x64xf32, #tpu.memory_space<vmem_shared>> -> memref<10240x64xf32, #tpu.memory_space<vmem_shared>>
      tpu.wait_indirect_dma semaphore(%arg14 : memref<!tpu.dma_semaphore, #tpu.memory_space<semaphore_mem>>) src(%dma_wait3A_169 : memref<10240x64xf32, #tpu.memory_space<vmem_shared>>) dst(%arg9 : memref<128x64xf32, #tpu.memory_space<vmem>>)
      %dma_start3A_170 = arith.constant 0 : i32
      %dma_start3A_171 = tpu.memref_slice %arg7[%add3A_163, %dma_start3A_170] : memref<81x128xi32, #tpu.memory_space<vmem>> -> memref<1x128xi32, #tpu.memory_space<vmem>>
      %dma_start3A_172 = tpu.memref_squeeze %dma_start3A_171 : memref<1x128xi32, #tpu.memory_space<vmem>> -> memref<128xi32, #tpu.memory_space<vmem>>
      %dma_start3A_173 = arith.constant 0 : i32
      %dma_start3A_174 = arith.constant 0 : i32
      %dma_start3A_175 = tpu.memref_slice %arg12[%dma_start3A_173, %dma_start3A_174] : memref<10240x64xf32, #tpu.memory_space<vmem_shared>> -> memref<10240x64xf32, #tpu.memory_space<vmem_shared>>
      tpu.enqueue_indirect_dma source(%arg9 : memref<128x64xf32, #tpu.memory_space<vmem>>) target(%dma_start3A_175 : memref<10240x64xf32, #tpu.memory_space<vmem_shared>>) offsets(%dma_start3A_172 : memref<128xi32, #tpu.memory_space<vmem>>) semaphore(%arg17 : memref<!tpu.dma_semaphore, #tpu.memory_space<semaphore_mem>>) {add = true}
      %ge3A_176 = arith.constant 1 : i32
      %ge3A_177 = arith.cmpi sge, %add3A_163, %ge3A_176 : i32
      %add3A_178 = arith.constant 2 : i32
      %add3A_179 = arith.addi %add3A_163, %add3A_178 : i32
      %lt3A_180 = arith.constant 81 : i32
      %lt3A_181 = arith.cmpi slt, %add3A_179, %lt3A_180 : i32
      %and3A_182 = arith.andi %ge3A_177, %lt3A_181 : i1
      %convert_element_type3A_183 = arith.extui %and3A_182 : i1 to i32
      %cond3A_184 = arith.constant 0 : i32
      %cond3A_185 = arith.cmpi ne, %convert_element_type3A_183, %cond3A_184 : i32
      scf.if %cond3A_185 {
        %dma_wait3A_226 = arith.constant 0 : i32
        %dma_wait3A_227 = tpu.memref_slice %arg7[%add3A_163, %dma_wait3A_226] : memref<81x128xi32, #tpu.memory_space<vmem>> -> memref<1x128xi32, #tpu.memory_space<vmem>>
        %dma_wait3A_228 = tpu.memref_squeeze %dma_wait3A_227 : memref<1x128xi32, #tpu.memory_space<vmem>> -> memref<128xi32, #tpu.memory_space<vmem>>
        %dma_wait3A_229 = arith.constant 0 : i32
        %dma_wait3A_230 = arith.constant 0 : i32
        %dma_wait3A_231 = tpu.memref_slice %arg12[%dma_wait3A_229, %dma_wait3A_230] : memref<10240x64xf32, #tpu.memory_space<vmem_shared>> -> memref<10240x64xf32, #tpu.memory_space<vmem_shared>>
        tpu.wait_indirect_dma semaphore(%arg16 : memref<!tpu.dma_semaphore, #tpu.memory_space<semaphore_mem>>) src(%arg8 : memref<128x64xf32, #tpu.memory_space<vmem>>) dst(%dma_wait3A_231 : memref<10240x64xf32, #tpu.memory_space<vmem_shared>>)
      } else {
      }
      %add3A_186 = arith.constant 2 : i32
      %add3A_187 = arith.addi %add3A_163, %add3A_186 : i32
      %lt3A_188 = arith.constant 81 : i32
      %lt3A_189 = arith.cmpi slt, %add3A_187, %lt3A_188 : i32
      %convert_element_type3A_190 = arith.extui %lt3A_189 : i1 to i32
      %cond3A_191 = arith.constant 0 : i32
      %cond3A_192 = arith.cmpi ne, %convert_element_type3A_190, %cond3A_191 : i32
      scf.if %cond3A_192 {
        %add3A_226 = arith.constant 2 : i32
        %add3A_227 = arith.addi %add3A_163, %add3A_226 : i32
        %dma_start3A_228 = arith.constant 0 : i32
        %dma_start3A_229 = tpu.memref_slice %arg6[%add3A_227, %dma_start3A_228] : memref<81x128xi32, #tpu.memory_space<vmem>> -> memref<1x128xi32, #tpu.memory_space<vmem>>
        %dma_start3A_230 = tpu.memref_squeeze %dma_start3A_229 : memref<1x128xi32, #tpu.memory_space<vmem>> -> memref<128xi32, #tpu.memory_space<vmem>>
        %dma_start3A_231 = arith.constant 0 : i32
        %dma_start3A_232 = arith.constant 0 : i32
        %dma_start3A_233 = tpu.memref_slice %arg11[%dma_start3A_231, %dma_start3A_232] : memref<10240x64xf32, #tpu.memory_space<vmem_shared>> -> memref<10240x64xf32, #tpu.memory_space<vmem_shared>>
        tpu.enqueue_indirect_dma source(%dma_start3A_233 : memref<10240x64xf32, #tpu.memory_space<vmem_shared>>) target(%arg8 : memref<128x64xf32, #tpu.memory_space<vmem>>) offsets(%dma_start3A_230 : memref<128xi32, #tpu.memory_space<vmem>>) semaphore(%arg13 : memref<!tpu.dma_semaphore, #tpu.memory_space<semaphore_mem>>)
      } else {
      }
      %mul3A_193 = arith.constant 3 : i32
      %mul3A_194 = arith.muli %mul3A_193, %scan3A_131 : i32
      %add3A_195 = arith.constant 2 : i32
      %add3A_196 = arith.addi %mul3A_194, %add3A_195 : i32
      %dma_wait3A_197 = arith.constant 0 : i32
      %dma_wait3A_198 = tpu.memref_slice %arg6[%add3A_196, %dma_wait3A_197] : memref<81x128xi32, #tpu.memory_space<vmem>> -> memref<1x128xi32, #tpu.memory_space<vmem>>
      %dma_wait3A_199 = tpu.memref_squeeze %dma_wait3A_198 : memref<1x128xi32, #tpu.memory_space<vmem>> -> memref<128xi32, #tpu.memory_space<vmem>>
      %dma_wait3A_200 = arith.constant 0 : i32
      %dma_wait3A_201 = arith.constant 0 : i32
      %dma_wait3A_202 = tpu.memref_slice %arg11[%dma_wait3A_200, %dma_wait3A_201] : memref<10240x64xf32, #tpu.memory_space<vmem_shared>> -> memref<10240x64xf32, #tpu.memory_space<vmem_shared>>
      tpu.wait_indirect_dma semaphore(%arg15 : memref<!tpu.dma_semaphore, #tpu.memory_space<semaphore_mem>>) src(%dma_wait3A_202 : memref<10240x64xf32, #tpu.memory_space<vmem_shared>>) dst(%arg10 : memref<128x64xf32, #tpu.memory_space<vmem>>)
      %dma_start3A_203 = arith.constant 0 : i32
      %dma_start3A_204 = tpu.memref_slice %arg7[%add3A_196, %dma_start3A_203] : memref<81x128xi32, #tpu.memory_space<vmem>> -> memref<1x128xi32, #tpu.memory_space<vmem>>
      %dma_start3A_205 = tpu.memref_squeeze %dma_start3A_204 : memref<1x128xi32, #tpu.memory_space<vmem>> -> memref<128xi32, #tpu.memory_space<vmem>>
      %dma_start3A_206 = arith.constant 0 : i32
      %dma_start3A_207 = arith.constant 0 : i32
      %dma_start3A_208 = tpu.memref_slice %arg12[%dma_start3A_206, %dma_start3A_207] : memref<10240x64xf32, #tpu.memory_space<vmem_shared>> -> memref<10240x64xf32, #tpu.memory_space<vmem_shared>>
      tpu.enqueue_indirect_dma source(%arg10 : memref<128x64xf32, #tpu.memory_space<vmem>>) target(%dma_start3A_208 : memref<10240x64xf32, #tpu.memory_space<vmem_shared>>) offsets(%dma_start3A_205 : memref<128xi32, #tpu.memory_space<vmem>>) semaphore(%arg18 : memref<!tpu.dma_semaphore, #tpu.memory_space<semaphore_mem>>) {add = true}
      %ge3A_209 = arith.constant 1 : i32
      %ge3A_210 = arith.cmpi sge, %add3A_196, %ge3A_209 : i32
      %add3A_211 = arith.constant 2 : i32
      %add3A_212 = arith.addi %add3A_196, %add3A_211 : i32
      %lt3A_213 = arith.constant 81 : i32
      %lt3A_214 = arith.cmpi slt, %add3A_212, %lt3A_213 : i32
      %and3A_215 = arith.andi %ge3A_210, %lt3A_214 : i1
      %convert_element_type3A_216 = arith.extui %and3A_215 : i1 to i32
      %cond3A_217 = arith.constant 0 : i32
      %cond3A_218 = arith.cmpi ne, %convert_element_type3A_216, %cond3A_217 : i32
      scf.if %cond3A_218 {
        %dma_wait3A_226 = arith.constant 0 : i32
        %dma_wait3A_227 = tpu.memref_slice %arg7[%add3A_196, %dma_wait3A_226] : memref<81x128xi32, #tpu.memory_space<vmem>> -> memref<1x128xi32, #tpu.memory_space<vmem>>
        %dma_wait3A_228 = tpu.memref_squeeze %dma_wait3A_227 : memref<1x128xi32, #tpu.memory_space<vmem>> -> memref<128xi32, #tpu.memory_space<vmem>>
        %dma_wait3A_229 = arith.constant 0 : i32
        %dma_wait3A_230 = arith.constant 0 : i32
        %dma_wait3A_231 = tpu.memref_slice %arg12[%dma_wait3A_229, %dma_wait3A_230] : memref<10240x64xf32, #tpu.memory_space<vmem_shared>> -> memref<10240x64xf32, #tpu.memory_space<vmem_shared>>
        tpu.wait_indirect_dma semaphore(%arg17 : memref<!tpu.dma_semaphore, #tpu.memory_space<semaphore_mem>>) src(%arg9 : memref<128x64xf32, #tpu.memory_space<vmem>>) dst(%dma_wait3A_231 : memref<10240x64xf32, #tpu.memory_space<vmem_shared>>)
      } else {
      }
      %add3A_219 = arith.constant 2 : i32
      %add3A_220 = arith.addi %add3A_196, %add3A_219 : i32
      %lt3A_221 = arith.constant 81 : i32
      %lt3A_222 = arith.cmpi slt, %add3A_220, %lt3A_221 : i32
      %convert_element_type3A_223 = arith.extui %lt3A_222 : i1 to i32
      %cond3A_224 = arith.constant 0 : i32
      %cond3A_225 = arith.cmpi ne, %convert_element_type3A_223, %cond3A_224 : i32
      scf.if %cond3A_225 {
        %add3A_226 = arith.constant 2 : i32
        %add3A_227 = arith.addi %add3A_196, %add3A_226 : i32
        %dma_start3A_228 = arith.constant 0 : i32
        %dma_start3A_229 = tpu.memref_slice %arg6[%add3A_227, %dma_start3A_228] : memref<81x128xi32, #tpu.memory_space<vmem>> -> memref<1x128xi32, #tpu.memory_space<vmem>>
        %dma_start3A_230 = tpu.memref_squeeze %dma_start3A_229 : memref<1x128xi32, #tpu.memory_space<vmem>> -> memref<128xi32, #tpu.memory_space<vmem>>
        %dma_start3A_231 = arith.constant 0 : i32
        %dma_start3A_232 = arith.constant 0 : i32
        %dma_start3A_233 = tpu.memref_slice %arg11[%dma_start3A_231, %dma_start3A_232] : memref<10240x64xf32, #tpu.memory_space<vmem_shared>> -> memref<10240x64xf32, #tpu.memory_space<vmem_shared>>
        tpu.enqueue_indirect_dma source(%dma_start3A_233 : memref<10240x64xf32, #tpu.memory_space<vmem_shared>>) target(%arg9 : memref<128x64xf32, #tpu.memory_space<vmem>>) offsets(%dma_start3A_230 : memref<128xi32, #tpu.memory_space<vmem>>) semaphore(%arg14 : memref<!tpu.dma_semaphore, #tpu.memory_space<semaphore_mem>>)
      } else {
      }
    }
    %scan3A_39 = arith.constant 27 : i32
    %dma_wait3A = arith.constant 0 : i32
    %dma_wait3A_40 = arith.constant 0 : i32
    %dma_wait3A_41 = tpu.memref_slice %arg7[%dma_wait3A, %dma_wait3A_40] : memref<81x128xi32, #tpu.memory_space<vmem>> -> memref<1x128xi32, #tpu.memory_space<vmem>>
    %dma_wait3A_42 = tpu.memref_squeeze %dma_wait3A_41 : memref<1x128xi32, #tpu.memory_space<vmem>> -> memref<128xi32, #tpu.memory_space<vmem>>
    %dma_wait3A_43 = arith.constant 0 : i32
    %dma_wait3A_44 = arith.constant 0 : i32
    %dma_wait3A_45 = tpu.memref_slice %arg12[%dma_wait3A_43, %dma_wait3A_44] : memref<10240x64xf32, #tpu.memory_space<vmem_shared>> -> memref<10240x64xf32, #tpu.memory_space<vmem_shared>>
    tpu.wait_indirect_dma semaphore(%arg16 : memref<!tpu.dma_semaphore, #tpu.memory_space<semaphore_mem>>) src(%arg8 : memref<128x64xf32, #tpu.memory_space<vmem>>) dst(%dma_wait3A_45 : memref<10240x64xf32, #tpu.memory_space<vmem_shared>>)
    %dma_wait3A_46 = arith.constant 0 : i32
    %dma_wait3A_47 = arith.constant 0 : i32
    %dma_wait3A_48 = tpu.memref_slice %arg7[%dma_wait3A_46, %dma_wait3A_47] : memref<81x128xi32, #tpu.memory_space<vmem>> -> memref<1x128xi32, #tpu.memory_space<vmem>>
    %dma_wait3A_49 = tpu.memref_squeeze %dma_wait3A_48 : memref<1x128xi32, #tpu.memory_space<vmem>> -> memref<128xi32, #tpu.memory_space<vmem>>
    %dma_wait3A_50 = arith.constant 0 : i32
    %dma_wait3A_51 = arith.constant 0 : i32
    %dma_wait3A_52 = tpu.memref_slice %arg12[%dma_wait3A_50, %dma_wait3A_51] : memref<10240x64xf32, #tpu.memory_space<vmem_shared>> -> memref<10240x64xf32, #tpu.memory_space<vmem_shared>>
    tpu.wait_indirect_dma semaphore(%arg17 : memref<!tpu.dma_semaphore, #tpu.memory_space<semaphore_mem>>) src(%arg9 : memref<128x64xf32, #tpu.memory_space<vmem>>) dst(%dma_wait3A_52 : memref<10240x64xf32, #tpu.memory_space<vmem_shared>>)
    %dma_wait3A_53 = arith.constant 0 : i32
    %dma_wait3A_54 = arith.constant 0 : i32
    %dma_wait3A_55 = tpu.memref_slice %arg7[%dma_wait3A_53, %dma_wait3A_54] : memref<81x128xi32, #tpu.memory_space<vmem>> -> memref<1x128xi32, #tpu.memory_space<vmem>>
    %dma_wait3A_56 = tpu.memref_squeeze %dma_wait3A_55 : memref<1x128xi32, #tpu.memory_space<vmem>> -> memref<128xi32, #tpu.memory_space<vmem>>
    %dma_wait3A_57 = arith.constant 0 : i32
    %dma_wait3A_58 = arith.constant 0 : i32
    %dma_wait3A_59 = tpu.memref_slice %arg12[%dma_wait3A_57, %dma_wait3A_58] : memref<10240x64xf32, #tpu.memory_space<vmem_shared>> -> memref<10240x64xf32, #tpu.memory_space<vmem_shared>>
    tpu.wait_indirect_dma semaphore(%arg18 : memref<!tpu.dma_semaphore, #tpu.memory_space<semaphore_mem>>) src(%arg10 : memref<128x64xf32, #tpu.memory_space<vmem>>) dst(%dma_wait3A_59 : memref<10240x64xf32, #tpu.memory_space<vmem_shared>>)
    %barrier3A_60 = arith.constant 0 : index
    tpu.barrier barrier_id(%barrier3A_60)
    %mul3A_61 = arith.constant 640 : i32
    %mul3A_62 = arith.muli %arg1, %mul3A_61 : i32
    %mul3A_63 = arith.constant 640 : i32
    %mul3A_64 = arith.muli %arg1, %mul3A_63 : i32
    %run_scoped3A_65 = arith.constant 0 : i32
    "tpu.region"() ({
      %run_scoped3A_131 = tpu.sem_alloc : memref<!tpu.dma_semaphore, #tpu.memory_space<semaphore_mem>>
      %dma_start3A_132 = arith.constant 0 : i32
      %dma_start3A_133 = tpu.memref_slice %arg5[%arg0, %run_scoped3A_65, %mul3A_64, %dma_start3A_132] : memref<2x2x10240x64xf32, #tpu.memory_space<hbm>> -> memref<1x1x640x64xf32, #tpu.memory_space<hbm>>
      %dma_start3A_134 = tpu.memref_squeeze %dma_start3A_133 : memref<1x1x640x64xf32, #tpu.memory_space<hbm>> -> memref<640x64xf32, #tpu.memory_space<hbm>>
      %dma_start3A_135 = arith.constant 0 : i32
      %dma_start3A_136 = tpu.memref_slice %arg12[%mul3A_62, %dma_start3A_135] : memref<10240x64xf32, #tpu.memory_space<vmem_shared>> -> memref<640x64xf32, #tpu.memory_space<vmem_shared>>
      tpu.enqueue_dma source(%dma_start3A_136 : memref<640x64xf32, #tpu.memory_space<vmem_shared>>) target(%dma_start3A_134 : memref<640x64xf32, #tpu.memory_space<hbm>>) target_semaphore(%run_scoped3A_131 : memref<!tpu.dma_semaphore, #tpu.memory_space<semaphore_mem>>)
      %dma_wait3A_137 = arith.constant 0 : i32
      %dma_wait3A_138 = tpu.memref_slice %arg5[%arg0, %run_scoped3A_65, %mul3A_64, %dma_wait3A_137] : memref<2x2x10240x64xf32, #tpu.memory_space<hbm>> -> memref<1x1x640x64xf32, #tpu.memory_space<hbm>>
      %dma_wait3A_139 = tpu.memref_squeeze %dma_wait3A_138 : memref<1x1x640x64xf32, #tpu.memory_space<hbm>> -> memref<640x64xf32, #tpu.memory_space<hbm>>
      %dma_wait3A_140 = arith.constant 0 : i32
      %dma_wait3A_141 = tpu.memref_slice %arg12[%mul3A_62, %dma_wait3A_140] : memref<10240x64xf32, #tpu.memory_space<vmem_shared>> -> memref<640x64xf32, #tpu.memory_space<vmem_shared>>
      tpu.wait_dma2 semaphore(%run_scoped3A_131 : memref<!tpu.dma_semaphore, #tpu.memory_space<semaphore_mem>>) src(%dma_wait3A_141 : memref<640x64xf32, #tpu.memory_space<vmem_shared>>) dst(%dma_wait3A_139 : memref<640x64xf32, #tpu.memory_space<hbm>>)
      tpu.yield
    }) : () -> ()
    %mul3A_66 = arith.constant 640 : i32
    %mul3A_67 = arith.muli %arg1, %mul3A_66 : i32
    %mul3A_68 = arith.constant 640 : i32
    %mul3A_69 = arith.muli %arg1, %mul3A_68 : i32
    %run_scoped3A_70 = arith.constant 1 : i32
    "tpu.region"() ({
      %run_scoped3A_131 = tpu.sem_alloc : memref<!tpu.dma_semaphore, #tpu.memory_space<semaphore_mem>>
      %dma_start3A_132 = arith.constant 0 : i32
      %dma_start3A_133 = tpu.memref_slice %arg11[%mul3A_69, %dma_start3A_132] : memref<10240x64xf32, #tpu.memory_space<vmem_shared>> -> memref<640x64xf32, #tpu.memory_space<vmem_shared>>
      %dma_start3A_134 = arith.constant 0 : i32
      %dma_start3A_135 = tpu.memref_slice %arg2[%run_scoped3A_70, %mul3A_67, %dma_start3A_134] : memref<2x10240x64xf32, #tpu.memory_space<hbm>> -> memref<1x640x64xf32, #tpu.memory_space<hbm>>
      %dma_start3A_136 = tpu.memref_squeeze %dma_start3A_135 : memref<1x640x64xf32, #tpu.memory_space<hbm>> -> memref<640x64xf32, #tpu.memory_space<hbm>>
      tpu.enqueue_dma source(%dma_start3A_136 : memref<640x64xf32, #tpu.memory_space<hbm>>) target(%dma_start3A_133 : memref<640x64xf32, #tpu.memory_space<vmem_shared>>) target_semaphore(%run_scoped3A_131 : memref<!tpu.dma_semaphore, #tpu.memory_space<semaphore_mem>>)
      %dma_wait3A_137 = arith.constant 0 : i32
      %dma_wait3A_138 = tpu.memref_slice %arg11[%mul3A_69, %dma_wait3A_137] : memref<10240x64xf32, #tpu.memory_space<vmem_shared>> -> memref<640x64xf32, #tpu.memory_space<vmem_shared>>
      %dma_wait3A_139 = arith.constant 0 : i32
      %dma_wait3A_140 = tpu.memref_slice %arg2[%run_scoped3A_70, %mul3A_67, %dma_wait3A_139] : memref<2x10240x64xf32, #tpu.memory_space<hbm>> -> memref<1x640x64xf32, #tpu.memory_space<hbm>>
      %dma_wait3A_141 = tpu.memref_squeeze %dma_wait3A_140 : memref<1x640x64xf32, #tpu.memory_space<hbm>> -> memref<640x64xf32, #tpu.memory_space<hbm>>
      tpu.wait_dma2 semaphore(%run_scoped3A_131 : memref<!tpu.dma_semaphore, #tpu.memory_space<semaphore_mem>>) src(%dma_wait3A_141 : memref<640x64xf32, #tpu.memory_space<hbm>>) dst(%dma_wait3A_138 : memref<640x64xf32, #tpu.memory_space<vmem_shared>>)
      tpu.yield
    }) : () -> ()
    %scan3A_71 = arith.constant 0 : i32
    %scan3A_72 = arith.constant 0 : i32
    %scan3A_73 = arith.constant 512 : i32
    %scan3A_74 = arith.addi %scan3A_72, %scan3A_73 : i32
    %scan3A_75 = arith.constant 1 : i32
    scf.for %scan3A_131 = %scan3A_72 to %scan3A_74 step %scan3A_75  : i32 {
      %jit3A = arith.constant 4 : i32
      %div3A = arith.divsi %scan3A_131, %jit3A : i32
      %sign3A = arith.constant 0 : i32
      %sign3A_132 = arith.cmpi sgt, %scan3A_131, %sign3A : i32
      %sign3A_133 = arith.extui %sign3A_132 : i1 to i32
      %sign3A_134 = arith.constant 0 : i32
      %sign3A_135 = arith.cmpi slt, %scan3A_131, %sign3A_134 : i32
      %sign3A_136 = arith.extui %sign3A_135 : i1 to i32
      %sign3A_137 = arith.subi %sign3A_133, %sign3A_136 : i32
      %sign3A_138 = arith.constant 0 : i32
      %sign3A_139 = arith.cmpi sgt, %jit3A, %sign3A_138 : i32
      %sign3A_140 = arith.extui %sign3A_139 : i1 to i32
      %sign3A_141 = arith.constant 0 : i32
      %sign3A_142 = arith.cmpi slt, %jit3A, %sign3A_141 : i32
      %sign3A_143 = arith.extui %sign3A_142 : i1 to i32
      %sign3A_144 = arith.subi %sign3A_140, %sign3A_143 : i32
      %ne3A = arith.cmpi ne, %sign3A_137, %sign3A_144 : i32
      %rem3A = arith.remsi %scan3A_131, %jit3A : i32
      %ne3A_145 = arith.constant 0 : i32
      %ne3A_146 = arith.cmpi ne, %rem3A, %ne3A_145 : i32
      %and3A = arith.andi %ne3A, %ne3A_146 : i1
      %sub3A = arith.constant 1 : i32
      %sub3A_147 = arith.subi %div3A, %sub3A : i32
      %select_n3A = arith.select %and3A, %sub3A_147, %div3A : i32
      %jit3A_148 = arith.constant 4 : i32
      %eq3A = arith.constant 0 : i32
      %eq3A_149 = arith.cmpi eq, %jit3A_148, %eq3A : i32
      %jit3A_150 = arith.constant 1 : i32
      %select_n3A_151 = arith.select %eq3A_149, %jit3A_150, %jit3A_148 : i32
      %rem3A_152 = arith.remsi %scan3A_131, %select_n3A_151 : i32
      %ne3A_153 = arith.constant 0 : i32
      %ne3A_154 = arith.cmpi ne, %rem3A_152, %ne3A_153 : i32
      %lt3A = arith.constant 0 : i32
      %lt3A_155 = arith.cmpi slt, %rem3A_152, %lt3A : i32
      %lt3A_156 = arith.constant 0 : i32
      %lt3A_157 = arith.cmpi slt, %select_n3A_151, %lt3A_156 : i32
      %ne3A_158 = arith.xori %lt3A_155, %lt3A_157 : i1
      %and3A_159 = arith.andi %ne3A_158, %ne3A_154 : i1
      %add3A_160 = arith.addi %rem3A_152, %select_n3A_151 : i32
      %select_n3A_161 = arith.select %and3A_159, %add3A_160, %rem3A_152 : i32
      %mul3A_162 = arith.constant 16 : i32
      %mul3A_163 = arith.muli %select_n3A_161, %mul3A_162 : i32
      %swap3A = arith.index_cast %select_n3A : i32 to index
      %swap3A_164 = arith.index_cast %mul3A_163 : i32 to index
      %swap3A_165 = tpu.vector_load %arg8[%swap3A, %swap3A_164] {strides = array<i32>} : memref<128x64xf32, #tpu.memory_space<vmem>>, vector<1x16xf32>,
      %swap3A_166 = vector.shape_cast %swap3A_165 : vector<1x16xf32> to vector<16xf32>
      %swap3A_167 = vector.shape_cast %broadcast_in_dim3A_5 : vector<16xf32> to vector<1x16xf32>
      tpu.vector_store %arg8[%swap3A, %swap3A_164], %swap3A_167 {strides = array<i32>} : memref<128x64xf32, #tpu.memory_space<vmem>>, vector<1x16xf32>,
    }
    %scan3A_76 = arith.constant 512 : i32
    %scan3A_77 = arith.constant 0 : i32
    %scan3A_78 = arith.constant 0 : i32
    %scan3A_79 = arith.constant 5 : i32
    %scan3A_80 = arith.addi %scan3A_78, %scan3A_79 : i32
    %scan3A_81 = arith.constant 1 : i32
    scf.for %scan3A_131 = %scan3A_78 to %scan3A_80 step %scan3A_81  : i32 {
      %mul3A_132 = arith.constant 640 : i32
      %mul3A_133 = arith.muli %arg1, %mul3A_132 : i32
      %mul3A_134 = arith.constant 128 : i32
      %mul3A_135 = arith.muli %scan3A_131, %mul3A_134 : i32
      %add3A_136 = arith.addi %mul3A_133, %mul3A_135 : i32
      "tpu.region"() ({
        %run_scoped3A_137 = tpu.sem_alloc : memref<!tpu.dma_semaphore, #tpu.memory_space<semaphore_mem>>
        %dma_start3A_138 = arith.constant 0 : i32
        %dma_start3A_139 = tpu.memref_slice %arg12[%add3A_136, %dma_start3A_138] : memref<10240x64xf32, #tpu.memory_space<vmem_shared>> -> memref<128x64xf32, #tpu.memory_space<vmem_shared>>
        %dma_start3A_140 = arith.constant 0 : i32
        %dma_start3A_141 = tpu.memref_slice %arg12[%add3A_136, %dma_start3A_140] : memref<10240x64xf32, #tpu.memory_space<vmem_shared>> -> memref<128x64xf32, #tpu.memory_space<vmem_shared>>
        tpu.enqueue_dma source(%arg8 : memref<128x64xf32, #tpu.memory_space<vmem>>) target(%dma_start3A_141 : memref<128x64xf32, #tpu.memory_space<vmem_shared>>) target_semaphore(%run_scoped3A_137 : memref<!tpu.dma_semaphore, #tpu.memory_space<semaphore_mem>>)
        %dma_wait3A_142 = arith.constant 0 : i32
        %dma_wait3A_143 = tpu.memref_slice %arg12[%add3A_136, %dma_wait3A_142] : memref<10240x64xf32, #tpu.memory_space<vmem_shared>> -> memref<128x64xf32, #tpu.memory_space<vmem_shared>>
        %dma_wait3A_144 = arith.constant 0 : i32
        %dma_wait3A_145 = tpu.memref_slice %arg12[%add3A_136, %dma_wait3A_144] : memref<10240x64xf32, #tpu.memory_space<vmem_shared>> -> memref<128x64xf32, #tpu.memory_space<vmem_shared>>
        tpu.wait_dma2 semaphore(%run_scoped3A_137 : memref<!tpu.dma_semaphore, #tpu.memory_space<semaphore_mem>>) src(%arg8 : memref<128x64xf32, #tpu.memory_space<vmem>>) dst(%dma_wait3A_145 : memref<128x64xf32, #tpu.memory_space<vmem_shared>>)
        tpu.yield
      }) : () -> ()
    }
    %scan3A_82 = arith.constant 5 : i32
    %barrier3A_83 = arith.constant 0 : index
    tpu.barrier barrier_id(%barrier3A_83)
    %dma_start3A_84 = arith.constant 0 : i32
    %dma_start3A_85 = arith.constant 0 : i32
    %dma_start3A_86 = tpu.memref_slice %arg6[%dma_start3A_84, %dma_start3A_85] : memref<81x128xi32, #tpu.memory_space<vmem>> -> memref<1x128xi32, #tpu.memory_space<vmem>>
    %dma_start3A_87 = tpu.memref_squeeze %dma_start3A_86 : memref<1x128xi32, #tpu.memory_space<vmem>> -> memref<128xi32, #tpu.memory_space<vmem>>
    %dma_start3A_88 = arith.constant 0 : i32
    %dma_start3A_89 = arith.constant 0 : i32
    %dma_start3A_90 = tpu.memref_slice %arg11[%dma_start3A_88, %dma_start3A_89] : memref<10240x64xf32, #tpu.memory_space<vmem_shared>> -> memref<10240x64xf32, #tpu.memory_space<vmem_shared>>
    tpu.enqueue_indirect_dma source(%dma_start3A_90 : memref<10240x64xf32, #tpu.memory_space<vmem_shared>>) target(%arg8 : memref<128x64xf32, #tpu.memory_space<vmem>>) offsets(%dma_start3A_87 : memref<128xi32, #tpu.memory_space<vmem>>) semaphore(%arg13 : memref<!tpu.dma_semaphore, #tpu.memory_space<semaphore_mem>>)
    %dma_start3A_91 = arith.constant 1 : i32
    %dma_start3A_92 = arith.constant 0 : i32
    %dma_start3A_93 = tpu.memref_slice %arg6[%dma_start3A_91, %dma_start3A_92] : memref<81x128xi32, #tpu.memory_space<vmem>> -> memref<1x128xi32, #tpu.memory_space<vmem>>
    %dma_start3A_94 = tpu.memref_squeeze %dma_start3A_93 : memref<1x128xi32, #tpu.memory_space<vmem>> -> memref<128xi32, #tpu.memory_space<vmem>>
    %dma_start3A_95 = arith.constant 0 : i32
    %dma_start3A_96 = arith.constant 0 : i32
    %dma_start3A_97 = tpu.memref_slice %arg11[%dma_start3A_95, %dma_start3A_96] : memref<10240x64xf32, #tpu.memory_space<vmem_shared>> -> memref<10240x64xf32, #tpu.memory_space<vmem_shared>>
    tpu.enqueue_indirect_dma source(%dma_start3A_97 : memref<10240x64xf32, #tpu.memory_space<vmem_shared>>) target(%arg9 : memref<128x64xf32, #tpu.memory_space<vmem>>) offsets(%dma_start3A_94 : memref<128xi32, #tpu.memory_space<vmem>>) semaphore(%arg14 : memref<!tpu.dma_semaphore, #tpu.memory_space<semaphore_mem>>)
    %scan3A_98 = arith.constant 0 : i32
    %scan3A_99 = arith.constant 0 : i32
    %scan3A_100 = arith.constant 27 : i32
    %scan3A_101 = arith.addi %scan3A_99, %scan3A_100 : i32
    %scan3A_102 = arith.constant 1 : i32
    scf.for %scan3A_131 = %scan3A_99 to %scan3A_101 step %scan3A_102  : i32 {
      %mul3A_132 = arith.constant 3 : i32
      %mul3A_133 = arith.muli %mul3A_132, %scan3A_131 : i32
      %add3A_134 = arith.constant 0 : i32
      %add3A_135 = arith.addi %mul3A_133, %add3A_134 : i32
      %dma_wait3A_136 = arith.constant 0 : i32
      %dma_wait3A_137 = tpu.memref_slice %arg6[%add3A_135, %dma_wait3A_136] : memref<81x128xi32, #tpu.memory_space<vmem>> -> memref<1x128xi32, #tpu.memory_space<vmem>>
      %dma_wait3A_138 = tpu.memref_squeeze %dma_wait3A_137 : memref<1x128xi32, #tpu.memory_space<vmem>> -> memref<128xi32, #tpu.memory_space<vmem>>
      %dma_wait3A_139 = arith.constant 0 : i32
      %dma_wait3A_140 = arith.constant 0 : i32
      %dma_wait3A_141 = tpu.memref_slice %arg11[%dma_wait3A_139, %dma_wait3A_140] : memref<10240x64xf32, #tpu.memory_space<vmem_shared>> -> memref<10240x64xf32, #tpu.memory_space<vmem_shared>>
      tpu.wait_indirect_dma semaphore(%arg13 : memref<!tpu.dma_semaphore, #tpu.memory_space<semaphore_mem>>) src(%dma_wait3A_141 : memref<10240x64xf32, #tpu.memory_space<vmem_shared>>) dst(%arg8 : memref<128x64xf32, #tpu.memory_space<vmem>>)
      %dma_start3A_142 = arith.constant 0 : i32
      %dma_start3A_143 = tpu.memref_slice %arg7[%add3A_135, %dma_start3A_142] : memref<81x128xi32, #tpu.memory_space<vmem>> -> memref<1x128xi32, #tpu.memory_space<vmem>>
      %dma_start3A_144 = tpu.memref_squeeze %dma_start3A_143 : memref<1x128xi32, #tpu.memory_space<vmem>> -> memref<128xi32, #tpu.memory_space<vmem>>
      %dma_start3A_145 = arith.constant 0 : i32
      %dma_start3A_146 = arith.constant 0 : i32
      %dma_start3A_147 = tpu.memref_slice %arg12[%dma_start3A_145, %dma_start3A_146] : memref<10240x64xf32, #tpu.memory_space<vmem_shared>> -> memref<10240x64xf32, #tpu.memory_space<vmem_shared>>
      tpu.enqueue_indirect_dma source(%arg8 : memref<128x64xf32, #tpu.memory_space<vmem>>) target(%dma_start3A_147 : memref<10240x64xf32, #tpu.memory_space<vmem_shared>>) offsets(%dma_start3A_144 : memref<128xi32, #tpu.memory_space<vmem>>) semaphore(%arg16 : memref<!tpu.dma_semaphore, #tpu.memory_space<semaphore_mem>>) {add = true}
      %ge3A = arith.constant 1 : i32
      %ge3A_148 = arith.cmpi sge, %add3A_135, %ge3A : i32
      %add3A_149 = arith.constant 2 : i32
      %add3A_150 = arith.addi %add3A_135, %add3A_149 : i32
      %lt3A = arith.constant 81 : i32
      %lt3A_151 = arith.cmpi slt, %add3A_150, %lt3A : i32
      %and3A = arith.andi %ge3A_148, %lt3A_151 : i1
      %convert_element_type3A = arith.extui %and3A : i1 to i32
      %cond3A = arith.constant 0 : i32
      %cond3A_152 = arith.cmpi ne, %convert_element_type3A, %cond3A : i32
      scf.if %cond3A_152 {
        %dma_wait3A_226 = arith.constant 0 : i32
        %dma_wait3A_227 = tpu.memref_slice %arg7[%add3A_135, %dma_wait3A_226] : memref<81x128xi32, #tpu.memory_space<vmem>> -> memref<1x128xi32, #tpu.memory_space<vmem>>
        %dma_wait3A_228 = tpu.memref_squeeze %dma_wait3A_227 : memref<1x128xi32, #tpu.memory_space<vmem>> -> memref<128xi32, #tpu.memory_space<vmem>>
        %dma_wait3A_229 = arith.constant 0 : i32
        %dma_wait3A_230 = arith.constant 0 : i32
        %dma_wait3A_231 = tpu.memref_slice %arg12[%dma_wait3A_229, %dma_wait3A_230] : memref<10240x64xf32, #tpu.memory_space<vmem_shared>> -> memref<10240x64xf32, #tpu.memory_space<vmem_shared>>
        tpu.wait_indirect_dma semaphore(%arg18 : memref<!tpu.dma_semaphore, #tpu.memory_space<semaphore_mem>>) src(%arg10 : memref<128x64xf32, #tpu.memory_space<vmem>>) dst(%dma_wait3A_231 : memref<10240x64xf32, #tpu.memory_space<vmem_shared>>)
      } else {
      }
      %add3A_153 = arith.constant 2 : i32
      %add3A_154 = arith.addi %add3A_135, %add3A_153 : i32
      %lt3A_155 = arith.constant 81 : i32
      %lt3A_156 = arith.cmpi slt, %add3A_154, %lt3A_155 : i32
      %convert_element_type3A_157 = arith.extui %lt3A_156 : i1 to i32
      %cond3A_158 = arith.constant 0 : i32
      %cond3A_159 = arith.cmpi ne, %convert_element_type3A_157, %cond3A_158 : i32
      scf.if %cond3A_159 {
        %add3A_226 = arith.constant 2 : i32
        %add3A_227 = arith.addi %add3A_135, %add3A_226 : i32
        %dma_start3A_228 = arith.constant 0 : i32
        %dma_start3A_229 = tpu.memref_slice %arg6[%add3A_227, %dma_start3A_228] : memref<81x128xi32, #tpu.memory_space<vmem>> -> memref<1x128xi32, #tpu.memory_space<vmem>>
        %dma_start3A_230 = tpu.memref_squeeze %dma_start3A_229 : memref<1x128xi32, #tpu.memory_space<vmem>> -> memref<128xi32, #tpu.memory_space<vmem>>
        %dma_start3A_231 = arith.constant 0 : i32
        %dma_start3A_232 = arith.constant 0 : i32
        %dma_start3A_233 = tpu.memref_slice %arg11[%dma_start3A_231, %dma_start3A_232] : memref<10240x64xf32, #tpu.memory_space<vmem_shared>> -> memref<10240x64xf32, #tpu.memory_space<vmem_shared>>
        tpu.enqueue_indirect_dma source(%dma_start3A_233 : memref<10240x64xf32, #tpu.memory_space<vmem_shared>>) target(%arg10 : memref<128x64xf32, #tpu.memory_space<vmem>>) offsets(%dma_start3A_230 : memref<128xi32, #tpu.memory_space<vmem>>) semaphore(%arg15 : memref<!tpu.dma_semaphore, #tpu.memory_space<semaphore_mem>>)
      } else {
      }
      %mul3A_160 = arith.constant 3 : i32
      %mul3A_161 = arith.muli %mul3A_160, %scan3A_131 : i32
      %add3A_162 = arith.constant 1 : i32
      %add3A_163 = arith.addi %mul3A_161, %add3A_162 : i32
      %dma_wait3A_164 = arith.constant 0 : i32
      %dma_wait3A_165 = tpu.memref_slice %arg6[%add3A_163, %dma_wait3A_164] : memref<81x128xi32, #tpu.memory_space<vmem>> -> memref<1x128xi32, #tpu.memory_space<vmem>>
      %dma_wait3A_166 = tpu.memref_squeeze %dma_wait3A_165 : memref<1x128xi32, #tpu.memory_space<vmem>> -> memref<128xi32, #tpu.memory_space<vmem>>
      %dma_wait3A_167 = arith.constant 0 : i32
      %dma_wait3A_168 = arith.constant 0 : i32
      %dma_wait3A_169 = tpu.memref_slice %arg11[%dma_wait3A_167, %dma_wait3A_168] : memref<10240x64xf32, #tpu.memory_space<vmem_shared>> -> memref<10240x64xf32, #tpu.memory_space<vmem_shared>>
      tpu.wait_indirect_dma semaphore(%arg14 : memref<!tpu.dma_semaphore, #tpu.memory_space<semaphore_mem>>) src(%dma_wait3A_169 : memref<10240x64xf32, #tpu.memory_space<vmem_shared>>) dst(%arg9 : memref<128x64xf32, #tpu.memory_space<vmem>>)
      %dma_start3A_170 = arith.constant 0 : i32
      %dma_start3A_171 = tpu.memref_slice %arg7[%add3A_163, %dma_start3A_170] : memref<81x128xi32, #tpu.memory_space<vmem>> -> memref<1x128xi32, #tpu.memory_space<vmem>>
      %dma_start3A_172 = tpu.memref_squeeze %dma_start3A_171 : memref<1x128xi32, #tpu.memory_space<vmem>> -> memref<128xi32, #tpu.memory_space<vmem>>
      %dma_start3A_173 = arith.constant 0 : i32
      %dma_start3A_174 = arith.constant 0 : i32
      %dma_start3A_175 = tpu.memref_slice %arg12[%dma_start3A_173, %dma_start3A_174] : memref<10240x64xf32, #tpu.memory_space<vmem_shared>> -> memref<10240x64xf32, #tpu.memory_space<vmem_shared>>
      tpu.enqueue_indirect_dma source(%arg9 : memref<128x64xf32, #tpu.memory_space<vmem>>) target(%dma_start3A_175 : memref<10240x64xf32, #tpu.memory_space<vmem_shared>>) offsets(%dma_start3A_172 : memref<128xi32, #tpu.memory_space<vmem>>) semaphore(%arg17 : memref<!tpu.dma_semaphore, #tpu.memory_space<semaphore_mem>>) {add = true}
      %ge3A_176 = arith.constant 1 : i32
      %ge3A_177 = arith.cmpi sge, %add3A_163, %ge3A_176 : i32
      %add3A_178 = arith.constant 2 : i32
      %add3A_179 = arith.addi %add3A_163, %add3A_178 : i32
      %lt3A_180 = arith.constant 81 : i32
      %lt3A_181 = arith.cmpi slt, %add3A_179, %lt3A_180 : i32
      %and3A_182 = arith.andi %ge3A_177, %lt3A_181 : i1
      %convert_element_type3A_183 = arith.extui %and3A_182 : i1 to i32
      %cond3A_184 = arith.constant 0 : i32
      %cond3A_185 = arith.cmpi ne, %convert_element_type3A_183, %cond3A_184 : i32
      scf.if %cond3A_185 {
        %dma_wait3A_226 = arith.constant 0 : i32
        %dma_wait3A_227 = tpu.memref_slice %arg7[%add3A_163, %dma_wait3A_226] : memref<81x128xi32, #tpu.memory_space<vmem>> -> memref<1x128xi32, #tpu.memory_space<vmem>>
        %dma_wait3A_228 = tpu.memref_squeeze %dma_wait3A_227 : memref<1x128xi32, #tpu.memory_space<vmem>> -> memref<128xi32, #tpu.memory_space<vmem>>
        %dma_wait3A_229 = arith.constant 0 : i32
        %dma_wait3A_230 = arith.constant 0 : i32
        %dma_wait3A_231 = tpu.memref_slice %arg12[%dma_wait3A_229, %dma_wait3A_230] : memref<10240x64xf32, #tpu.memory_space<vmem_shared>> -> memref<10240x64xf32, #tpu.memory_space<vmem_shared>>
        tpu.wait_indirect_dma semaphore(%arg16 : memref<!tpu.dma_semaphore, #tpu.memory_space<semaphore_mem>>) src(%arg8 : memref<128x64xf32, #tpu.memory_space<vmem>>) dst(%dma_wait3A_231 : memref<10240x64xf32, #tpu.memory_space<vmem_shared>>)
      } else {
      }
      %add3A_186 = arith.constant 2 : i32
      %add3A_187 = arith.addi %add3A_163, %add3A_186 : i32
      %lt3A_188 = arith.constant 81 : i32
      %lt3A_189 = arith.cmpi slt, %add3A_187, %lt3A_188 : i32
      %convert_element_type3A_190 = arith.extui %lt3A_189 : i1 to i32
      %cond3A_191 = arith.constant 0 : i32
      %cond3A_192 = arith.cmpi ne, %convert_element_type3A_190, %cond3A_191 : i32
      scf.if %cond3A_192 {
        %add3A_226 = arith.constant 2 : i32
        %add3A_227 = arith.addi %add3A_163, %add3A_226 : i32
        %dma_start3A_228 = arith.constant 0 : i32
        %dma_start3A_229 = tpu.memref_slice %arg6[%add3A_227, %dma_start3A_228] : memref<81x128xi32, #tpu.memory_space<vmem>> -> memref<1x128xi32, #tpu.memory_space<vmem>>
        %dma_start3A_230 = tpu.memref_squeeze %dma_start3A_229 : memref<1x128xi32, #tpu.memory_space<vmem>> -> memref<128xi32, #tpu.memory_space<vmem>>
        %dma_start3A_231 = arith.constant 0 : i32
        %dma_start3A_232 = arith.constant 0 : i32
        %dma_start3A_233 = tpu.memref_slice %arg11[%dma_start3A_231, %dma_start3A_232] : memref<10240x64xf32, #tpu.memory_space<vmem_shared>> -> memref<10240x64xf32, #tpu.memory_space<vmem_shared>>
        tpu.enqueue_indirect_dma source(%dma_start3A_233 : memref<10240x64xf32, #tpu.memory_space<vmem_shared>>) target(%arg8 : memref<128x64xf32, #tpu.memory_space<vmem>>) offsets(%dma_start3A_230 : memref<128xi32, #tpu.memory_space<vmem>>) semaphore(%arg13 : memref<!tpu.dma_semaphore, #tpu.memory_space<semaphore_mem>>)
      } else {
      }
      %mul3A_193 = arith.constant 3 : i32
      %mul3A_194 = arith.muli %mul3A_193, %scan3A_131 : i32
      %add3A_195 = arith.constant 2 : i32
      %add3A_196 = arith.addi %mul3A_194, %add3A_195 : i32
      %dma_wait3A_197 = arith.constant 0 : i32
      %dma_wait3A_198 = tpu.memref_slice %arg6[%add3A_196, %dma_wait3A_197] : memref<81x128xi32, #tpu.memory_space<vmem>> -> memref<1x128xi32, #tpu.memory_space<vmem>>
      %dma_wait3A_199 = tpu.memref_squeeze %dma_wait3A_198 : memref<1x128xi32, #tpu.memory_space<vmem>> -> memref<128xi32, #tpu.memory_space<vmem>>
      %dma_wait3A_200 = arith.constant 0 : i32
      %dma_wait3A_201 = arith.constant 0 : i32
      %dma_wait3A_202 = tpu.memref_slice %arg11[%dma_wait3A_200, %dma_wait3A_201] : memref<10240x64xf32, #tpu.memory_space<vmem_shared>> -> memref<10240x64xf32, #tpu.memory_space<vmem_shared>>
      tpu.wait_indirect_dma semaphore(%arg15 : memref<!tpu.dma_semaphore, #tpu.memory_space<semaphore_mem>>) src(%dma_wait3A_202 : memref<10240x64xf32, #tpu.memory_space<vmem_shared>>) dst(%arg10 : memref<128x64xf32, #tpu.memory_space<vmem>>)
      %dma_start3A_203 = arith.constant 0 : i32
      %dma_start3A_204 = tpu.memref_slice %arg7[%add3A_196, %dma_start3A_203] : memref<81x128xi32, #tpu.memory_space<vmem>> -> memref<1x128xi32, #tpu.memory_space<vmem>>
      %dma_start3A_205 = tpu.memref_squeeze %dma_start3A_204 : memref<1x128xi32, #tpu.memory_space<vmem>> -> memref<128xi32, #tpu.memory_space<vmem>>
      %dma_start3A_206 = arith.constant 0 : i32
      %dma_start3A_207 = arith.constant 0 : i32
      %dma_start3A_208 = tpu.memref_slice %arg12[%dma_start3A_206, %dma_start3A_207] : memref<10240x64xf32, #tpu.memory_space<vmem_shared>> -> memref<10240x64xf32, #tpu.memory_space<vmem_shared>>
      tpu.enqueue_indirect_dma source(%arg10 : memref<128x64xf32, #tpu.memory_space<vmem>>) target(%dma_start3A_208 : memref<10240x64xf32, #tpu.memory_space<vmem_shared>>) offsets(%dma_start3A_205 : memref<128xi32, #tpu.memory_space<vmem>>) semaphore(%arg18 : memref<!tpu.dma_semaphore, #tpu.memory_space<semaphore_mem>>) {add = true}
      %ge3A_209 = arith.constant 1 : i32
      %ge3A_210 = arith.cmpi sge, %add3A_196, %ge3A_209 : i32
      %add3A_211 = arith.constant 2 : i32
      %add3A_212 = arith.addi %add3A_196, %add3A_211 : i32
      %lt3A_213 = arith.constant 81 : i32
      %lt3A_214 = arith.cmpi slt, %add3A_212, %lt3A_213 : i32
      %and3A_215 = arith.andi %ge3A_210, %lt3A_214 : i1
      %convert_element_type3A_216 = arith.extui %and3A_215 : i1 to i32
      %cond3A_217 = arith.constant 0 : i32
      %cond3A_218 = arith.cmpi ne, %convert_element_type3A_216, %cond3A_217 : i32
      scf.if %cond3A_218 {
        %dma_wait3A_226 = arith.constant 0 : i32
        %dma_wait3A_227 = tpu.memref_slice %arg7[%add3A_196, %dma_wait3A_226] : memref<81x128xi32, #tpu.memory_space<vmem>> -> memref<1x128xi32, #tpu.memory_space<vmem>>
        %dma_wait3A_228 = tpu.memref_squeeze %dma_wait3A_227 : memref<1x128xi32, #tpu.memory_space<vmem>> -> memref<128xi32, #tpu.memory_space<vmem>>
        %dma_wait3A_229 = arith.constant 0 : i32
        %dma_wait3A_230 = arith.constant 0 : i32
        %dma_wait3A_231 = tpu.memref_slice %arg12[%dma_wait3A_229, %dma_wait3A_230] : memref<10240x64xf32, #tpu.memory_space<vmem_shared>> -> memref<10240x64xf32, #tpu.memory_space<vmem_shared>>
        tpu.wait_indirect_dma semaphore(%arg17 : memref<!tpu.dma_semaphore, #tpu.memory_space<semaphore_mem>>) src(%arg9 : memref<128x64xf32, #tpu.memory_space<vmem>>) dst(%dma_wait3A_231 : memref<10240x64xf32, #tpu.memory_space<vmem_shared>>)
      } else {
      }
      %add3A_219 = arith.constant 2 : i32
      %add3A_220 = arith.addi %add3A_196, %add3A_219 : i32
      %lt3A_221 = arith.constant 81 : i32
      %lt3A_222 = arith.cmpi slt, %add3A_220, %lt3A_221 : i32
      %convert_element_type3A_223 = arith.extui %lt3A_222 : i1 to i32
      %cond3A_224 = arith.constant 0 : i32
      %cond3A_225 = arith.cmpi ne, %convert_element_type3A_223, %cond3A_224 : i32
      scf.if %cond3A_225 {
        %add3A_226 = arith.constant 2 : i32
        %add3A_227 = arith.addi %add3A_196, %add3A_226 : i32
        %dma_start3A_228 = arith.constant 0 : i32
        %dma_start3A_229 = tpu.memref_slice %arg6[%add3A_227, %dma_start3A_228] : memref<81x128xi32, #tpu.memory_space<vmem>> -> memref<1x128xi32, #tpu.memory_space<vmem>>
        %dma_start3A_230 = tpu.memref_squeeze %dma_start3A_229 : memref<1x128xi32, #tpu.memory_space<vmem>> -> memref<128xi32, #tpu.memory_space<vmem>>
        %dma_start3A_231 = arith.constant 0 : i32
        %dma_start3A_232 = arith.constant 0 : i32
        %dma_start3A_233 = tpu.memref_slice %arg11[%dma_start3A_231, %dma_start3A_232] : memref<10240x64xf32, #tpu.memory_space<vmem_shared>> -> memref<10240x64xf32, #tpu.memory_space<vmem_shared>>
        tpu.enqueue_indirect_dma source(%dma_start3A_233 : memref<10240x64xf32, #tpu.memory_space<vmem_shared>>) target(%arg9 : memref<128x64xf32, #tpu.memory_space<vmem>>) offsets(%dma_start3A_230 : memref<128xi32, #tpu.memory_space<vmem>>) semaphore(%arg14 : memref<!tpu.dma_semaphore, #tpu.memory_space<semaphore_mem>>)
      } else {
      }
    }
    %scan3A_103 = arith.constant 27 : i32
    %dma_wait3A_104 = arith.constant 0 : i32
    %dma_wait3A_105 = arith.constant 0 : i32
    %dma_wait3A_106 = tpu.memref_slice %arg7[%dma_wait3A_104, %dma_wait3A_105] : memref<81x128xi32, #tpu.memory_space<vmem>> -> memref<1x128xi32, #tpu.memory_space<vmem>>
    %dma_wait3A_107 = tpu.memref_squeeze %dma_wait3A_106 : memref<1x128xi32, #tpu.memory_space<vmem>> -> memref<128xi32, #tpu.memory_space<vmem>>
    %dma_wait3A_108 = arith.constant 0 : i32
    %dma_wait3A_109 = arith.constant 0 : i32
    %dma_wait3A_110 = tpu.memref_slice %arg12[%dma_wait3A_108, %dma_wait3A_109] : memref<10240x64xf32, #tpu.memory_space<vmem_shared>> -> memref<10240x64xf32, #tpu.memory_space<vmem_shared>>
    tpu.wait_indirect_dma semaphore(%arg16 : memref<!tpu.dma_semaphore, #tpu.memory_space<semaphore_mem>>) src(%arg8 : memref<128x64xf32, #tpu.memory_space<vmem>>) dst(%dma_wait3A_110 : memref<10240x64xf32, #tpu.memory_space<vmem_shared>>)
    %dma_wait3A_111 = arith.constant 0 : i32
    %dma_wait3A_112 = arith.constant 0 : i32
    %dma_wait3A_113 = tpu.memref_slice %arg7[%dma_wait3A_111, %dma_wait3A_112] : memref<81x128xi32, #tpu.memory_space<vmem>> -> memref<1x128xi32, #tpu.memory_space<vmem>>
    %dma_wait3A_114 = tpu.memref_squeeze %dma_wait3A_113 : memref<1x128xi32, #tpu.memory_space<vmem>> -> memref<128xi32, #tpu.memory_space<vmem>>
    %dma_wait3A_115 = arith.constant 0 : i32
    %dma_wait3A_116 = arith.constant 0 : i32
    %dma_wait3A_117 = tpu.memref_slice %arg12[%dma_wait3A_115, %dma_wait3A_116] : memref<10240x64xf32, #tpu.memory_space<vmem_shared>> -> memref<10240x64xf32, #tpu.memory_space<vmem_shared>>
    tpu.wait_indirect_dma semaphore(%arg17 : memref<!tpu.dma_semaphore, #tpu.memory_space<semaphore_mem>>) src(%arg9 : memref<128x64xf32, #tpu.memory_space<vmem>>) dst(%dma_wait3A_117 : memref<10240x64xf32, #tpu.memory_space<vmem_shared>>)
    %dma_wait3A_118 = arith.constant 0 : i32
    %dma_wait3A_119 = arith.constant 0 : i32
    %dma_wait3A_120 = tpu.memref_slice %arg7[%dma_wait3A_118, %dma_wait3A_119] : memref<81x128xi32, #tpu.memory_space<vmem>> -> memref<1x128xi32, #tpu.memory_space<vmem>>
    %dma_wait3A_121 = tpu.memref_squeeze %dma_wait3A_120 : memref<1x128xi32, #tpu.memory_space<vmem>> -> memref<128xi32, #tpu.memory_space<vmem>>
    %dma_wait3A_122 = arith.constant 0 : i32
    %dma_wait3A_123 = arith.constant 0 : i32
    %dma_wait3A_124 = tpu.memref_slice %arg12[%dma_wait3A_122, %dma_wait3A_123] : memref<10240x64xf32, #tpu.memory_space<vmem_shared>> -> memref<10240x64xf32, #tpu.memory_space<vmem_shared>>
    tpu.wait_indirect_dma semaphore(%arg18 : memref<!tpu.dma_semaphore, #tpu.memory_space<semaphore_mem>>) src(%arg10 : memref<128x64xf32, #tpu.memory_space<vmem>>) dst(%dma_wait3A_124 : memref<10240x64xf32, #tpu.memory_space<vmem_shared>>)
    %barrier3A_125 = arith.constant 0 : index
    tpu.barrier barrier_id(%barrier3A_125)
    %mul3A_126 = arith.constant 640 : i32
    %mul3A_127 = arith.muli %arg1, %mul3A_126 : i32
    %mul3A_128 = arith.constant 640 : i32
    %mul3A_129 = arith.muli %arg1, %mul3A_128 : i32
    %run_scoped3A_130 = arith.constant 1 : i32
    "tpu.region"() ({
      %run_scoped3A_131 = tpu.sem_alloc : memref<!tpu.dma_semaphore, #tpu.memory_space<semaphore_mem>>
      %dma_start3A_132 = arith.constant 0 : i32
      %dma_start3A_133 = tpu.memref_slice %arg5[%arg0, %run_scoped3A_130, %mul3A_129, %dma_start3A_132] : memref<2x2x10240x64xf32, #tpu.memory_space<hbm>> -> memref<1x1x640x64xf32, #tpu.memory_space<hbm>>
      %dma_start3A_134 = tpu.memref_squeeze %dma_start3A_133 : memref<1x1x640x64xf32, #tpu.memory_space<hbm>> -> memref<640x64xf32, #tpu.memory_space<hbm>>
      %dma_start3A_135 = arith.constant 0 : i32
      %dma_start3A_136 = tpu.memref_slice %arg12[%mul3A_127, %dma_start3A_135] : memref<10240x64xf32, #tpu.memory_space<vmem_shared>> -> memref<640x64xf32, #tpu.memory_space<vmem_shared>>
      tpu.enqueue_dma source(%dma_start3A_136 : memref<640x64xf32, #tpu.memory_space<vmem_shared>>) target(%dma_start3A_134 : memref<640x64xf32, #tpu.memory_space<hbm>>) target_semaphore(%run_scoped3A_131 : memref<!tpu.dma_semaphore, #tpu.memory_space<semaphore_mem>>)
      %dma_wait3A_137 = arith.constant 0 : i32
      %dma_wait3A_138 = tpu.memref_slice %arg5[%arg0, %run_scoped3A_130, %mul3A_129, %dma_wait3A_137] : memref<2x2x10240x64xf32, #tpu.memory_space<hbm>> -> memref<1x1x640x64xf32, #tpu.memory_space<hbm>>
      %dma_wait3A_139 = tpu.memref_squeeze %dma_wait3A_138 : memref<1x1x640x64xf32, #tpu.memory_space<hbm>> -> memref<640x64xf32, #tpu.memory_space<hbm>>
      %dma_wait3A_140 = arith.constant 0 : i32
      %dma_wait3A_141 = tpu.memref_slice %arg12[%mul3A_127, %dma_wait3A_140] : memref<10240x64xf32, #tpu.memory_space<vmem_shared>> -> memref<640x64xf32, #tpu.memory_space<vmem_shared>>
      tpu.wait_dma2 semaphore(%run_scoped3A_131 : memref<!tpu.dma_semaphore, #tpu.memory_space<semaphore_mem>>) src(%dma_wait3A_141 : memref<640x64xf32, #tpu.memory_space<vmem_shared>>) dst(%dma_wait3A_139 : memref<640x64xf32, #tpu.memory_space<hbm>>)
      tpu.yield
    }) : () -> ()
    return
  }
}

#map = affine_map<(d0, d1) -> (0, 0, 0)>
#map1 = affine_map<(d0, d1) -> (0, 0)>
#map2 = affine_map<(d0, d1) -> (0, 0, 0, 0)>
module attributes {stable_mosaic.version = 14 : i64} {
  func.func @_aggr_body(%arg0: i32, %arg1: i32, %arg2: memref<2x10240x64xf32, #tpu.memory_space<hbm>>, %arg3: memref<2592x128xi32, #tpu.memory_space<hbm>>, %arg4: memref<2592x128xi32, #tpu.memory_space<hbm>>, %arg5: memref<2x2x10240x64xf32, #tpu.memory_space<hbm>>, %arg6: memref<81x128xi32, #tpu.memory_space<vmem>>, %arg7: memref<81x128xi32, #tpu.memory_space<vmem>>, %arg8: memref<128x64xf32, #tpu.memory_space<vmem>>, %arg9: memref<128x64xf32, #tpu.memory_space<vmem>>, %arg10: memref<128x64xf32, #tpu.memory_space<vmem>>, %arg11: memref<10240x64xf32, #tpu.memory_space<vmem_shared>>, %arg12: memref<10240x64xf32, #tpu.memory_space<vmem_shared>>, %arg13: memref<!tpu.dma_semaphore, #tpu.memory_space<semaphore_mem>>, %arg14: memref<!tpu.dma_semaphore, #tpu.memory_space<semaphore_mem>>, %arg15: memref<!tpu.dma_semaphore, #tpu.memory_space<semaphore_mem>>, %arg16: memref<!tpu.dma_semaphore, #tpu.memory_space<semaphore_mem>>, %arg17: memref<!tpu.dma_semaphore, #tpu.memory_space<semaphore_mem>>, %arg18: memref<!tpu.dma_semaphore, #tpu.memory_space<semaphore_mem>>) attributes {dimension_semantics = [#tpu.dimension_semantics<core_parallel>, #tpu.dimension_semantics<subcore_parallel>], iteration_bounds = array<i64: 2, 16>, scalar_prefetch = 0 : i64, scratch_operands = 13 : i64, tpu.core_type = #tpu.core_type<sc_vector_subcore>, window_params = [{transform_indices = #map}, {transform_indices = #map1}, {transform_indices = #map1}, {transform_indices = #map2}]} {
    %mul3A = arith.constant 16 : i32
    %mul3A_0 = arith.muli %arg0, %mul3A : i32
    %add3A = arith.addi %mul3A_0, %arg1 : i32
    %mul3A_1 = arith.constant 81 : i32
    %mul3A_2 = arith.muli %add3A, %mul3A_1 : i32
    "tpu.region"() ({
      %run_scoped3A_131 = tpu.sem_alloc : memref<!tpu.dma_semaphore, #tpu.memory_space<semaphore_mem>>
      %dma_start3A_132 = arith.constant 0 : i32
      %dma_start3A_133 = tpu.memref_slice %arg3[%mul3A_2, %dma_start3A_132] : memref<2592x128xi32, #tpu.memory_space<hbm>> -> memref<81x128xi32, #tpu.memory_space<hbm>>
      %dma_start3A_134 = arith.constant 0 : i32
      %dma_start3A_135 = tpu.memref_slice %arg3[%mul3A_2, %dma_start3A_134] : memref<2592x128xi32, #tpu.memory_space<hbm>> -> memref<81x128xi32, #tpu.memory_space<hbm>>
      tpu.enqueue_dma source(%dma_start3A_135 : memref<81x128xi32, #tpu.memory_space<hbm>>) target(%arg6 : memref<81x128xi32, #tpu.memory_space<vmem>>) target_semaphore(%run_scoped3A_131 : memref<!tpu.dma_semaphore, #tpu.memory_space<semaphore_mem>>)
      %dma_wait3A_136 = arith.constant 0 : i32
      %dma_wait3A_137 = tpu.memref_slice %arg3[%mul3A_2, %dma_wait3A_136] : memref<2592x128xi32, #tpu.memory_space<hbm>> -> memref<81x128xi32, #tpu.memory_space<hbm>>
      %dma_wait3A_138 = arith.constant 0 : i32
      %dma_wait3A_139 = tpu.memref_slice %arg3[%mul3A_2, %dma_wait3A_138] : memref<2592x128xi32, #tpu.memory_space<hbm>> -> memref<81x128xi32, #tpu.memory_space<hbm>>
      tpu.wait_dma2 semaphore(%run_scoped3A_131 : memref<!tpu.dma_semaphore, #tpu.memory_space<semaphore_mem>>) src(%dma_wait3A_139 : memref<81x128xi32, #tpu.memory_space<hbm>>) dst(%arg6 : memref<81x128xi32, #tpu.memory_space<vmem>>)
      tpu.yield
    }) : () -> ()
    %mul3A_3 = arith.constant 81 : i32
    %mul3A_4 = arith.muli %add3A, %mul3A_3 : i32
    "tpu.region"() ({
      %run_scoped3A_131 = tpu.sem_alloc : memref<!tpu.dma_semaphore, #tpu.memory_space<semaphore_mem>>
      %dma_start3A_132 = arith.constant 0 : i32
      %dma_start3A_133 = tpu.memref_slice %arg4[%mul3A_4, %dma_start3A_132] : memref<2592x128xi32, #tpu.memory_space<hbm>> -> memref<81x128xi32, #tpu.memory_space<hbm>>
      %dma_start3A_134 = arith.constant 0 : i32
      %dma_start3A_135 = tpu.memref_slice %arg4[%mul3A_4, %dma_start3A_134] : memref<2592x128xi32, #tpu.memory_space<hbm>> -> memref<81x128xi32, #tpu.memory_space<hbm>>
      tpu.enqueue_dma source(%dma_start3A_135 : memref<81x128xi32, #tpu.memory_space<hbm>>) target(%arg7 : memref<81x128xi32, #tpu.memory_space<vmem>>) target_semaphore(%run_scoped3A_131 : memref<!tpu.dma_semaphore, #tpu.memory_space<semaphore_mem>>)
      %dma_wait3A_136 = arith.constant 0 : i32
      %dma_wait3A_137 = tpu.memref_slice %arg4[%mul3A_4, %dma_wait3A_136] : memref<2592x128xi32, #tpu.memory_space<hbm>> -> memref<81x128xi32, #tpu.memory_space<hbm>>
      %dma_wait3A_138 = arith.constant 0 : i32
      %dma_wait3A_139 = tpu.memref_slice %arg4[%mul3A_4, %dma_wait3A_138] : memref<2592x128xi32, #tpu.memory_space<hbm>> -> memref<81x128xi32, #tpu.memory_space<hbm>>
      tpu.wait_dma2 semaphore(%run_scoped3A_131 : memref<!tpu.dma_semaphore, #tpu.memory_space<semaphore_mem>>) src(%dma_wait3A_139 : memref<81x128xi32, #tpu.memory_space<hbm>>) dst(%arg7 : memref<81x128xi32, #tpu.memory_space<vmem>>)
      tpu.yield
    }) : () -> ()
    %broadcast_in_dim3A = arith.constant 0.000000e+00 : f32
    %broadcast_in_dim3A_5 = vector.broadcast %broadcast_in_dim3A : f32 to vector<16xf32>
    %mul3A_6 = arith.constant 640 : i32
    %mul3A_7 = arith.muli %arg1, %mul3A_6 : i32
    %mul3A_8 = arith.constant 640 : i32
    %mul3A_9 = arith.muli %arg1, %mul3A_8 : i32
    %run_scoped3A = arith.constant 0 : i32
    "tpu.region"() ({
      %run_scoped3A_131 = tpu.sem_alloc : memref<!tpu.dma_semaphore, #tpu.memory_space<semaphore_mem>>
      %dma_start3A_132 = arith.constant 0 : i32
      %dma_start3A_133 = tpu.memref_slice %arg11[%mul3A_9, %dma_start3A_132] : memref<10240x64xf32, #tpu.memory_space<vmem_shared>> -> memref<640x64xf32, #tpu.memory_space<vmem_shared>>
      %dma_start3A_134 = arith.constant 0 : i32
      %dma_start3A_135 = tpu.memref_slice %arg2[%run_scoped3A, %mul3A_7, %dma_start3A_134] : memref<2x10240x64xf32, #tpu.memory_space<hbm>> -> memref<1x640x64xf32, #tpu.memory_space<hbm>>
      %dma_start3A_136 = tpu.memref_squeeze %dma_start3A_135 : memref<1x640x64xf32, #tpu.memory_space<hbm>> -> memref<640x64xf32, #tpu.memory_space<hbm>>
      tpu.enqueue_dma source(%dma_start3A_136 : memref<640x64xf32, #tpu.memory_space<hbm>>) target(%dma_start3A_133 : memref<640x64xf32, #tpu.memory_space<vmem_shared>>) target_semaphore(%run_scoped3A_131 : memref<!tpu.dma_semaphore, #tpu.memory_space<semaphore_mem>>)
      %dma_wait3A_137 = arith.constant 0 : i32
      %dma_wait3A_138 = tpu.memref_slice %arg11[%mul3A_9, %dma_wait3A_137] : memref<10240x64xf32, #tpu.memory_space<vmem_shared>> -> memref<640x64xf32, #tpu.memory_space<vmem_shared>>
      %dma_wait3A_139 = arith.constant 0 : i32
      %dma_wait3A_140 = tpu.memref_slice %arg2[%run_scoped3A, %mul3A_7, %dma_wait3A_139] : memref<2x10240x64xf32, #tpu.memory_space<hbm>> -> memref<1x640x64xf32, #tpu.memory_space<hbm>>
      %dma_wait3A_141 = tpu.memref_squeeze %dma_wait3A_140 : memref<1x640x64xf32, #tpu.memory_space<hbm>> -> memref<640x64xf32, #tpu.memory_space<hbm>>
      tpu.wait_dma2 semaphore(%run_scoped3A_131 : memref<!tpu.dma_semaphore, #tpu.memory_space<semaphore_mem>>) src(%dma_wait3A_141 : memref<640x64xf32, #tpu.memory_space<hbm>>) dst(%dma_wait3A_138 : memref<640x64xf32, #tpu.memory_space<vmem_shared>>)
      tpu.yield
    }) : () -> ()
    %scan3A = arith.constant 0 : i32
    %scan3A_10 = arith.constant 0 : i32
    %scan3A_11 = arith.constant 512 : i32
    %scan3A_12 = arith.addi %scan3A_10, %scan3A_11 : i32
    %scan3A_13 = arith.constant 1 : i32
    scf.for %scan3A_131 = %scan3A_10 to %scan3A_12 step %scan3A_13  : i32 {
      %jit3A = arith.constant 4 : i32
      %div3A = arith.divsi %scan3A_131, %jit3A : i32
      %sign3A = arith.constant 0 : i32
      %sign3A_132 = arith.cmpi sgt, %scan3A_131, %sign3A : i32
      %sign3A_133 = arith.extui %sign3A_132 : i1 to i32
      %sign3A_134 = arith.constant 0 : i32
      %sign3A_135 = arith.cmpi slt, %scan3A_131, %sign3A_134 : i32
      %sign3A_136 = arith.extui %sign3A_135 : i1 to i32
      %sign3A_137 = arith.subi %sign3A_133, %sign3A_136 : i32
      %sign3A_138 = arith.constant 0 : i32
      %sign3A_139 = arith.cmpi sgt, %jit3A, %sign3A_138 : i32
      %sign3A_140 = arith.extui %sign3A_139 : i1 to i32
      %sign3A_141 = arith.constant 0 : i32
      %sign3A_142 = arith.cmpi slt, %jit3A, %sign3A_141 : i32
      %sign3A_143 = arith.extui %sign3A_142 : i1 to i32
      %sign3A_144 = arith.subi %sign3A_140, %sign3A_143 : i32
      %ne3A = arith.cmpi ne, %sign3A_137, %sign3A_144 : i32
      %rem3A = arith.remsi %scan3A_131, %jit3A : i32
      %ne3A_145 = arith.constant 0 : i32
      %ne3A_146 = arith.cmpi ne, %rem3A, %ne3A_145 : i32
      %and3A = arith.andi %ne3A, %ne3A_146 : i1
      %sub3A = arith.constant 1 : i32
      %sub3A_147 = arith.subi %div3A, %sub3A : i32
      %select_n3A = arith.select %and3A, %sub3A_147, %div3A : i32
      %jit3A_148 = arith.constant 4 : i32
      %eq3A = arith.constant 0 : i32
      %eq3A_149 = arith.cmpi eq, %jit3A_148, %eq3A : i32
      %jit3A_150 = arith.constant 1 : i32
      %select_n3A_151 = arith.select %eq3A_149, %jit3A_150, %jit3A_148 : i32
      %rem3A_152 = arith.remsi %scan3A_131, %select_n3A_151 : i32
      %ne3A_153 = arith.constant 0 : i32
      %ne3A_154 = arith.cmpi ne, %rem3A_152, %ne3A_153 : i32
      %lt3A = arith.constant 0 : i32
      %lt3A_155 = arith.cmpi slt, %rem3A_152, %lt3A : i32
      %lt3A_156 = arith.constant 0 : i32
      %lt3A_157 = arith.cmpi slt, %select_n3A_151, %lt3A_156 : i32
      %ne3A_158 = arith.xori %lt3A_155, %lt3A_157 : i1
      %and3A_159 = arith.andi %ne3A_158, %ne3A_154 : i1
      %add3A_160 = arith.addi %rem3A_152, %select_n3A_151 : i32
      %select_n3A_161 = arith.select %and3A_159, %add3A_160, %rem3A_152 : i32
      %mul3A_162 = arith.constant 16 : i32
      %mul3A_163 = arith.muli %select_n3A_161, %mul3A_162 : i32
      %swap3A = arith.index_cast %select_n3A : i32 to index
      %swap3A_164 = arith.index_cast %mul3A_163 : i32 to index
      %swap3A_165 = tpu.vector_load %arg8[%swap3A, %swap3A_164] {strides = array<i32>} : memref<128x64xf32, #tpu.memory_space<vmem>>, vector<1x16xf32>,
      %swap3A_166 = vector.shape_cast %swap3A_165 : vector<1x16xf32> to vector<16xf32>
      %swap3A_167 = vector.shape_cast %broadcast_in_dim3A_5 : vector<16xf32> to vector<1x16xf32>
      tpu.vector_store %arg8[%swap3A, %swap3A_164], %swap3A_167 {strides = array<i32>} : memref<128x64xf32, #tpu.memory_space<vmem>>, vector<1x16xf32>,
    }
    %scan3A_14 = arith.constant 512 : i32
    %scan3A_15 = arith.constant 0 : i32
    %scan3A_16 = arith.constant 0 : i32
    %scan3A_17 = arith.constant 5 : i32
    %scan3A_18 = arith.addi %scan3A_16, %scan3A_17 : i32
    %scan3A_19 = arith.constant 1 : i32
    scf.for %scan3A_131 = %scan3A_16 to %scan3A_18 step %scan3A_19  : i32 {
      %mul3A_132 = arith.constant 640 : i32
      %mul3A_133 = arith.muli %arg1, %mul3A_132 : i32
      %mul3A_134 = arith.constant 128 : i32
      %mul3A_135 = arith.muli %scan3A_131, %mul3A_134 : i32
      %add3A_136 = arith.addi %mul3A_133, %mul3A_135 : i32
      "tpu.region"() ({
        %run_scoped3A_137 = tpu.sem_alloc : memref<!tpu.dma_semaphore, #tpu.memory_space<semaphore_mem>>
        %dma_start3A_138 = arith.constant 0 : i32
        %dma_start3A_139 = tpu.memref_slice %arg12[%add3A_136, %dma_start3A_138] : memref<10240x64xf32, #tpu.memory_space<vmem_shared>> -> memref<128x64xf32, #tpu.memory_space<vmem_shared>>
        %dma_start3A_140 = arith.constant 0 : i32
        %dma_start3A_141 = tpu.memref_slice %arg12[%add3A_136, %dma_start3A_140] : memref<10240x64xf32, #tpu.memory_space<vmem_shared>> -> memref<128x64xf32, #tpu.memory_space<vmem_shared>>
        tpu.enqueue_dma source(%arg8 : memref<128x64xf32, #tpu.memory_space<vmem>>) target(%dma_start3A_141 : memref<128x64xf32, #tpu.memory_space<vmem_shared>>) target_semaphore(%run_scoped3A_137 : memref<!tpu.dma_semaphore, #tpu.memory_space<semaphore_mem>>)
        %dma_wait3A_142 = arith.constant 0 : i32
        %dma_wait3A_143 = tpu.memref_slice %arg12[%add3A_136, %dma_wait3A_142] : memref<10240x64xf32, #tpu.memory_space<vmem_shared>> -> memref<128x64xf32, #tpu.memory_space<vmem_shared>>
        %dma_wait3A_144 = arith.constant 0 : i32
        %dma_wait3A_145 = tpu.memref_slice %arg12[%add3A_136, %dma_wait3A_144] : memref<10240x64xf32, #tpu.memory_space<vmem_shared>> -> memref<128x64xf32, #tpu.memory_space<vmem_shared>>
        tpu.wait_dma2 semaphore(%run_scoped3A_137 : memref<!tpu.dma_semaphore, #tpu.memory_space<semaphore_mem>>) src(%arg8 : memref<128x64xf32, #tpu.memory_space<vmem>>) dst(%dma_wait3A_145 : memref<128x64xf32, #tpu.memory_space<vmem_shared>>)
        tpu.yield
      }) : () -> ()
    }
    %scan3A_20 = arith.constant 5 : i32
    %barrier3A = arith.constant 0 : index
    tpu.barrier barrier_id(%barrier3A)
    %dma_start3A = arith.constant 0 : i32
    %dma_start3A_21 = arith.constant 0 : i32
    %dma_start3A_22 = tpu.memref_slice %arg6[%dma_start3A, %dma_start3A_21] : memref<81x128xi32, #tpu.memory_space<vmem>> -> memref<1x128xi32, #tpu.memory_space<vmem>>
    %dma_start3A_23 = tpu.memref_squeeze %dma_start3A_22 : memref<1x128xi32, #tpu.memory_space<vmem>> -> memref<128xi32, #tpu.memory_space<vmem>>
    %dma_start3A_24 = arith.constant 0 : i32
    %dma_start3A_25 = arith.constant 0 : i32
    %dma_start3A_26 = tpu.memref_slice %arg11[%dma_start3A_24, %dma_start3A_25] : memref<10240x64xf32, #tpu.memory_space<vmem_shared>> -> memref<10240x64xf32, #tpu.memory_space<vmem_shared>>
    tpu.enqueue_indirect_dma source(%dma_start3A_26 : memref<10240x64xf32, #tpu.memory_space<vmem_shared>>) target(%arg8 : memref<128x64xf32, #tpu.memory_space<vmem>>) offsets(%dma_start3A_23 : memref<128xi32, #tpu.memory_space<vmem>>) semaphore(%arg13 : memref<!tpu.dma_semaphore, #tpu.memory_space<semaphore_mem>>)
    %dma_start3A_27 = arith.constant 1 : i32
    %dma_start3A_28 = arith.constant 0 : i32
    %dma_start3A_29 = tpu.memref_slice %arg6[%dma_start3A_27, %dma_start3A_28] : memref<81x128xi32, #tpu.memory_space<vmem>> -> memref<1x128xi32, #tpu.memory_space<vmem>>
    %dma_start3A_30 = tpu.memref_squeeze %dma_start3A_29 : memref<1x128xi32, #tpu.memory_space<vmem>> -> memref<128xi32, #tpu.memory_space<vmem>>
    %dma_start3A_31 = arith.constant 0 : i32
    %dma_start3A_32 = arith.constant 0 : i32
    %dma_start3A_33 = tpu.memref_slice %arg11[%dma_start3A_31, %dma_start3A_32] : memref<10240x64xf32, #tpu.memory_space<vmem_shared>> -> memref<10240x64xf32, #tpu.memory_space<vmem_shared>>
    tpu.enqueue_indirect_dma source(%dma_start3A_33 : memref<10240x64xf32, #tpu.memory_space<vmem_shared>>) target(%arg9 : memref<128x64xf32, #tpu.memory_space<vmem>>) offsets(%dma_start3A_30 : memref<128xi32, #tpu.memory_space<vmem>>) semaphore(%arg14 : memref<!tpu.dma_semaphore, #tpu.memory_space<semaphore_mem>>)
    %scan3A_34 = arith.constant 0 : i32
    %scan3A_35 = arith.constant 0 : i32
    %scan3A_36 = arith.constant 27 : i32
    %scan3A_37 = arith.addi %scan3A_35, %scan3A_36 : i32
    %scan3A_38 = arith.constant 1 : i32
    scf.for %scan3A_131 = %scan3A_35 to %scan3A_37 step %scan3A_38  : i32 {
      %mul3A_132 = arith.constant 3 : i32
      %mul3A_133 = arith.muli %mul3A_132, %scan3A_131 : i32
      %add3A_134 = arith.constant 0 : i32
      %add3A_135 = arith.addi %mul3A_133, %add3A_134 : i32
      %dma_wait3A_136 = arith.constant 0 : i32
      %dma_wait3A_137 = tpu.memref_slice %arg6[%add3A_135, %dma_wait3A_136] : memref<81x128xi32, #tpu.memory_space<vmem>> -> memref<1x128xi32, #tpu.memory_space<vmem>>
      %dma_wait3A_138 = tpu.memref_squeeze %dma_wait3A_137 : memref<1x128xi32, #tpu.memory_space<vmem>> -> memref<128xi32, #tpu.memory_space<vmem>>
      %dma_wait3A_139 = arith.constant 0 : i32
      %dma_wait3A_140 = arith.constant 0 : i32
      %dma_wait3A_141 = tpu.memref_slice %arg11[%dma_wait3A_139, %dma_wait3A_140] : memref<10240x64xf32, #tpu.memory_space<vmem_shared>> -> memref<10240x64xf32, #tpu.memory_space<vmem_shared>>
      tpu.wait_indirect_dma semaphore(%arg13 : memref<!tpu.dma_semaphore, #tpu.memory_space<semaphore_mem>>) src(%dma_wait3A_141 : memref<10240x64xf32, #tpu.memory_space<vmem_shared>>) dst(%arg8 : memref<128x64xf32, #tpu.memory_space<vmem>>)
      %dma_start3A_142 = arith.constant 0 : i32
      %dma_start3A_143 = tpu.memref_slice %arg7[%add3A_135, %dma_start3A_142] : memref<81x128xi32, #tpu.memory_space<vmem>> -> memref<1x128xi32, #tpu.memory_space<vmem>>
      %dma_start3A_144 = tpu.memref_squeeze %dma_start3A_143 : memref<1x128xi32, #tpu.memory_space<vmem>> -> memref<128xi32, #tpu.memory_space<vmem>>
      %dma_start3A_145 = arith.constant 0 : i32
      %dma_start3A_146 = arith.constant 0 : i32
      %dma_start3A_147 = tpu.memref_slice %arg12[%dma_start3A_145, %dma_start3A_146] : memref<10240x64xf32, #tpu.memory_space<vmem_shared>> -> memref<10240x64xf32, #tpu.memory_space<vmem_shared>>
      tpu.enqueue_indirect_dma source(%arg8 : memref<128x64xf32, #tpu.memory_space<vmem>>) target(%dma_start3A_147 : memref<10240x64xf32, #tpu.memory_space<vmem_shared>>) offsets(%dma_start3A_144 : memref<128xi32, #tpu.memory_space<vmem>>) semaphore(%arg16 : memref<!tpu.dma_semaphore, #tpu.memory_space<semaphore_mem>>) {add = true}
      %ge3A = arith.constant 1 : i32
      %ge3A_148 = arith.cmpi sge, %add3A_135, %ge3A : i32
      %add3A_149 = arith.constant 2 : i32
      %add3A_150 = arith.addi %add3A_135, %add3A_149 : i32
      %lt3A = arith.constant 81 : i32
      %lt3A_151 = arith.cmpi slt, %add3A_150, %lt3A : i32
      %and3A = arith.andi %ge3A_148, %lt3A_151 : i1
      %convert_element_type3A = arith.extui %and3A : i1 to i32
      %cond3A = arith.constant 0 : i32
      %cond3A_152 = arith.cmpi ne, %convert_element_type3A, %cond3A : i32
      scf.if %cond3A_152 {
        %dma_wait3A_226 = arith.constant 0 : i32
        %dma_wait3A_227 = tpu.memref_slice %arg7[%add3A_135, %dma_wait3A_226] : memref<81x128xi32, #tpu.memory_space<vmem>> -> memref<1x128xi32, #tpu.memory_space<vmem>>
        %dma_wait3A_228 = tpu.memref_squeeze %dma_wait3A_227 : memref<1x128xi32, #tpu.memory_space<vmem>> -> memref<128xi32, #tpu.memory_space<vmem>>
        %dma_wait3A_229 = arith.constant 0 : i32
        %dma_wait3A_230 = arith.constant 0 : i32
        %dma_wait3A_231 = tpu.memref_slice %arg12[%dma_wait3A_229, %dma_wait3A_230] : memref<10240x64xf32, #tpu.memory_space<vmem_shared>> -> memref<10240x64xf32, #tpu.memory_space<vmem_shared>>
        tpu.wait_indirect_dma semaphore(%arg18 : memref<!tpu.dma_semaphore, #tpu.memory_space<semaphore_mem>>) src(%arg10 : memref<128x64xf32, #tpu.memory_space<vmem>>) dst(%dma_wait3A_231 : memref<10240x64xf32, #tpu.memory_space<vmem_shared>>)
      } else {
      }
      %add3A_153 = arith.constant 2 : i32
      %add3A_154 = arith.addi %add3A_135, %add3A_153 : i32
      %lt3A_155 = arith.constant 81 : i32
      %lt3A_156 = arith.cmpi slt, %add3A_154, %lt3A_155 : i32
      %convert_element_type3A_157 = arith.extui %lt3A_156 : i1 to i32
      %cond3A_158 = arith.constant 0 : i32
      %cond3A_159 = arith.cmpi ne, %convert_element_type3A_157, %cond3A_158 : i32
      scf.if %cond3A_159 {
        %add3A_226 = arith.constant 2 : i32
        %add3A_227 = arith.addi %add3A_135, %add3A_226 : i32
        %dma_start3A_228 = arith.constant 0 : i32
        %dma_start3A_229 = tpu.memref_slice %arg6[%add3A_227, %dma_start3A_228] : memref<81x128xi32, #tpu.memory_space<vmem>> -> memref<1x128xi32, #tpu.memory_space<vmem>>
        %dma_start3A_230 = tpu.memref_squeeze %dma_start3A_229 : memref<1x128xi32, #tpu.memory_space<vmem>> -> memref<128xi32, #tpu.memory_space<vmem>>
        %dma_start3A_231 = arith.constant 0 : i32
        %dma_start3A_232 = arith.constant 0 : i32
        %dma_start3A_233 = tpu.memref_slice %arg11[%dma_start3A_231, %dma_start3A_232] : memref<10240x64xf32, #tpu.memory_space<vmem_shared>> -> memref<10240x64xf32, #tpu.memory_space<vmem_shared>>
        tpu.enqueue_indirect_dma source(%dma_start3A_233 : memref<10240x64xf32, #tpu.memory_space<vmem_shared>>) target(%arg10 : memref<128x64xf32, #tpu.memory_space<vmem>>) offsets(%dma_start3A_230 : memref<128xi32, #tpu.memory_space<vmem>>) semaphore(%arg15 : memref<!tpu.dma_semaphore, #tpu.memory_space<semaphore_mem>>)
      } else {
      }
      %mul3A_160 = arith.constant 3 : i32
      %mul3A_161 = arith.muli %mul3A_160, %scan3A_131 : i32
      %add3A_162 = arith.constant 1 : i32
      %add3A_163 = arith.addi %mul3A_161, %add3A_162 : i32
      %dma_wait3A_164 = arith.constant 0 : i32
      %dma_wait3A_165 = tpu.memref_slice %arg6[%add3A_163, %dma_wait3A_164] : memref<81x128xi32, #tpu.memory_space<vmem>> -> memref<1x128xi32, #tpu.memory_space<vmem>>
      %dma_wait3A_166 = tpu.memref_squeeze %dma_wait3A_165 : memref<1x128xi32, #tpu.memory_space<vmem>> -> memref<128xi32, #tpu.memory_space<vmem>>
      %dma_wait3A_167 = arith.constant 0 : i32
      %dma_wait3A_168 = arith.constant 0 : i32
      %dma_wait3A_169 = tpu.memref_slice %arg11[%dma_wait3A_167, %dma_wait3A_168] : memref<10240x64xf32, #tpu.memory_space<vmem_shared>> -> memref<10240x64xf32, #tpu.memory_space<vmem_shared>>
      tpu.wait_indirect_dma semaphore(%arg14 : memref<!tpu.dma_semaphore, #tpu.memory_space<semaphore_mem>>) src(%dma_wait3A_169 : memref<10240x64xf32, #tpu.memory_space<vmem_shared>>) dst(%arg9 : memref<128x64xf32, #tpu.memory_space<vmem>>)
      %dma_start3A_170 = arith.constant 0 : i32
      %dma_start3A_171 = tpu.memref_slice %arg7[%add3A_163, %dma_start3A_170] : memref<81x128xi32, #tpu.memory_space<vmem>> -> memref<1x128xi32, #tpu.memory_space<vmem>>
      %dma_start3A_172 = tpu.memref_squeeze %dma_start3A_171 : memref<1x128xi32, #tpu.memory_space<vmem>> -> memref<128xi32, #tpu.memory_space<vmem>>
      %dma_start3A_173 = arith.constant 0 : i32
      %dma_start3A_174 = arith.constant 0 : i32
      %dma_start3A_175 = tpu.memref_slice %arg12[%dma_start3A_173, %dma_start3A_174] : memref<10240x64xf32, #tpu.memory_space<vmem_shared>> -> memref<10240x64xf32, #tpu.memory_space<vmem_shared>>
      tpu.enqueue_indirect_dma source(%arg9 : memref<128x64xf32, #tpu.memory_space<vmem>>) target(%dma_start3A_175 : memref<10240x64xf32, #tpu.memory_space<vmem_shared>>) offsets(%dma_start3A_172 : memref<128xi32, #tpu.memory_space<vmem>>) semaphore(%arg17 : memref<!tpu.dma_semaphore, #tpu.memory_space<semaphore_mem>>) {add = true}
      %ge3A_176 = arith.constant 1 : i32
      %ge3A_177 = arith.cmpi sge, %add3A_163, %ge3A_176 : i32
      %add3A_178 = arith.constant 2 : i32
      %add3A_179 = arith.addi %add3A_163, %add3A_178 : i32
      %lt3A_180 = arith.constant 81 : i32
      %lt3A_181 = arith.cmpi slt, %add3A_179, %lt3A_180 : i32
      %and3A_182 = arith.andi %ge3A_177, %lt3A_181 : i1
      %convert_element_type3A_183 = arith.extui %and3A_182 : i1 to i32
      %cond3A_184 = arith.constant 0 : i32
      %cond3A_185 = arith.cmpi ne, %convert_element_type3A_183, %cond3A_184 : i32
      scf.if %cond3A_185 {
        %dma_wait3A_226 = arith.constant 0 : i32
        %dma_wait3A_227 = tpu.memref_slice %arg7[%add3A_163, %dma_wait3A_226] : memref<81x128xi32, #tpu.memory_space<vmem>> -> memref<1x128xi32, #tpu.memory_space<vmem>>
        %dma_wait3A_228 = tpu.memref_squeeze %dma_wait3A_227 : memref<1x128xi32, #tpu.memory_space<vmem>> -> memref<128xi32, #tpu.memory_space<vmem>>
        %dma_wait3A_229 = arith.constant 0 : i32
        %dma_wait3A_230 = arith.constant 0 : i32
        %dma_wait3A_231 = tpu.memref_slice %arg12[%dma_wait3A_229, %dma_wait3A_230] : memref<10240x64xf32, #tpu.memory_space<vmem_shared>> -> memref<10240x64xf32, #tpu.memory_space<vmem_shared>>
        tpu.wait_indirect_dma semaphore(%arg16 : memref<!tpu.dma_semaphore, #tpu.memory_space<semaphore_mem>>) src(%arg8 : memref<128x64xf32, #tpu.memory_space<vmem>>) dst(%dma_wait3A_231 : memref<10240x64xf32, #tpu.memory_space<vmem_shared>>)
      } else {
      }
      %add3A_186 = arith.constant 2 : i32
      %add3A_187 = arith.addi %add3A_163, %add3A_186 : i32
      %lt3A_188 = arith.constant 81 : i32
      %lt3A_189 = arith.cmpi slt, %add3A_187, %lt3A_188 : i32
      %convert_element_type3A_190 = arith.extui %lt3A_189 : i1 to i32
      %cond3A_191 = arith.constant 0 : i32
      %cond3A_192 = arith.cmpi ne, %convert_element_type3A_190, %cond3A_191 : i32
      scf.if %cond3A_192 {
        %add3A_226 = arith.constant 2 : i32
        %add3A_227 = arith.addi %add3A_163, %add3A_226 : i32
        %dma_start3A_228 = arith.constant 0 : i32
        %dma_start3A_229 = tpu.memref_slice %arg6[%add3A_227, %dma_start3A_228] : memref<81x128xi32, #tpu.memory_space<vmem>> -> memref<1x128xi32, #tpu.memory_space<vmem>>
        %dma_start3A_230 = tpu.memref_squeeze %dma_start3A_229 : memref<1x128xi32, #tpu.memory_space<vmem>> -> memref<128xi32, #tpu.memory_space<vmem>>
        %dma_start3A_231 = arith.constant 0 : i32
        %dma_start3A_232 = arith.constant 0 : i32
        %dma_start3A_233 = tpu.memref_slice %arg11[%dma_start3A_231, %dma_start3A_232] : memref<10240x64xf32, #tpu.memory_space<vmem_shared>> -> memref<10240x64xf32, #tpu.memory_space<vmem_shared>>
        tpu.enqueue_indirect_dma source(%dma_start3A_233 : memref<10240x64xf32, #tpu.memory_space<vmem_shared>>) target(%arg8 : memref<128x64xf32, #tpu.memory_space<vmem>>) offsets(%dma_start3A_230 : memref<128xi32, #tpu.memory_space<vmem>>) semaphore(%arg13 : memref<!tpu.dma_semaphore, #tpu.memory_space<semaphore_mem>>)
      } else {
      }
      %mul3A_193 = arith.constant 3 : i32
      %mul3A_194 = arith.muli %mul3A_193, %scan3A_131 : i32
      %add3A_195 = arith.constant 2 : i32
      %add3A_196 = arith.addi %mul3A_194, %add3A_195 : i32
      %dma_wait3A_197 = arith.constant 0 : i32
      %dma_wait3A_198 = tpu.memref_slice %arg6[%add3A_196, %dma_wait3A_197] : memref<81x128xi32, #tpu.memory_space<vmem>> -> memref<1x128xi32, #tpu.memory_space<vmem>>
      %dma_wait3A_199 = tpu.memref_squeeze %dma_wait3A_198 : memref<1x128xi32, #tpu.memory_space<vmem>> -> memref<128xi32, #tpu.memory_space<vmem>>
      %dma_wait3A_200 = arith.constant 0 : i32
      %dma_wait3A_201 = arith.constant 0 : i32
      %dma_wait3A_202 = tpu.memref_slice %arg11[%dma_wait3A_200, %dma_wait3A_201] : memref<10240x64xf32, #tpu.memory_space<vmem_shared>> -> memref<10240x64xf32, #tpu.memory_space<vmem_shared>>
      tpu.wait_indirect_dma semaphore(%arg15 : memref<!tpu.dma_semaphore, #tpu.memory_space<semaphore_mem>>) src(%dma_wait3A_202 : memref<10240x64xf32, #tpu.memory_space<vmem_shared>>) dst(%arg10 : memref<128x64xf32, #tpu.memory_space<vmem>>)
      %dma_start3A_203 = arith.constant 0 : i32
      %dma_start3A_204 = tpu.memref_slice %arg7[%add3A_196, %dma_start3A_203] : memref<81x128xi32, #tpu.memory_space<vmem>> -> memref<1x128xi32, #tpu.memory_space<vmem>>
      %dma_start3A_205 = tpu.memref_squeeze %dma_start3A_204 : memref<1x128xi32, #tpu.memory_space<vmem>> -> memref<128xi32, #tpu.memory_space<vmem>>
      %dma_start3A_206 = arith.constant 0 : i32
      %dma_start3A_207 = arith.constant 0 : i32
      %dma_start3A_208 = tpu.memref_slice %arg12[%dma_start3A_206, %dma_start3A_207] : memref<10240x64xf32, #tpu.memory_space<vmem_shared>> -> memref<10240x64xf32, #tpu.memory_space<vmem_shared>>
      tpu.enqueue_indirect_dma source(%arg10 : memref<128x64xf32, #tpu.memory_space<vmem>>) target(%dma_start3A_208 : memref<10240x64xf32, #tpu.memory_space<vmem_shared>>) offsets(%dma_start3A_205 : memref<128xi32, #tpu.memory_space<vmem>>) semaphore(%arg18 : memref<!tpu.dma_semaphore, #tpu.memory_space<semaphore_mem>>) {add = true}
      %ge3A_209 = arith.constant 1 : i32
      %ge3A_210 = arith.cmpi sge, %add3A_196, %ge3A_209 : i32
      %add3A_211 = arith.constant 2 : i32
      %add3A_212 = arith.addi %add3A_196, %add3A_211 : i32
      %lt3A_213 = arith.constant 81 : i32
      %lt3A_214 = arith.cmpi slt, %add3A_212, %lt3A_213 : i32
      %and3A_215 = arith.andi %ge3A_210, %lt3A_214 : i1
      %convert_element_type3A_216 = arith.extui %and3A_215 : i1 to i32
      %cond3A_217 = arith.constant 0 : i32
      %cond3A_218 = arith.cmpi ne, %convert_element_type3A_216, %cond3A_217 : i32
      scf.if %cond3A_218 {
        %dma_wait3A_226 = arith.constant 0 : i32
        %dma_wait3A_227 = tpu.memref_slice %arg7[%add3A_196, %dma_wait3A_226] : memref<81x128xi32, #tpu.memory_space<vmem>> -> memref<1x128xi32, #tpu.memory_space<vmem>>
        %dma_wait3A_228 = tpu.memref_squeeze %dma_wait3A_227 : memref<1x128xi32, #tpu.memory_space<vmem>> -> memref<128xi32, #tpu.memory_space<vmem>>
        %dma_wait3A_229 = arith.constant 0 : i32
        %dma_wait3A_230 = arith.constant 0 : i32
        %dma_wait3A_231 = tpu.memref_slice %arg12[%dma_wait3A_229, %dma_wait3A_230] : memref<10240x64xf32, #tpu.memory_space<vmem_shared>> -> memref<10240x64xf32, #tpu.memory_space<vmem_shared>>
        tpu.wait_indirect_dma semaphore(%arg17 : memref<!tpu.dma_semaphore, #tpu.memory_space<semaphore_mem>>) src(%arg9 : memref<128x64xf32, #tpu.memory_space<vmem>>) dst(%dma_wait3A_231 : memref<10240x64xf32, #tpu.memory_space<vmem_shared>>)
      } else {
      }
      %add3A_219 = arith.constant 2 : i32
      %add3A_220 = arith.addi %add3A_196, %add3A_219 : i32
      %lt3A_221 = arith.constant 81 : i32
      %lt3A_222 = arith.cmpi slt, %add3A_220, %lt3A_221 : i32
      %convert_element_type3A_223 = arith.extui %lt3A_222 : i1 to i32
      %cond3A_224 = arith.constant 0 : i32
      %cond3A_225 = arith.cmpi ne, %convert_element_type3A_223, %cond3A_224 : i32
      scf.if %cond3A_225 {
        %add3A_226 = arith.constant 2 : i32
        %add3A_227 = arith.addi %add3A_196, %add3A_226 : i32
        %dma_start3A_228 = arith.constant 0 : i32
        %dma_start3A_229 = tpu.memref_slice %arg6[%add3A_227, %dma_start3A_228] : memref<81x128xi32, #tpu.memory_space<vmem>> -> memref<1x128xi32, #tpu.memory_space<vmem>>
        %dma_start3A_230 = tpu.memref_squeeze %dma_start3A_229 : memref<1x128xi32, #tpu.memory_space<vmem>> -> memref<128xi32, #tpu.memory_space<vmem>>
        %dma_start3A_231 = arith.constant 0 : i32
        %dma_start3A_232 = arith.constant 0 : i32
        %dma_start3A_233 = tpu.memref_slice %arg11[%dma_start3A_231, %dma_start3A_232] : memref<10240x64xf32, #tpu.memory_space<vmem_shared>> -> memref<10240x64xf32, #tpu.memory_space<vmem_shared>>
        tpu.enqueue_indirect_dma source(%dma_start3A_233 : memref<10240x64xf32, #tpu.memory_space<vmem_shared>>) target(%arg9 : memref<128x64xf32, #tpu.memory_space<vmem>>) offsets(%dma_start3A_230 : memref<128xi32, #tpu.memory_space<vmem>>) semaphore(%arg14 : memref<!tpu.dma_semaphore, #tpu.memory_space<semaphore_mem>>)
      } else {
      }
    }
    %scan3A_39 = arith.constant 27 : i32
    %dma_wait3A = arith.constant 0 : i32
    %dma_wait3A_40 = arith.constant 0 : i32
    %dma_wait3A_41 = tpu.memref_slice %arg7[%dma_wait3A, %dma_wait3A_40] : memref<81x128xi32, #tpu.memory_space<vmem>> -> memref<1x128xi32, #tpu.memory_space<vmem>>
    %dma_wait3A_42 = tpu.memref_squeeze %dma_wait3A_41 : memref<1x128xi32, #tpu.memory_space<vmem>> -> memref<128xi32, #tpu.memory_space<vmem>>
    %dma_wait3A_43 = arith.constant 0 : i32
    %dma_wait3A_44 = arith.constant 0 : i32
    %dma_wait3A_45 = tpu.memref_slice %arg12[%dma_wait3A_43, %dma_wait3A_44] : memref<10240x64xf32, #tpu.memory_space<vmem_shared>> -> memref<10240x64xf32, #tpu.memory_space<vmem_shared>>
    tpu.wait_indirect_dma semaphore(%arg16 : memref<!tpu.dma_semaphore, #tpu.memory_space<semaphore_mem>>) src(%arg8 : memref<128x64xf32, #tpu.memory_space<vmem>>) dst(%dma_wait3A_45 : memref<10240x64xf32, #tpu.memory_space<vmem_shared>>)
    %dma_wait3A_46 = arith.constant 0 : i32
    %dma_wait3A_47 = arith.constant 0 : i32
    %dma_wait3A_48 = tpu.memref_slice %arg7[%dma_wait3A_46, %dma_wait3A_47] : memref<81x128xi32, #tpu.memory_space<vmem>> -> memref<1x128xi32, #tpu.memory_space<vmem>>
    %dma_wait3A_49 = tpu.memref_squeeze %dma_wait3A_48 : memref<1x128xi32, #tpu.memory_space<vmem>> -> memref<128xi32, #tpu.memory_space<vmem>>
    %dma_wait3A_50 = arith.constant 0 : i32
    %dma_wait3A_51 = arith.constant 0 : i32
    %dma_wait3A_52 = tpu.memref_slice %arg12[%dma_wait3A_50, %dma_wait3A_51] : memref<10240x64xf32, #tpu.memory_space<vmem_shared>> -> memref<10240x64xf32, #tpu.memory_space<vmem_shared>>
    tpu.wait_indirect_dma semaphore(%arg17 : memref<!tpu.dma_semaphore, #tpu.memory_space<semaphore_mem>>) src(%arg9 : memref<128x64xf32, #tpu.memory_space<vmem>>) dst(%dma_wait3A_52 : memref<10240x64xf32, #tpu.memory_space<vmem_shared>>)
    %dma_wait3A_53 = arith.constant 0 : i32
    %dma_wait3A_54 = arith.constant 0 : i32
    %dma_wait3A_55 = tpu.memref_slice %arg7[%dma_wait3A_53, %dma_wait3A_54] : memref<81x128xi32, #tpu.memory_space<vmem>> -> memref<1x128xi32, #tpu.memory_space<vmem>>
    %dma_wait3A_56 = tpu.memref_squeeze %dma_wait3A_55 : memref<1x128xi32, #tpu.memory_space<vmem>> -> memref<128xi32, #tpu.memory_space<vmem>>
    %dma_wait3A_57 = arith.constant 0 : i32
    %dma_wait3A_58 = arith.constant 0 : i32
    %dma_wait3A_59 = tpu.memref_slice %arg12[%dma_wait3A_57, %dma_wait3A_58] : memref<10240x64xf32, #tpu.memory_space<vmem_shared>> -> memref<10240x64xf32, #tpu.memory_space<vmem_shared>>
    tpu.wait_indirect_dma semaphore(%arg18 : memref<!tpu.dma_semaphore, #tpu.memory_space<semaphore_mem>>) src(%arg10 : memref<128x64xf32, #tpu.memory_space<vmem>>) dst(%dma_wait3A_59 : memref<10240x64xf32, #tpu.memory_space<vmem_shared>>)
    %barrier3A_60 = arith.constant 0 : index
    tpu.barrier barrier_id(%barrier3A_60)
    %mul3A_61 = arith.constant 640 : i32
    %mul3A_62 = arith.muli %arg1, %mul3A_61 : i32
    %mul3A_63 = arith.constant 640 : i32
    %mul3A_64 = arith.muli %arg1, %mul3A_63 : i32
    %run_scoped3A_65 = arith.constant 0 : i32
    "tpu.region"() ({
      %run_scoped3A_131 = tpu.sem_alloc : memref<!tpu.dma_semaphore, #tpu.memory_space<semaphore_mem>>
      %dma_start3A_132 = arith.constant 0 : i32
      %dma_start3A_133 = tpu.memref_slice %arg5[%arg0, %run_scoped3A_65, %mul3A_64, %dma_start3A_132] : memref<2x2x10240x64xf32, #tpu.memory_space<hbm>> -> memref<1x1x640x64xf32, #tpu.memory_space<hbm>>
      %dma_start3A_134 = tpu.memref_squeeze %dma_start3A_133 : memref<1x1x640x64xf32, #tpu.memory_space<hbm>> -> memref<640x64xf32, #tpu.memory_space<hbm>>
      %dma_start3A_135 = arith.constant 0 : i32
      %dma_start3A_136 = tpu.memref_slice %arg12[%mul3A_62, %dma_start3A_135] : memref<10240x64xf32, #tpu.memory_space<vmem_shared>> -> memref<640x64xf32, #tpu.memory_space<vmem_shared>>
      tpu.enqueue_dma source(%dma_start3A_136 : memref<640x64xf32, #tpu.memory_space<vmem_shared>>) target(%dma_start3A_134 : memref<640x64xf32, #tpu.memory_space<hbm>>) target_semaphore(%run_scoped3A_131 : memref<!tpu.dma_semaphore, #tpu.memory_space<semaphore_mem>>)
      %dma_wait3A_137 = arith.constant 0 : i32
      %dma_wait3A_138 = tpu.memref_slice %arg5[%arg0, %run_scoped3A_65, %mul3A_64, %dma_wait3A_137] : memref<2x2x10240x64xf32, #tpu.memory_space<hbm>> -> memref<1x1x640x64xf32, #tpu.memory_space<hbm>>
      %dma_wait3A_139 = tpu.memref_squeeze %dma_wait3A_138 : memref<1x1x640x64xf32, #tpu.memory_space<hbm>> -> memref<640x64xf32, #tpu.memory_space<hbm>>
      %dma_wait3A_140 = arith.constant 0 : i32
      %dma_wait3A_141 = tpu.memref_slice %arg12[%mul3A_62, %dma_wait3A_140] : memref<10240x64xf32, #tpu.memory_space<vmem_shared>> -> memref<640x64xf32, #tpu.memory_space<vmem_shared>>
      tpu.wait_dma2 semaphore(%run_scoped3A_131 : memref<!tpu.dma_semaphore, #tpu.memory_space<semaphore_mem>>) src(%dma_wait3A_141 : memref<640x64xf32, #tpu.memory_space<vmem_shared>>) dst(%dma_wait3A_139 : memref<640x64xf32, #tpu.memory_space<hbm>>)
      tpu.yield
    }) : () -> ()
    %mul3A_66 = arith.constant 640 : i32
    %mul3A_67 = arith.muli %arg1, %mul3A_66 : i32
    %mul3A_68 = arith.constant 640 : i32
    %mul3A_69 = arith.muli %arg1, %mul3A_68 : i32
    %run_scoped3A_70 = arith.constant 1 : i32
    "tpu.region"() ({
      %run_scoped3A_131 = tpu.sem_alloc : memref<!tpu.dma_semaphore, #tpu.memory_space<semaphore_mem>>
      %dma_start3A_132 = arith.constant 0 : i32
      %dma_start3A_133 = tpu.memref_slice %arg11[%mul3A_69, %dma_start3A_132] : memref<10240x64xf32, #tpu.memory_space<vmem_shared>> -> memref<640x64xf32, #tpu.memory_space<vmem_shared>>
      %dma_start3A_134 = arith.constant 0 : i32
      %dma_start3A_135 = tpu.memref_slice %arg2[%run_scoped3A_70, %mul3A_67, %dma_start3A_134] : memref<2x10240x64xf32, #tpu.memory_space<hbm>> -> memref<1x640x64xf32, #tpu.memory_space<hbm>>
      %dma_start3A_136 = tpu.memref_squeeze %dma_start3A_135 : memref<1x640x64xf32, #tpu.memory_space<hbm>> -> memref<640x64xf32, #tpu.memory_space<hbm>>
      tpu.enqueue_dma source(%dma_start3A_136 : memref<640x64xf32, #tpu.memory_space<hbm>>) target(%dma_start3A_133 : memref<640x64xf32, #tpu.memory_space<vmem_shared>>) target_semaphore(%run_scoped3A_131 : memref<!tpu.dma_semaphore, #tpu.memory_space<semaphore_mem>>)
      %dma_wait3A_137 = arith.constant 0 : i32
      %dma_wait3A_138 = tpu.memref_slice %arg11[%mul3A_69, %dma_wait3A_137] : memref<10240x64xf32, #tpu.memory_space<vmem_shared>> -> memref<640x64xf32, #tpu.memory_space<vmem_shared>>
      %dma_wait3A_139 = arith.constant 0 : i32
      %dma_wait3A_140 = tpu.memref_slice %arg2[%run_scoped3A_70, %mul3A_67, %dma_wait3A_139] : memref<2x10240x64xf32, #tpu.memory_space<hbm>> -> memref<1x640x64xf32, #tpu.memory_space<hbm>>
      %dma_wait3A_141 = tpu.memref_squeeze %dma_wait3A_140 : memref<1x640x64xf32, #tpu.memory_space<hbm>> -> memref<640x64xf32, #tpu.memory_space<hbm>>
      tpu.wait_dma2 semaphore(%run_scoped3A_131 : memref<!tpu.dma_semaphore, #tpu.memory_space<semaphore_mem>>) src(%dma_wait3A_141 : memref<640x64xf32, #tpu.memory_space<hbm>>) dst(%dma_wait3A_138 : memref<640x64xf32, #tpu.memory_space<vmem_shared>>)
      tpu.yield
    }) : () -> ()
    %scan3A_71 = arith.constant 0 : i32
    %scan3A_72 = arith.constant 0 : i32
    %scan3A_73 = arith.constant 512 : i32
    %scan3A_74 = arith.addi %scan3A_72, %scan3A_73 : i32
    %scan3A_75 = arith.constant 1 : i32
    scf.for %scan3A_131 = %scan3A_72 to %scan3A_74 step %scan3A_75  : i32 {
      %jit3A = arith.constant 4 : i32
      %div3A = arith.divsi %scan3A_131, %jit3A : i32
      %sign3A = arith.constant 0 : i32
      %sign3A_132 = arith.cmpi sgt, %scan3A_131, %sign3A : i32
      %sign3A_133 = arith.extui %sign3A_132 : i1 to i32
      %sign3A_134 = arith.constant 0 : i32
      %sign3A_135 = arith.cmpi slt, %scan3A_131, %sign3A_134 : i32
      %sign3A_136 = arith.extui %sign3A_135 : i1 to i32
      %sign3A_137 = arith.subi %sign3A_133, %sign3A_136 : i32
      %sign3A_138 = arith.constant 0 : i32
      %sign3A_139 = arith.cmpi sgt, %jit3A, %sign3A_138 : i32
      %sign3A_140 = arith.extui %sign3A_139 : i1 to i32
      %sign3A_141 = arith.constant 0 : i32
      %sign3A_142 = arith.cmpi slt, %jit3A, %sign3A_141 : i32
      %sign3A_143 = arith.extui %sign3A_142 : i1 to i32
      %sign3A_144 = arith.subi %sign3A_140, %sign3A_143 : i32
      %ne3A = arith.cmpi ne, %sign3A_137, %sign3A_144 : i32
      %rem3A = arith.remsi %scan3A_131, %jit3A : i32
      %ne3A_145 = arith.constant 0 : i32
      %ne3A_146 = arith.cmpi ne, %rem3A, %ne3A_145 : i32
      %and3A = arith.andi %ne3A, %ne3A_146 : i1
      %sub3A = arith.constant 1 : i32
      %sub3A_147 = arith.subi %div3A, %sub3A : i32
      %select_n3A = arith.select %and3A, %sub3A_147, %div3A : i32
      %jit3A_148 = arith.constant 4 : i32
      %eq3A = arith.constant 0 : i32
      %eq3A_149 = arith.cmpi eq, %jit3A_148, %eq3A : i32
      %jit3A_150 = arith.constant 1 : i32
      %select_n3A_151 = arith.select %eq3A_149, %jit3A_150, %jit3A_148 : i32
      %rem3A_152 = arith.remsi %scan3A_131, %select_n3A_151 : i32
      %ne3A_153 = arith.constant 0 : i32
      %ne3A_154 = arith.cmpi ne, %rem3A_152, %ne3A_153 : i32
      %lt3A = arith.constant 0 : i32
      %lt3A_155 = arith.cmpi slt, %rem3A_152, %lt3A : i32
      %lt3A_156 = arith.constant 0 : i32
      %lt3A_157 = arith.cmpi slt, %select_n3A_151, %lt3A_156 : i32
      %ne3A_158 = arith.xori %lt3A_155, %lt3A_157 : i1
      %and3A_159 = arith.andi %ne3A_158, %ne3A_154 : i1
      %add3A_160 = arith.addi %rem3A_152, %select_n3A_151 : i32
      %select_n3A_161 = arith.select %and3A_159, %add3A_160, %rem3A_152 : i32
      %mul3A_162 = arith.constant 16 : i32
      %mul3A_163 = arith.muli %select_n3A_161, %mul3A_162 : i32
      %swap3A = arith.index_cast %select_n3A : i32 to index
      %swap3A_164 = arith.index_cast %mul3A_163 : i32 to index
      %swap3A_165 = tpu.vector_load %arg8[%swap3A, %swap3A_164] {strides = array<i32>} : memref<128x64xf32, #tpu.memory_space<vmem>>, vector<1x16xf32>,
      %swap3A_166 = vector.shape_cast %swap3A_165 : vector<1x16xf32> to vector<16xf32>
      %swap3A_167 = vector.shape_cast %broadcast_in_dim3A_5 : vector<16xf32> to vector<1x16xf32>
      tpu.vector_store %arg8[%swap3A, %swap3A_164], %swap3A_167 {strides = array<i32>} : memref<128x64xf32, #tpu.memory_space<vmem>>, vector<1x16xf32>,
    }
    %scan3A_76 = arith.constant 512 : i32
    %scan3A_77 = arith.constant 0 : i32
    %scan3A_78 = arith.constant 0 : i32
    %scan3A_79 = arith.constant 5 : i32
    %scan3A_80 = arith.addi %scan3A_78, %scan3A_79 : i32
    %scan3A_81 = arith.constant 1 : i32
    scf.for %scan3A_131 = %scan3A_78 to %scan3A_80 step %scan3A_81  : i32 {
      %mul3A_132 = arith.constant 640 : i32
      %mul3A_133 = arith.muli %arg1, %mul3A_132 : i32
      %mul3A_134 = arith.constant 128 : i32
      %mul3A_135 = arith.muli %scan3A_131, %mul3A_134 : i32
      %add3A_136 = arith.addi %mul3A_133, %mul3A_135 : i32
      "tpu.region"() ({
        %run_scoped3A_137 = tpu.sem_alloc : memref<!tpu.dma_semaphore, #tpu.memory_space<semaphore_mem>>
        %dma_start3A_138 = arith.constant 0 : i32
        %dma_start3A_139 = tpu.memref_slice %arg12[%add3A_136, %dma_start3A_138] : memref<10240x64xf32, #tpu.memory_space<vmem_shared>> -> memref<128x64xf32, #tpu.memory_space<vmem_shared>>
        %dma_start3A_140 = arith.constant 0 : i32
        %dma_start3A_141 = tpu.memref_slice %arg12[%add3A_136, %dma_start3A_140] : memref<10240x64xf32, #tpu.memory_space<vmem_shared>> -> memref<128x64xf32, #tpu.memory_space<vmem_shared>>
        tpu.enqueue_dma source(%arg8 : memref<128x64xf32, #tpu.memory_space<vmem>>) target(%dma_start3A_141 : memref<128x64xf32, #tpu.memory_space<vmem_shared>>) target_semaphore(%run_scoped3A_137 : memref<!tpu.dma_semaphore, #tpu.memory_space<semaphore_mem>>)
        %dma_wait3A_142 = arith.constant 0 : i32
        %dma_wait3A_143 = tpu.memref_slice %arg12[%add3A_136, %dma_wait3A_142] : memref<10240x64xf32, #tpu.memory_space<vmem_shared>> -> memref<128x64xf32, #tpu.memory_space<vmem_shared>>
        %dma_wait3A_144 = arith.constant 0 : i32
        %dma_wait3A_145 = tpu.memref_slice %arg12[%add3A_136, %dma_wait3A_144] : memref<10240x64xf32, #tpu.memory_space<vmem_shared>> -> memref<128x64xf32, #tpu.memory_space<vmem_shared>>
        tpu.wait_dma2 semaphore(%run_scoped3A_137 : memref<!tpu.dma_semaphore, #tpu.memory_space<semaphore_mem>>) src(%arg8 : memref<128x64xf32, #tpu.memory_space<vmem>>) dst(%dma_wait3A_145 : memref<128x64xf32, #tpu.memory_space<vmem_shared>>)
        tpu.yield
      }) : () -> ()
    }
    %scan3A_82 = arith.constant 5 : i32
    %barrier3A_83 = arith.constant 0 : index
    tpu.barrier barrier_id(%barrier3A_83)
    %dma_start3A_84 = arith.constant 0 : i32
    %dma_start3A_85 = arith.constant 0 : i32
    %dma_start3A_86 = tpu.memref_slice %arg6[%dma_start3A_84, %dma_start3A_85] : memref<81x128xi32, #tpu.memory_space<vmem>> -> memref<1x128xi32, #tpu.memory_space<vmem>>
    %dma_start3A_87 = tpu.memref_squeeze %dma_start3A_86 : memref<1x128xi32, #tpu.memory_space<vmem>> -> memref<128xi32, #tpu.memory_space<vmem>>
    %dma_start3A_88 = arith.constant 0 : i32
    %dma_start3A_89 = arith.constant 0 : i32
    %dma_start3A_90 = tpu.memref_slice %arg11[%dma_start3A_88, %dma_start3A_89] : memref<10240x64xf32, #tpu.memory_space<vmem_shared>> -> memref<10240x64xf32, #tpu.memory_space<vmem_shared>>
    tpu.enqueue_indirect_dma source(%dma_start3A_90 : memref<10240x64xf32, #tpu.memory_space<vmem_shared>>) target(%arg8 : memref<128x64xf32, #tpu.memory_space<vmem>>) offsets(%dma_start3A_87 : memref<128xi32, #tpu.memory_space<vmem>>) semaphore(%arg13 : memref<!tpu.dma_semaphore, #tpu.memory_space<semaphore_mem>>)
    %dma_start3A_91 = arith.constant 1 : i32
    %dma_start3A_92 = arith.constant 0 : i32
    %dma_start3A_93 = tpu.memref_slice %arg6[%dma_start3A_91, %dma_start3A_92] : memref<81x128xi32, #tpu.memory_space<vmem>> -> memref<1x128xi32, #tpu.memory_space<vmem>>
    %dma_start3A_94 = tpu.memref_squeeze %dma_start3A_93 : memref<1x128xi32, #tpu.memory_space<vmem>> -> memref<128xi32, #tpu.memory_space<vmem>>
    %dma_start3A_95 = arith.constant 0 : i32
    %dma_start3A_96 = arith.constant 0 : i32
    %dma_start3A_97 = tpu.memref_slice %arg11[%dma_start3A_95, %dma_start3A_96] : memref<10240x64xf32, #tpu.memory_space<vmem_shared>> -> memref<10240x64xf32, #tpu.memory_space<vmem_shared>>
    tpu.enqueue_indirect_dma source(%dma_start3A_97 : memref<10240x64xf32, #tpu.memory_space<vmem_shared>>) target(%arg9 : memref<128x64xf32, #tpu.memory_space<vmem>>) offsets(%dma_start3A_94 : memref<128xi32, #tpu.memory_space<vmem>>) semaphore(%arg14 : memref<!tpu.dma_semaphore, #tpu.memory_space<semaphore_mem>>)
    %scan3A_98 = arith.constant 0 : i32
    %scan3A_99 = arith.constant 0 : i32
    %scan3A_100 = arith.constant 27 : i32
    %scan3A_101 = arith.addi %scan3A_99, %scan3A_100 : i32
    %scan3A_102 = arith.constant 1 : i32
    scf.for %scan3A_131 = %scan3A_99 to %scan3A_101 step %scan3A_102  : i32 {
      %mul3A_132 = arith.constant 3 : i32
      %mul3A_133 = arith.muli %mul3A_132, %scan3A_131 : i32
      %add3A_134 = arith.constant 0 : i32
      %add3A_135 = arith.addi %mul3A_133, %add3A_134 : i32
      %dma_wait3A_136 = arith.constant 0 : i32
      %dma_wait3A_137 = tpu.memref_slice %arg6[%add3A_135, %dma_wait3A_136] : memref<81x128xi32, #tpu.memory_space<vmem>> -> memref<1x128xi32, #tpu.memory_space<vmem>>
      %dma_wait3A_138 = tpu.memref_squeeze %dma_wait3A_137 : memref<1x128xi32, #tpu.memory_space<vmem>> -> memref<128xi32, #tpu.memory_space<vmem>>
      %dma_wait3A_139 = arith.constant 0 : i32
      %dma_wait3A_140 = arith.constant 0 : i32
      %dma_wait3A_141 = tpu.memref_slice %arg11[%dma_wait3A_139, %dma_wait3A_140] : memref<10240x64xf32, #tpu.memory_space<vmem_shared>> -> memref<10240x64xf32, #tpu.memory_space<vmem_shared>>
      tpu.wait_indirect_dma semaphore(%arg13 : memref<!tpu.dma_semaphore, #tpu.memory_space<semaphore_mem>>) src(%dma_wait3A_141 : memref<10240x64xf32, #tpu.memory_space<vmem_shared>>) dst(%arg8 : memref<128x64xf32, #tpu.memory_space<vmem>>)
      %dma_start3A_142 = arith.constant 0 : i32
      %dma_start3A_143 = tpu.memref_slice %arg7[%add3A_135, %dma_start3A_142] : memref<81x128xi32, #tpu.memory_space<vmem>> -> memref<1x128xi32, #tpu.memory_space<vmem>>
      %dma_start3A_144 = tpu.memref_squeeze %dma_start3A_143 : memref<1x128xi32, #tpu.memory_space<vmem>> -> memref<128xi32, #tpu.memory_space<vmem>>
      %dma_start3A_145 = arith.constant 0 : i32
      %dma_start3A_146 = arith.constant 0 : i32
      %dma_start3A_147 = tpu.memref_slice %arg12[%dma_start3A_145, %dma_start3A_146] : memref<10240x64xf32, #tpu.memory_space<vmem_shared>> -> memref<10240x64xf32, #tpu.memory_space<vmem_shared>>
      tpu.enqueue_indirect_dma source(%arg8 : memref<128x64xf32, #tpu.memory_space<vmem>>) target(%dma_start3A_147 : memref<10240x64xf32, #tpu.memory_space<vmem_shared>>) offsets(%dma_start3A_144 : memref<128xi32, #tpu.memory_space<vmem>>) semaphore(%arg16 : memref<!tpu.dma_semaphore, #tpu.memory_space<semaphore_mem>>) {add = true}
      %ge3A = arith.constant 1 : i32
      %ge3A_148 = arith.cmpi sge, %add3A_135, %ge3A : i32
      %add3A_149 = arith.constant 2 : i32
      %add3A_150 = arith.addi %add3A_135, %add3A_149 : i32
      %lt3A = arith.constant 81 : i32
      %lt3A_151 = arith.cmpi slt, %add3A_150, %lt3A : i32
      %and3A = arith.andi %ge3A_148, %lt3A_151 : i1
      %convert_element_type3A = arith.extui %and3A : i1 to i32
      %cond3A = arith.constant 0 : i32
      %cond3A_152 = arith.cmpi ne, %convert_element_type3A, %cond3A : i32
      scf.if %cond3A_152 {
        %dma_wait3A_226 = arith.constant 0 : i32
        %dma_wait3A_227 = tpu.memref_slice %arg7[%add3A_135, %dma_wait3A_226] : memref<81x128xi32, #tpu.memory_space<vmem>> -> memref<1x128xi32, #tpu.memory_space<vmem>>
        %dma_wait3A_228 = tpu.memref_squeeze %dma_wait3A_227 : memref<1x128xi32, #tpu.memory_space<vmem>> -> memref<128xi32, #tpu.memory_space<vmem>>
        %dma_wait3A_229 = arith.constant 0 : i32
        %dma_wait3A_230 = arith.constant 0 : i32
        %dma_wait3A_231 = tpu.memref_slice %arg12[%dma_wait3A_229, %dma_wait3A_230] : memref<10240x64xf32, #tpu.memory_space<vmem_shared>> -> memref<10240x64xf32, #tpu.memory_space<vmem_shared>>
        tpu.wait_indirect_dma semaphore(%arg18 : memref<!tpu.dma_semaphore, #tpu.memory_space<semaphore_mem>>) src(%arg10 : memref<128x64xf32, #tpu.memory_space<vmem>>) dst(%dma_wait3A_231 : memref<10240x64xf32, #tpu.memory_space<vmem_shared>>)
      } else {
      }
      %add3A_153 = arith.constant 2 : i32
      %add3A_154 = arith.addi %add3A_135, %add3A_153 : i32
      %lt3A_155 = arith.constant 81 : i32
      %lt3A_156 = arith.cmpi slt, %add3A_154, %lt3A_155 : i32
      %convert_element_type3A_157 = arith.extui %lt3A_156 : i1 to i32
      %cond3A_158 = arith.constant 0 : i32
      %cond3A_159 = arith.cmpi ne, %convert_element_type3A_157, %cond3A_158 : i32
      scf.if %cond3A_159 {
        %add3A_226 = arith.constant 2 : i32
        %add3A_227 = arith.addi %add3A_135, %add3A_226 : i32
        %dma_start3A_228 = arith.constant 0 : i32
        %dma_start3A_229 = tpu.memref_slice %arg6[%add3A_227, %dma_start3A_228] : memref<81x128xi32, #tpu.memory_space<vmem>> -> memref<1x128xi32, #tpu.memory_space<vmem>>
        %dma_start3A_230 = tpu.memref_squeeze %dma_start3A_229 : memref<1x128xi32, #tpu.memory_space<vmem>> -> memref<128xi32, #tpu.memory_space<vmem>>
        %dma_start3A_231 = arith.constant 0 : i32
        %dma_start3A_232 = arith.constant 0 : i32
        %dma_start3A_233 = tpu.memref_slice %arg11[%dma_start3A_231, %dma_start3A_232] : memref<10240x64xf32, #tpu.memory_space<vmem_shared>> -> memref<10240x64xf32, #tpu.memory_space<vmem_shared>>
        tpu.enqueue_indirect_dma source(%dma_start3A_233 : memref<10240x64xf32, #tpu.memory_space<vmem_shared>>) target(%arg10 : memref<128x64xf32, #tpu.memory_space<vmem>>) offsets(%dma_start3A_230 : memref<128xi32, #tpu.memory_space<vmem>>) semaphore(%arg15 : memref<!tpu.dma_semaphore, #tpu.memory_space<semaphore_mem>>)
      } else {
      }
      %mul3A_160 = arith.constant 3 : i32
      %mul3A_161 = arith.muli %mul3A_160, %scan3A_131 : i32
      %add3A_162 = arith.constant 1 : i32
      %add3A_163 = arith.addi %mul3A_161, %add3A_162 : i32
      %dma_wait3A_164 = arith.constant 0 : i32
      %dma_wait3A_165 = tpu.memref_slice %arg6[%add3A_163, %dma_wait3A_164] : memref<81x128xi32, #tpu.memory_space<vmem>> -> memref<1x128xi32, #tpu.memory_space<vmem>>
      %dma_wait3A_166 = tpu.memref_squeeze %dma_wait3A_165 : memref<1x128xi32, #tpu.memory_space<vmem>> -> memref<128xi32, #tpu.memory_space<vmem>>
      %dma_wait3A_167 = arith.constant 0 : i32
      %dma_wait3A_168 = arith.constant 0 : i32
      %dma_wait3A_169 = tpu.memref_slice %arg11[%dma_wait3A_167, %dma_wait3A_168] : memref<10240x64xf32, #tpu.memory_space<vmem_shared>> -> memref<10240x64xf32, #tpu.memory_space<vmem_shared>>
      tpu.wait_indirect_dma semaphore(%arg14 : memref<!tpu.dma_semaphore, #tpu.memory_space<semaphore_mem>>) src(%dma_wait3A_169 : memref<10240x64xf32, #tpu.memory_space<vmem_shared>>) dst(%arg9 : memref<128x64xf32, #tpu.memory_space<vmem>>)
      %dma_start3A_170 = arith.constant 0 : i32
      %dma_start3A_171 = tpu.memref_slice %arg7[%add3A_163, %dma_start3A_170] : memref<81x128xi32, #tpu.memory_space<vmem>> -> memref<1x128xi32, #tpu.memory_space<vmem>>
      %dma_start3A_172 = tpu.memref_squeeze %dma_start3A_171 : memref<1x128xi32, #tpu.memory_space<vmem>> -> memref<128xi32, #tpu.memory_space<vmem>>
      %dma_start3A_173 = arith.constant 0 : i32
      %dma_start3A_174 = arith.constant 0 : i32
      %dma_start3A_175 = tpu.memref_slice %arg12[%dma_start3A_173, %dma_start3A_174] : memref<10240x64xf32, #tpu.memory_space<vmem_shared>> -> memref<10240x64xf32, #tpu.memory_space<vmem_shared>>
      tpu.enqueue_indirect_dma source(%arg9 : memref<128x64xf32, #tpu.memory_space<vmem>>) target(%dma_start3A_175 : memref<10240x64xf32, #tpu.memory_space<vmem_shared>>) offsets(%dma_start3A_172 : memref<128xi32, #tpu.memory_space<vmem>>) semaphore(%arg17 : memref<!tpu.dma_semaphore, #tpu.memory_space<semaphore_mem>>) {add = true}
      %ge3A_176 = arith.constant 1 : i32
      %ge3A_177 = arith.cmpi sge, %add3A_163, %ge3A_176 : i32
      %add3A_178 = arith.constant 2 : i32
      %add3A_179 = arith.addi %add3A_163, %add3A_178 : i32
      %lt3A_180 = arith.constant 81 : i32
      %lt3A_181 = arith.cmpi slt, %add3A_179, %lt3A_180 : i32
      %and3A_182 = arith.andi %ge3A_177, %lt3A_181 : i1
      %convert_element_type3A_183 = arith.extui %and3A_182 : i1 to i32
      %cond3A_184 = arith.constant 0 : i32
      %cond3A_185 = arith.cmpi ne, %convert_element_type3A_183, %cond3A_184 : i32
      scf.if %cond3A_185 {
        %dma_wait3A_226 = arith.constant 0 : i32
        %dma_wait3A_227 = tpu.memref_slice %arg7[%add3A_163, %dma_wait3A_226] : memref<81x128xi32, #tpu.memory_space<vmem>> -> memref<1x128xi32, #tpu.memory_space<vmem>>
        %dma_wait3A_228 = tpu.memref_squeeze %dma_wait3A_227 : memref<1x128xi32, #tpu.memory_space<vmem>> -> memref<128xi32, #tpu.memory_space<vmem>>
        %dma_wait3A_229 = arith.constant 0 : i32
        %dma_wait3A_230 = arith.constant 0 : i32
        %dma_wait3A_231 = tpu.memref_slice %arg12[%dma_wait3A_229, %dma_wait3A_230] : memref<10240x64xf32, #tpu.memory_space<vmem_shared>> -> memref<10240x64xf32, #tpu.memory_space<vmem_shared>>
        tpu.wait_indirect_dma semaphore(%arg16 : memref<!tpu.dma_semaphore, #tpu.memory_space<semaphore_mem>>) src(%arg8 : memref<128x64xf32, #tpu.memory_space<vmem>>) dst(%dma_wait3A_231 : memref<10240x64xf32, #tpu.memory_space<vmem_shared>>)
      } else {
      }
      %add3A_186 = arith.constant 2 : i32
      %add3A_187 = arith.addi %add3A_163, %add3A_186 : i32
      %lt3A_188 = arith.constant 81 : i32
      %lt3A_189 = arith.cmpi slt, %add3A_187, %lt3A_188 : i32
      %convert_element_type3A_190 = arith.extui %lt3A_189 : i1 to i32
      %cond3A_191 = arith.constant 0 : i32
      %cond3A_192 = arith.cmpi ne, %convert_element_type3A_190, %cond3A_191 : i32
      scf.if %cond3A_192 {
        %add3A_226 = arith.constant 2 : i32
        %add3A_227 = arith.addi %add3A_163, %add3A_226 : i32
        %dma_start3A_228 = arith.constant 0 : i32
        %dma_start3A_229 = tpu.memref_slice %arg6[%add3A_227, %dma_start3A_228] : memref<81x128xi32, #tpu.memory_space<vmem>> -> memref<1x128xi32, #tpu.memory_space<vmem>>
        %dma_start3A_230 = tpu.memref_squeeze %dma_start3A_229 : memref<1x128xi32, #tpu.memory_space<vmem>> -> memref<128xi32, #tpu.memory_space<vmem>>
        %dma_start3A_231 = arith.constant 0 : i32
        %dma_start3A_232 = arith.constant 0 : i32
        %dma_start3A_233 = tpu.memref_slice %arg11[%dma_start3A_231, %dma_start3A_232] : memref<10240x64xf32, #tpu.memory_space<vmem_shared>> -> memref<10240x64xf32, #tpu.memory_space<vmem_shared>>
        tpu.enqueue_indirect_dma source(%dma_start3A_233 : memref<10240x64xf32, #tpu.memory_space<vmem_shared>>) target(%arg8 : memref<128x64xf32, #tpu.memory_space<vmem>>) offsets(%dma_start3A_230 : memref<128xi32, #tpu.memory_space<vmem>>) semaphore(%arg13 : memref<!tpu.dma_semaphore, #tpu.memory_space<semaphore_mem>>)
      } else {
      }
      %mul3A_193 = arith.constant 3 : i32
      %mul3A_194 = arith.muli %mul3A_193, %scan3A_131 : i32
      %add3A_195 = arith.constant 2 : i32
      %add3A_196 = arith.addi %mul3A_194, %add3A_195 : i32
      %dma_wait3A_197 = arith.constant 0 : i32
      %dma_wait3A_198 = tpu.memref_slice %arg6[%add3A_196, %dma_wait3A_197] : memref<81x128xi32, #tpu.memory_space<vmem>> -> memref<1x128xi32, #tpu.memory_space<vmem>>
      %dma_wait3A_199 = tpu.memref_squeeze %dma_wait3A_198 : memref<1x128xi32, #tpu.memory_space<vmem>> -> memref<128xi32, #tpu.memory_space<vmem>>
      %dma_wait3A_200 = arith.constant 0 : i32
      %dma_wait3A_201 = arith.constant 0 : i32
      %dma_wait3A_202 = tpu.memref_slice %arg11[%dma_wait3A_200, %dma_wait3A_201] : memref<10240x64xf32, #tpu.memory_space<vmem_shared>> -> memref<10240x64xf32, #tpu.memory_space<vmem_shared>>
      tpu.wait_indirect_dma semaphore(%arg15 : memref<!tpu.dma_semaphore, #tpu.memory_space<semaphore_mem>>) src(%dma_wait3A_202 : memref<10240x64xf32, #tpu.memory_space<vmem_shared>>) dst(%arg10 : memref<128x64xf32, #tpu.memory_space<vmem>>)
      %dma_start3A_203 = arith.constant 0 : i32
      %dma_start3A_204 = tpu.memref_slice %arg7[%add3A_196, %dma_start3A_203] : memref<81x128xi32, #tpu.memory_space<vmem>> -> memref<1x128xi32, #tpu.memory_space<vmem>>
      %dma_start3A_205 = tpu.memref_squeeze %dma_start3A_204 : memref<1x128xi32, #tpu.memory_space<vmem>> -> memref<128xi32, #tpu.memory_space<vmem>>
      %dma_start3A_206 = arith.constant 0 : i32
      %dma_start3A_207 = arith.constant 0 : i32
      %dma_start3A_208 = tpu.memref_slice %arg12[%dma_start3A_206, %dma_start3A_207] : memref<10240x64xf32, #tpu.memory_space<vmem_shared>> -> memref<10240x64xf32, #tpu.memory_space<vmem_shared>>
      tpu.enqueue_indirect_dma source(%arg10 : memref<128x64xf32, #tpu.memory_space<vmem>>) target(%dma_start3A_208 : memref<10240x64xf32, #tpu.memory_space<vmem_shared>>) offsets(%dma_start3A_205 : memref<128xi32, #tpu.memory_space<vmem>>) semaphore(%arg18 : memref<!tpu.dma_semaphore, #tpu.memory_space<semaphore_mem>>) {add = true}
      %ge3A_209 = arith.constant 1 : i32
      %ge3A_210 = arith.cmpi sge, %add3A_196, %ge3A_209 : i32
      %add3A_211 = arith.constant 2 : i32
      %add3A_212 = arith.addi %add3A_196, %add3A_211 : i32
      %lt3A_213 = arith.constant 81 : i32
      %lt3A_214 = arith.cmpi slt, %add3A_212, %lt3A_213 : i32
      %and3A_215 = arith.andi %ge3A_210, %lt3A_214 : i1
      %convert_element_type3A_216 = arith.extui %and3A_215 : i1 to i32
      %cond3A_217 = arith.constant 0 : i32
      %cond3A_218 = arith.cmpi ne, %convert_element_type3A_216, %cond3A_217 : i32
      scf.if %cond3A_218 {
        %dma_wait3A_226 = arith.constant 0 : i32
        %dma_wait3A_227 = tpu.memref_slice %arg7[%add3A_196, %dma_wait3A_226] : memref<81x128xi32, #tpu.memory_space<vmem>> -> memref<1x128xi32, #tpu.memory_space<vmem>>
        %dma_wait3A_228 = tpu.memref_squeeze %dma_wait3A_227 : memref<1x128xi32, #tpu.memory_space<vmem>> -> memref<128xi32, #tpu.memory_space<vmem>>
        %dma_wait3A_229 = arith.constant 0 : i32
        %dma_wait3A_230 = arith.constant 0 : i32
        %dma_wait3A_231 = tpu.memref_slice %arg12[%dma_wait3A_229, %dma_wait3A_230] : memref<10240x64xf32, #tpu.memory_space<vmem_shared>> -> memref<10240x64xf32, #tpu.memory_space<vmem_shared>>
        tpu.wait_indirect_dma semaphore(%arg17 : memref<!tpu.dma_semaphore, #tpu.memory_space<semaphore_mem>>) src(%arg9 : memref<128x64xf32, #tpu.memory_space<vmem>>) dst(%dma_wait3A_231 : memref<10240x64xf32, #tpu.memory_space<vmem_shared>>)
      } else {
      }
      %add3A_219 = arith.constant 2 : i32
      %add3A_220 = arith.addi %add3A_196, %add3A_219 : i32
      %lt3A_221 = arith.constant 81 : i32
      %lt3A_222 = arith.cmpi slt, %add3A_220, %lt3A_221 : i32
      %convert_element_type3A_223 = arith.extui %lt3A_222 : i1 to i32
      %cond3A_224 = arith.constant 0 : i32
      %cond3A_225 = arith.cmpi ne, %convert_element_type3A_223, %cond3A_224 : i32
      scf.if %cond3A_225 {
        %add3A_226 = arith.constant 2 : i32
        %add3A_227 = arith.addi %add3A_196, %add3A_226 : i32
        %dma_start3A_228 = arith.constant 0 : i32
        %dma_start3A_229 = tpu.memref_slice %arg6[%add3A_227, %dma_start3A_228] : memref<81x128xi32, #tpu.memory_space<vmem>> -> memref<1x128xi32, #tpu.memory_space<vmem>>
        %dma_start3A_230 = tpu.memref_squeeze %dma_start3A_229 : memref<1x128xi32, #tpu.memory_space<vmem>> -> memref<128xi32, #tpu.memory_space<vmem>>
        %dma_start3A_231 = arith.constant 0 : i32
        %dma_start3A_232 = arith.constant 0 : i32
        %dma_start3A_233 = tpu.memref_slice %arg11[%dma_start3A_231, %dma_start3A_232] : memref<10240x64xf32, #tpu.memory_space<vmem_shared>> -> memref<10240x64xf32, #tpu.memory_space<vmem_shared>>
        tpu.enqueue_indirect_dma source(%dma_start3A_233 : memref<10240x64xf32, #tpu.memory_space<vmem_shared>>) target(%arg9 : memref<128x64xf32, #tpu.memory_space<vmem>>) offsets(%dma_start3A_230 : memref<128xi32, #tpu.memory_space<vmem>>) semaphore(%arg14 : memref<!tpu.dma_semaphore, #tpu.memory_space<semaphore_mem>>)
      } else {
      }
    }
    %scan3A_103 = arith.constant 27 : i32
    %dma_wait3A_104 = arith.constant 0 : i32
    %dma_wait3A_105 = arith.constant 0 : i32
    %dma_wait3A_106 = tpu.memref_slice %arg7[%dma_wait3A_104, %dma_wait3A_105] : memref<81x128xi32, #tpu.memory_space<vmem>> -> memref<1x128xi32, #tpu.memory_space<vmem>>
    %dma_wait3A_107 = tpu.memref_squeeze %dma_wait3A_106 : memref<1x128xi32, #tpu.memory_space<vmem>> -> memref<128xi32, #tpu.memory_space<vmem>>
    %dma_wait3A_108 = arith.constant 0 : i32
    %dma_wait3A_109 = arith.constant 0 : i32
    %dma_wait3A_110 = tpu.memref_slice %arg12[%dma_wait3A_108, %dma_wait3A_109] : memref<10240x64xf32, #tpu.memory_space<vmem_shared>> -> memref<10240x64xf32, #tpu.memory_space<vmem_shared>>
    tpu.wait_indirect_dma semaphore(%arg16 : memref<!tpu.dma_semaphore, #tpu.memory_space<semaphore_mem>>) src(%arg8 : memref<128x64xf32, #tpu.memory_space<vmem>>) dst(%dma_wait3A_110 : memref<10240x64xf32, #tpu.memory_space<vmem_shared>>)
    %dma_wait3A_111 = arith.constant 0 : i32
    %dma_wait3A_112 = arith.constant 0 : i32
    %dma_wait3A_113 = tpu.memref_slice %arg7[%dma_wait3A_111, %dma_wait3A_112] : memref<81x128xi32, #tpu.memory_space<vmem>> -> memref<1x128xi32, #tpu.memory_space<vmem>>
    %dma_wait3A_114 = tpu.memref_squeeze %dma_wait3A_113 : memref<1x128xi32, #tpu.memory_space<vmem>> -> memref<128xi32, #tpu.memory_space<vmem>>
    %dma_wait3A_115 = arith.constant 0 : i32
    %dma_wait3A_116 = arith.constant 0 : i32
    %dma_wait3A_117 = tpu.memref_slice %arg12[%dma_wait3A_115, %dma_wait3A_116] : memref<10240x64xf32, #tpu.memory_space<vmem_shared>> -> memref<10240x64xf32, #tpu.memory_space<vmem_shared>>
    tpu.wait_indirect_dma semaphore(%arg17 : memref<!tpu.dma_semaphore, #tpu.memory_space<semaphore_mem>>) src(%arg9 : memref<128x64xf32, #tpu.memory_space<vmem>>) dst(%dma_wait3A_117 : memref<10240x64xf32, #tpu.memory_space<vmem_shared>>)
    %dma_wait3A_118 = arith.constant 0 : i32
    %dma_wait3A_119 = arith.constant 0 : i32
    %dma_wait3A_120 = tpu.memref_slice %arg7[%dma_wait3A_118, %dma_wait3A_119] : memref<81x128xi32, #tpu.memory_space<vmem>> -> memref<1x128xi32, #tpu.memory_space<vmem>>
    %dma_wait3A_121 = tpu.memref_squeeze %dma_wait3A_120 : memref<1x128xi32, #tpu.memory_space<vmem>> -> memref<128xi32, #tpu.memory_space<vmem>>
    %dma_wait3A_122 = arith.constant 0 : i32
    %dma_wait3A_123 = arith.constant 0 : i32
    %dma_wait3A_124 = tpu.memref_slice %arg12[%dma_wait3A_122, %dma_wait3A_123] : memref<10240x64xf32, #tpu.memory_space<vmem_shared>> -> memref<10240x64xf32, #tpu.memory_space<vmem_shared>>
    tpu.wait_indirect_dma semaphore(%arg18 : memref<!tpu.dma_semaphore, #tpu.memory_space<semaphore_mem>>) src(%arg10 : memref<128x64xf32, #tpu.memory_space<vmem>>) dst(%dma_wait3A_124 : memref<10240x64xf32, #tpu.memory_space<vmem_shared>>)
    %barrier3A_125 = arith.constant 0 : index
    tpu.barrier barrier_id(%barrier3A_125)
    %mul3A_126 = arith.constant 640 : i32
    %mul3A_127 = arith.muli %arg1, %mul3A_126 : i32
    %mul3A_128 = arith.constant 640 : i32
    %mul3A_129 = arith.muli %arg1, %mul3A_128 : i32
    %run_scoped3A_130 = arith.constant 1 : i32
    "tpu.region"() ({
      %run_scoped3A_131 = tpu.sem_alloc : memref<!tpu.dma_semaphore, #tpu.memory_space<semaphore_mem>>
      %dma_start3A_132 = arith.constant 0 : i32
      %dma_start3A_133 = tpu.memref_slice %arg5[%arg0, %run_scoped3A_130, %mul3A_129, %dma_start3A_132] : memref<2x2x10240x64xf32, #tpu.memory_space<hbm>> -> memref<1x1x640x64xf32, #tpu.memory_space<hbm>>
      %dma_start3A_134 = tpu.memref_squeeze %dma_start3A_133 : memref<1x1x640x64xf32, #tpu.memory_space<hbm>> -> memref<640x64xf32, #tpu.memory_space<hbm>>
      %dma_start3A_135 = arith.constant 0 : i32
      %dma_start3A_136 = tpu.memref_slice %arg12[%mul3A_127, %dma_start3A_135] : memref<10240x64xf32, #tpu.memory_space<vmem_shared>> -> memref<640x64xf32, #tpu.memory_space<vmem_shared>>
      tpu.enqueue_dma source(%dma_start3A_136 : memref<640x64xf32, #tpu.memory_space<vmem_shared>>) target(%dma_start3A_134 : memref<640x64xf32, #tpu.memory_space<hbm>>) target_semaphore(%run_scoped3A_131 : memref<!tpu.dma_semaphore, #tpu.memory_space<semaphore_mem>>)
      %dma_wait3A_137 = arith.constant 0 : i32
      %dma_wait3A_138 = tpu.memref_slice %arg5[%arg0, %run_scoped3A_130, %mul3A_129, %dma_wait3A_137] : memref<2x2x10240x64xf32, #tpu.memory_space<hbm>> -> memref<1x1x640x64xf32, #tpu.memory_space<hbm>>
      %dma_wait3A_139 = tpu.memref_squeeze %dma_wait3A_138 : memref<1x1x640x64xf32, #tpu.memory_space<hbm>> -> memref<640x64xf32, #tpu.memory_space<hbm>>
      %dma_wait3A_140 = arith.constant 0 : i32
      %dma_wait3A_141 = tpu.memref_slice %arg12[%mul3A_127, %dma_wait3A_140] : memref<10240x64xf32, #tpu.memory_space<vmem_shared>> -> memref<640x64xf32, #tpu.memory_space<vmem_shared>>
      tpu.wait_dma2 semaphore(%run_scoped3A_131 : memref<!tpu.dma_semaphore, #tpu.memory_space<semaphore_mem>>) src(%dma_wait3A_141 : memref<640x64xf32, #tpu.memory_space<vmem_shared>>) dst(%dma_wait3A_139 : memref<640x64xf32, #tpu.memory_space<hbm>>)
      tpu.yield
    }) : () -> ()
    return
  }
}

#map = affine_map<(d0, d1) -> (0, 0, 0)>
#map1 = affine_map<(d0, d1) -> (0, 0)>
#map2 = affine_map<(d0, d1) -> (0, 0, 0, 0)>
module attributes {stable_mosaic.version = 14 : i64} {
  func.func @_aggr_body(%arg0: i32, %arg1: i32, %arg2: memref<2x10240x64xf32, #tpu.memory_space<hbm>>, %arg3: memref<2592x128xi32, #tpu.memory_space<hbm>>, %arg4: memref<2592x128xi32, #tpu.memory_space<hbm>>, %arg5: memref<2x2x10240x64xf32, #tpu.memory_space<hbm>>, %arg6: memref<81x128xi32, #tpu.memory_space<vmem>>, %arg7: memref<81x128xi32, #tpu.memory_space<vmem>>, %arg8: memref<128x64xf32, #tpu.memory_space<vmem>>, %arg9: memref<128x64xf32, #tpu.memory_space<vmem>>, %arg10: memref<128x64xf32, #tpu.memory_space<vmem>>, %arg11: memref<10240x64xf32, #tpu.memory_space<vmem_shared>>, %arg12: memref<10240x64xf32, #tpu.memory_space<vmem_shared>>, %arg13: memref<!tpu.dma_semaphore, #tpu.memory_space<semaphore_mem>>, %arg14: memref<!tpu.dma_semaphore, #tpu.memory_space<semaphore_mem>>, %arg15: memref<!tpu.dma_semaphore, #tpu.memory_space<semaphore_mem>>, %arg16: memref<!tpu.dma_semaphore, #tpu.memory_space<semaphore_mem>>, %arg17: memref<!tpu.dma_semaphore, #tpu.memory_space<semaphore_mem>>, %arg18: memref<!tpu.dma_semaphore, #tpu.memory_space<semaphore_mem>>) attributes {dimension_semantics = [#tpu.dimension_semantics<core_parallel>, #tpu.dimension_semantics<subcore_parallel>], iteration_bounds = array<i64: 2, 16>, scalar_prefetch = 0 : i64, scratch_operands = 13 : i64, tpu.core_type = #tpu.core_type<sc_vector_subcore>, window_params = [{transform_indices = #map}, {transform_indices = #map1}, {transform_indices = #map1}, {transform_indices = #map2}]} {
    %mul3A = arith.constant 16 : i32
    %mul3A_0 = arith.muli %arg0, %mul3A : i32
    %add3A = arith.addi %mul3A_0, %arg1 : i32
    %mul3A_1 = arith.constant 81 : i32
    %mul3A_2 = arith.muli %add3A, %mul3A_1 : i32
    "tpu.region"() ({
      %run_scoped3A_131 = tpu.sem_alloc : memref<!tpu.dma_semaphore, #tpu.memory_space<semaphore_mem>>
      %dma_start3A_132 = arith.constant 0 : i32
      %dma_start3A_133 = tpu.memref_slice %arg3[%mul3A_2, %dma_start3A_132] : memref<2592x128xi32, #tpu.memory_space<hbm>> -> memref<81x128xi32, #tpu.memory_space<hbm>>
      %dma_start3A_134 = arith.constant 0 : i32
      %dma_start3A_135 = tpu.memref_slice %arg3[%mul3A_2, %dma_start3A_134] : memref<2592x128xi32, #tpu.memory_space<hbm>> -> memref<81x128xi32, #tpu.memory_space<hbm>>
      tpu.enqueue_dma source(%dma_start3A_135 : memref<81x128xi32, #tpu.memory_space<hbm>>) target(%arg6 : memref<81x128xi32, #tpu.memory_space<vmem>>) target_semaphore(%run_scoped3A_131 : memref<!tpu.dma_semaphore, #tpu.memory_space<semaphore_mem>>)
      %dma_wait3A_136 = arith.constant 0 : i32
      %dma_wait3A_137 = tpu.memref_slice %arg3[%mul3A_2, %dma_wait3A_136] : memref<2592x128xi32, #tpu.memory_space<hbm>> -> memref<81x128xi32, #tpu.memory_space<hbm>>
      %dma_wait3A_138 = arith.constant 0 : i32
      %dma_wait3A_139 = tpu.memref_slice %arg3[%mul3A_2, %dma_wait3A_138] : memref<2592x128xi32, #tpu.memory_space<hbm>> -> memref<81x128xi32, #tpu.memory_space<hbm>>
      tpu.wait_dma2 semaphore(%run_scoped3A_131 : memref<!tpu.dma_semaphore, #tpu.memory_space<semaphore_mem>>) src(%dma_wait3A_139 : memref<81x128xi32, #tpu.memory_space<hbm>>) dst(%arg6 : memref<81x128xi32, #tpu.memory_space<vmem>>)
      tpu.yield
    }) : () -> ()
    %mul3A_3 = arith.constant 81 : i32
    %mul3A_4 = arith.muli %add3A, %mul3A_3 : i32
    "tpu.region"() ({
      %run_scoped3A_131 = tpu.sem_alloc : memref<!tpu.dma_semaphore, #tpu.memory_space<semaphore_mem>>
      %dma_start3A_132 = arith.constant 0 : i32
      %dma_start3A_133 = tpu.memref_slice %arg4[%mul3A_4, %dma_start3A_132] : memref<2592x128xi32, #tpu.memory_space<hbm>> -> memref<81x128xi32, #tpu.memory_space<hbm>>
      %dma_start3A_134 = arith.constant 0 : i32
      %dma_start3A_135 = tpu.memref_slice %arg4[%mul3A_4, %dma_start3A_134] : memref<2592x128xi32, #tpu.memory_space<hbm>> -> memref<81x128xi32, #tpu.memory_space<hbm>>
      tpu.enqueue_dma source(%dma_start3A_135 : memref<81x128xi32, #tpu.memory_space<hbm>>) target(%arg7 : memref<81x128xi32, #tpu.memory_space<vmem>>) target_semaphore(%run_scoped3A_131 : memref<!tpu.dma_semaphore, #tpu.memory_space<semaphore_mem>>)
      %dma_wait3A_136 = arith.constant 0 : i32
      %dma_wait3A_137 = tpu.memref_slice %arg4[%mul3A_4, %dma_wait3A_136] : memref<2592x128xi32, #tpu.memory_space<hbm>> -> memref<81x128xi32, #tpu.memory_space<hbm>>
      %dma_wait3A_138 = arith.constant 0 : i32
      %dma_wait3A_139 = tpu.memref_slice %arg4[%mul3A_4, %dma_wait3A_138] : memref<2592x128xi32, #tpu.memory_space<hbm>> -> memref<81x128xi32, #tpu.memory_space<hbm>>
      tpu.wait_dma2 semaphore(%run_scoped3A_131 : memref<!tpu.dma_semaphore, #tpu.memory_space<semaphore_mem>>) src(%dma_wait3A_139 : memref<81x128xi32, #tpu.memory_space<hbm>>) dst(%arg7 : memref<81x128xi32, #tpu.memory_space<vmem>>)
      tpu.yield
    }) : () -> ()
    %broadcast_in_dim3A = arith.constant 0.000000e+00 : f32
    %broadcast_in_dim3A_5 = vector.broadcast %broadcast_in_dim3A : f32 to vector<16xf32>
    %mul3A_6 = arith.constant 640 : i32
    %mul3A_7 = arith.muli %arg1, %mul3A_6 : i32
    %mul3A_8 = arith.constant 640 : i32
    %mul3A_9 = arith.muli %arg1, %mul3A_8 : i32
    %run_scoped3A = arith.constant 0 : i32
    "tpu.region"() ({
      %run_scoped3A_131 = tpu.sem_alloc : memref<!tpu.dma_semaphore, #tpu.memory_space<semaphore_mem>>
      %dma_start3A_132 = arith.constant 0 : i32
      %dma_start3A_133 = tpu.memref_slice %arg11[%mul3A_9, %dma_start3A_132] : memref<10240x64xf32, #tpu.memory_space<vmem_shared>> -> memref<640x64xf32, #tpu.memory_space<vmem_shared>>
      %dma_start3A_134 = arith.constant 0 : i32
      %dma_start3A_135 = tpu.memref_slice %arg2[%run_scoped3A, %mul3A_7, %dma_start3A_134] : memref<2x10240x64xf32, #tpu.memory_space<hbm>> -> memref<1x640x64xf32, #tpu.memory_space<hbm>>
      %dma_start3A_136 = tpu.memref_squeeze %dma_start3A_135 : memref<1x640x64xf32, #tpu.memory_space<hbm>> -> memref<640x64xf32, #tpu.memory_space<hbm>>
      tpu.enqueue_dma source(%dma_start3A_136 : memref<640x64xf32, #tpu.memory_space<hbm>>) target(%dma_start3A_133 : memref<640x64xf32, #tpu.memory_space<vmem_shared>>) target_semaphore(%run_scoped3A_131 : memref<!tpu.dma_semaphore, #tpu.memory_space<semaphore_mem>>)
      %dma_wait3A_137 = arith.constant 0 : i32
      %dma_wait3A_138 = tpu.memref_slice %arg11[%mul3A_9, %dma_wait3A_137] : memref<10240x64xf32, #tpu.memory_space<vmem_shared>> -> memref<640x64xf32, #tpu.memory_space<vmem_shared>>
      %dma_wait3A_139 = arith.constant 0 : i32
      %dma_wait3A_140 = tpu.memref_slice %arg2[%run_scoped3A, %mul3A_7, %dma_wait3A_139] : memref<2x10240x64xf32, #tpu.memory_space<hbm>> -> memref<1x640x64xf32, #tpu.memory_space<hbm>>
      %dma_wait3A_141 = tpu.memref_squeeze %dma_wait3A_140 : memref<1x640x64xf32, #tpu.memory_space<hbm>> -> memref<640x64xf32, #tpu.memory_space<hbm>>
      tpu.wait_dma2 semaphore(%run_scoped3A_131 : memref<!tpu.dma_semaphore, #tpu.memory_space<semaphore_mem>>) src(%dma_wait3A_141 : memref<640x64xf32, #tpu.memory_space<hbm>>) dst(%dma_wait3A_138 : memref<640x64xf32, #tpu.memory_space<vmem_shared>>)
      tpu.yield
    }) : () -> ()
    %scan3A = arith.constant 0 : i32
    %scan3A_10 = arith.constant 0 : i32
    %scan3A_11 = arith.constant 512 : i32
    %scan3A_12 = arith.addi %scan3A_10, %scan3A_11 : i32
    %scan3A_13 = arith.constant 1 : i32
    scf.for %scan3A_131 = %scan3A_10 to %scan3A_12 step %scan3A_13  : i32 {
      %jit3A = arith.constant 4 : i32
      %div3A = arith.divsi %scan3A_131, %jit3A : i32
      %sign3A = arith.constant 0 : i32
      %sign3A_132 = arith.cmpi sgt, %scan3A_131, %sign3A : i32
      %sign3A_133 = arith.extui %sign3A_132 : i1 to i32
      %sign3A_134 = arith.constant 0 : i32
      %sign3A_135 = arith.cmpi slt, %scan3A_131, %sign3A_134 : i32
      %sign3A_136 = arith.extui %sign3A_135 : i1 to i32
      %sign3A_137 = arith.subi %sign3A_133, %sign3A_136 : i32
      %sign3A_138 = arith.constant 0 : i32
      %sign3A_139 = arith.cmpi sgt, %jit3A, %sign3A_138 : i32
      %sign3A_140 = arith.extui %sign3A_139 : i1 to i32
      %sign3A_141 = arith.constant 0 : i32
      %sign3A_142 = arith.cmpi slt, %jit3A, %sign3A_141 : i32
      %sign3A_143 = arith.extui %sign3A_142 : i1 to i32
      %sign3A_144 = arith.subi %sign3A_140, %sign3A_143 : i32
      %ne3A = arith.cmpi ne, %sign3A_137, %sign3A_144 : i32
      %rem3A = arith.remsi %scan3A_131, %jit3A : i32
      %ne3A_145 = arith.constant 0 : i32
      %ne3A_146 = arith.cmpi ne, %rem3A, %ne3A_145 : i32
      %and3A = arith.andi %ne3A, %ne3A_146 : i1
      %sub3A = arith.constant 1 : i32
      %sub3A_147 = arith.subi %div3A, %sub3A : i32
      %select_n3A = arith.select %and3A, %sub3A_147, %div3A : i32
      %jit3A_148 = arith.constant 4 : i32
      %eq3A = arith.constant 0 : i32
      %eq3A_149 = arith.cmpi eq, %jit3A_148, %eq3A : i32
      %jit3A_150 = arith.constant 1 : i32
      %select_n3A_151 = arith.select %eq3A_149, %jit3A_150, %jit3A_148 : i32
      %rem3A_152 = arith.remsi %scan3A_131, %select_n3A_151 : i32
      %ne3A_153 = arith.constant 0 : i32
      %ne3A_154 = arith.cmpi ne, %rem3A_152, %ne3A_153 : i32
      %lt3A = arith.constant 0 : i32
      %lt3A_155 = arith.cmpi slt, %rem3A_152, %lt3A : i32
      %lt3A_156 = arith.constant 0 : i32
      %lt3A_157 = arith.cmpi slt, %select_n3A_151, %lt3A_156 : i32
      %ne3A_158 = arith.xori %lt3A_155, %lt3A_157 : i1
      %and3A_159 = arith.andi %ne3A_158, %ne3A_154 : i1
      %add3A_160 = arith.addi %rem3A_152, %select_n3A_151 : i32
      %select_n3A_161 = arith.select %and3A_159, %add3A_160, %rem3A_152 : i32
      %mul3A_162 = arith.constant 16 : i32
      %mul3A_163 = arith.muli %select_n3A_161, %mul3A_162 : i32
      %swap3A = arith.index_cast %select_n3A : i32 to index
      %swap3A_164 = arith.index_cast %mul3A_163 : i32 to index
      %swap3A_165 = tpu.vector_load %arg8[%swap3A, %swap3A_164] {strides = array<i32>} : memref<128x64xf32, #tpu.memory_space<vmem>>, vector<1x16xf32>,
      %swap3A_166 = vector.shape_cast %swap3A_165 : vector<1x16xf32> to vector<16xf32>
      %swap3A_167 = vector.shape_cast %broadcast_in_dim3A_5 : vector<16xf32> to vector<1x16xf32>
      tpu.vector_store %arg8[%swap3A, %swap3A_164], %swap3A_167 {strides = array<i32>} : memref<128x64xf32, #tpu.memory_space<vmem>>, vector<1x16xf32>,
    }
    %scan3A_14 = arith.constant 512 : i32
    %scan3A_15 = arith.constant 0 : i32
    %scan3A_16 = arith.constant 0 : i32
    %scan3A_17 = arith.constant 5 : i32
    %scan3A_18 = arith.addi %scan3A_16, %scan3A_17 : i32
    %scan3A_19 = arith.constant 1 : i32
    scf.for %scan3A_131 = %scan3A_16 to %scan3A_18 step %scan3A_19  : i32 {
      %mul3A_132 = arith.constant 640 : i32
      %mul3A_133 = arith.muli %arg1, %mul3A_132 : i32
      %mul3A_134 = arith.constant 128 : i32
      %mul3A_135 = arith.muli %scan3A_131, %mul3A_134 : i32
      %add3A_136 = arith.addi %mul3A_133, %mul3A_135 : i32
      "tpu.region"() ({
        %run_scoped3A_137 = tpu.sem_alloc : memref<!tpu.dma_semaphore, #tpu.memory_space<semaphore_mem>>
        %dma_start3A_138 = arith.constant 0 : i32
        %dma_start3A_139 = tpu.memref_slice %arg12[%add3A_136, %dma_start3A_138] : memref<10240x64xf32, #tpu.memory_space<vmem_shared>> -> memref<128x64xf32, #tpu.memory_space<vmem_shared>>
        %dma_start3A_140 = arith.constant 0 : i32
        %dma_start3A_141 = tpu.memref_slice %arg12[%add3A_136, %dma_start3A_140] : memref<10240x64xf32, #tpu.memory_space<vmem_shared>> -> memref<128x64xf32, #tpu.memory_space<vmem_shared>>
        tpu.enqueue_dma source(%arg8 : memref<128x64xf32, #tpu.memory_space<vmem>>) target(%dma_start3A_141 : memref<128x64xf32, #tpu.memory_space<vmem_shared>>) target_semaphore(%run_scoped3A_137 : memref<!tpu.dma_semaphore, #tpu.memory_space<semaphore_mem>>)
        %dma_wait3A_142 = arith.constant 0 : i32
        %dma_wait3A_143 = tpu.memref_slice %arg12[%add3A_136, %dma_wait3A_142] : memref<10240x64xf32, #tpu.memory_space<vmem_shared>> -> memref<128x64xf32, #tpu.memory_space<vmem_shared>>
        %dma_wait3A_144 = arith.constant 0 : i32
        %dma_wait3A_145 = tpu.memref_slice %arg12[%add3A_136, %dma_wait3A_144] : memref<10240x64xf32, #tpu.memory_space<vmem_shared>> -> memref<128x64xf32, #tpu.memory_space<vmem_shared>>
        tpu.wait_dma2 semaphore(%run_scoped3A_137 : memref<!tpu.dma_semaphore, #tpu.memory_space<semaphore_mem>>) src(%arg8 : memref<128x64xf32, #tpu.memory_space<vmem>>) dst(%dma_wait3A_145 : memref<128x64xf32, #tpu.memory_space<vmem_shared>>)
        tpu.yield
      }) : () -> ()
    }
    %scan3A_20 = arith.constant 5 : i32
    %barrier3A = arith.constant 0 : index
    tpu.barrier barrier_id(%barrier3A)
    %dma_start3A = arith.constant 0 : i32
    %dma_start3A_21 = arith.constant 0 : i32
    %dma_start3A_22 = tpu.memref_slice %arg6[%dma_start3A, %dma_start3A_21] : memref<81x128xi32, #tpu.memory_space<vmem>> -> memref<1x128xi32, #tpu.memory_space<vmem>>
    %dma_start3A_23 = tpu.memref_squeeze %dma_start3A_22 : memref<1x128xi32, #tpu.memory_space<vmem>> -> memref<128xi32, #tpu.memory_space<vmem>>
    %dma_start3A_24 = arith.constant 0 : i32
    %dma_start3A_25 = arith.constant 0 : i32
    %dma_start3A_26 = tpu.memref_slice %arg11[%dma_start3A_24, %dma_start3A_25] : memref<10240x64xf32, #tpu.memory_space<vmem_shared>> -> memref<10240x64xf32, #tpu.memory_space<vmem_shared>>
    tpu.enqueue_indirect_dma source(%dma_start3A_26 : memref<10240x64xf32, #tpu.memory_space<vmem_shared>>) target(%arg8 : memref<128x64xf32, #tpu.memory_space<vmem>>) offsets(%dma_start3A_23 : memref<128xi32, #tpu.memory_space<vmem>>) semaphore(%arg13 : memref<!tpu.dma_semaphore, #tpu.memory_space<semaphore_mem>>)
    %dma_start3A_27 = arith.constant 1 : i32
    %dma_start3A_28 = arith.constant 0 : i32
    %dma_start3A_29 = tpu.memref_slice %arg6[%dma_start3A_27, %dma_start3A_28] : memref<81x128xi32, #tpu.memory_space<vmem>> -> memref<1x128xi32, #tpu.memory_space<vmem>>
    %dma_start3A_30 = tpu.memref_squeeze %dma_start3A_29 : memref<1x128xi32, #tpu.memory_space<vmem>> -> memref<128xi32, #tpu.memory_space<vmem>>
    %dma_start3A_31 = arith.constant 0 : i32
    %dma_start3A_32 = arith.constant 0 : i32
    %dma_start3A_33 = tpu.memref_slice %arg11[%dma_start3A_31, %dma_start3A_32] : memref<10240x64xf32, #tpu.memory_space<vmem_shared>> -> memref<10240x64xf32, #tpu.memory_space<vmem_shared>>
    tpu.enqueue_indirect_dma source(%dma_start3A_33 : memref<10240x64xf32, #tpu.memory_space<vmem_shared>>) target(%arg9 : memref<128x64xf32, #tpu.memory_space<vmem>>) offsets(%dma_start3A_30 : memref<128xi32, #tpu.memory_space<vmem>>) semaphore(%arg14 : memref<!tpu.dma_semaphore, #tpu.memory_space<semaphore_mem>>)
    %scan3A_34 = arith.constant 0 : i32
    %scan3A_35 = arith.constant 0 : i32
    %scan3A_36 = arith.constant 27 : i32
    %scan3A_37 = arith.addi %scan3A_35, %scan3A_36 : i32
    %scan3A_38 = arith.constant 1 : i32
    scf.for %scan3A_131 = %scan3A_35 to %scan3A_37 step %scan3A_38  : i32 {
      %mul3A_132 = arith.constant 3 : i32
      %mul3A_133 = arith.muli %mul3A_132, %scan3A_131 : i32
      %add3A_134 = arith.constant 0 : i32
      %add3A_135 = arith.addi %mul3A_133, %add3A_134 : i32
      %dma_wait3A_136 = arith.constant 0 : i32
      %dma_wait3A_137 = tpu.memref_slice %arg6[%add3A_135, %dma_wait3A_136] : memref<81x128xi32, #tpu.memory_space<vmem>> -> memref<1x128xi32, #tpu.memory_space<vmem>>
      %dma_wait3A_138 = tpu.memref_squeeze %dma_wait3A_137 : memref<1x128xi32, #tpu.memory_space<vmem>> -> memref<128xi32, #tpu.memory_space<vmem>>
      %dma_wait3A_139 = arith.constant 0 : i32
      %dma_wait3A_140 = arith.constant 0 : i32
      %dma_wait3A_141 = tpu.memref_slice %arg11[%dma_wait3A_139, %dma_wait3A_140] : memref<10240x64xf32, #tpu.memory_space<vmem_shared>> -> memref<10240x64xf32, #tpu.memory_space<vmem_shared>>
      tpu.wait_indirect_dma semaphore(%arg13 : memref<!tpu.dma_semaphore, #tpu.memory_space<semaphore_mem>>) src(%dma_wait3A_141 : memref<10240x64xf32, #tpu.memory_space<vmem_shared>>) dst(%arg8 : memref<128x64xf32, #tpu.memory_space<vmem>>)
      %dma_start3A_142 = arith.constant 0 : i32
      %dma_start3A_143 = tpu.memref_slice %arg7[%add3A_135, %dma_start3A_142] : memref<81x128xi32, #tpu.memory_space<vmem>> -> memref<1x128xi32, #tpu.memory_space<vmem>>
      %dma_start3A_144 = tpu.memref_squeeze %dma_start3A_143 : memref<1x128xi32, #tpu.memory_space<vmem>> -> memref<128xi32, #tpu.memory_space<vmem>>
      %dma_start3A_145 = arith.constant 0 : i32
      %dma_start3A_146 = arith.constant 0 : i32
      %dma_start3A_147 = tpu.memref_slice %arg12[%dma_start3A_145, %dma_start3A_146] : memref<10240x64xf32, #tpu.memory_space<vmem_shared>> -> memref<10240x64xf32, #tpu.memory_space<vmem_shared>>
      tpu.enqueue_indirect_dma source(%arg8 : memref<128x64xf32, #tpu.memory_space<vmem>>) target(%dma_start3A_147 : memref<10240x64xf32, #tpu.memory_space<vmem_shared>>) offsets(%dma_start3A_144 : memref<128xi32, #tpu.memory_space<vmem>>) semaphore(%arg16 : memref<!tpu.dma_semaphore, #tpu.memory_space<semaphore_mem>>) {add = true}
      %ge3A = arith.constant 1 : i32
      %ge3A_148 = arith.cmpi sge, %add3A_135, %ge3A : i32
      %add3A_149 = arith.constant 2 : i32
      %add3A_150 = arith.addi %add3A_135, %add3A_149 : i32
      %lt3A = arith.constant 81 : i32
      %lt3A_151 = arith.cmpi slt, %add3A_150, %lt3A : i32
      %and3A = arith.andi %ge3A_148, %lt3A_151 : i1
      %convert_element_type3A = arith.extui %and3A : i1 to i32
      %cond3A = arith.constant 0 : i32
      %cond3A_152 = arith.cmpi ne, %convert_element_type3A, %cond3A : i32
      scf.if %cond3A_152 {
        %dma_wait3A_226 = arith.constant 0 : i32
        %dma_wait3A_227 = tpu.memref_slice %arg7[%add3A_135, %dma_wait3A_226] : memref<81x128xi32, #tpu.memory_space<vmem>> -> memref<1x128xi32, #tpu.memory_space<vmem>>
        %dma_wait3A_228 = tpu.memref_squeeze %dma_wait3A_227 : memref<1x128xi32, #tpu.memory_space<vmem>> -> memref<128xi32, #tpu.memory_space<vmem>>
        %dma_wait3A_229 = arith.constant 0 : i32
        %dma_wait3A_230 = arith.constant 0 : i32
        %dma_wait3A_231 = tpu.memref_slice %arg12[%dma_wait3A_229, %dma_wait3A_230] : memref<10240x64xf32, #tpu.memory_space<vmem_shared>> -> memref<10240x64xf32, #tpu.memory_space<vmem_shared>>
        tpu.wait_indirect_dma semaphore(%arg18 : memref<!tpu.dma_semaphore, #tpu.memory_space<semaphore_mem>>) src(%arg10 : memref<128x64xf32, #tpu.memory_space<vmem>>) dst(%dma_wait3A_231 : memref<10240x64xf32, #tpu.memory_space<vmem_shared>>)
      } else {
      }
      %add3A_153 = arith.constant 2 : i32
      %add3A_154 = arith.addi %add3A_135, %add3A_153 : i32
      %lt3A_155 = arith.constant 81 : i32
      %lt3A_156 = arith.cmpi slt, %add3A_154, %lt3A_155 : i32
      %convert_element_type3A_157 = arith.extui %lt3A_156 : i1 to i32
      %cond3A_158 = arith.constant 0 : i32
      %cond3A_159 = arith.cmpi ne, %convert_element_type3A_157, %cond3A_158 : i32
      scf.if %cond3A_159 {
        %add3A_226 = arith.constant 2 : i32
        %add3A_227 = arith.addi %add3A_135, %add3A_226 : i32
        %dma_start3A_228 = arith.constant 0 : i32
        %dma_start3A_229 = tpu.memref_slice %arg6[%add3A_227, %dma_start3A_228] : memref<81x128xi32, #tpu.memory_space<vmem>> -> memref<1x128xi32, #tpu.memory_space<vmem>>
        %dma_start3A_230 = tpu.memref_squeeze %dma_start3A_229 : memref<1x128xi32, #tpu.memory_space<vmem>> -> memref<128xi32, #tpu.memory_space<vmem>>
        %dma_start3A_231 = arith.constant 0 : i32
        %dma_start3A_232 = arith.constant 0 : i32
        %dma_start3A_233 = tpu.memref_slice %arg11[%dma_start3A_231, %dma_start3A_232] : memref<10240x64xf32, #tpu.memory_space<vmem_shared>> -> memref<10240x64xf32, #tpu.memory_space<vmem_shared>>
        tpu.enqueue_indirect_dma source(%dma_start3A_233 : memref<10240x64xf32, #tpu.memory_space<vmem_shared>>) target(%arg10 : memref<128x64xf32, #tpu.memory_space<vmem>>) offsets(%dma_start3A_230 : memref<128xi32, #tpu.memory_space<vmem>>) semaphore(%arg15 : memref<!tpu.dma_semaphore, #tpu.memory_space<semaphore_mem>>)
      } else {
      }
      %mul3A_160 = arith.constant 3 : i32
      %mul3A_161 = arith.muli %mul3A_160, %scan3A_131 : i32
      %add3A_162 = arith.constant 1 : i32
      %add3A_163 = arith.addi %mul3A_161, %add3A_162 : i32
      %dma_wait3A_164 = arith.constant 0 : i32
      %dma_wait3A_165 = tpu.memref_slice %arg6[%add3A_163, %dma_wait3A_164] : memref<81x128xi32, #tpu.memory_space<vmem>> -> memref<1x128xi32, #tpu.memory_space<vmem>>
      %dma_wait3A_166 = tpu.memref_squeeze %dma_wait3A_165 : memref<1x128xi32, #tpu.memory_space<vmem>> -> memref<128xi32, #tpu.memory_space<vmem>>
      %dma_wait3A_167 = arith.constant 0 : i32
      %dma_wait3A_168 = arith.constant 0 : i32
      %dma_wait3A_169 = tpu.memref_slice %arg11[%dma_wait3A_167, %dma_wait3A_168] : memref<10240x64xf32, #tpu.memory_space<vmem_shared>> -> memref<10240x64xf32, #tpu.memory_space<vmem_shared>>
      tpu.wait_indirect_dma semaphore(%arg14 : memref<!tpu.dma_semaphore, #tpu.memory_space<semaphore_mem>>) src(%dma_wait3A_169 : memref<10240x64xf32, #tpu.memory_space<vmem_shared>>) dst(%arg9 : memref<128x64xf32, #tpu.memory_space<vmem>>)
      %dma_start3A_170 = arith.constant 0 : i32
      %dma_start3A_171 = tpu.memref_slice %arg7[%add3A_163, %dma_start3A_170] : memref<81x128xi32, #tpu.memory_space<vmem>> -> memref<1x128xi32, #tpu.memory_space<vmem>>
      %dma_start3A_172 = tpu.memref_squeeze %dma_start3A_171 : memref<1x128xi32, #tpu.memory_space<vmem>> -> memref<128xi32, #tpu.memory_space<vmem>>
      %dma_start3A_173 = arith.constant 0 : i32
      %dma_start3A_174 = arith.constant 0 : i32
      %dma_start3A_175 = tpu.memref_slice %arg12[%dma_start3A_173, %dma_start3A_174] : memref<10240x64xf32, #tpu.memory_space<vmem_shared>> -> memref<10240x64xf32, #tpu.memory_space<vmem_shared>>
      tpu.enqueue_indirect_dma source(%arg9 : memref<128x64xf32, #tpu.memory_space<vmem>>) target(%dma_start3A_175 : memref<10240x64xf32, #tpu.memory_space<vmem_shared>>) offsets(%dma_start3A_172 : memref<128xi32, #tpu.memory_space<vmem>>) semaphore(%arg17 : memref<!tpu.dma_semaphore, #tpu.memory_space<semaphore_mem>>) {add = true}
      %ge3A_176 = arith.constant 1 : i32
      %ge3A_177 = arith.cmpi sge, %add3A_163, %ge3A_176 : i32
      %add3A_178 = arith.constant 2 : i32
      %add3A_179 = arith.addi %add3A_163, %add3A_178 : i32
      %lt3A_180 = arith.constant 81 : i32
      %lt3A_181 = arith.cmpi slt, %add3A_179, %lt3A_180 : i32
      %and3A_182 = arith.andi %ge3A_177, %lt3A_181 : i1
      %convert_element_type3A_183 = arith.extui %and3A_182 : i1 to i32
      %cond3A_184 = arith.constant 0 : i32
      %cond3A_185 = arith.cmpi ne, %convert_element_type3A_183, %cond3A_184 : i32
      scf.if %cond3A_185 {
        %dma_wait3A_226 = arith.constant 0 : i32
        %dma_wait3A_227 = tpu.memref_slice %arg7[%add3A_163, %dma_wait3A_226] : memref<81x128xi32, #tpu.memory_space<vmem>> -> memref<1x128xi32, #tpu.memory_space<vmem>>
        %dma_wait3A_228 = tpu.memref_squeeze %dma_wait3A_227 : memref<1x128xi32, #tpu.memory_space<vmem>> -> memref<128xi32, #tpu.memory_space<vmem>>
        %dma_wait3A_229 = arith.constant 0 : i32
        %dma_wait3A_230 = arith.constant 0 : i32
        %dma_wait3A_231 = tpu.memref_slice %arg12[%dma_wait3A_229, %dma_wait3A_230] : memref<10240x64xf32, #tpu.memory_space<vmem_shared>> -> memref<10240x64xf32, #tpu.memory_space<vmem_shared>>
        tpu.wait_indirect_dma semaphore(%arg16 : memref<!tpu.dma_semaphore, #tpu.memory_space<semaphore_mem>>) src(%arg8 : memref<128x64xf32, #tpu.memory_space<vmem>>) dst(%dma_wait3A_231 : memref<10240x64xf32, #tpu.memory_space<vmem_shared>>)
      } else {
      }
      %add3A_186 = arith.constant 2 : i32
      %add3A_187 = arith.addi %add3A_163, %add3A_186 : i32
      %lt3A_188 = arith.constant 81 : i32
      %lt3A_189 = arith.cmpi slt, %add3A_187, %lt3A_188 : i32
      %convert_element_type3A_190 = arith.extui %lt3A_189 : i1 to i32
      %cond3A_191 = arith.constant 0 : i32
      %cond3A_192 = arith.cmpi ne, %convert_element_type3A_190, %cond3A_191 : i32
      scf.if %cond3A_192 {
        %add3A_226 = arith.constant 2 : i32
        %add3A_227 = arith.addi %add3A_163, %add3A_226 : i32
        %dma_start3A_228 = arith.constant 0 : i32
        %dma_start3A_229 = tpu.memref_slice %arg6[%add3A_227, %dma_start3A_228] : memref<81x128xi32, #tpu.memory_space<vmem>> -> memref<1x128xi32, #tpu.memory_space<vmem>>
        %dma_start3A_230 = tpu.memref_squeeze %dma_start3A_229 : memref<1x128xi32, #tpu.memory_space<vmem>> -> memref<128xi32, #tpu.memory_space<vmem>>
        %dma_start3A_231 = arith.constant 0 : i32
        %dma_start3A_232 = arith.constant 0 : i32
        %dma_start3A_233 = tpu.memref_slice %arg11[%dma_start3A_231, %dma_start3A_232] : memref<10240x64xf32, #tpu.memory_space<vmem_shared>> -> memref<10240x64xf32, #tpu.memory_space<vmem_shared>>
        tpu.enqueue_indirect_dma source(%dma_start3A_233 : memref<10240x64xf32, #tpu.memory_space<vmem_shared>>) target(%arg8 : memref<128x64xf32, #tpu.memory_space<vmem>>) offsets(%dma_start3A_230 : memref<128xi32, #tpu.memory_space<vmem>>) semaphore(%arg13 : memref<!tpu.dma_semaphore, #tpu.memory_space<semaphore_mem>>)
      } else {
      }
      %mul3A_193 = arith.constant 3 : i32
      %mul3A_194 = arith.muli %mul3A_193, %scan3A_131 : i32
      %add3A_195 = arith.constant 2 : i32
      %add3A_196 = arith.addi %mul3A_194, %add3A_195 : i32
      %dma_wait3A_197 = arith.constant 0 : i32
      %dma_wait3A_198 = tpu.memref_slice %arg6[%add3A_196, %dma_wait3A_197] : memref<81x128xi32, #tpu.memory_space<vmem>> -> memref<1x128xi32, #tpu.memory_space<vmem>>
      %dma_wait3A_199 = tpu.memref_squeeze %dma_wait3A_198 : memref<1x128xi32, #tpu.memory_space<vmem>> -> memref<128xi32, #tpu.memory_space<vmem>>
      %dma_wait3A_200 = arith.constant 0 : i32
      %dma_wait3A_201 = arith.constant 0 : i32
      %dma_wait3A_202 = tpu.memref_slice %arg11[%dma_wait3A_200, %dma_wait3A_201] : memref<10240x64xf32, #tpu.memory_space<vmem_shared>> -> memref<10240x64xf32, #tpu.memory_space<vmem_shared>>
      tpu.wait_indirect_dma semaphore(%arg15 : memref<!tpu.dma_semaphore, #tpu.memory_space<semaphore_mem>>) src(%dma_wait3A_202 : memref<10240x64xf32, #tpu.memory_space<vmem_shared>>) dst(%arg10 : memref<128x64xf32, #tpu.memory_space<vmem>>)
      %dma_start3A_203 = arith.constant 0 : i32
      %dma_start3A_204 = tpu.memref_slice %arg7[%add3A_196, %dma_start3A_203] : memref<81x128xi32, #tpu.memory_space<vmem>> -> memref<1x128xi32, #tpu.memory_space<vmem>>
      %dma_start3A_205 = tpu.memref_squeeze %dma_start3A_204 : memref<1x128xi32, #tpu.memory_space<vmem>> -> memref<128xi32, #tpu.memory_space<vmem>>
      %dma_start3A_206 = arith.constant 0 : i32
      %dma_start3A_207 = arith.constant 0 : i32
      %dma_start3A_208 = tpu.memref_slice %arg12[%dma_start3A_206, %dma_start3A_207] : memref<10240x64xf32, #tpu.memory_space<vmem_shared>> -> memref<10240x64xf32, #tpu.memory_space<vmem_shared>>
      tpu.enqueue_indirect_dma source(%arg10 : memref<128x64xf32, #tpu.memory_space<vmem>>) target(%dma_start3A_208 : memref<10240x64xf32, #tpu.memory_space<vmem_shared>>) offsets(%dma_start3A_205 : memref<128xi32, #tpu.memory_space<vmem>>) semaphore(%arg18 : memref<!tpu.dma_semaphore, #tpu.memory_space<semaphore_mem>>) {add = true}
      %ge3A_209 = arith.constant 1 : i32
      %ge3A_210 = arith.cmpi sge, %add3A_196, %ge3A_209 : i32
      %add3A_211 = arith.constant 2 : i32
      %add3A_212 = arith.addi %add3A_196, %add3A_211 : i32
      %lt3A_213 = arith.constant 81 : i32
      %lt3A_214 = arith.cmpi slt, %add3A_212, %lt3A_213 : i32
      %and3A_215 = arith.andi %ge3A_210, %lt3A_214 : i1
      %convert_element_type3A_216 = arith.extui %and3A_215 : i1 to i32
      %cond3A_217 = arith.constant 0 : i32
      %cond3A_218 = arith.cmpi ne, %convert_element_type3A_216, %cond3A_217 : i32
      scf.if %cond3A_218 {
        %dma_wait3A_226 = arith.constant 0 : i32
        %dma_wait3A_227 = tpu.memref_slice %arg7[%add3A_196, %dma_wait3A_226] : memref<81x128xi32, #tpu.memory_space<vmem>> -> memref<1x128xi32, #tpu.memory_space<vmem>>
        %dma_wait3A_228 = tpu.memref_squeeze %dma_wait3A_227 : memref<1x128xi32, #tpu.memory_space<vmem>> -> memref<128xi32, #tpu.memory_space<vmem>>
        %dma_wait3A_229 = arith.constant 0 : i32
        %dma_wait3A_230 = arith.constant 0 : i32
        %dma_wait3A_231 = tpu.memref_slice %arg12[%dma_wait3A_229, %dma_wait3A_230] : memref<10240x64xf32, #tpu.memory_space<vmem_shared>> -> memref<10240x64xf32, #tpu.memory_space<vmem_shared>>
        tpu.wait_indirect_dma semaphore(%arg17 : memref<!tpu.dma_semaphore, #tpu.memory_space<semaphore_mem>>) src(%arg9 : memref<128x64xf32, #tpu.memory_space<vmem>>) dst(%dma_wait3A_231 : memref<10240x64xf32, #tpu.memory_space<vmem_shared>>)
      } else {
      }
      %add3A_219 = arith.constant 2 : i32
      %add3A_220 = arith.addi %add3A_196, %add3A_219 : i32
      %lt3A_221 = arith.constant 81 : i32
      %lt3A_222 = arith.cmpi slt, %add3A_220, %lt3A_221 : i32
      %convert_element_type3A_223 = arith.extui %lt3A_222 : i1 to i32
      %cond3A_224 = arith.constant 0 : i32
      %cond3A_225 = arith.cmpi ne, %convert_element_type3A_223, %cond3A_224 : i32
      scf.if %cond3A_225 {
        %add3A_226 = arith.constant 2 : i32
        %add3A_227 = arith.addi %add3A_196, %add3A_226 : i32
        %dma_start3A_228 = arith.constant 0 : i32
        %dma_start3A_229 = tpu.memref_slice %arg6[%add3A_227, %dma_start3A_228] : memref<81x128xi32, #tpu.memory_space<vmem>> -> memref<1x128xi32, #tpu.memory_space<vmem>>
        %dma_start3A_230 = tpu.memref_squeeze %dma_start3A_229 : memref<1x128xi32, #tpu.memory_space<vmem>> -> memref<128xi32, #tpu.memory_space<vmem>>
        %dma_start3A_231 = arith.constant 0 : i32
        %dma_start3A_232 = arith.constant 0 : i32
        %dma_start3A_233 = tpu.memref_slice %arg11[%dma_start3A_231, %dma_start3A_232] : memref<10240x64xf32, #tpu.memory_space<vmem_shared>> -> memref<10240x64xf32, #tpu.memory_space<vmem_shared>>
        tpu.enqueue_indirect_dma source(%dma_start3A_233 : memref<10240x64xf32, #tpu.memory_space<vmem_shared>>) target(%arg9 : memref<128x64xf32, #tpu.memory_space<vmem>>) offsets(%dma_start3A_230 : memref<128xi32, #tpu.memory_space<vmem>>) semaphore(%arg14 : memref<!tpu.dma_semaphore, #tpu.memory_space<semaphore_mem>>)
      } else {
      }
    }
    %scan3A_39 = arith.constant 27 : i32
    %dma_wait3A = arith.constant 0 : i32
    %dma_wait3A_40 = arith.constant 0 : i32
    %dma_wait3A_41 = tpu.memref_slice %arg7[%dma_wait3A, %dma_wait3A_40] : memref<81x128xi32, #tpu.memory_space<vmem>> -> memref<1x128xi32, #tpu.memory_space<vmem>>
    %dma_wait3A_42 = tpu.memref_squeeze %dma_wait3A_41 : memref<1x128xi32, #tpu.memory_space<vmem>> -> memref<128xi32, #tpu.memory_space<vmem>>
    %dma_wait3A_43 = arith.constant 0 : i32
    %dma_wait3A_44 = arith.constant 0 : i32
    %dma_wait3A_45 = tpu.memref_slice %arg12[%dma_wait3A_43, %dma_wait3A_44] : memref<10240x64xf32, #tpu.memory_space<vmem_shared>> -> memref<10240x64xf32, #tpu.memory_space<vmem_shared>>
    tpu.wait_indirect_dma semaphore(%arg16 : memref<!tpu.dma_semaphore, #tpu.memory_space<semaphore_mem>>) src(%arg8 : memref<128x64xf32, #tpu.memory_space<vmem>>) dst(%dma_wait3A_45 : memref<10240x64xf32, #tpu.memory_space<vmem_shared>>)
    %dma_wait3A_46 = arith.constant 0 : i32
    %dma_wait3A_47 = arith.constant 0 : i32
    %dma_wait3A_48 = tpu.memref_slice %arg7[%dma_wait3A_46, %dma_wait3A_47] : memref<81x128xi32, #tpu.memory_space<vmem>> -> memref<1x128xi32, #tpu.memory_space<vmem>>
    %dma_wait3A_49 = tpu.memref_squeeze %dma_wait3A_48 : memref<1x128xi32, #tpu.memory_space<vmem>> -> memref<128xi32, #tpu.memory_space<vmem>>
    %dma_wait3A_50 = arith.constant 0 : i32
    %dma_wait3A_51 = arith.constant 0 : i32
    %dma_wait3A_52 = tpu.memref_slice %arg12[%dma_wait3A_50, %dma_wait3A_51] : memref<10240x64xf32, #tpu.memory_space<vmem_shared>> -> memref<10240x64xf32, #tpu.memory_space<vmem_shared>>
    tpu.wait_indirect_dma semaphore(%arg17 : memref<!tpu.dma_semaphore, #tpu.memory_space<semaphore_mem>>) src(%arg9 : memref<128x64xf32, #tpu.memory_space<vmem>>) dst(%dma_wait3A_52 : memref<10240x64xf32, #tpu.memory_space<vmem_shared>>)
    %dma_wait3A_53 = arith.constant 0 : i32
    %dma_wait3A_54 = arith.constant 0 : i32
    %dma_wait3A_55 = tpu.memref_slice %arg7[%dma_wait3A_53, %dma_wait3A_54] : memref<81x128xi32, #tpu.memory_space<vmem>> -> memref<1x128xi32, #tpu.memory_space<vmem>>
    %dma_wait3A_56 = tpu.memref_squeeze %dma_wait3A_55 : memref<1x128xi32, #tpu.memory_space<vmem>> -> memref<128xi32, #tpu.memory_space<vmem>>
    %dma_wait3A_57 = arith.constant 0 : i32
    %dma_wait3A_58 = arith.constant 0 : i32
    %dma_wait3A_59 = tpu.memref_slice %arg12[%dma_wait3A_57, %dma_wait3A_58] : memref<10240x64xf32, #tpu.memory_space<vmem_shared>> -> memref<10240x64xf32, #tpu.memory_space<vmem_shared>>
    tpu.wait_indirect_dma semaphore(%arg18 : memref<!tpu.dma_semaphore, #tpu.memory_space<semaphore_mem>>) src(%arg10 : memref<128x64xf32, #tpu.memory_space<vmem>>) dst(%dma_wait3A_59 : memref<10240x64xf32, #tpu.memory_space<vmem_shared>>)
    %barrier3A_60 = arith.constant 0 : index
    tpu.barrier barrier_id(%barrier3A_60)
    %mul3A_61 = arith.constant 640 : i32
    %mul3A_62 = arith.muli %arg1, %mul3A_61 : i32
    %mul3A_63 = arith.constant 640 : i32
    %mul3A_64 = arith.muli %arg1, %mul3A_63 : i32
    %run_scoped3A_65 = arith.constant 0 : i32
    "tpu.region"() ({
      %run_scoped3A_131 = tpu.sem_alloc : memref<!tpu.dma_semaphore, #tpu.memory_space<semaphore_mem>>
      %dma_start3A_132 = arith.constant 0 : i32
      %dma_start3A_133 = tpu.memref_slice %arg5[%arg0, %run_scoped3A_65, %mul3A_64, %dma_start3A_132] : memref<2x2x10240x64xf32, #tpu.memory_space<hbm>> -> memref<1x1x640x64xf32, #tpu.memory_space<hbm>>
      %dma_start3A_134 = tpu.memref_squeeze %dma_start3A_133 : memref<1x1x640x64xf32, #tpu.memory_space<hbm>> -> memref<640x64xf32, #tpu.memory_space<hbm>>
      %dma_start3A_135 = arith.constant 0 : i32
      %dma_start3A_136 = tpu.memref_slice %arg12[%mul3A_62, %dma_start3A_135] : memref<10240x64xf32, #tpu.memory_space<vmem_shared>> -> memref<640x64xf32, #tpu.memory_space<vmem_shared>>
      tpu.enqueue_dma source(%dma_start3A_136 : memref<640x64xf32, #tpu.memory_space<vmem_shared>>) target(%dma_start3A_134 : memref<640x64xf32, #tpu.memory_space<hbm>>) target_semaphore(%run_scoped3A_131 : memref<!tpu.dma_semaphore, #tpu.memory_space<semaphore_mem>>)
      %dma_wait3A_137 = arith.constant 0 : i32
      %dma_wait3A_138 = tpu.memref_slice %arg5[%arg0, %run_scoped3A_65, %mul3A_64, %dma_wait3A_137] : memref<2x2x10240x64xf32, #tpu.memory_space<hbm>> -> memref<1x1x640x64xf32, #tpu.memory_space<hbm>>
      %dma_wait3A_139 = tpu.memref_squeeze %dma_wait3A_138 : memref<1x1x640x64xf32, #tpu.memory_space<hbm>> -> memref<640x64xf32, #tpu.memory_space<hbm>>
      %dma_wait3A_140 = arith.constant 0 : i32
      %dma_wait3A_141 = tpu.memref_slice %arg12[%mul3A_62, %dma_wait3A_140] : memref<10240x64xf32, #tpu.memory_space<vmem_shared>> -> memref<640x64xf32, #tpu.memory_space<vmem_shared>>
      tpu.wait_dma2 semaphore(%run_scoped3A_131 : memref<!tpu.dma_semaphore, #tpu.memory_space<semaphore_mem>>) src(%dma_wait3A_141 : memref<640x64xf32, #tpu.memory_space<vmem_shared>>) dst(%dma_wait3A_139 : memref<640x64xf32, #tpu.memory_space<hbm>>)
      tpu.yield
    }) : () -> ()
    %mul3A_66 = arith.constant 640 : i32
    %mul3A_67 = arith.muli %arg1, %mul3A_66 : i32
    %mul3A_68 = arith.constant 640 : i32
    %mul3A_69 = arith.muli %arg1, %mul3A_68 : i32
    %run_scoped3A_70 = arith.constant 1 : i32
    "tpu.region"() ({
      %run_scoped3A_131 = tpu.sem_alloc : memref<!tpu.dma_semaphore, #tpu.memory_space<semaphore_mem>>
      %dma_start3A_132 = arith.constant 0 : i32
      %dma_start3A_133 = tpu.memref_slice %arg11[%mul3A_69, %dma_start3A_132] : memref<10240x64xf32, #tpu.memory_space<vmem_shared>> -> memref<640x64xf32, #tpu.memory_space<vmem_shared>>
      %dma_start3A_134 = arith.constant 0 : i32
      %dma_start3A_135 = tpu.memref_slice %arg2[%run_scoped3A_70, %mul3A_67, %dma_start3A_134] : memref<2x10240x64xf32, #tpu.memory_space<hbm>> -> memref<1x640x64xf32, #tpu.memory_space<hbm>>
      %dma_start3A_136 = tpu.memref_squeeze %dma_start3A_135 : memref<1x640x64xf32, #tpu.memory_space<hbm>> -> memref<640x64xf32, #tpu.memory_space<hbm>>
      tpu.enqueue_dma source(%dma_start3A_136 : memref<640x64xf32, #tpu.memory_space<hbm>>) target(%dma_start3A_133 : memref<640x64xf32, #tpu.memory_space<vmem_shared>>) target_semaphore(%run_scoped3A_131 : memref<!tpu.dma_semaphore, #tpu.memory_space<semaphore_mem>>)
      %dma_wait3A_137 = arith.constant 0 : i32
      %dma_wait3A_138 = tpu.memref_slice %arg11[%mul3A_69, %dma_wait3A_137] : memref<10240x64xf32, #tpu.memory_space<vmem_shared>> -> memref<640x64xf32, #tpu.memory_space<vmem_shared>>
      %dma_wait3A_139 = arith.constant 0 : i32
      %dma_wait3A_140 = tpu.memref_slice %arg2[%run_scoped3A_70, %mul3A_67, %dma_wait3A_139] : memref<2x10240x64xf32, #tpu.memory_space<hbm>> -> memref<1x640x64xf32, #tpu.memory_space<hbm>>
      %dma_wait3A_141 = tpu.memref_squeeze %dma_wait3A_140 : memref<1x640x64xf32, #tpu.memory_space<hbm>> -> memref<640x64xf32, #tpu.memory_space<hbm>>
      tpu.wait_dma2 semaphore(%run_scoped3A_131 : memref<!tpu.dma_semaphore, #tpu.memory_space<semaphore_mem>>) src(%dma_wait3A_141 : memref<640x64xf32, #tpu.memory_space<hbm>>) dst(%dma_wait3A_138 : memref<640x64xf32, #tpu.memory_space<vmem_shared>>)
      tpu.yield
    }) : () -> ()
    %scan3A_71 = arith.constant 0 : i32
    %scan3A_72 = arith.constant 0 : i32
    %scan3A_73 = arith.constant 512 : i32
    %scan3A_74 = arith.addi %scan3A_72, %scan3A_73 : i32
    %scan3A_75 = arith.constant 1 : i32
    scf.for %scan3A_131 = %scan3A_72 to %scan3A_74 step %scan3A_75  : i32 {
      %jit3A = arith.constant 4 : i32
      %div3A = arith.divsi %scan3A_131, %jit3A : i32
      %sign3A = arith.constant 0 : i32
      %sign3A_132 = arith.cmpi sgt, %scan3A_131, %sign3A : i32
      %sign3A_133 = arith.extui %sign3A_132 : i1 to i32
      %sign3A_134 = arith.constant 0 : i32
      %sign3A_135 = arith.cmpi slt, %scan3A_131, %sign3A_134 : i32
      %sign3A_136 = arith.extui %sign3A_135 : i1 to i32
      %sign3A_137 = arith.subi %sign3A_133, %sign3A_136 : i32
      %sign3A_138 = arith.constant 0 : i32
      %sign3A_139 = arith.cmpi sgt, %jit3A, %sign3A_138 : i32
      %sign3A_140 = arith.extui %sign3A_139 : i1 to i32
      %sign3A_141 = arith.constant 0 : i32
      %sign3A_142 = arith.cmpi slt, %jit3A, %sign3A_141 : i32
      %sign3A_143 = arith.extui %sign3A_142 : i1 to i32
      %sign3A_144 = arith.subi %sign3A_140, %sign3A_143 : i32
      %ne3A = arith.cmpi ne, %sign3A_137, %sign3A_144 : i32
      %rem3A = arith.remsi %scan3A_131, %jit3A : i32
      %ne3A_145 = arith.constant 0 : i32
      %ne3A_146 = arith.cmpi ne, %rem3A, %ne3A_145 : i32
      %and3A = arith.andi %ne3A, %ne3A_146 : i1
      %sub3A = arith.constant 1 : i32
      %sub3A_147 = arith.subi %div3A, %sub3A : i32
      %select_n3A = arith.select %and3A, %sub3A_147, %div3A : i32
      %jit3A_148 = arith.constant 4 : i32
      %eq3A = arith.constant 0 : i32
      %eq3A_149 = arith.cmpi eq, %jit3A_148, %eq3A : i32
      %jit3A_150 = arith.constant 1 : i32
      %select_n3A_151 = arith.select %eq3A_149, %jit3A_150, %jit3A_148 : i32
      %rem3A_152 = arith.remsi %scan3A_131, %select_n3A_151 : i32
      %ne3A_153 = arith.constant 0 : i32
      %ne3A_154 = arith.cmpi ne, %rem3A_152, %ne3A_153 : i32
      %lt3A = arith.constant 0 : i32
      %lt3A_155 = arith.cmpi slt, %rem3A_152, %lt3A : i32
      %lt3A_156 = arith.constant 0 : i32
      %lt3A_157 = arith.cmpi slt, %select_n3A_151, %lt3A_156 : i32
      %ne3A_158 = arith.xori %lt3A_155, %lt3A_157 : i1
      %and3A_159 = arith.andi %ne3A_158, %ne3A_154 : i1
      %add3A_160 = arith.addi %rem3A_152, %select_n3A_151 : i32
      %select_n3A_161 = arith.select %and3A_159, %add3A_160, %rem3A_152 : i32
      %mul3A_162 = arith.constant 16 : i32
      %mul3A_163 = arith.muli %select_n3A_161, %mul3A_162 : i32
      %swap3A = arith.index_cast %select_n3A : i32 to index
      %swap3A_164 = arith.index_cast %mul3A_163 : i32 to index
      %swap3A_165 = tpu.vector_load %arg8[%swap3A, %swap3A_164] {strides = array<i32>} : memref<128x64xf32, #tpu.memory_space<vmem>>, vector<1x16xf32>,
      %swap3A_166 = vector.shape_cast %swap3A_165 : vector<1x16xf32> to vector<16xf32>
      %swap3A_167 = vector.shape_cast %broadcast_in_dim3A_5 : vector<16xf32> to vector<1x16xf32>
      tpu.vector_store %arg8[%swap3A, %swap3A_164], %swap3A_167 {strides = array<i32>} : memref<128x64xf32, #tpu.memory_space<vmem>>, vector<1x16xf32>,
    }
    %scan3A_76 = arith.constant 512 : i32
    %scan3A_77 = arith.constant 0 : i32
    %scan3A_78 = arith.constant 0 : i32
    %scan3A_79 = arith.constant 5 : i32
    %scan3A_80 = arith.addi %scan3A_78, %scan3A_79 : i32
    %scan3A_81 = arith.constant 1 : i32
    scf.for %scan3A_131 = %scan3A_78 to %scan3A_80 step %scan3A_81  : i32 {
      %mul3A_132 = arith.constant 640 : i32
      %mul3A_133 = arith.muli %arg1, %mul3A_132 : i32
      %mul3A_134 = arith.constant 128 : i32
      %mul3A_135 = arith.muli %scan3A_131, %mul3A_134 : i32
      %add3A_136 = arith.addi %mul3A_133, %mul3A_135 : i32
      "tpu.region"() ({
        %run_scoped3A_137 = tpu.sem_alloc : memref<!tpu.dma_semaphore, #tpu.memory_space<semaphore_mem>>
        %dma_start3A_138 = arith.constant 0 : i32
        %dma_start3A_139 = tpu.memref_slice %arg12[%add3A_136, %dma_start3A_138] : memref<10240x64xf32, #tpu.memory_space<vmem_shared>> -> memref<128x64xf32, #tpu.memory_space<vmem_shared>>
        %dma_start3A_140 = arith.constant 0 : i32
        %dma_start3A_141 = tpu.memref_slice %arg12[%add3A_136, %dma_start3A_140] : memref<10240x64xf32, #tpu.memory_space<vmem_shared>> -> memref<128x64xf32, #tpu.memory_space<vmem_shared>>
        tpu.enqueue_dma source(%arg8 : memref<128x64xf32, #tpu.memory_space<vmem>>) target(%dma_start3A_141 : memref<128x64xf32, #tpu.memory_space<vmem_shared>>) target_semaphore(%run_scoped3A_137 : memref<!tpu.dma_semaphore, #tpu.memory_space<semaphore_mem>>)
        %dma_wait3A_142 = arith.constant 0 : i32
        %dma_wait3A_143 = tpu.memref_slice %arg12[%add3A_136, %dma_wait3A_142] : memref<10240x64xf32, #tpu.memory_space<vmem_shared>> -> memref<128x64xf32, #tpu.memory_space<vmem_shared>>
        %dma_wait3A_144 = arith.constant 0 : i32
        %dma_wait3A_145 = tpu.memref_slice %arg12[%add3A_136, %dma_wait3A_144] : memref<10240x64xf32, #tpu.memory_space<vmem_shared>> -> memref<128x64xf32, #tpu.memory_space<vmem_shared>>
        tpu.wait_dma2 semaphore(%run_scoped3A_137 : memref<!tpu.dma_semaphore, #tpu.memory_space<semaphore_mem>>) src(%arg8 : memref<128x64xf32, #tpu.memory_space<vmem>>) dst(%dma_wait3A_145 : memref<128x64xf32, #tpu.memory_space<vmem_shared>>)
        tpu.yield
      }) : () -> ()
    }
    %scan3A_82 = arith.constant 5 : i32
    %barrier3A_83 = arith.constant 0 : index
    tpu.barrier barrier_id(%barrier3A_83)
    %dma_start3A_84 = arith.constant 0 : i32
    %dma_start3A_85 = arith.constant 0 : i32
    %dma_start3A_86 = tpu.memref_slice %arg6[%dma_start3A_84, %dma_start3A_85] : memref<81x128xi32, #tpu.memory_space<vmem>> -> memref<1x128xi32, #tpu.memory_space<vmem>>
    %dma_start3A_87 = tpu.memref_squeeze %dma_start3A_86 : memref<1x128xi32, #tpu.memory_space<vmem>> -> memref<128xi32, #tpu.memory_space<vmem>>
    %dma_start3A_88 = arith.constant 0 : i32
    %dma_start3A_89 = arith.constant 0 : i32
    %dma_start3A_90 = tpu.memref_slice %arg11[%dma_start3A_88, %dma_start3A_89] : memref<10240x64xf32, #tpu.memory_space<vmem_shared>> -> memref<10240x64xf32, #tpu.memory_space<vmem_shared>>
    tpu.enqueue_indirect_dma source(%dma_start3A_90 : memref<10240x64xf32, #tpu.memory_space<vmem_shared>>) target(%arg8 : memref<128x64xf32, #tpu.memory_space<vmem>>) offsets(%dma_start3A_87 : memref<128xi32, #tpu.memory_space<vmem>>) semaphore(%arg13 : memref<!tpu.dma_semaphore, #tpu.memory_space<semaphore_mem>>)
    %dma_start3A_91 = arith.constant 1 : i32
    %dma_start3A_92 = arith.constant 0 : i32
    %dma_start3A_93 = tpu.memref_slice %arg6[%dma_start3A_91, %dma_start3A_92] : memref<81x128xi32, #tpu.memory_space<vmem>> -> memref<1x128xi32, #tpu.memory_space<vmem>>
    %dma_start3A_94 = tpu.memref_squeeze %dma_start3A_93 : memref<1x128xi32, #tpu.memory_space<vmem>> -> memref<128xi32, #tpu.memory_space<vmem>>
    %dma_start3A_95 = arith.constant 0 : i32
    %dma_start3A_96 = arith.constant 0 : i32
    %dma_start3A_97 = tpu.memref_slice %arg11[%dma_start3A_95, %dma_start3A_96] : memref<10240x64xf32, #tpu.memory_space<vmem_shared>> -> memref<10240x64xf32, #tpu.memory_space<vmem_shared>>
    tpu.enqueue_indirect_dma source(%dma_start3A_97 : memref<10240x64xf32, #tpu.memory_space<vmem_shared>>) target(%arg9 : memref<128x64xf32, #tpu.memory_space<vmem>>) offsets(%dma_start3A_94 : memref<128xi32, #tpu.memory_space<vmem>>) semaphore(%arg14 : memref<!tpu.dma_semaphore, #tpu.memory_space<semaphore_mem>>)
    %scan3A_98 = arith.constant 0 : i32
    %scan3A_99 = arith.constant 0 : i32
    %scan3A_100 = arith.constant 27 : i32
    %scan3A_101 = arith.addi %scan3A_99, %scan3A_100 : i32
    %scan3A_102 = arith.constant 1 : i32
    scf.for %scan3A_131 = %scan3A_99 to %scan3A_101 step %scan3A_102  : i32 {
      %mul3A_132 = arith.constant 3 : i32
      %mul3A_133 = arith.muli %mul3A_132, %scan3A_131 : i32
      %add3A_134 = arith.constant 0 : i32
      %add3A_135 = arith.addi %mul3A_133, %add3A_134 : i32
      %dma_wait3A_136 = arith.constant 0 : i32
      %dma_wait3A_137 = tpu.memref_slice %arg6[%add3A_135, %dma_wait3A_136] : memref<81x128xi32, #tpu.memory_space<vmem>> -> memref<1x128xi32, #tpu.memory_space<vmem>>
      %dma_wait3A_138 = tpu.memref_squeeze %dma_wait3A_137 : memref<1x128xi32, #tpu.memory_space<vmem>> -> memref<128xi32, #tpu.memory_space<vmem>>
      %dma_wait3A_139 = arith.constant 0 : i32
      %dma_wait3A_140 = arith.constant 0 : i32
      %dma_wait3A_141 = tpu.memref_slice %arg11[%dma_wait3A_139, %dma_wait3A_140] : memref<10240x64xf32, #tpu.memory_space<vmem_shared>> -> memref<10240x64xf32, #tpu.memory_space<vmem_shared>>
      tpu.wait_indirect_dma semaphore(%arg13 : memref<!tpu.dma_semaphore, #tpu.memory_space<semaphore_mem>>) src(%dma_wait3A_141 : memref<10240x64xf32, #tpu.memory_space<vmem_shared>>) dst(%arg8 : memref<128x64xf32, #tpu.memory_space<vmem>>)
      %dma_start3A_142 = arith.constant 0 : i32
      %dma_start3A_143 = tpu.memref_slice %arg7[%add3A_135, %dma_start3A_142] : memref<81x128xi32, #tpu.memory_space<vmem>> -> memref<1x128xi32, #tpu.memory_space<vmem>>
      %dma_start3A_144 = tpu.memref_squeeze %dma_start3A_143 : memref<1x128xi32, #tpu.memory_space<vmem>> -> memref<128xi32, #tpu.memory_space<vmem>>
      %dma_start3A_145 = arith.constant 0 : i32
      %dma_start3A_146 = arith.constant 0 : i32
      %dma_start3A_147 = tpu.memref_slice %arg12[%dma_start3A_145, %dma_start3A_146] : memref<10240x64xf32, #tpu.memory_space<vmem_shared>> -> memref<10240x64xf32, #tpu.memory_space<vmem_shared>>
      tpu.enqueue_indirect_dma source(%arg8 : memref<128x64xf32, #tpu.memory_space<vmem>>) target(%dma_start3A_147 : memref<10240x64xf32, #tpu.memory_space<vmem_shared>>) offsets(%dma_start3A_144 : memref<128xi32, #tpu.memory_space<vmem>>) semaphore(%arg16 : memref<!tpu.dma_semaphore, #tpu.memory_space<semaphore_mem>>) {add = true}
      %ge3A = arith.constant 1 : i32
      %ge3A_148 = arith.cmpi sge, %add3A_135, %ge3A : i32
      %add3A_149 = arith.constant 2 : i32
      %add3A_150 = arith.addi %add3A_135, %add3A_149 : i32
      %lt3A = arith.constant 81 : i32
      %lt3A_151 = arith.cmpi slt, %add3A_150, %lt3A : i32
      %and3A = arith.andi %ge3A_148, %lt3A_151 : i1
      %convert_element_type3A = arith.extui %and3A : i1 to i32
      %cond3A = arith.constant 0 : i32
      %cond3A_152 = arith.cmpi ne, %convert_element_type3A, %cond3A : i32
      scf.if %cond3A_152 {
        %dma_wait3A_226 = arith.constant 0 : i32
        %dma_wait3A_227 = tpu.memref_slice %arg7[%add3A_135, %dma_wait3A_226] : memref<81x128xi32, #tpu.memory_space<vmem>> -> memref<1x128xi32, #tpu.memory_space<vmem>>
        %dma_wait3A_228 = tpu.memref_squeeze %dma_wait3A_227 : memref<1x128xi32, #tpu.memory_space<vmem>> -> memref<128xi32, #tpu.memory_space<vmem>>
        %dma_wait3A_229 = arith.constant 0 : i32
        %dma_wait3A_230 = arith.constant 0 : i32
        %dma_wait3A_231 = tpu.memref_slice %arg12[%dma_wait3A_229, %dma_wait3A_230] : memref<10240x64xf32, #tpu.memory_space<vmem_shared>> -> memref<10240x64xf32, #tpu.memory_space<vmem_shared>>
        tpu.wait_indirect_dma semaphore(%arg18 : memref<!tpu.dma_semaphore, #tpu.memory_space<semaphore_mem>>) src(%arg10 : memref<128x64xf32, #tpu.memory_space<vmem>>) dst(%dma_wait3A_231 : memref<10240x64xf32, #tpu.memory_space<vmem_shared>>)
      } else {
      }
      %add3A_153 = arith.constant 2 : i32
      %add3A_154 = arith.addi %add3A_135, %add3A_153 : i32
      %lt3A_155 = arith.constant 81 : i32
      %lt3A_156 = arith.cmpi slt, %add3A_154, %lt3A_155 : i32
      %convert_element_type3A_157 = arith.extui %lt3A_156 : i1 to i32
      %cond3A_158 = arith.constant 0 : i32
      %cond3A_159 = arith.cmpi ne, %convert_element_type3A_157, %cond3A_158 : i32
      scf.if %cond3A_159 {
        %add3A_226 = arith.constant 2 : i32
        %add3A_227 = arith.addi %add3A_135, %add3A_226 : i32
        %dma_start3A_228 = arith.constant 0 : i32
        %dma_start3A_229 = tpu.memref_slice %arg6[%add3A_227, %dma_start3A_228] : memref<81x128xi32, #tpu.memory_space<vmem>> -> memref<1x128xi32, #tpu.memory_space<vmem>>
        %dma_start3A_230 = tpu.memref_squeeze %dma_start3A_229 : memref<1x128xi32, #tpu.memory_space<vmem>> -> memref<128xi32, #tpu.memory_space<vmem>>
        %dma_start3A_231 = arith.constant 0 : i32
        %dma_start3A_232 = arith.constant 0 : i32
        %dma_start3A_233 = tpu.memref_slice %arg11[%dma_start3A_231, %dma_start3A_232] : memref<10240x64xf32, #tpu.memory_space<vmem_shared>> -> memref<10240x64xf32, #tpu.memory_space<vmem_shared>>
        tpu.enqueue_indirect_dma source(%dma_start3A_233 : memref<10240x64xf32, #tpu.memory_space<vmem_shared>>) target(%arg10 : memref<128x64xf32, #tpu.memory_space<vmem>>) offsets(%dma_start3A_230 : memref<128xi32, #tpu.memory_space<vmem>>) semaphore(%arg15 : memref<!tpu.dma_semaphore, #tpu.memory_space<semaphore_mem>>)
      } else {
      }
      %mul3A_160 = arith.constant 3 : i32
      %mul3A_161 = arith.muli %mul3A_160, %scan3A_131 : i32
      %add3A_162 = arith.constant 1 : i32
      %add3A_163 = arith.addi %mul3A_161, %add3A_162 : i32
      %dma_wait3A_164 = arith.constant 0 : i32
      %dma_wait3A_165 = tpu.memref_slice %arg6[%add3A_163, %dma_wait3A_164] : memref<81x128xi32, #tpu.memory_space<vmem>> -> memref<1x128xi32, #tpu.memory_space<vmem>>
      %dma_wait3A_166 = tpu.memref_squeeze %dma_wait3A_165 : memref<1x128xi32, #tpu.memory_space<vmem>> -> memref<128xi32, #tpu.memory_space<vmem>>
      %dma_wait3A_167 = arith.constant 0 : i32
      %dma_wait3A_168 = arith.constant 0 : i32
      %dma_wait3A_169 = tpu.memref_slice %arg11[%dma_wait3A_167, %dma_wait3A_168] : memref<10240x64xf32, #tpu.memory_space<vmem_shared>> -> memref<10240x64xf32, #tpu.memory_space<vmem_shared>>
      tpu.wait_indirect_dma semaphore(%arg14 : memref<!tpu.dma_semaphore, #tpu.memory_space<semaphore_mem>>) src(%dma_wait3A_169 : memref<10240x64xf32, #tpu.memory_space<vmem_shared>>) dst(%arg9 : memref<128x64xf32, #tpu.memory_space<vmem>>)
      %dma_start3A_170 = arith.constant 0 : i32
      %dma_start3A_171 = tpu.memref_slice %arg7[%add3A_163, %dma_start3A_170] : memref<81x128xi32, #tpu.memory_space<vmem>> -> memref<1x128xi32, #tpu.memory_space<vmem>>
      %dma_start3A_172 = tpu.memref_squeeze %dma_start3A_171 : memref<1x128xi32, #tpu.memory_space<vmem>> -> memref<128xi32, #tpu.memory_space<vmem>>
      %dma_start3A_173 = arith.constant 0 : i32
      %dma_start3A_174 = arith.constant 0 : i32
      %dma_start3A_175 = tpu.memref_slice %arg12[%dma_start3A_173, %dma_start3A_174] : memref<10240x64xf32, #tpu.memory_space<vmem_shared>> -> memref<10240x64xf32, #tpu.memory_space<vmem_shared>>
      tpu.enqueue_indirect_dma source(%arg9 : memref<128x64xf32, #tpu.memory_space<vmem>>) target(%dma_start3A_175 : memref<10240x64xf32, #tpu.memory_space<vmem_shared>>) offsets(%dma_start3A_172 : memref<128xi32, #tpu.memory_space<vmem>>) semaphore(%arg17 : memref<!tpu.dma_semaphore, #tpu.memory_space<semaphore_mem>>) {add = true}
      %ge3A_176 = arith.constant 1 : i32
      %ge3A_177 = arith.cmpi sge, %add3A_163, %ge3A_176 : i32
      %add3A_178 = arith.constant 2 : i32
      %add3A_179 = arith.addi %add3A_163, %add3A_178 : i32
      %lt3A_180 = arith.constant 81 : i32
      %lt3A_181 = arith.cmpi slt, %add3A_179, %lt3A_180 : i32
      %and3A_182 = arith.andi %ge3A_177, %lt3A_181 : i1
      %convert_element_type3A_183 = arith.extui %and3A_182 : i1 to i32
      %cond3A_184 = arith.constant 0 : i32
      %cond3A_185 = arith.cmpi ne, %convert_element_type3A_183, %cond3A_184 : i32
      scf.if %cond3A_185 {
        %dma_wait3A_226 = arith.constant 0 : i32
        %dma_wait3A_227 = tpu.memref_slice %arg7[%add3A_163, %dma_wait3A_226] : memref<81x128xi32, #tpu.memory_space<vmem>> -> memref<1x128xi32, #tpu.memory_space<vmem>>
        %dma_wait3A_228 = tpu.memref_squeeze %dma_wait3A_227 : memref<1x128xi32, #tpu.memory_space<vmem>> -> memref<128xi32, #tpu.memory_space<vmem>>
        %dma_wait3A_229 = arith.constant 0 : i32
        %dma_wait3A_230 = arith.constant 0 : i32
        %dma_wait3A_231 = tpu.memref_slice %arg12[%dma_wait3A_229, %dma_wait3A_230] : memref<10240x64xf32, #tpu.memory_space<vmem_shared>> -> memref<10240x64xf32, #tpu.memory_space<vmem_shared>>
        tpu.wait_indirect_dma semaphore(%arg16 : memref<!tpu.dma_semaphore, #tpu.memory_space<semaphore_mem>>) src(%arg8 : memref<128x64xf32, #tpu.memory_space<vmem>>) dst(%dma_wait3A_231 : memref<10240x64xf32, #tpu.memory_space<vmem_shared>>)
      } else {
      }
      %add3A_186 = arith.constant 2 : i32
      %add3A_187 = arith.addi %add3A_163, %add3A_186 : i32
      %lt3A_188 = arith.constant 81 : i32
      %lt3A_189 = arith.cmpi slt, %add3A_187, %lt3A_188 : i32
      %convert_element_type3A_190 = arith.extui %lt3A_189 : i1 to i32
      %cond3A_191 = arith.constant 0 : i32
      %cond3A_192 = arith.cmpi ne, %convert_element_type3A_190, %cond3A_191 : i32
      scf.if %cond3A_192 {
        %add3A_226 = arith.constant 2 : i32
        %add3A_227 = arith.addi %add3A_163, %add3A_226 : i32
        %dma_start3A_228 = arith.constant 0 : i32
        %dma_start3A_229 = tpu.memref_slice %arg6[%add3A_227, %dma_start3A_228] : memref<81x128xi32, #tpu.memory_space<vmem>> -> memref<1x128xi32, #tpu.memory_space<vmem>>
        %dma_start3A_230 = tpu.memref_squeeze %dma_start3A_229 : memref<1x128xi32, #tpu.memory_space<vmem>> -> memref<128xi32, #tpu.memory_space<vmem>>
        %dma_start3A_231 = arith.constant 0 : i32
        %dma_start3A_232 = arith.constant 0 : i32
        %dma_start3A_233 = tpu.memref_slice %arg11[%dma_start3A_231, %dma_start3A_232] : memref<10240x64xf32, #tpu.memory_space<vmem_shared>> -> memref<10240x64xf32, #tpu.memory_space<vmem_shared>>
        tpu.enqueue_indirect_dma source(%dma_start3A_233 : memref<10240x64xf32, #tpu.memory_space<vmem_shared>>) target(%arg8 : memref<128x64xf32, #tpu.memory_space<vmem>>) offsets(%dma_start3A_230 : memref<128xi32, #tpu.memory_space<vmem>>) semaphore(%arg13 : memref<!tpu.dma_semaphore, #tpu.memory_space<semaphore_mem>>)
      } else {
      }
      %mul3A_193 = arith.constant 3 : i32
      %mul3A_194 = arith.muli %mul3A_193, %scan3A_131 : i32
      %add3A_195 = arith.constant 2 : i32
      %add3A_196 = arith.addi %mul3A_194, %add3A_195 : i32
      %dma_wait3A_197 = arith.constant 0 : i32
      %dma_wait3A_198 = tpu.memref_slice %arg6[%add3A_196, %dma_wait3A_197] : memref<81x128xi32, #tpu.memory_space<vmem>> -> memref<1x128xi32, #tpu.memory_space<vmem>>
      %dma_wait3A_199 = tpu.memref_squeeze %dma_wait3A_198 : memref<1x128xi32, #tpu.memory_space<vmem>> -> memref<128xi32, #tpu.memory_space<vmem>>
      %dma_wait3A_200 = arith.constant 0 : i32
      %dma_wait3A_201 = arith.constant 0 : i32
      %dma_wait3A_202 = tpu.memref_slice %arg11[%dma_wait3A_200, %dma_wait3A_201] : memref<10240x64xf32, #tpu.memory_space<vmem_shared>> -> memref<10240x64xf32, #tpu.memory_space<vmem_shared>>
      tpu.wait_indirect_dma semaphore(%arg15 : memref<!tpu.dma_semaphore, #tpu.memory_space<semaphore_mem>>) src(%dma_wait3A_202 : memref<10240x64xf32, #tpu.memory_space<vmem_shared>>) dst(%arg10 : memref<128x64xf32, #tpu.memory_space<vmem>>)
      %dma_start3A_203 = arith.constant 0 : i32
      %dma_start3A_204 = tpu.memref_slice %arg7[%add3A_196, %dma_start3A_203] : memref<81x128xi32, #tpu.memory_space<vmem>> -> memref<1x128xi32, #tpu.memory_space<vmem>>
      %dma_start3A_205 = tpu.memref_squeeze %dma_start3A_204 : memref<1x128xi32, #tpu.memory_space<vmem>> -> memref<128xi32, #tpu.memory_space<vmem>>
      %dma_start3A_206 = arith.constant 0 : i32
      %dma_start3A_207 = arith.constant 0 : i32
      %dma_start3A_208 = tpu.memref_slice %arg12[%dma_start3A_206, %dma_start3A_207] : memref<10240x64xf32, #tpu.memory_space<vmem_shared>> -> memref<10240x64xf32, #tpu.memory_space<vmem_shared>>
      tpu.enqueue_indirect_dma source(%arg10 : memref<128x64xf32, #tpu.memory_space<vmem>>) target(%dma_start3A_208 : memref<10240x64xf32, #tpu.memory_space<vmem_shared>>) offsets(%dma_start3A_205 : memref<128xi32, #tpu.memory_space<vmem>>) semaphore(%arg18 : memref<!tpu.dma_semaphore, #tpu.memory_space<semaphore_mem>>) {add = true}
      %ge3A_209 = arith.constant 1 : i32
      %ge3A_210 = arith.cmpi sge, %add3A_196, %ge3A_209 : i32
      %add3A_211 = arith.constant 2 : i32
      %add3A_212 = arith.addi %add3A_196, %add3A_211 : i32
      %lt3A_213 = arith.constant 81 : i32
      %lt3A_214 = arith.cmpi slt, %add3A_212, %lt3A_213 : i32
      %and3A_215 = arith.andi %ge3A_210, %lt3A_214 : i1
      %convert_element_type3A_216 = arith.extui %and3A_215 : i1 to i32
      %cond3A_217 = arith.constant 0 : i32
      %cond3A_218 = arith.cmpi ne, %convert_element_type3A_216, %cond3A_217 : i32
      scf.if %cond3A_218 {
        %dma_wait3A_226 = arith.constant 0 : i32
        %dma_wait3A_227 = tpu.memref_slice %arg7[%add3A_196, %dma_wait3A_226] : memref<81x128xi32, #tpu.memory_space<vmem>> -> memref<1x128xi32, #tpu.memory_space<vmem>>
        %dma_wait3A_228 = tpu.memref_squeeze %dma_wait3A_227 : memref<1x128xi32, #tpu.memory_space<vmem>> -> memref<128xi32, #tpu.memory_space<vmem>>
        %dma_wait3A_229 = arith.constant 0 : i32
        %dma_wait3A_230 = arith.constant 0 : i32
        %dma_wait3A_231 = tpu.memref_slice %arg12[%dma_wait3A_229, %dma_wait3A_230] : memref<10240x64xf32, #tpu.memory_space<vmem_shared>> -> memref<10240x64xf32, #tpu.memory_space<vmem_shared>>
        tpu.wait_indirect_dma semaphore(%arg17 : memref<!tpu.dma_semaphore, #tpu.memory_space<semaphore_mem>>) src(%arg9 : memref<128x64xf32, #tpu.memory_space<vmem>>) dst(%dma_wait3A_231 : memref<10240x64xf32, #tpu.memory_space<vmem_shared>>)
      } else {
      }
      %add3A_219 = arith.constant 2 : i32
      %add3A_220 = arith.addi %add3A_196, %add3A_219 : i32
      %lt3A_221 = arith.constant 81 : i32
      %lt3A_222 = arith.cmpi slt, %add3A_220, %lt3A_221 : i32
      %convert_element_type3A_223 = arith.extui %lt3A_222 : i1 to i32
      %cond3A_224 = arith.constant 0 : i32
      %cond3A_225 = arith.cmpi ne, %convert_element_type3A_223, %cond3A_224 : i32
      scf.if %cond3A_225 {
        %add3A_226 = arith.constant 2 : i32
        %add3A_227 = arith.addi %add3A_196, %add3A_226 : i32
        %dma_start3A_228 = arith.constant 0 : i32
        %dma_start3A_229 = tpu.memref_slice %arg6[%add3A_227, %dma_start3A_228] : memref<81x128xi32, #tpu.memory_space<vmem>> -> memref<1x128xi32, #tpu.memory_space<vmem>>
        %dma_start3A_230 = tpu.memref_squeeze %dma_start3A_229 : memref<1x128xi32, #tpu.memory_space<vmem>> -> memref<128xi32, #tpu.memory_space<vmem>>
        %dma_start3A_231 = arith.constant 0 : i32
        %dma_start3A_232 = arith.constant 0 : i32
        %dma_start3A_233 = tpu.memref_slice %arg11[%dma_start3A_231, %dma_start3A_232] : memref<10240x64xf32, #tpu.memory_space<vmem_shared>> -> memref<10240x64xf32, #tpu.memory_space<vmem_shared>>
        tpu.enqueue_indirect_dma source(%dma_start3A_233 : memref<10240x64xf32, #tpu.memory_space<vmem_shared>>) target(%arg9 : memref<128x64xf32, #tpu.memory_space<vmem>>) offsets(%dma_start3A_230 : memref<128xi32, #tpu.memory_space<vmem>>) semaphore(%arg14 : memref<!tpu.dma_semaphore, #tpu.memory_space<semaphore_mem>>)
      } else {
      }
    }
    %scan3A_103 = arith.constant 27 : i32
    %dma_wait3A_104 = arith.constant 0 : i32
    %dma_wait3A_105 = arith.constant 0 : i32
    %dma_wait3A_106 = tpu.memref_slice %arg7[%dma_wait3A_104, %dma_wait3A_105] : memref<81x128xi32, #tpu.memory_space<vmem>> -> memref<1x128xi32, #tpu.memory_space<vmem>>
    %dma_wait3A_107 = tpu.memref_squeeze %dma_wait3A_106 : memref<1x128xi32, #tpu.memory_space<vmem>> -> memref<128xi32, #tpu.memory_space<vmem>>
    %dma_wait3A_108 = arith.constant 0 : i32
    %dma_wait3A_109 = arith.constant 0 : i32
    %dma_wait3A_110 = tpu.memref_slice %arg12[%dma_wait3A_108, %dma_wait3A_109] : memref<10240x64xf32, #tpu.memory_space<vmem_shared>> -> memref<10240x64xf32, #tpu.memory_space<vmem_shared>>
    tpu.wait_indirect_dma semaphore(%arg16 : memref<!tpu.dma_semaphore, #tpu.memory_space<semaphore_mem>>) src(%arg8 : memref<128x64xf32, #tpu.memory_space<vmem>>) dst(%dma_wait3A_110 : memref<10240x64xf32, #tpu.memory_space<vmem_shared>>)
    %dma_wait3A_111 = arith.constant 0 : i32
    %dma_wait3A_112 = arith.constant 0 : i32
    %dma_wait3A_113 = tpu.memref_slice %arg7[%dma_wait3A_111, %dma_wait3A_112] : memref<81x128xi32, #tpu.memory_space<vmem>> -> memref<1x128xi32, #tpu.memory_space<vmem>>
    %dma_wait3A_114 = tpu.memref_squeeze %dma_wait3A_113 : memref<1x128xi32, #tpu.memory_space<vmem>> -> memref<128xi32, #tpu.memory_space<vmem>>
    %dma_wait3A_115 = arith.constant 0 : i32
    %dma_wait3A_116 = arith.constant 0 : i32
    %dma_wait3A_117 = tpu.memref_slice %arg12[%dma_wait3A_115, %dma_wait3A_116] : memref<10240x64xf32, #tpu.memory_space<vmem_shared>> -> memref<10240x64xf32, #tpu.memory_space<vmem_shared>>
    tpu.wait_indirect_dma semaphore(%arg17 : memref<!tpu.dma_semaphore, #tpu.memory_space<semaphore_mem>>) src(%arg9 : memref<128x64xf32, #tpu.memory_space<vmem>>) dst(%dma_wait3A_117 : memref<10240x64xf32, #tpu.memory_space<vmem_shared>>)
    %dma_wait3A_118 = arith.constant 0 : i32
    %dma_wait3A_119 = arith.constant 0 : i32
    %dma_wait3A_120 = tpu.memref_slice %arg7[%dma_wait3A_118, %dma_wait3A_119] : memref<81x128xi32, #tpu.memory_space<vmem>> -> memref<1x128xi32, #tpu.memory_space<vmem>>
    %dma_wait3A_121 = tpu.memref_squeeze %dma_wait3A_120 : memref<1x128xi32, #tpu.memory_space<vmem>> -> memref<128xi32, #tpu.memory_space<vmem>>
    %dma_wait3A_122 = arith.constant 0 : i32
    %dma_wait3A_123 = arith.constant 0 : i32
    %dma_wait3A_124 = tpu.memref_slice %arg12[%dma_wait3A_122, %dma_wait3A_123] : memref<10240x64xf32, #tpu.memory_space<vmem_shared>> -> memref<10240x64xf32, #tpu.memory_space<vmem_shared>>
    tpu.wait_indirect_dma semaphore(%arg18 : memref<!tpu.dma_semaphore, #tpu.memory_space<semaphore_mem>>) src(%arg10 : memref<128x64xf32, #tpu.memory_space<vmem>>) dst(%dma_wait3A_124 : memref<10240x64xf32, #tpu.memory_space<vmem_shared>>)
    %barrier3A_125 = arith.constant 0 : index
    tpu.barrier barrier_id(%barrier3A_125)
    %mul3A_126 = arith.constant 640 : i32
    %mul3A_127 = arith.muli %arg1, %mul3A_126 : i32
    %mul3A_128 = arith.constant 640 : i32
    %mul3A_129 = arith.muli %arg1, %mul3A_128 : i32
    %run_scoped3A_130 = arith.constant 1 : i32
    "tpu.region"() ({
      %run_scoped3A_131 = tpu.sem_alloc : memref<!tpu.dma_semaphore, #tpu.memory_space<semaphore_mem>>
      %dma_start3A_132 = arith.constant 0 : i32
      %dma_start3A_133 = tpu.memref_slice %arg5[%arg0, %run_scoped3A_130, %mul3A_129, %dma_start3A_132] : memref<2x2x10240x64xf32, #tpu.memory_space<hbm>> -> memref<1x1x640x64xf32, #tpu.memory_space<hbm>>
      %dma_start3A_134 = tpu.memref_squeeze %dma_start3A_133 : memref<1x1x640x64xf32, #tpu.memory_space<hbm>> -> memref<640x64xf32, #tpu.memory_space<hbm>>
      %dma_start3A_135 = arith.constant 0 : i32
      %dma_start3A_136 = tpu.memref_slice %arg12[%mul3A_127, %dma_start3A_135] : memref<10240x64xf32, #tpu.memory_space<vmem_shared>> -> memref<640x64xf32, #tpu.memory_space<vmem_shared>>
      tpu.enqueue_dma source(%dma_start3A_136 : memref<640x64xf32, #tpu.memory_space<vmem_shared>>) target(%dma_start3A_134 : memref<640x64xf32, #tpu.memory_space<hbm>>) target_semaphore(%run_scoped3A_131 : memref<!tpu.dma_semaphore, #tpu.memory_space<semaphore_mem>>)
      %dma_wait3A_137 = arith.constant 0 : i32
      %dma_wait3A_138 = tpu.memref_slice %arg5[%arg0, %run_scoped3A_130, %mul3A_129, %dma_wait3A_137] : memref<2x2x10240x64xf32, #tpu.memory_space<hbm>> -> memref<1x1x640x64xf32, #tpu.memory_space<hbm>>
      %dma_wait3A_139 = tpu.memref_squeeze %dma_wait3A_138 : memref<1x1x640x64xf32, #tpu.memory_space<hbm>> -> memref<640x64xf32, #tpu.memory_space<hbm>>
      %dma_wait3A_140 = arith.constant 0 : i32
      %dma_wait3A_141 = tpu.memref_slice %arg12[%mul3A_127, %dma_wait3A_140] : memref<10240x64xf32, #tpu.memory_space<vmem_shared>> -> memref<640x64xf32, #tpu.memory_space<vmem_shared>>
      tpu.wait_dma2 semaphore(%run_scoped3A_131 : memref<!tpu.dma_semaphore, #tpu.memory_space<semaphore_mem>>) src(%dma_wait3A_141 : memref<640x64xf32, #tpu.memory_space<vmem_shared>>) dst(%dma_wait3A_139 : memref<640x64xf32, #tpu.memory_space<hbm>>)
      tpu.yield
    }) : () -> ()
    return
  }
}

module attributes {stable_mosaic.version = 14 : i64} {
  func.func @_layer_kernel(%arg0: memref<2x10240x64xf32, #tpu.memory_space<vmem>>, %arg1: memref<2x2x10240x64xf32, #tpu.memory_space<vmem>>, %arg2: memref<128x128xf32, #tpu.memory_space<vmem>>, %arg3: memref<1x128xf32, #tpu.memory_space<vmem>>, %arg4: memref<1x128xf32, #tpu.memory_space<vmem>>, %arg5: memref<1x128xf32, #tpu.memory_space<vmem>>, %arg6: memref<128x128xf32, #tpu.memory_space<vmem>>, %arg7: memref<1x128xf32, #tpu.memory_space<vmem>>, %arg8: memref<2x10240x64xf32, #tpu.memory_space<vmem>>) attributes {dimension_semantics = [], scalar_prefetch = 0 : i64, scratch_operands = 0 : i64, tpu.core_type = #tpu.core_type<tc>} {
    %get3A = arith.constant 0 : index
    %get3A_0 = arith.constant 0 : index
    %get3A_1 = arith.constant 0 : index
    %get3A_2 = vector.load %arg0[%get3A, %get3A_0, %get3A_1] : memref<2x10240x64xf32, #tpu.memory_space<vmem>>, vector<1x10000x64xf32>
    %get3A_3 = vector.shape_cast %get3A_2 : vector<1x10000x64xf32> to vector<10000x64xf32>
    %get3A_4 = arith.constant 1 : index
    %get3A_5 = arith.constant 0 : index
    %get3A_6 = arith.constant 0 : index
    %get3A_7 = vector.load %arg0[%get3A_4, %get3A_5, %get3A_6] : memref<2x10240x64xf32, #tpu.memory_space<vmem>>, vector<1x10000x64xf32>
    %get3A_8 = vector.shape_cast %get3A_7 : vector<1x10000x64xf32> to vector<10000x64xf32>
    %concatenate3A = tpu.concatenate %get3A_3, %get3A_8 in 1 : vector<10000x64xf32>, vector<10000x64xf32> -> vector<10000x128xf32>
    %get3A_9 = arith.constant 0 : index
    %get3A_10 = arith.constant 0 : index
    %get3A_11 = arith.constant 0 : index
    %get3A_12 = arith.constant 0 : index
    %get3A_13 = vector.load %arg1[%get3A_9, %get3A_10, %get3A_11, %get3A_12] : memref<2x2x10240x64xf32, #tpu.memory_space<vmem>>, vector<1x1x10000x64xf32>
    %get3A_14 = vector.shape_cast %get3A_13 : vector<1x1x10000x64xf32> to vector<10000x64xf32>
    %get3A_15 = arith.constant 1 : index
    %get3A_16 = arith.constant 0 : index
    %get3A_17 = arith.constant 0 : index
    %get3A_18 = arith.constant 0 : index
    %get3A_19 = vector.load %arg1[%get3A_15, %get3A_16, %get3A_17, %get3A_18] : memref<2x2x10240x64xf32, #tpu.memory_space<vmem>>, vector<1x1x10000x64xf32>
    %get3A_20 = vector.shape_cast %get3A_19 : vector<1x1x10000x64xf32> to vector<10000x64xf32>
    %add3A = arith.addf %get3A_14, %get3A_20 : vector<10000x64xf32>
    %get3A_21 = arith.constant 0 : index
    %get3A_22 = arith.constant 1 : index
    %get3A_23 = arith.constant 0 : index
    %get3A_24 = arith.constant 0 : index
    %get3A_25 = vector.load %arg1[%get3A_21, %get3A_22, %get3A_23, %get3A_24] : memref<2x2x10240x64xf32, #tpu.memory_space<vmem>>, vector<1x1x10000x64xf32>
    %get3A_26 = vector.shape_cast %get3A_25 : vector<1x1x10000x64xf32> to vector<10000x64xf32>
    %get3A_27 = arith.constant 1 : index
    %get3A_28 = arith.constant 1 : index
    %get3A_29 = arith.constant 0 : index
    %get3A_30 = arith.constant 0 : index
    %get3A_31 = vector.load %arg1[%get3A_27, %get3A_28, %get3A_29, %get3A_30] : memref<2x2x10240x64xf32, #tpu.memory_space<vmem>>, vector<1x1x10000x64xf32>
    %get3A_32 = vector.shape_cast %get3A_31 : vector<1x1x10000x64xf32> to vector<10000x64xf32>
    %add3A_33 = arith.addf %get3A_26, %get3A_32 : vector<10000x64xf32>
    %mul3A = arith.constant 1.000000e+00 : f32
    %mul3A_34 = vector.broadcast %mul3A : f32 to vector<10000x128xf32>
    %mul3A_35 = arith.mulf %mul3A_34, %concatenate3A : vector<10000x128xf32>
    %concatenate3A_36 = tpu.concatenate %add3A, %add3A_33 in 1 : vector<10000x64xf32>, vector<10000x64xf32> -> vector<10000x128xf32>
    %add3A_37 = arith.addf %mul3A_35, %concatenate3A_36 : vector<10000x128xf32>
    %get3A_38 = arith.constant 0 : index
    %get3A_39 = arith.constant 0 : index
    %get3A_40 = vector.load %arg2[%get3A_38, %get3A_39] : memref<128x128xf32, #tpu.memory_space<vmem>>, vector<128x128xf32>
    %get3A_41 = arith.constant 0 : index
    %get3A_42 = arith.constant 0 : index
    %get3A_43 = vector.load %arg3[%get3A_41, %get3A_42] : memref<1x128xf32, #tpu.memory_space<vmem>>, vector<1x128xf32>
    %get3A_44 = arith.constant 0 : index
    %get3A_45 = arith.constant 0 : index
    %get3A_46 = vector.load %arg4[%get3A_44, %get3A_45] : memref<1x128xf32, #tpu.memory_space<vmem>>, vector<1x128xf32>
    %get3A_47 = arith.constant 0 : index
    %get3A_48 = arith.constant 0 : index
    %get3A_49 = vector.load %arg5[%get3A_47, %get3A_48] : memref<1x128xf32, #tpu.memory_space<vmem>>, vector<1x128xf32>
    %get3A_50 = arith.constant 0 : index
    %get3A_51 = arith.constant 0 : index
    %get3A_52 = vector.load %arg6[%get3A_50, %get3A_51] : memref<128x128xf32, #tpu.memory_space<vmem>>, vector<128x128xf32>
    %get3A_53 = arith.constant 0 : index
    %get3A_54 = arith.constant 0 : index
    %get3A_55 = vector.load %arg7[%get3A_53, %get3A_54] : memref<1x128xf32, #tpu.memory_space<vmem>>, vector<1x128xf32>
    %dot_general3A = arith.constant dense<0.000000e+00> : vector<10000x128xf32>
    %dot_general3A_56 = tpu.matmul %add3A_37, %get3A_40, %dot_general3A {dimension_numbers = #tpu.dot_dimension_numbers<[1], [0], [0], [1], [0, 0, 1, 1], [], []>, transpose_lhs_hint = false} : vector<10000x128xf32>, vector<128x128xf32>, vector<10000x128xf32> -> vector<10000x128xf32>
    %add3A_57 = vector.broadcast %get3A_43 : vector<1x128xf32> to vector<10000x128xf32>
    %add3A_58 = arith.addf %dot_general3A_56, %add3A_57 : vector<10000x128xf32>
    %reduce_sum3A = arith.constant dense<0.000000e+00> : vector<128xf32>
    %reduce_sum3A_59 = vector.multi_reduction <add>, %add3A_58, %reduce_sum3A [0] : vector<10000x128xf32> to vector<128xf32>
    %broadcast_in_dim3A = vector.shape_cast %reduce_sum3A_59 : vector<128xf32> to vector<1x128xf32>
    %div3A = arith.constant 1.000000e+04 : f32
    %div3A_60 = vector.broadcast %div3A : f32 to vector<1x128xf32>
    %div3A_61 = arith.divf %broadcast_in_dim3A, %div3A_60 : vector<1x128xf32>
    %sub3A = vector.broadcast %div3A_61 : vector<1x128xf32> to vector<10000x128xf32>
    %sub3A_62 = arith.subf %add3A_58, %sub3A : vector<10000x128xf32>
    %integer_pow3A = arith.mulf %sub3A_62, %sub3A_62 : vector<10000x128xf32>
    %reduce_sum3A_63 = arith.constant dense<0.000000e+00> : vector<128xf32>
    %reduce_sum3A_64 = vector.multi_reduction <add>, %integer_pow3A, %reduce_sum3A_63 [0] : vector<10000x128xf32> to vector<128xf32>
    %broadcast_in_dim3A_65 = vector.shape_cast %reduce_sum3A_64 : vector<128xf32> to vector<1x128xf32>
    %div3A_66 = arith.constant 1.000000e+04 : f32
    %div3A_67 = vector.broadcast %div3A_66 : f32 to vector<1x128xf32>
    %div3A_68 = arith.divf %broadcast_in_dim3A_65, %div3A_67 : vector<1x128xf32>
    %sub3A_69 = vector.broadcast %div3A_61 : vector<1x128xf32> to vector<10000x128xf32>
    %sub3A_70 = arith.subf %add3A_58, %sub3A_69 : vector<10000x128xf32>
    %add3A_71 = arith.constant 9.99999974E-6 : f32
    %add3A_72 = vector.broadcast %add3A_71 : f32 to vector<1x128xf32>
    %add3A_73 = arith.addf %div3A_68, %add3A_72 : vector<1x128xf32>
    %sqrt3A = math.sqrt %add3A_73 : vector<1x128xf32>
    %div3A_74 = vector.broadcast %sqrt3A : vector<1x128xf32> to vector<10000x128xf32>
    %div3A_75 = arith.divf %sub3A_70, %div3A_74 : vector<10000x128xf32>
    %mul3A_76 = vector.broadcast %get3A_46 : vector<1x128xf32> to vector<10000x128xf32>
    %mul3A_77 = arith.mulf %div3A_75, %mul3A_76 : vector<10000x128xf32>
    %add3A_78 = vector.broadcast %get3A_49 : vector<1x128xf32> to vector<10000x128xf32>
    %add3A_79 = arith.addf %mul3A_77, %add3A_78 : vector<10000x128xf32>
    %max3A = arith.constant 0.000000e+00 : f32
    %max3A_80 = vector.broadcast %max3A : f32 to vector<10000x128xf32>
    %max3A_81 = arith.maximumf %add3A_79, %max3A_80 : vector<10000x128xf32>
    %dot_general3A_82 = arith.constant dense<0.000000e+00> : vector<10000x128xf32>
    %dot_general3A_83 = tpu.matmul %max3A_81, %get3A_52, %dot_general3A_82 {dimension_numbers = #tpu.dot_dimension_numbers<[1], [0], [0], [1], [0, 0, 1, 1], [], []>, transpose_lhs_hint = false} : vector<10000x128xf32>, vector<128x128xf32>, vector<10000x128xf32> -> vector<10000x128xf32>
    %add3A_84 = vector.broadcast %get3A_55 : vector<1x128xf32> to vector<10000x128xf32>
    %add3A_85 = arith.addf %dot_general3A_83, %add3A_84 : vector<10000x128xf32>
    %max3A_86 = arith.constant 0.000000e+00 : f32
    %max3A_87 = vector.broadcast %max3A_86 : f32 to vector<10000x128xf32>
    %max3A_88 = arith.maximumf %add3A_85, %max3A_87 : vector<10000x128xf32>
    %broadcast_in_dim3A_89 = arith.constant 0.000000e+00 : f32
    %broadcast_in_dim3A_90 = vector.broadcast %broadcast_in_dim3A_89 : f32 to vector<240x64xf32>
    %slice3A = vector.extract_strided_slice %max3A_88 {offsets = [0, 0], sizes = [10000, 64], strides = [1, 1]} : vector<10000x128xf32> to vector<10000x64xf32>
    %swap3A = arith.constant 0 : index
    %swap3A_91 = arith.constant 0 : index
    %swap3A_92 = arith.constant 0 : index
    %swap3A_93 = vector.load %arg8[%swap3A, %swap3A_91, %swap3A_92] : memref<2x10240x64xf32, #tpu.memory_space<vmem>>, vector<1x10000x64xf32>
    %swap3A_94 = vector.shape_cast %swap3A_93 : vector<1x10000x64xf32> to vector<10000x64xf32>
    %swap3A_95 = vector.shape_cast %slice3A : vector<10000x64xf32> to vector<1x10000x64xf32>
    tpu.vector_store %arg8[%swap3A, %swap3A_91, %swap3A_92], %swap3A_95 {strides = array<i32>} : memref<2x10240x64xf32, #tpu.memory_space<vmem>>, vector<1x10000x64xf32>,
    %slice3A_96 = vector.extract_strided_slice %max3A_88 {offsets = [0, 64], sizes = [10000, 64], strides = [1, 1]} : vector<10000x128xf32> to vector<10000x64xf32>
    %swap3A_97 = arith.constant 1 : index
    %swap3A_98 = arith.constant 0 : index
    %swap3A_99 = arith.constant 0 : index
    %swap3A_100 = vector.load %arg8[%swap3A_97, %swap3A_98, %swap3A_99] : memref<2x10240x64xf32, #tpu.memory_space<vmem>>, vector<1x10000x64xf32>
    %swap3A_101 = vector.shape_cast %swap3A_100 : vector<1x10000x64xf32> to vector<10000x64xf32>
    %swap3A_102 = vector.shape_cast %slice3A_96 : vector<10000x64xf32> to vector<1x10000x64xf32>
    tpu.vector_store %arg8[%swap3A_97, %swap3A_98, %swap3A_99], %swap3A_102 {strides = array<i32>} : memref<2x10240x64xf32, #tpu.memory_space<vmem>>, vector<1x10000x64xf32>,
    %swap3A_103 = arith.constant 0 : index
    %swap3A_104 = arith.constant 10000 : index
    %swap3A_105 = arith.constant 0 : index
    %swap3A_106 = vector.load %arg8[%swap3A_103, %swap3A_104, %swap3A_105] : memref<2x10240x64xf32, #tpu.memory_space<vmem>>, vector<1x240x64xf32>
    %swap3A_107 = vector.shape_cast %swap3A_106 : vector<1x240x64xf32> to vector<240x64xf32>
    %swap3A_108 = vector.shape_cast %broadcast_in_dim3A_90 : vector<240x64xf32> to vector<1x240x64xf32>
    tpu.vector_store %arg8[%swap3A_103, %swap3A_104, %swap3A_105], %swap3A_108 {strides = array<i32>} : memref<2x10240x64xf32, #tpu.memory_space<vmem>>, vector<1x240x64xf32>,
    %swap3A_109 = arith.constant 1 : index
    %swap3A_110 = arith.constant 10000 : index
    %swap3A_111 = arith.constant 0 : index
    %swap3A_112 = vector.load %arg8[%swap3A_109, %swap3A_110, %swap3A_111] : memref<2x10240x64xf32, #tpu.memory_space<vmem>>, vector<1x240x64xf32>
    %swap3A_113 = vector.shape_cast %swap3A_112 : vector<1x240x64xf32> to vector<240x64xf32>
    %swap3A_114 = vector.shape_cast %broadcast_in_dim3A_90 : vector<240x64xf32> to vector<1x240x64xf32>
    tpu.vector_store %arg8[%swap3A_109, %swap3A_110, %swap3A_111], %swap3A_114 {strides = array<i32>} : memref<2x10240x64xf32, #tpu.memory_space<vmem>>, vector<1x240x64xf32>,
    return
  }
}

module attributes {stable_mosaic.version = 14 : i64} {
  func.func @_final_kernel(%arg0: memref<2x10240x64xf32, #tpu.memory_space<vmem>>, %arg1: memref<2x2x10240x64xf32, #tpu.memory_space<vmem>>, %arg2: memref<128x128xf32, #tpu.memory_space<vmem>>, %arg3: memref<1x128xf32, #tpu.memory_space<vmem>>, %arg4: memref<1x128xf32, #tpu.memory_space<vmem>>, %arg5: memref<1x128xf32, #tpu.memory_space<vmem>>, %arg6: memref<128x128xf32, #tpu.memory_space<vmem>>, %arg7: memref<1x128xf32, #tpu.memory_space<vmem>>, %arg8: memref<128x128xf32, #tpu.memory_space<vmem>>, %arg9: memref<1x128xf32, #tpu.memory_space<vmem>>, %arg10: memref<128x128xf32, #tpu.memory_space<vmem>>, %arg11: memref<1x128xf32, #tpu.memory_space<vmem>>, %arg12: memref<10000x128xf32, #tpu.memory_space<vmem>>) attributes {dimension_semantics = [], scalar_prefetch = 0 : i64, scratch_operands = 0 : i64, tpu.core_type = #tpu.core_type<tc>} {
    %get3A = arith.constant 0 : index
    %get3A_0 = arith.constant 0 : index
    %get3A_1 = arith.constant 0 : index
    %get3A_2 = vector.load %arg0[%get3A, %get3A_0, %get3A_1] : memref<2x10240x64xf32, #tpu.memory_space<vmem>>, vector<1x10000x64xf32>
    %get3A_3 = vector.shape_cast %get3A_2 : vector<1x10000x64xf32> to vector<10000x64xf32>
    %get3A_4 = arith.constant 1 : index
    %get3A_5 = arith.constant 0 : index
    %get3A_6 = arith.constant 0 : index
    %get3A_7 = vector.load %arg0[%get3A_4, %get3A_5, %get3A_6] : memref<2x10240x64xf32, #tpu.memory_space<vmem>>, vector<1x10000x64xf32>
    %get3A_8 = vector.shape_cast %get3A_7 : vector<1x10000x64xf32> to vector<10000x64xf32>
    %concatenate3A = tpu.concatenate %get3A_3, %get3A_8 in 1 : vector<10000x64xf32>, vector<10000x64xf32> -> vector<10000x128xf32>
    %get3A_9 = arith.constant 0 : index
    %get3A_10 = arith.constant 0 : index
    %get3A_11 = arith.constant 0 : index
    %get3A_12 = arith.constant 0 : index
    %get3A_13 = vector.load %arg1[%get3A_9, %get3A_10, %get3A_11, %get3A_12] : memref<2x2x10240x64xf32, #tpu.memory_space<vmem>>, vector<1x1x10000x64xf32>
    %get3A_14 = vector.shape_cast %get3A_13 : vector<1x1x10000x64xf32> to vector<10000x64xf32>
    %get3A_15 = arith.constant 1 : index
    %get3A_16 = arith.constant 0 : index
    %get3A_17 = arith.constant 0 : index
    %get3A_18 = arith.constant 0 : index
    %get3A_19 = vector.load %arg1[%get3A_15, %get3A_16, %get3A_17, %get3A_18] : memref<2x2x10240x64xf32, #tpu.memory_space<vmem>>, vector<1x1x10000x64xf32>
    %get3A_20 = vector.shape_cast %get3A_19 : vector<1x1x10000x64xf32> to vector<10000x64xf32>
    %add3A = arith.addf %get3A_14, %get3A_20 : vector<10000x64xf32>
    %get3A_21 = arith.constant 0 : index
    %get3A_22 = arith.constant 1 : index
    %get3A_23 = arith.constant 0 : index
    %get3A_24 = arith.constant 0 : index
    %get3A_25 = vector.load %arg1[%get3A_21, %get3A_22, %get3A_23, %get3A_24] : memref<2x2x10240x64xf32, #tpu.memory_space<vmem>>, vector<1x1x10000x64xf32>
    %get3A_26 = vector.shape_cast %get3A_25 : vector<1x1x10000x64xf32> to vector<10000x64xf32>
    %get3A_27 = arith.constant 1 : index
    %get3A_28 = arith.constant 1 : index
    %get3A_29 = arith.constant 0 : index
    %get3A_30 = arith.constant 0 : index
    %get3A_31 = vector.load %arg1[%get3A_27, %get3A_28, %get3A_29, %get3A_30] : memref<2x2x10240x64xf32, #tpu.memory_space<vmem>>, vector<1x1x10000x64xf32>
    %get3A_32 = vector.shape_cast %get3A_31 : vector<1x1x10000x64xf32> to vector<10000x64xf32>
    %add3A_33 = arith.addf %get3A_26, %get3A_32 : vector<10000x64xf32>
    %mul3A = arith.constant 1.000000e+00 : f32
    %mul3A_34 = vector.broadcast %mul3A : f32 to vector<10000x128xf32>
    %mul3A_35 = arith.mulf %mul3A_34, %concatenate3A : vector<10000x128xf32>
    %concatenate3A_36 = tpu.concatenate %add3A, %add3A_33 in 1 : vector<10000x64xf32>, vector<10000x64xf32> -> vector<10000x128xf32>
    %add3A_37 = arith.addf %mul3A_35, %concatenate3A_36 : vector<10000x128xf32>
    %get3A_38 = arith.constant 0 : index
    %get3A_39 = arith.constant 0 : index
    %get3A_40 = vector.load %arg2[%get3A_38, %get3A_39] : memref<128x128xf32, #tpu.memory_space<vmem>>, vector<128x128xf32>
    %get3A_41 = arith.constant 0 : index
    %get3A_42 = arith.constant 0 : index
    %get3A_43 = vector.load %arg3[%get3A_41, %get3A_42] : memref<1x128xf32, #tpu.memory_space<vmem>>, vector<1x128xf32>
    %get3A_44 = arith.constant 0 : index
    %get3A_45 = arith.constant 0 : index
    %get3A_46 = vector.load %arg4[%get3A_44, %get3A_45] : memref<1x128xf32, #tpu.memory_space<vmem>>, vector<1x128xf32>
    %get3A_47 = arith.constant 0 : index
    %get3A_48 = arith.constant 0 : index
    %get3A_49 = vector.load %arg5[%get3A_47, %get3A_48] : memref<1x128xf32, #tpu.memory_space<vmem>>, vector<1x128xf32>
    %get3A_50 = arith.constant 0 : index
    %get3A_51 = arith.constant 0 : index
    %get3A_52 = vector.load %arg6[%get3A_50, %get3A_51] : memref<128x128xf32, #tpu.memory_space<vmem>>, vector<128x128xf32>
    %get3A_53 = arith.constant 0 : index
    %get3A_54 = arith.constant 0 : index
    %get3A_55 = vector.load %arg7[%get3A_53, %get3A_54] : memref<1x128xf32, #tpu.memory_space<vmem>>, vector<1x128xf32>
    %dot_general3A = arith.constant dense<0.000000e+00> : vector<10000x128xf32>
    %dot_general3A_56 = tpu.matmul %add3A_37, %get3A_40, %dot_general3A {dimension_numbers = #tpu.dot_dimension_numbers<[1], [0], [0], [1], [0, 0, 1, 1], [], []>, transpose_lhs_hint = false} : vector<10000x128xf32>, vector<128x128xf32>, vector<10000x128xf32> -> vector<10000x128xf32>
    %add3A_57 = vector.broadcast %get3A_43 : vector<1x128xf32> to vector<10000x128xf32>
    %add3A_58 = arith.addf %dot_general3A_56, %add3A_57 : vector<10000x128xf32>
    %reduce_sum3A = arith.constant dense<0.000000e+00> : vector<128xf32>
    %reduce_sum3A_59 = vector.multi_reduction <add>, %add3A_58, %reduce_sum3A [0] : vector<10000x128xf32> to vector<128xf32>
    %broadcast_in_dim3A = vector.shape_cast %reduce_sum3A_59 : vector<128xf32> to vector<1x128xf32>
    %div3A = arith.constant 1.000000e+04 : f32
    %div3A_60 = vector.broadcast %div3A : f32 to vector<1x128xf32>
    %div3A_61 = arith.divf %broadcast_in_dim3A, %div3A_60 : vector<1x128xf32>
    %sub3A = vector.broadcast %div3A_61 : vector<1x128xf32> to vector<10000x128xf32>
    %sub3A_62 = arith.subf %add3A_58, %sub3A : vector<10000x128xf32>
    %integer_pow3A = arith.mulf %sub3A_62, %sub3A_62 : vector<10000x128xf32>
    %reduce_sum3A_63 = arith.constant dense<0.000000e+00> : vector<128xf32>
    %reduce_sum3A_64 = vector.multi_reduction <add>, %integer_pow3A, %reduce_sum3A_63 [0] : vector<10000x128xf32> to vector<128xf32>
    %broadcast_in_dim3A_65 = vector.shape_cast %reduce_sum3A_64 : vector<128xf32> to vector<1x128xf32>
    %div3A_66 = arith.constant 1.000000e+04 : f32
    %div3A_67 = vector.broadcast %div3A_66 : f32 to vector<1x128xf32>
    %div3A_68 = arith.divf %broadcast_in_dim3A_65, %div3A_67 : vector<1x128xf32>
    %sub3A_69 = vector.broadcast %div3A_61 : vector<1x128xf32> to vector<10000x128xf32>
    %sub3A_70 = arith.subf %add3A_58, %sub3A_69 : vector<10000x128xf32>
    %add3A_71 = arith.constant 9.99999974E-6 : f32
    %add3A_72 = vector.broadcast %add3A_71 : f32 to vector<1x128xf32>
    %add3A_73 = arith.addf %div3A_68, %add3A_72 : vector<1x128xf32>
    %sqrt3A = math.sqrt %add3A_73 : vector<1x128xf32>
    %div3A_74 = vector.broadcast %sqrt3A : vector<1x128xf32> to vector<10000x128xf32>
    %div3A_75 = arith.divf %sub3A_70, %div3A_74 : vector<10000x128xf32>
    %mul3A_76 = vector.broadcast %get3A_46 : vector<1x128xf32> to vector<10000x128xf32>
    %mul3A_77 = arith.mulf %div3A_75, %mul3A_76 : vector<10000x128xf32>
    %add3A_78 = vector.broadcast %get3A_49 : vector<1x128xf32> to vector<10000x128xf32>
    %add3A_79 = arith.addf %mul3A_77, %add3A_78 : vector<10000x128xf32>
    %max3A = arith.constant 0.000000e+00 : f32
    %max3A_80 = vector.broadcast %max3A : f32 to vector<10000x128xf32>
    %max3A_81 = arith.maximumf %add3A_79, %max3A_80 : vector<10000x128xf32>
    %dot_general3A_82 = arith.constant dense<0.000000e+00> : vector<10000x128xf32>
    %dot_general3A_83 = tpu.matmul %max3A_81, %get3A_52, %dot_general3A_82 {dimension_numbers = #tpu.dot_dimension_numbers<[1], [0], [0], [1], [0, 0, 1, 1], [], []>, transpose_lhs_hint = false} : vector<10000x128xf32>, vector<128x128xf32>, vector<10000x128xf32> -> vector<10000x128xf32>
    %add3A_84 = vector.broadcast %get3A_55 : vector<1x128xf32> to vector<10000x128xf32>
    %add3A_85 = arith.addf %dot_general3A_83, %add3A_84 : vector<10000x128xf32>
    %max3A_86 = arith.constant 0.000000e+00 : f32
    %max3A_87 = vector.broadcast %max3A_86 : f32 to vector<10000x128xf32>
    %max3A_88 = arith.maximumf %add3A_85, %max3A_87 : vector<10000x128xf32>
    %get3A_89 = arith.constant 0 : index
    %get3A_90 = arith.constant 0 : index
    %get3A_91 = vector.load %arg8[%get3A_89, %get3A_90] : memref<128x128xf32, #tpu.memory_space<vmem>>, vector<128x128xf32>
    %dot_general3A_92 = arith.constant dense<0.000000e+00> : vector<10000x128xf32>
    %dot_general3A_93 = tpu.matmul %max3A_88, %get3A_91, %dot_general3A_92 {dimension_numbers = #tpu.dot_dimension_numbers<[1], [0], [0], [1], [0, 0, 1, 1], [], []>, transpose_lhs_hint = false} : vector<10000x128xf32>, vector<128x128xf32>, vector<10000x128xf32> -> vector<10000x128xf32>
    %get3A_94 = arith.constant 0 : index
    %get3A_95 = arith.constant 0 : index
    %get3A_96 = vector.load %arg9[%get3A_94, %get3A_95] : memref<1x128xf32, #tpu.memory_space<vmem>>, vector<1x128xf32>
    %add3A_97 = vector.broadcast %get3A_96 : vector<1x128xf32> to vector<10000x128xf32>
    %add3A_98 = arith.addf %dot_general3A_93, %add3A_97 : vector<10000x128xf32>
    %max3A_99 = arith.constant 0.000000e+00 : f32
    %max3A_100 = vector.broadcast %max3A_99 : f32 to vector<10000x128xf32>
    %max3A_101 = arith.maximumf %add3A_98, %max3A_100 : vector<10000x128xf32>
    %get3A_102 = arith.constant 0 : index
    %get3A_103 = arith.constant 0 : index
    %get3A_104 = vector.load %arg10[%get3A_102, %get3A_103] : memref<128x128xf32, #tpu.memory_space<vmem>>, vector<128x128xf32>
    %dot_general3A_105 = arith.constant dense<0.000000e+00> : vector<10000x128xf32>
    %dot_general3A_106 = tpu.matmul %max3A_101, %get3A_104, %dot_general3A_105 {dimension_numbers = #tpu.dot_dimension_numbers<[1], [0], [0], [1], [0, 0, 1, 1], [], []>, transpose_lhs_hint = false} : vector<10000x128xf32>, vector<128x128xf32>, vector<10000x128xf32> -> vector<10000x128xf32>
    %get3A_107 = arith.constant 0 : index
    %get3A_108 = arith.constant 0 : index
    %get3A_109 = vector.load %arg11[%get3A_107, %get3A_108] : memref<1x128xf32, #tpu.memory_space<vmem>>, vector<1x128xf32>
    %add3A_110 = vector.broadcast %get3A_109 : vector<1x128xf32> to vector<10000x128xf32>
    %add3A_111 = arith.addf %dot_general3A_106, %add3A_110 : vector<10000x128xf32>
    %swap3A = arith.constant 0 : index
    %swap3A_112 = arith.constant 0 : index
    %swap3A_113 = vector.load %arg12[%swap3A, %swap3A_112] : memref<10000x128xf32, #tpu.memory_space<vmem>>, vector<10000x128xf32>
    tpu.vector_store %arg12[%swap3A, %swap3A_112], %add3A_111 {strides = array<i32>} : memref<10000x128xf32, #tpu.memory_space<vmem>>, vector<10000x128xf32>,
    return
  }
}

</mosaic_0001>

<sc_bundles>
// kernel: kernel.11.cloned.1.call-start
scs
__scs_entry_jumppad:
0x0: {  	(pc) =	sbr.rel $0x88, $3  }
0x1: {  	(tag) =	ssettag $0x0;
	lr =	simm.s32 $0x1  }
0x2: {  	[smem:$0x3F89] =	sst lr;
	_ =	strace $0xD0000000  }
0x3: {  	_ = 	snop  }
0x4: {  	_ = 	snop  }
0x5: {  	_ = 	snop  }
0x6: {  	_ = 	snop  }
0x7: {  	_ = 	snop  }
__scs_overlays_trampoline_lowered:
0x8: {  	[smem:$0x3F98] =	sst s0  }
0x9: {  	[smem:$0x3F99] =	sst s1  }
0xa: {  	[smem:$0x3F9A] =	sst s2  }
0xb: {  	[smem:$0x3F9B] =	sst s3  }
0xc: {  	[smem:$0x3F9C] =	sst s4  }
0xd: {  	[smem:$0x3F9D] =	sst s5  }
0xe: {  	[smem:$0x3F9E] =	sst s6  }
0xf: {  	[smem:$0x3F9F] =	sst s7  }
0x10: {  	[smem:$0x3FA0] =	sst s8  }
0x11: {  	[smem:$0x3FA1] =	sst s9;
	s0 =	simm.s32 @!p0 $0x0  }
0x12: {  	s1 =	sld [smem:$0x3F87];
	s0 =	simm.s32 @p0 $0x1  }
0x13: {  	[smem:$0x3FA2] =	sst s0;
	s0 =	simm.s32 @!p1 $0x0  }
0x14: {  	s2 =	sld [smem:$0x3F86];
	s0 =	simm.s32 @p1 $0x1  }
0x15: {  	[smem:$0x3FA3] =	sst s0;
	s0 =	simm.s32 @!p2 $0x0  }
0x16: {  	s3 =	sld [smem:$0x3FDB];
	s0 =	simm.s32 @p2 $0x1  }
0x17: {  	s4 =	simm.s32 $0x1BF5;
	[smem:$0x3FA5] =	sst s0  }
0x18: {  	s0 =	sld [smem:$0x3F88];
	_ =	swait.ge [sflag:s4], $0x0  }
0x19: {  	s7 =	sld [smem:$0x3F89]  }
0x1a: {  	s8 =	sadd.s32 $0xFFFFE003, lr  }
0x1b: {  	s9 =	sadd.s32 $0xFFFFFEF7, lr;
	s5 =	simm.s32 $0xFFFFFFFF;
	p2 =	slt.u32 s8, $0xFFFFF086  }
0x1c: {  	p1 =	slt.u32 s9, $0xF7A;
	s5 =	simm.s32 @!p2 $0x0  }
0x1d: {  	s5 =	simm.s32 @p1 $0x1;
	p0 =	seq.s32 s7, s2  }
0x1e: {  	s7 =	smul.u32 @!p0 $0xF7A, s2;
	p2 =	seq.s32 @!p0 s5, $0x0  }
0x1f: {  	s9 =	smul.u32 $0xF7A, s1;
	s8 =	simm.s32 @!p0 $0x1BF5;
	p2 =	por !p2, p0  }
0x20: {  	[sflag:s8] =	ssyncset.s32 @!p0 $0xFFFFF086;
	s6 =	sadd.s32 @!p0 s3, s7;
	s7 =	simm.s32 @!p0 $0x108  }
0x21: {  	s3 =	sadd.s32 s3, s9;
	s6 =	sadd.s32 @!p0 $0x88, s6;
	s7 =	simm.s32 @p2 $0x1082  }
0x22: {  	[simem:s7], [sflag:s8] =	dma.local @!p0 [hbm:s6], $0xF7A  }
0x23: {  	s9 =	sor.u32 $0xD0000000, s2;
	s6 =	simm.s32 $0x108;
	_ =	swait.ge @!p0 [sflag:s8], $0x0  }
0x24: {  	s3 =	sadd.s32 $0x88, s3;
	s6 =	simm.s32 @!p1 $0x1082;
	[sflag:s4] =	ssyncset.s32 $0xFFFFF086  }
0x25: {  	[simem:s6], [sflag:s4] =	dma.local [hbm:s3], $0xF7A  }
0x26: {  	[smem:$0x3F89] =	sst s1;
	(tag) =	ssettag s2;
	_ =	strace s9  }
0x27: {  	s1 =	sld [smem:$0x3F99]  }
0x28: {  	s2 =	sld [smem:$0x3F9A]  }
0x29: {  	s4 =	sld [smem:$0x3F9C]  }
0x2a: {  	p0 =	seq.s32 s5, $0x0;
	s5 =	sld [smem:$0x3F9D]  }
0x2b: {  	s6 =	sld [smem:$0x3F9E]  }
0x2c: {  	s7 =	sld [smem:$0x3F9F]  }
0x2d: {  	s3 =	simm.s32 $0x108;
	s8 =	sld [smem:$0x3FA0]  }
0x2e: {  	s3 =	simm.s32 @!p0 $0x1082;
	s9 =	sld [smem:$0x3FA1]  }
0x2f: {  	lr =	sadd.s32 s0, s3;
	s0 =	sld [smem:$0x3F98]  }
0x30: {  	s3 =	sld [smem:$0x3F9B]  }
0x31: {  	[smem:$0x3FA4] =	sst s10  }
0x32: {  	s10 =	sld [smem:$0x3FA2];
	_ =	sdelay $0x3  }
0x33: {  	p0 =	seq.s32 s10, $0x1;
	s10 =	sld [smem:$0x3FA4];
	_ =	sdelay $0x3  }
0x34: {  	[smem:$0x3FA4] =	sst s10  }
0x35: {  	s10 =	sld [smem:$0x3FA3];
	_ =	sdelay $0x3  }
0x36: {  	p1 =	seq.s32 s10, $0x1;
	s10 =	sld [smem:$0x3FA4];
	_ =	sdelay $0x3  }
0x37: {  	[smem:$0x3FA4] =	sst s10  }
0x38: {  	s10 =	sld [smem:$0x3FA5]  }
0x39: {  	_ = 	snop;
	(pc) =	sbr.ind lr, $3  }
0x3a: {  	_ = 	snop  }
0x3b: {  	_ = 	snop  }
0x3c: {  	p2 =	seq.s32 s10, $0x1;
	s10 =	sld [smem:$0x3FA4]  }
0x3d: {  	_ =	shalt  }
0x3e: {  	_ =	shalt  }
0x3f: {  	_ =	shalt  }
0x40: {  	_ =	shalt  }
0x41: {  	_ =	shalt  }
0x42: {  	_ =	shalt  }
0x43: {  	_ =	shalt  }
0x44: {  	_ =	shalt  }
0x45: {  	_ =	shalt  }
0x46: {  	_ =	shalt  }
0x47: {  	_ =	shalt  }
0x48: {  	_ =	shalt  }
0x49: {  	_ =	shalt  }
0x4a: {  	_ =	shalt  }
0x4b: {  	_ =	shalt  }
0x4c: {  	_ =	shalt  }
0x4d: {  	_ =	shalt  }
0x4e: {  	_ =	shalt  }
0x4f: {  	_ =	shalt  }
0x50: {  	_ =	shalt  }
0x51: {  	_ =	shalt  }
0x52: {  	_ =	shalt  }
0x53: {  	_ =	shalt  }
0x54: {  	_ =	shalt  }
0x55: {  	_ =	shalt  }
0x56: {  	_ =	shalt  }
0x57: {  	_ =	shalt  }
0x58: {  	_ =	shalt  }
0x59: {  	_ =	shalt  }
0x5a: {  	_ =	shalt  }
0x5b: {  	_ =	shalt  }
0x5c: {  	_ =	shalt  }
0x5d: {  	_ =	shalt  }
0x5e: {  	_ =	shalt  }
0x5f: {  	_ =	shalt  }
0x60: {  	_ =	shalt  }
0x61: {  	_ =	shalt  }
0x62: {  	_ =	shalt  }
0x63: {  	_ =	shalt  }
0x64: {  	_ =	shalt  }
0x65: {  	_ =	shalt  }
0x66: {  	_ =	shalt  }
0x67: {  	_ =	shalt  }
0x68: {  	_ =	shalt  }
0x69: {  	_ =	shalt  }
0x6a: {  	_ =	shalt  }
0x6b: {  	_ =	shalt  }
0x6c: {  	_ =	shalt  }
0x6d: {  	_ =	shalt  }
0x6e: {  	_ =	shalt  }
0x6f: {  	_ =	shalt  }
0x70: {  	_ =	shalt  }
0x71: {  	_ =	shalt  }
0x72: {  	_ =	shalt  }
0x73: {  	_ =	shalt  }
0x74: {  	_ =	shalt  }
0x75: {  	_ =	shalt  }
0x76: {  	_ =	shalt  }
0x77: {  	_ =	shalt  }
0x78: {  	_ =	shalt  }
0x79: {  	_ =	shalt  }
0x7a: {  	_ =	shalt  }
0x7b: {  	_ =	shalt  }
0x7c: {  	_ =	shalt  }
0x7d: {  	_ =	shalt  }
0x7e: {  	_ =	shalt  }
0x7f: {  	_ =	shalt  }
0x80: {  	_ =	shalt  }
0x81: {  	_ =	shalt  }
0x82: {  	_ =	shalt  }
0x83: {  	_ =	shalt  }
0x84: {  	_ =	shalt  }
0x85: {  	_ =	shalt  }
0x86: {  	_ =	shalt  }
0x87: {  	_ =	shalt  }
.Lfunc_end0:
.L_simem_size_0:
called_computation.1_lowered:
.L_overlay_start_0:
0x88: {  	s2 =	sld [smem:$0x3FD9]  }
0x89: {  	s3 =	sld [smem:$0x3FFE];
	_ =	sdelay $0x1  }
0x8a: {  	s1 =	srdreg.scid  }
0x8b: {  	s0 =	sand.u32 $0x1, s1  }
0x8c: {  	s17 =	sshll.u32 s0, $0xA;
	s2 =	sadd.s32 s3, s2  }
0x8d: {  	s2 =	sadd.s32 s2, s17  }
0x8e: {  	[smem:$0x3FB0] =	sst s2  }
0x8f: {  	_ = 	snop  }
0x90: {  	s2 =	sld [smem:$0x3FD0];
	(tm) =	ssettm $0x1  }
0x91: {  	s18 =	sld [smem:$0x3FFB];
	_ =	sdelay $0x3  }
0x92: {  	_ =	strace s18  }
0x93: {  	s3 =	sld [smem:$0x3FFC];
	_ =	sdelay $0x3  }
0x94: {  	_ =	strace s3  }
0x95: {  	s3 =	sld [smem:$0x3FFD];
	_ =	sdelay $0x3  }
0x96: {  	_ =	strace s3  }
0x97: {  	_ =	strace $0x8FFFFFFF  }
0x98: {  	s19 =	sld [smem:$0x3FDB];
	_ =	sdelay $0x1  }
0x99: {  	s4 =	simm.s32 $_scs_section_size  }
0x9a: {  	s5 =	simm.s32 $_size__tile_overlayer_lowered;
	s6 =	simm.s32 $_tile_overlayer_lowered  }
0x9b: {  	s22 =	simm.s32 $0x1BFF;
	s21 =	sshll.u32 s6, $0x1;
	s3 =	sadd.s32 s4, s19  }
0x9c: {  	s7 =	simm.s32 $0x0;
	s20 =	sshll.u32 s5, $0x1;
	s5 =	sadd.s32 s21, s3  }
0x9d: {  	[timem:s7], [sflag:s22] =	dma.local [hbm:s5], s20  }
0x9e: {  	_ =	swait.ge [sflag:s22], s20  }
0x9f: {  	s4 =	ssub.s32 $0x0, s20;
	[sflag:s22] =	ssyncset.done $0x0  }
0xa0: {  	[sflag:s22] =	ssyncadd.s32 s4;
	_ =	sdelay $0x1  }
0xa1: {  	s23 =	simm.s32 $0x1B8B  }
0xa2: {  	_ =	swait.ge [sflag:s23], $0x1  }
0xa3: {  	[sflag:s23] =	ssyncset.done $0x0  }
0xa4: {  	s25 =	simm.s32 $0x1B8E;
	s24 =	sld [smem:$0x3FFE];
	[sflag:s23] =	ssyncadd.s32 $0xFFFFFFFF  }
0xa5: {  	s26 =	simm.s32 $execute0_lowered;
	[smem:$0x3FD2] =	sst s25  }
0xa6: {  	s5 =	sshll.u32 s26, $0x1;
	_ =	strace $0x80000049;
	[dreg:$0x1] =	wrdreg $0xFFFFFFFF  }
0xa7: {  	s28 =	simm.s32 $_size_execute0_lowered;
	s3 =	sadd.s32 s3, s5;
	[dreg:$0x0] =	wrdreg $0x0  }
0xa8: {  	s5 =	sshll.u32 s28, $0x1;
	[dreg:$0x2] =	wrdreg s3  }
0xa9: {  	[dreg:$0x3] =	wrdreg s5  }
0xaa: {  	[dreg:$0x4] =	wrdreg $0xC0  }
0xab: {  	_ =	task [dreg:s7], $0x5FFFF  }
0xac: {  	[dreg:$0x1] =	wrdreg $0xFFFFFFFF  }
0xad: {  	[dreg:$0x0] =	wrdreg $0x60  }
0xae: {  	[dreg:$0x2] =	wrdreg s24  }
0xaf: {  	[dreg:$0x3] =	wrdreg s2  }
0xb0: {  	[dreg:$0x4] =	wrdreg $0xB1000  }
0xb1: {  	[dreg:$0x5] =	wrdreg $0x151000  }
0xb2: {  	[dreg:$0x6] =	wrdreg $0x9  }
0xb3: {  	_ =	task.clear_ibuf [dreg:s7], $0x7FFFF;
	_ =	strace $0x90000049  }
0xb4: {  	s29 =	simm.s32 $0x9;
	_ =	strace $0x8000004B  }
0xb5: {  	_ =	swait.ge [sflag:s29], $0x1  }
0xb6: {  	[sflag:s29] =	ssyncadd.s32 $0xFFFFFFFF  }
0xb7: {  	_ =	strace $0x9000004B  }
0xb8: {  	_ =	sfence  }
0xb9: {  	s30 =	sld [smem:$0x0];
	_ =	sdelay $0x2  }
0xba: {  	s31 =	sshll.u32 s1, $0xD;
	s1 =	sshrl.u32 s1, $0x2  }
0xbb: {  	s3 =	sand.u32 $0x4000, s31;
	s1 =	sadd.s32 s1, s30  }
0xbc: {  	s0 =	sor.u32 s3, s0;
	s1 =	sshll.u32 s1, $0x11  }
0xbd: {  	s0 =	sor.u32 s1, s0  }
0xbe: {  	s0 =	sadd.s32 $0x8F2B, s0  }
0xbf: {  	[sflag:s0] =	ssyncadd.remote.s32 $0x1  }
0xc0: {  	_ =	sfence.sel $0xFFFF  }
0xc1: {  	[dreg:$0x0] =	wrdreg $0xFFFFFFFF;
	(pc) =	sbr.abs _section_cstart, $3  }
0xc2: {  	[dreg:$0x1] =	wrdreg $0xFFFFFFFF  }
0xc3: {  	_ =	task.clear_ibuf [dreg:s7], $0x2FFFF;
	_ =	strace $0x9FFFFFFF  }
0xc4: {  	(tm) =	ssettm $0x7FFFFFFF  }
0xc5: {  	_ =	shalt  }
tec
execute0_lowered:
.L_overlay_start_1:
0x0: {  	(tag) =	ssettag $0x1  }
0x1: {  	s0 =	rddreg [dreg:$0x0]  }
0x2: {  	s1 =	rddreg [dreg:$0x1]  }
0x3: {  	s2 =	rddreg [dreg:$0x2]  }
0x4: {  	s3 =	rddreg [dreg:$0x3];
	s13 =	stileid.u32  }
0x5: {  	s4 =	simm.s32 $0x0;
	s6 =	srdreg.scid;
	s18 =	simm.s32 $0x7  }
0x6: {  	s28 =	simm.s32 $0x9100;
	s29 =	simm.s32 $0x2;
	s31 =	simm.s32 $0x4  }
0x7: {  	s5 =	smul.u32 $0xA000, s13;
	[smem:$0x7FF] =	sst s4;
	s6 =	sand.u32 $0x1, s6  }
0x8: {  	s11 =	smul.u32 $0x28000, s13;
	s30 =	sshll.u32 s13, $0x6;
	s8 =	sshll.u32 s6, $0x4  }
0x9: {  	s9 =	smul.u32 $0x140000, s6;
	_ =	strace $0x8000004A;
	s6 =	ssub.s32 $0x2, s6  }
0xa: {  	s7 =	sshrl.u32 s5, $0x3;
	s8 =	sor.u32 s13, s8;
	s10 =	sshrl.u32 s6, $0x1  }
0xb: {  	s20 =	sshrl.u32 s11, $0x2;
	s21 =	sadd.s32 s5, s2;
	s24 =	sadd.s32 s5, s3  }
0xc: {  	s11 =	simm.s32 $0x280;
	s13 =	simm.s32 $0x0;
	s7 =	sadd.s32 s7, s0  }
0xd: {  	s8 =	smul.u32 $0x510, s8;
	s9 =	sadd.s32 s5, s9;
	s6 =	ssub.s32 s6, s10  }
0xe: {  	[dreg:$0x9] =	wrdreg s24;
	s21 =	sshrl.u32 s21, $0x3;
	s24 =	simm.s32 $0x7100  }
0xf: {  	s10 =	simm.s32 $0x6;
	s9 =	sshrl.u32 s9, $0x3;
	s22 =	sadd.s32 $0xD400, s7  }
0x10: {  	s25 =	sadd.s32 $0x21400, s7;
	s26 =	smax.u32 s6, $0x1;
	s7 =	simm.s32 $0x100  }
0x11: {  	s6 =	simm.s32 $0x5;
	s12 =	sadd.s32 s8, s0;
	[dreg:$0x7] =	wrdreg s22  }
0x12: {  	s0 =	sadd.s32 s9, s0;
	s1 =	sadd.s32 s1, s8;
	[dreg:$0xa] =	wrdreg s25  }
0x13: {  	s8 =	sadd.s32 s20, s3;
	[dreg:$0xc] =	wrdreg s26;
	s20 =	sor.u32 $0x1C07, s30  }
0x14: {  	s22 =	simm.s32 $0x5100;
	s25 =	simm.s32 $0x1;
	s9 =	simm.s32 $0x2A00  }
0x15: {  	[dreg:$0x5] =	wrdreg s1;
	s19 =	sadd.s32 $0x3200, s12;
	s23 =	sadd.s32 $0x35400, s0  }
0x16: {  	s0 =	sadd.s32 $0x49400, s0;
	s14 =	sadd.s32 $0x2000, s8;
	s15 =	sadd.s32 $0x4000, s8  }
0x17: {  	s16 =	sadd.s32 $0x6000, s8;
	s17 =	sadd.s32 $0x8000, s8;
	[dreg:$0x6] =	wrdreg s19  }
0x18: {  	s1 =	simm.s32 $0x3;
	s12 =	simm.s32 $0x2A80;
	[dreg:$0x8] =	wrdreg s23  }
0x19: {  	v0 =	vimm.f32 $0.0e+00;
	[dreg:$0xb] =	wrdreg s0;
	s19 =	simm.s32 $0x2880;
	s23 =	simm.s32 $0x80  }
.LBB2_1:
0x1a: {  	s0 =	rddreg [dreg:$0x5]  }
0x1b: {  	[tilespmem:s4], [sflag:$0x7] =	stream.linear.gather [hbm4b:s0+s4], $0x2880, $0x38;
	[tilespmem:$0x1F100] =	vst v63  }
0x1c: {  	_ =	swait.ge [sflag:s18], $0x2880  }
0x1d: {  	[sflag:s18] =	ssyncset.done $0x0  }
0x1e: {  	s26 =	rddreg [dreg:$0x6];
	[sflag:s18] =	ssyncadd.s32 $0xFFFFD780  }
0x1f: {  	[tilespmem:s19], [sflag:$0x7] =	stream.linear.gather [hbm4b:s26+s4], $0x2880, $0x38;
	[tilespmem:$0x1F100] =	vst v63  }
0x20: {  	_ =	swait.ge [sflag:s18], $0x2880  }
0x21: {  	[sflag:s18] =	ssyncset.done $0x0  }
0x22: {  	s26 =	sand.u32 $0x7F00, s4;
	s5 =	rddreg [dreg:$0x7];
	[sflag:s18] =	ssyncadd.s32 $0xFFFFD780  }
0x23: {  	[spmem:s21], [sflag:s20] =	dma.local [hbm:s5], $0x1400  }
0x24: {  	s0 =	sshrl.u32 s26, $0x2;
	_ =	swait.ge [sflag:s18], $0x1400  }
0x25: {  	s26 =	simm.s32 $0x40;
	s5 =	sand.u32 $0x30, s4;
	[sflag:s18] =	ssyncset.done $0x0  }
0x26: {  	s30 =	sor.u32 s5, s0;
	s0 =	simm.s32 $0x0;
	[sflag:s18] =	ssyncadd.s32 $0xFFFFEC00  }
.LBB2_2:
0x27: {  	p0 =	sne.s32 s26, $0x7FC0  }
0x28: {  	[tilespmem:s30+$0x5100] =	vst v0;
	s0 =	sadd.s32 $0x10, s0;
	s5 =	smov.u32 s26;
	s26 =	sadd.s32 $0x40, s26  }
.Ltmp0:
0x29: {  	(pc) =	sbr.rel @p0 .LBB2_2-.Ltmp0, $4  }
0x2a: {  	_ = 	snop  }
0x2b: {  	s5 =	sand.u32 $0x7F00, s5  }
0x2c: {  	s30 =	sand.u32 $0x30, s0;
	s5 =	sshrl.u32 s5, $0x2  }
0x2d: {  	s30 =	sor.u32 s30, s5  }
0x2e: {  	[tilespmem:s30+$0x5100] =	vst v0  }
0x2f: {  	[spmem:s8] =	stream.linear.scatter [tilespmem:s22], [sflag:$0x7], $0x2000, $0x38;
	[tilespmem:$0x1F100] =	vst v63  }
0x30: {  	_ =	swait.ge [sflag:s18], $0x2000  }
0x31: {  	[sflag:s18] =	ssyncset.done $0x0  }
0x32: {  	[sflag:s18] =	ssyncadd.s32 $0xFFFFE000  }
0x33: {  	[spmem:s14] =	stream.linear.scatter [tilespmem:s22], [sflag:$0x7], $0x2000, $0x38;
	[tilespmem:$0x1F100] =	vst v63  }
0x34: {  	_ =	swait.ge [sflag:s18], $0x2000  }
0x35: {  	[sflag:s18] =	ssyncset.done $0x0  }
0x36: {  	[sflag:s18] =	ssyncadd.s32 $0xFFFFE000  }
0x37: {  	[spmem:s15] =	stream.linear.scatter [tilespmem:s22], [sflag:$0x7], $0x2000, $0x38;
	[tilespmem:$0x1F100] =	vst v63  }
0x38: {  	_ =	swait.ge [sflag:s18], $0x2000  }
0x39: {  	[sflag:s18] =	ssyncset.done $0x0  }
0x3a: {  	[sflag:s18] =	ssyncadd.s32 $0xFFFFE000  }
0x3b: {  	[spmem:s16] =	stream.linear.scatter [tilespmem:s22], [sflag:$0x7], $0x2000, $0x38;
	[tilespmem:$0x1F100] =	vst v63  }
0x3c: {  	_ =	swait.ge [sflag:s18], $0x2000  }
0x3d: {  	[sflag:s18] =	ssyncset.done $0x0  }
0x3e: {  	[sflag:s18] =	ssyncadd.s32 $0xFFFFE000  }
0x3f: {  	[spmem:s17] =	stream.linear.scatter [tilespmem:s22], [sflag:$0x7], $0x2000, $0x38;
	[tilespmem:$0x1F100] =	vst v63  }
0x40: {  	_ =	swait.ge [sflag:s18], $0x2000  }
0x41: {  	[sflag:s18] =	ssyncset.done $0x0  }
0x42: {  	[sflag:s18] =	ssyncadd.s32 $0xFFFFE000  }
0x43: {  	s0 =	simm.s32 $0x0;
	[bflag:$0x0] =	sbarrier.arrive $0xFFFF  }
0x44: {  	[tilespmem:s22], [sflag:$0x1] =	stream.indirect.gather [spmem:s2], $0x40, s0, s23, $0xb8;
	[tilespmem:$0x1F100] =	vst v63  }
0x45: {  	_ = 	snop  }
0x46: {  	[tilespmem:s24], [sflag:$0x2] =	stream.indirect.gather [spmem:s2], $0x40, s23, s23, $0xb8;
	[tilespmem:$0x1F100] =	vst v63  }
0x47: {  	_ =	swait.ge [sflag:s25], $0x2000  }
0x48: {  	[sflag:s25] =	ssyncset.done $0x0  }
0x49: {  	[sflag:s25] =	ssyncadd.s32 $0xFFFFE000  }
0x4a: {  	[spmem:s3] =	stream.indirect.scatter.add.f32 [tilespmem:s22], [sflag:$0x4], $0x40, s19, s23, $0xb8;
	[tilespmem:$0x1F100] =	vst v63  }
0x4b: {  	_ = 	snop  }
0x4c: {  	[tilespmem:s28], [sflag:$0x3] =	stream.indirect.gather [spmem:s2], $0x40, s7, s23, $0xb8;
	[tilespmem:$0x1F100] =	vst v63  }
0x4d: {  	_ =	swait.ge [sflag:s29], $0x2000  }
0x4e: {  	[sflag:s29] =	ssyncset.done $0x0  }
0x4f: {  	s30 =	simm.s32 $0x2900;
	[sflag:s29] =	ssyncadd.s32 $0xFFFFE000  }
0x50: {  	[spmem:s3] =	stream.indirect.scatter.add.f32 [tilespmem:s24], [sflag:$0x5], $0x40, s30, s23, $0xb8;
	[tilespmem:$0x1F100] =	vst v63  }
0x51: {  	_ =	swait.ge [sflag:s31], $0x2000  }
0x52: {  	[sflag:s31] =	ssyncset.done $0x0  }
0x53: {  	s5 =	simm.s32 $0x180;
	[sflag:s31] =	ssyncadd.s32 $0xFFFFE000  }
0x54: {  	[tilespmem:s22], [sflag:$0x1] =	stream.indirect.gather [spmem:s2], $0x40, s5, s23, $0xb8;
	[tilespmem:$0x1F100] =	vst v63  }
0x55: {  	_ =	swait.ge [sflag:s1], $0x2000  }
0x56: {  	[sflag:s1] =	ssyncset.done $0x0  }
0x57: {  	s7 =	simm.s32 $0x2980;
	[sflag:s1] =	ssyncadd.s32 $0xFFFFE000  }
0x58: {  	[spmem:s3] =	stream.indirect.scatter.add.f32 [tilespmem:s28], [sflag:$0x6], $0x40, s7, s23, $0xb8;
	[tilespmem:$0x1F100] =	vst v63  }
0x59: {  	_ =	swait.ge [sflag:s6], $0x2000  }
0x5a: {  	[sflag:s6] =	ssyncset.done $0x0  }
0x5b: {  	s26 =	simm.s32 $0x200;
	[sflag:s6] =	ssyncadd.s32 $0xFFFFE000  }
0x5c: {  	[tilespmem:s24], [sflag:$0x2] =	stream.indirect.gather [spmem:s2], $0x40, s26, s23, $0xb8;
	[tilespmem:$0x1F100] =	vst v63  }
0x5d: {  	_ =	swait.ge [sflag:s25], $0x2000  }
0x5e: {  	[sflag:s25] =	ssyncset.done $0x0  }
0x5f: {  	[sflag:s25] =	ssyncadd.s32 $0xFFFFE000  }
0x60: {  	[spmem:s3] =	stream.indirect.scatter.add.f32 [tilespmem:s22], [sflag:$0x4], $0x40, s9, s23, $0xb8;
	[tilespmem:$0x1F100] =	vst v63  }
0x61: {  	_ =	swait.ge [sflag:s10], $0x2000  }
0x62: {  	[sflag:s10] =	ssyncset.done $0x0  }
0x63: {  	[sflag:s10] =	ssyncadd.s32 $0xFFFFE000  }
0x64: {  	[tilespmem:s28], [sflag:$0x3] =	stream.indirect.gather [spmem:s2], $0x40, s11, s23, $0xb8;
	[tilespmem:$0x1F100] =	vst v63  }
0x65: {  	_ =	swait.ge [sflag:s29], $0x2000  }
0x66: {  	[sflag:s29] =	ssyncset.done $0x0  }
0x67: {  	[sflag:s29] =	ssyncadd.s32 $0xFFFFE000  }
0x68: {  	[spmem:s3] =	stream.indirect.scatter.add.f32 [tilespmem:s24], [sflag:$0x5], $0x40, s12, s23, $0xb8;
	[tilespmem:$0x1F100] =	vst v63  }
0x69: {  	_ =	swait.ge [sflag:s31], $0x2000  }
0x6a: {  	[sflag:s31] =	ssyncset.done $0x0  }
0x6b: {  	s30 =	simm.s32 $0x300;
	[sflag:s31] =	ssyncadd.s32 $0xFFFFE000  }
0x6c: {  	[tilespmem:s22], [sflag:$0x1] =	stream.indirect.gather [spmem:s2], $0x40, s30, s23, $0xb8;
	[tilespmem:$0x1F100] =	vst v63  }
0x6d: {  	_ =	swait.ge [sflag:s1], $0x2000  }
0x6e: {  	[sflag:s1] =	ssyncset.done $0x0  }
0x6f: {  	s5 =	simm.s32 $0x2B00;
	[sflag:s1] =	ssyncadd.s32 $0xFFFFE000  }
0x70: {  	[spmem:s3] =	stream.indirect.scatter.add.f32 [tilespmem:s28], [sflag:$0x6], $0x40, s5, s23, $0xb8;
	[tilespmem:$0x1F100] =	vst v63  }
0x71: {  	_ =	swait.ge [sflag:s6], $0x2000  }
0x72: {  	[sflag:s6] =	ssyncset.done $0x0  }
0x73: {  	s7 =	simm.s32 $0x380;
	[sflag:s6] =	ssyncadd.s32 $0xFFFFE000  }
0x74: {  	[tilespmem:s24], [sflag:$0x2] =	stream.indirect.gather [spmem:s2], $0x40, s7, s23, $0xb8;
	[tilespmem:$0x1F100] =	vst v63  }
0x75: {  	_ =	swait.ge [sflag:s25], $0x2000  }
0x76: {  	[sflag:s25] =	ssyncset.done $0x0  }
0x77: {  	s26 =	simm.s32 $0x2B80;
	[sflag:s25] =	ssyncadd.s32 $0xFFFFE000  }
0x78: {  	[spmem:s3] =	stream.indirect.scatter.add.f32 [tilespmem:s22], [sflag:$0x4], $0x40, s26, s23, $0xb8;
	[tilespmem:$0x1F100] =	vst v63  }
0x79: {  	_ =	swait.ge [sflag:s10], $0x2000  }
0x7a: {  	[sflag:s10] =	ssyncset.done $0x0  }
0x7b: {  	s30 =	simm.s32 $0x400;
	[sflag:s10] =	ssyncadd.s32 $0xFFFFE000  }
0x7c: {  	[tilespmem:s28], [sflag:$0x3] =	stream.indirect.gather [spmem:s2], $0x40, s30, s23, $0xb8;
	[tilespmem:$0x1F100] =	vst v63  }
0x7d: {  	_ =	swait.ge [sflag:s29], $0x2000  }
0x7e: {  	[sflag:s29] =	ssyncset.done $0x0  }
0x7f: {  	s0 =	simm.s32 $0x2C00;
	s26 =	simm.s32 $0x600;
	[sflag:s29] =	ssyncadd.s32 $0xFFFFE000  }
.LBB2_4:
0x80: {  	[spmem:s3] =	stream.indirect.scatter.add.f32 [tilespmem:s24], [sflag:$0x5], $0x40, s0, s23, $0xb8;
	[tilespmem:$0x1F100] =	vst v63  }
0x81: {  	s0 =	smov.u32 s26;
	s26 =	sadd.s32 $0x600, s26;
	_ =	swait.ge [sflag:s31], $0x2000  }
0x82: {  	s0 =	sshra.s32 s0, $0x2;
	p0 =	sne.s32 s26, $0x9600;
	[sflag:s31] =	ssyncset.done $0x0  }
0x83: {  	s5 =	sadd.s32 $0x300, s0;
	[sflag:s31] =	ssyncadd.s32 $0xFFFFE000  }
0x84: {  	[tilespmem:s22], [sflag:$0x1] =	stream.indirect.gather [spmem:s2], $0x40, s5, s23, $0xb8;
	[tilespmem:$0x1F100] =	vst v63  }
0x85: {  	_ =	swait.ge [sflag:s1], $0x2000  }
0x86: {  	[sflag:s1] =	ssyncset.done $0x0  }
0x87: {  	s5 =	sadd.s32 $0x2B00, s0;
	[sflag:s1] =	ssyncadd.s32 $0xFFFFE000  }
0x88: {  	[spmem:s3] =	stream.indirect.scatter.add.f32 [tilespmem:s28], [sflag:$0x6], $0x40, s5, s23, $0xb8;
	[tilespmem:$0x1F100] =	vst v63  }
0x89: {  	_ =	swait.ge [sflag:s6], $0x2000  }
0x8a: {  	[sflag:s6] =	ssyncset.done $0x0  }
0x8b: {  	s5 =	sadd.s32 $0x380, s0;
	[sflag:s6] =	ssyncadd.s32 $0xFFFFE000  }
0x8c: {  	[tilespmem:s24], [sflag:$0x2] =	stream.indirect.gather [spmem:s2], $0x40, s5, s23, $0xb8;
	[tilespmem:$0x1F100] =	vst v63  }
0x8d: {  	_ =	swait.ge [sflag:s25], $0x2000  }
0x8e: {  	[sflag:s25] =	ssyncset.done $0x0  }
0x8f: {  	s5 =	sadd.s32 $0x2B80, s0;
	[sflag:s25] =	ssyncadd.s32 $0xFFFFE000  }
0x90: {  	[spmem:s3] =	stream.indirect.scatter.add.f32 [tilespmem:s22], [sflag:$0x4], $0x40, s5, s23, $0xb8;
	[tilespmem:$0x1F100] =	vst v63  }
0x91: {  	_ =	swait.ge [sflag:s10], $0x2000  }
0x92: {  	[sflag:s10] =	ssyncset.done $0x0  }
.Ltmp1:
0x93: {  	s5 =	sadd.s32 $0x400, s0;
	[sflag:s10] =	ssyncadd.s32 $0xFFFFE000;
	(pc) =	sbr.rel @p0 .LBB2_4-.Ltmp1, $4  }
0x94: {  	[tilespmem:s28], [sflag:$0x3] =	stream.indirect.gather [spmem:s2], $0x40, s5, s23, $0xb8;
	[tilespmem:$0x1F100] =	vst v63  }
0x95: {  	_ =	swait.ge [sflag:s29], $0x2000  }
0x96: {  	[sflag:s29] =	ssyncset.done $0x0  }
0x97: {  	s0 =	sadd.s32 $0x2C00, s0;
	[sflag:s29] =	ssyncadd.s32 $0xFFFFE000  }
0x98: {  	[spmem:s3] =	stream.indirect.scatter.add.f32 [tilespmem:s24], [sflag:$0x5], $0x40, s0, s23, $0xb8;
	[tilespmem:$0x1F100] =	vst v63  }
0x99: {  	_ =	swait.ge [sflag:s1], $0x2000  }
0x9a: {  	s26 =	sshra.s32 s26, $0x2;
	[sflag:s1] =	ssyncset.done $0x0  }
0x9b: {  	s0 =	sadd.s32 $0x2B00, s26;
	[sflag:s1] =	ssyncadd.s32 $0xFFFFE000  }
0x9c: {  	[spmem:s3] =	stream.indirect.scatter.add.f32 [tilespmem:s28], [sflag:$0x6], $0x40, s0, s23, $0xb8;
	[tilespmem:$0x1F100] =	vst v63  }
0x9d: {  	_ =	swait.ge [sflag:s31], $0x2000  }
0x9e: {  	[sflag:s31] =	ssyncset.done $0x0  }
0x9f: {  	[sflag:s31] =	ssyncadd.s32 $0xFFFFE000  }
0xa0: {  	_ =	swait.ge [sflag:s6], $0x2000  }
0xa1: {  	[sflag:s6] =	ssyncset.done $0x0  }
0xa2: {  	[sflag:s6] =	ssyncadd.s32 $0xFFFFE000  }
0xa3: {  	_ =	swait.ge [sflag:s10], $0x2000  }
0xa4: {  	[sflag:s10] =	ssyncset.done $0x0  }
0xa5: {  	[sflag:s10] =	ssyncadd.s32 $0xFFFFE000  }
0xa6: {  	[bflag:$0x0] =	sbarrier.arrive $0xFFFF  }
0xa7: {  	s5 =	rddreg [dreg:$0x9]  }
0xa8: {  	s7 =	rddreg [dreg:$0x8];
	s26 =	sshrl.u32 s5, $0x3  }
0xa9: {  	[hbm:s7], [sflag:s20] =	dma.local [spmem:s26], $0x1400  }
0xaa: {  	_ =	swait.ge [sflag:s18], $0x1400  }
0xab: {  	[sflag:s18] =	ssyncset.done $0x0  }
0xac: {  	s30 =	simm.s32 $0x0;
	s5 =	rddreg [dreg:$0xa];
	[sflag:s18] =	ssyncadd.s32 $0xFFFFEC00  }
0xad: {  	[spmem:s21], [sflag:s20] =	dma.local [hbm:s5], $0x1400  }
0xae: {  	s7 =	sand.u32 $0x7F00, s30;
	_ =	swait.ge [sflag:s18], $0x1400  }
0xaf: {  	s7 =	sshrl.u32 s7, $0x2;
	s5 =	sand.u32 $0x30, s30;
	[sflag:s18] =	ssyncset.done $0x0  }
0xb0: {  	s0 =	simm.s32 $0x40;
	s5 =	sor.u32 s5, s7;
	[sflag:s18] =	ssyncadd.s32 $0xFFFFEC00  }
.LBB2_6:
0xb1: {  	p0 =	sne.s32 s0, $0x7FC0  }
0xb2: {  	[tilespmem:s5+$0x5100] =	vst v0;
	s30 =	sadd.s32 $0x10, s30;
	s5 =	smov.u32 s0;
	s0 =	sadd.s32 $0x40, s0  }
.Ltmp2:
0xb3: {  	(pc) =	sbr.rel @p0 .LBB2_6-.Ltmp2, $4  }
0xb4: {  	_ = 	snop  }
0xb5: {  	s5 =	sand.u32 $0x7F00, s5  }
0xb6: {  	s7 =	sand.u32 $0x30, s30;
	s5 =	sshrl.u32 s5, $0x2  }
0xb7: {  	s5 =	sor.u32 s7, s5  }
0xb8: {  	[tilespmem:s5+$0x5100] =	vst v0  }
0xb9: {  	[spmem:s8] =	stream.linear.scatter [tilespmem:s22], [sflag:$0x7], $0x2000, $0x38;
	[tilespmem:$0x1F100] =	vst v63  }
0xba: {  	_ =	swait.ge [sflag:s18], $0x2000  }
0xbb: {  	[sflag:s18] =	ssyncset.done $0x0  }
0xbc: {  	[sflag:s18] =	ssyncadd.s32 $0xFFFFE000  }
0xbd: {  	[spmem:s14] =	stream.linear.scatter [tilespmem:s22], [sflag:$0x7], $0x2000, $0x38;
	[tilespmem:$0x1F100] =	vst v63  }
0xbe: {  	_ =	swait.ge [sflag:s18], $0x2000  }
0xbf: {  	[sflag:s18] =	ssyncset.done $0x0  }
0xc0: {  	[sflag:s18] =	ssyncadd.s32 $0xFFFFE000  }
0xc1: {  	[spmem:s15] =	stream.linear.scatter [tilespmem:s22], [sflag:$0x7], $0x2000, $0x38;
	[tilespmem:$0x1F100] =	vst v63  }
0xc2: {  	_ =	swait.ge [sflag:s18], $0x2000  }
0xc3: {  	[sflag:s18] =	ssyncset.done $0x0  }
0xc4: {  	[sflag:s18] =	ssyncadd.s32 $0xFFFFE000  }
0xc5: {  	[spmem:s16] =	stream.linear.scatter [tilespmem:s22], [sflag:$0x7], $0x2000, $0x38;
	[tilespmem:$0x1F100] =	vst v63  }
0xc6: {  	_ =	swait.ge [sflag:s18], $0x2000  }
0xc7: {  	[sflag:s18] =	ssyncset.done $0x0  }
0xc8: {  	[sflag:s18] =	ssyncadd.s32 $0xFFFFE000  }
0xc9: {  	[spmem:s17] =	stream.linear.scatter [tilespmem:s22], [sflag:$0x7], $0x2000, $0x38;
	[tilespmem:$0x1F100] =	vst v63  }
0xca: {  	_ =	swait.ge [sflag:s18], $0x2000  }
0xcb: {  	[sflag:s18] =	ssyncset.done $0x0  }
0xcc: {  	[sflag:s18] =	ssyncadd.s32 $0xFFFFE000  }
0xcd: {  	s0 =	simm.s32 $0x0;
	[bflag:$0x0] =	sbarrier.arrive $0xFFFF  }
0xce: {  	[tilespmem:s22], [sflag:$0x1] =	stream.indirect.gather [spmem:s2], $0x40, s0, s23, $0xb8;
	[tilespmem:$0x1F100] =	vst v63  }
0xcf: {  	_ = 	snop  }
0xd0: {  	[tilespmem:s24], [sflag:$0x2] =	stream.indirect.gather [spmem:s2], $0x40, s23, s23, $0xb8;
	[tilespmem:$0x1F100] =	vst v63  }
0xd1: {  	_ =	swait.ge [sflag:s25], $0x2000  }
0xd2: {  	[sflag:s25] =	ssyncset.done $0x0  }
0xd3: {  	[sflag:s25] =	ssyncadd.s32 $0xFFFFE000  }
0xd4: {  	[spmem:s3] =	stream.indirect.scatter.add.f32 [tilespmem:s22], [sflag:$0x4], $0x40, s19, s23, $0xb8;
	[tilespmem:$0x1F100] =	vst v63  }
0xd5: {  	s7 =	simm.s32 $0x100  }
0xd6: {  	[tilespmem:s28], [sflag:$0x3] =	stream.indirect.gather [spmem:s2], $0x40, s7, s23, $0xb8;
	[tilespmem:$0x1F100] =	vst v63  }
0xd7: {  	_ =	swait.ge [sflag:s29], $0x2000  }
0xd8: {  	[sflag:s29] =	ssyncset.done $0x0  }
0xd9: {  	s5 =	simm.s32 $0x2900;
	[sflag:s29] =	ssyncadd.s32 $0xFFFFE000  }
0xda: {  	[spmem:s3] =	stream.indirect.scatter.add.f32 [tilespmem:s24], [sflag:$0x5], $0x40, s5, s23, $0xb8;
	[tilespmem:$0x1F100] =	vst v63  }
0xdb: {  	_ =	swait.ge [sflag:s31], $0x2000  }
0xdc: {  	[sflag:s31] =	ssyncset.done $0x0  }
0xdd: {  	s5 =	simm.s32 $0x180;
	[sflag:s31] =	ssyncadd.s32 $0xFFFFE000  }
0xde: {  	[tilespmem:s22], [sflag:$0x1] =	stream.indirect.gather [spmem:s2], $0x40, s5, s23, $0xb8;
	[tilespmem:$0x1F100] =	vst v63  }
0xdf: {  	_ =	swait.ge [sflag:s1], $0x2000  }
0xe0: {  	[sflag:s1] =	ssyncset.done $0x0  }
0xe1: {  	s5 =	simm.s32 $0x2980;
	[sflag:s1] =	ssyncadd.s32 $0xFFFFE000  }
0xe2: {  	[spmem:s3] =	stream.indirect.scatter.add.f32 [tilespmem:s28], [sflag:$0x6], $0x40, s5, s23, $0xb8;
	[tilespmem:$0x1F100] =	vst v63  }
0xe3: {  	_ =	swait.ge [sflag:s6], $0x2000  }
0xe4: {  	[sflag:s6] =	ssyncset.done $0x0  }
0xe5: {  	s5 =	simm.s32 $0x200;
	[sflag:s6] =	ssyncadd.s32 $0xFFFFE000  }
0xe6: {  	[tilespmem:s24], [sflag:$0x2] =	stream.indirect.gather [spmem:s2], $0x40, s5, s23, $0xb8;
	[tilespmem:$0x1F100] =	vst v63  }
0xe7: {  	_ =	swait.ge [sflag:s25], $0x2000  }
0xe8: {  	[sflag:s25] =	ssyncset.done $0x0  }
0xe9: {  	[sflag:s25] =	ssyncadd.s32 $0xFFFFE000  }
0xea: {  	[spmem:s3] =	stream.indirect.scatter.add.f32 [tilespmem:s22], [sflag:$0x4], $0x40, s9, s23, $0xb8;
	[tilespmem:$0x1F100] =	vst v63  }
0xeb: {  	_ =	swait.ge [sflag:s10], $0x2000  }
0xec: {  	[sflag:s10] =	ssyncset.done $0x0  }
0xed: {  	[sflag:s10] =	ssyncadd.s32 $0xFFFFE000  }
0xee: {  	[tilespmem:s28], [sflag:$0x3] =	stream.indirect.gather [spmem:s2], $0x40, s11, s23, $0xb8;
	[tilespmem:$0x1F100] =	vst v63  }
0xef: {  	_ =	swait.ge [sflag:s29], $0x2000  }
0xf0: {  	[sflag:s29] =	ssyncset.done $0x0  }
0xf1: {  	[sflag:s29] =	ssyncadd.s32 $0xFFFFE000  }
0xf2: {  	[spmem:s3] =	stream.indirect.scatter.add.f32 [tilespmem:s24], [sflag:$0x5], $0x40, s12, s23, $0xb8;
	[tilespmem:$0x1F100] =	vst v63  }
0xf3: {  	_ =	swait.ge [sflag:s31], $0x2000  }
0xf4: {  	[sflag:s31] =	ssyncset.done $0x0  }
0xf5: {  	s5 =	simm.s32 $0x300;
	[sflag:s31] =	ssyncadd.s32 $0xFFFFE000  }
0xf6: {  	[tilespmem:s22], [sflag:$0x1] =	stream.indirect.gather [spmem:s2], $0x40, s5, s23, $0xb8;
	[tilespmem:$0x1F100] =	vst v63  }
0xf7: {  	_ =	swait.ge [sflag:s1], $0x2000  }
0xf8: {  	[sflag:s1] =	ssyncset.done $0x0  }
0xf9: {  	s5 =	simm.s32 $0x2B00;
	[sflag:s1] =	ssyncadd.s32 $0xFFFFE000  }
0xfa: {  	[spmem:s3] =	stream.indirect.scatter.add.f32 [tilespmem:s28], [sflag:$0x6], $0x40, s5, s23, $0xb8;
	[tilespmem:$0x1F100] =	vst v63  }
0xfb: {  	_ =	swait.ge [sflag:s6], $0x2000  }
0xfc: {  	[sflag:s6] =	ssyncset.done $0x0  }
0xfd: {  	s5 =	simm.s32 $0x380;
	[sflag:s6] =	ssyncadd.s32 $0xFFFFE000  }
0xfe: {  	[tilespmem:s24], [sflag:$0x2] =	stream.indirect.gather [spmem:s2], $0x40, s5, s23, $0xb8;
	[tilespmem:$0x1F100] =	vst v63  }
0xff: {  	_ =	swait.ge [sflag:s25], $0x2000  }
0x100: {  	[sflag:s25] =	ssyncset.done $0x0  }
0x101: {  	s5 =	simm.s32 $0x2B80;
	[sflag:s25] =	ssyncadd.s32 $0xFFFFE000  }
0x102: {  	[spmem:s3] =	stream.indirect.scatter.add.f32 [tilespmem:s22], [sflag:$0x4], $0x40, s5, s23, $0xb8;
	[tilespmem:$0x1F100] =	vst v63  }
0x103: {  	_ =	swait.ge [sflag:s10], $0x2000  }
0x104: {  	[sflag:s10] =	ssyncset.done $0x0  }
0x105: {  	s5 =	simm.s32 $0x400;
	[sflag:s10] =	ssyncadd.s32 $0xFFFFE000  }
0x106: {  	[tilespmem:s28], [sflag:$0x3] =	stream.indirect.gather [spmem:s2], $0x40, s5, s23, $0xb8;
	[tilespmem:$0x1F100] =	vst v63  }
0x107: {  	_ =	swait.ge [sflag:s29], $0x2000  }
0x108: {  	[sflag:s29] =	ssyncset.done $0x0  }
0x109: {  	s30 =	simm.s32 $0x600;
	s0 =	simm.s32 $0x2C00;
	[sflag:s29] =	ssyncadd.s32 $0xFFFFE000  }
.LBB2_8:
0x10a: {  	[spmem:s3] =	stream.indirect.scatter.add.f32 [tilespmem:s24], [sflag:$0x5], $0x40, s0, s23, $0xb8;
	[tilespmem:$0x1F100] =	vst v63  }
0x10b: {  	s0 =	smov.u32 s30;
	s30 =	sadd.s32 $0x600, s30;
	_ =	swait.ge [sflag:s31], $0x2000  }
0x10c: {  	s0 =	sshra.s32 s0, $0x2;
	p0 =	sne.s32 s30, $0x9600;
	[sflag:s31] =	ssyncset.done $0x0  }
0x10d: {  	s5 =	sadd.s32 $0x300, s0;
	[sflag:s31] =	ssyncadd.s32 $0xFFFFE000  }
0x10e: {  	[tilespmem:s22], [sflag:$0x1] =	stream.indirect.gather [spmem:s2], $0x40, s5, s23, $0xb8;
	[tilespmem:$0x1F100] =	vst v63  }
0x10f: {  	_ =	swait.ge [sflag:s1], $0x2000  }
0x110: {  	[sflag:s1] =	ssyncset.done $0x0  }
0x111: {  	s5 =	sadd.s32 $0x2B00, s0;
	[sflag:s1] =	ssyncadd.s32 $0xFFFFE000  }
0x112: {  	[spmem:s3] =	stream.indirect.scatter.add.f32 [tilespmem:s28], [sflag:$0x6], $0x40, s5, s23, $0xb8;
	[tilespmem:$0x1F100] =	vst v63  }
0x113: {  	_ =	swait.ge [sflag:s6], $0x2000  }
0x114: {  	[sflag:s6] =	ssyncset.done $0x0  }
0x115: {  	s5 =	sadd.s32 $0x380, s0;
	[sflag:s6] =	ssyncadd.s32 $0xFFFFE000  }
0x116: {  	[tilespmem:s24], [sflag:$0x2] =	stream.indirect.gather [spmem:s2], $0x40, s5, s23, $0xb8;
	[tilespmem:$0x1F100] =	vst v63  }
0x117: {  	_ =	swait.ge [sflag:s25], $0x2000  }
0x118: {  	[sflag:s25] =	ssyncset.done $0x0  }
0x119: {  	s5 =	sadd.s32 $0x2B80, s0;
	[sflag:s25] =	ssyncadd.s32 $0xFFFFE000  }
0x11a: {  	[spmem:s3] =	stream.indirect.scatter.add.f32 [tilespmem:s22], [sflag:$0x4], $0x40, s5, s23, $0xb8;
	[tilespmem:$0x1F100] =	vst v63  }
0x11b: {  	_ =	swait.ge [sflag:s10], $0x2000  }
0x11c: {  	[sflag:s10] =	ssyncset.done $0x0  }
.Ltmp3:
0x11d: {  	s5 =	sadd.s32 $0x400, s0;
	[sflag:s10] =	ssyncadd.s32 $0xFFFFE000;
	(pc) =	sbr.rel @p0 .LBB2_8-.Ltmp3, $4  }
0x11e: {  	[tilespmem:s28], [sflag:$0x3] =	stream.indirect.gather [spmem:s2], $0x40, s5, s23, $0xb8;
	[tilespmem:$0x1F100] =	vst v63  }
0x11f: {  	_ =	swait.ge [sflag:s29], $0x2000  }
0x120: {  	[sflag:s29] =	ssyncset.done $0x0  }
0x121: {  	s0 =	sadd.s32 $0x2C00, s0;
	[sflag:s29] =	ssyncadd.s32 $0xFFFFE000  }
0x122: {  	[spmem:s3] =	stream.indirect.scatter.add.f32 [tilespmem:s24], [sflag:$0x5], $0x40, s0, s23, $0xb8;
	[tilespmem:$0x1F100] =	vst v63  }
0x123: {  	_ =	swait.ge [sflag:s1], $0x2000  }
0x124: {  	s30 =	sshra.s32 s30, $0x2;
	[sflag:s1] =	ssyncset.done $0x0  }
0x125: {  	s0 =	sadd.s32 $0x2B00, s30;
	[sflag:s1] =	ssyncadd.s32 $0xFFFFE000  }
0x126: {  	[spmem:s3] =	stream.indirect.scatter.add.f32 [tilespmem:s28], [sflag:$0x6], $0x40, s0, s23, $0xb8;
	[tilespmem:$0x1F100] =	vst v63  }
0x127: {  	_ =	swait.ge [sflag:s31], $0x2000  }
0x128: {  	[sflag:s31] =	ssyncset.done $0x0  }
0x129: {  	[sflag:s31] =	ssyncadd.s32 $0xFFFFE000  }
0x12a: {  	_ =	swait.ge [sflag:s6], $0x2000  }
0x12b: {  	[sflag:s6] =	ssyncset.done $0x0  }
0x12c: {  	[sflag:s6] =	ssyncadd.s32 $0xFFFFE000  }
0x12d: {  	_ =	swait.ge [sflag:s10], $0x2000  }
0x12e: {  	[sflag:s10] =	ssyncset.done $0x0  }
0x12f: {  	[sflag:s10] =	ssyncadd.s32 $0xFFFFE000  }
0x130: {  	[bflag:$0x0] =	sbarrier.arrive $0xFFFF  }
0x131: {  	s5 =	rddreg [dreg:$0xb]  }
0x132: {  	[hbm:s5], [sflag:s20] =	dma.local [spmem:s26], $0x1400  }
0x133: {  	_ =	swait.ge [sflag:s18], $0x1400  }
0x134: {  	s13 =	sadd.s32 $0x1, s13;
	s30 =	rddreg [dreg:$0xc]  }
0x135: {  	p0 =	sne.s32 s13, s30  }
.Ltmp4:
0x136: {  	_ = 	snop;
	(pc) =	sbr.rel @p0 .LBB2_1-.Ltmp4, $3  }
0x137: {  	_ =	sdelay $0x1  }
0x138: {  	[sflag:s18] =	ssyncset.done $0x0  }
0x139: {  	[sflag:s18] =	ssyncadd.s32 $0xFFFFEC00  }
0x13a: {  	_ =	sfence.sel $0x180000  }
0x13b: {  	[bflag:$0x0] =	sbarrier.arrive $0xFFFF  }
0x13c: {  	_ =	strace $0x9000004A  }
0x13d: {  	s0 =	stileid.u32;
	[bflag:$0x2] =	sbarrier.arrive $0xFFFF  }
0x13e: {  	p0 =	sne.s32 s0, $0x0;
	s0 =	rddreg [dreg:$0x4]  }
0x13f: {  	s0 =	sadd.s32 @!p0 $0x100000, s0  }
0x140: {  	[sflag:s0] =	ssyncadd.tile.s32 @!p0 $0x1;
	_ =	shalt  }
.Lfunc_end2:
_tile_overlayer_lowered:
.L_overlay_start_2:
0x141: {  	(tag) =	ssettag $0x2  }
0x142: {  	s0 =	rddreg [dreg:$0x0];
	s2 =	stileid.u32  }
0x143: {  	s1 =	rddreg [dreg:$0x1];
	p0 =	sne.s32 s2, $0x0  }
0x144: {  	s3 =	rddreg [dreg:$0x2];
	[bflag:$0x3] =	sbarrier.arrive $0xFFFF;
	s2 =	simm.s32 @!p0 $0x1C07  }
0x145: {  	[timem:s3], [sflag:s2] =	dma.local @!p0 [hbm:s0], s1  }
0x146: {  	s0 =	simm.s32 @!p0 $0x7  }
0x147: {  	_ =	swait.ge @!p0 [sflag:s0], s1  }
0x148: {  	s1 =	ssub.s32 @!p0 $0x0, s1;
	[sflag:s0] =	ssyncset.done @!p0 $0x0  }
0x149: {  	[sflag:s0] =	ssyncadd.s32 @!p0 s1  }
0x14a: {  	[bflag:$0x3] =	sbarrier.arrive $0xFFFF  }
0x14b: {  	_ =	shalt  }

// kernel: kernel.14.cloned.1.call-start
scs
__scs_entry_jumppad:
0x0: {  	(pc) =	sbr.rel $0x88, $3  }
0x1: {  	(tag) =	ssettag $0x0;
	lr =	simm.s32 $0x1  }
0x2: {  	[smem:$0x3F89] =	sst lr;
	_ =	strace $0xD0000000  }
0x3: {  	_ = 	snop  }
0x4: {  	_ = 	snop  }
0x5: {  	_ = 	snop  }
0x6: {  	_ = 	snop  }
0x7: {  	_ = 	snop  }
__scs_overlays_trampoline_lowered:
0x8: {  	[smem:$0x3F98] =	sst s0  }
0x9: {  	[smem:$0x3F99] =	sst s1  }
0xa: {  	[smem:$0x3F9A] =	sst s2  }
0xb: {  	[smem:$0x3F9B] =	sst s3  }
0xc: {  	[smem:$0x3F9C] =	sst s4  }
0xd: {  	[smem:$0x3F9D] =	sst s5  }
0xe: {  	[smem:$0x3F9E] =	sst s6  }
0xf: {  	[smem:$0x3F9F] =	sst s7  }
0x10: {  	[smem:$0x3FA0] =	sst s8  }
0x11: {  	[smem:$0x3FA1] =	sst s9;
	s0 =	simm.s32 @!p0 $0x0  }
0x12: {  	s1 =	sld [smem:$0x3F87];
	s0 =	simm.s32 @p0 $0x1  }
0x13: {  	[smem:$0x3FA2] =	sst s0;
	s0 =	simm.s32 @!p1 $0x0  }
0x14: {  	s2 =	sld [smem:$0x3F86];
	s0 =	simm.s32 @p1 $0x1  }
0x15: {  	[smem:$0x3FA3] =	sst s0;
	s0 =	simm.s32 @!p2 $0x0  }
0x16: {  	s3 =	sld [smem:$0x3FDB];
	s0 =	simm.s32 @p2 $0x1  }
0x17: {  	s4 =	simm.s32 $0x1BF5;
	[smem:$0x3FA5] =	sst s0  }
0x18: {  	s0 =	sld [smem:$0x3F88];
	_ =	swait.ge [sflag:s4], $0x0  }
0x19: {  	s7 =	sld [smem:$0x3F89]  }
0x1a: {  	s8 =	sadd.s32 $0xFFFFE003, lr  }
0x1b: {  	s9 =	sadd.s32 $0xFFFFFEF7, lr;
	s5 =	simm.s32 $0xFFFFFFFF;
	p2 =	slt.u32 s8, $0xFFFFF086  }
0x1c: {  	p1 =	slt.u32 s9, $0xF7A;
	s5 =	simm.s32 @!p2 $0x0  }
0x1d: {  	s5 =	simm.s32 @p1 $0x1;
	p0 =	seq.s32 s7, s2  }
0x1e: {  	s7 =	smul.u32 @!p0 $0xF7A, s2;
	p2 =	seq.s32 @!p0 s5, $0x0  }
0x1f: {  	s9 =	smul.u32 $0xF7A, s1;
	s8 =	simm.s32 @!p0 $0x1BF5;
	p2 =	por !p2, p0  }
0x20: {  	[sflag:s8] =	ssyncset.s32 @!p0 $0xFFFFF086;
	s6 =	sadd.s32 @!p0 s3, s7;
	s7 =	simm.s32 @!p0 $0x108  }
0x21: {  	s3 =	sadd.s32 s3, s9;
	s6 =	sadd.s32 @!p0 $0x88, s6;
	s7 =	simm.s32 @p2 $0x1082  }
0x22: {  	[simem:s7], [sflag:s8] =	dma.local @!p0 [hbm:s6], $0xF7A  }
0x23: {  	s9 =	sor.u32 $0xD0000000, s2;
	s6 =	simm.s32 $0x108;
	_ =	swait.ge @!p0 [sflag:s8], $0x0  }
0x24: {  	s3 =	sadd.s32 $0x88, s3;
	s6 =	simm.s32 @!p1 $0x1082;
	[sflag:s4] =	ssyncset.s32 $0xFFFFF086  }
0x25: {  	[simem:s6], [sflag:s4] =	dma.local [hbm:s3], $0xF7A  }
0x26: {  	[smem:$0x3F89] =	sst s1;
	(tag) =	ssettag s2;
	_ =	strace s9  }
0x27: {  	s1 =	sld [smem:$0x3F99]  }
0x28: {  	s2 =	sld [smem:$0x3F9A]  }
0x29: {  	s4 =	sld [smem:$0x3F9C]  }
0x2a: {  	p0 =	seq.s32 s5, $0x0;
	s5 =	sld [smem:$0x3F9D]  }
0x2b: {  	s6 =	sld [smem:$0x3F9E]  }
0x2c: {  	s7 =	sld [smem:$0x3F9F]  }
0x2d: {  	s3 =	simm.s32 $0x108;
	s8 =	sld [smem:$0x3FA0]  }
0x2e: {  	s3 =	simm.s32 @!p0 $0x1082;
	s9 =	sld [smem:$0x3FA1]  }
0x2f: {  	lr =	sadd.s32 s0, s3;
	s0 =	sld [smem:$0x3F98]  }
0x30: {  	s3 =	sld [smem:$0x3F9B]  }
0x31: {  	[smem:$0x3FA4] =	sst s10  }
0x32: {  	s10 =	sld [smem:$0x3FA2];
	_ =	sdelay $0x3  }
0x33: {  	p0 =	seq.s32 s10, $0x1;
	s10 =	sld [smem:$0x3FA4];
	_ =	sdelay $0x3  }
0x34: {  	[smem:$0x3FA4] =	sst s10  }
0x35: {  	s10 =	sld [smem:$0x3FA3];
	_ =	sdelay $0x3  }
0x36: {  	p1 =	seq.s32 s10, $0x1;
	s10 =	sld [smem:$0x3FA4];
	_ =	sdelay $0x3  }
0x37: {  	[smem:$0x3FA4] =	sst s10  }
0x38: {  	s10 =	sld [smem:$0x3FA5]  }
0x39: {  	_ = 	snop;
	(pc) =	sbr.ind lr, $3  }
0x3a: {  	_ = 	snop  }
0x3b: {  	_ = 	snop  }
0x3c: {  	p2 =	seq.s32 s10, $0x1;
	s10 =	sld [smem:$0x3FA4]  }
0x3d: {  	_ =	shalt  }
0x3e: {  	_ =	shalt  }
0x3f: {  	_ =	shalt  }
0x40: {  	_ =	shalt  }
0x41: {  	_ =	shalt  }
0x42: {  	_ =	shalt  }
0x43: {  	_ =	shalt  }
0x44: {  	_ =	shalt  }
0x45: {  	_ =	shalt  }
0x46: {  	_ =	shalt  }
0x47: {  	_ =	shalt  }
0x48: {  	_ =	shalt  }
0x49: {  	_ =	shalt  }
0x4a: {  	_ =	shalt  }
0x4b: {  	_ =	shalt  }
0x4c: {  	_ =	shalt  }
0x4d: {  	_ =	shalt  }
0x4e: {  	_ =	shalt  }
0x4f: {  	_ =	shalt  }
0x50: {  	_ =	shalt  }
0x51: {  	_ =	shalt  }
0x52: {  	_ =	shalt  }
0x53: {  	_ =	shalt  }
0x54: {  	_ =	shalt  }
0x55: {  	_ =	shalt  }
0x56: {  	_ =	shalt  }
0x57: {  	_ =	shalt  }
0x58: {  	_ =	shalt  }
0x59: {  	_ =	shalt  }
0x5a: {  	_ =	shalt  }
0x5b: {  	_ =	shalt  }
0x5c: {  	_ =	shalt  }
0x5d: {  	_ =	shalt  }
0x5e: {  	_ =	shalt  }
0x5f: {  	_ =	shalt  }
0x60: {  	_ =	shalt  }
0x61: {  	_ =	shalt  }
0x62: {  	_ =	shalt  }
0x63: {  	_ =	shalt  }
0x64: {  	_ =	shalt  }
0x65: {  	_ =	shalt  }
0x66: {  	_ =	shalt  }
0x67: {  	_ =	shalt  }
0x68: {  	_ =	shalt  }
0x69: {  	_ =	shalt  }
0x6a: {  	_ =	shalt  }
0x6b: {  	_ =	shalt  }
0x6c: {  	_ =	shalt  }
0x6d: {  	_ =	shalt  }
0x6e: {  	_ =	shalt  }
0x6f: {  	_ =	shalt  }
0x70: {  	_ =	shalt  }
0x71: {  	_ =	shalt  }
0x72: {  	_ =	shalt  }
0x73: {  	_ =	shalt  }
0x74: {  	_ =	shalt  }
0x75: {  	_ =	shalt  }
0x76: {  	_ =	shalt  }
0x77: {  	_ =	shalt  }
0x78: {  	_ =	shalt  }
0x79: {  	_ =	shalt  }
0x7a: {  	_ =	shalt  }
0x7b: {  	_ =	shalt  }
0x7c: {  	_ =	shalt  }
0x7d: {  	_ =	shalt  }
0x7e: {  	_ =	shalt  }
0x7f: {  	_ =	shalt  }
0x80: {  	_ =	shalt  }
0x81: {  	_ =	shalt  }
0x82: {  	_ =	shalt  }
0x83: {  	_ =	shalt  }
0x84: {  	_ =	shalt  }
0x85: {  	_ =	shalt  }
0x86: {  	_ =	shalt  }
0x87: {  	_ =	shalt  }
.Lfunc_end0:
.L_simem_size_0:
called_computation.2_lowered:
.L_overlay_start_0:
0x88: {  	s2 =	sld [smem:$0x3FD9]  }
0x89: {  	s3 =	sld [smem:$0x3FFE];
	_ =	sdelay $0x1  }
0x8a: {  	s1 =	srdreg.scid  }
0x8b: {  	s0 =	sand.u32 $0x1, s1  }
0x8c: {  	s17 =	sshll.u32 s0, $0xA;
	s2 =	sadd.s32 s3, s2  }
0x8d: {  	s2 =	sadd.s32 s2, s17  }
0x8e: {  	[smem:$0x3FB0] =	sst s2  }
0x8f: {  	_ = 	snop  }
0x90: {  	s2 =	sld [smem:$0x3FD0];
	(tm) =	ssettm $0x1  }
0x91: {  	s18 =	sld [smem:$0x3FFB];
	_ =	sdelay $0x3  }
0x92: {  	_ =	strace s18  }
0x93: {  	s3 =	sld [smem:$0x3FFC];
	_ =	sdelay $0x3  }
0x94: {  	_ =	strace s3  }
0x95: {  	s3 =	sld [smem:$0x3FFD];
	_ =	sdelay $0x3  }
0x96: {  	_ =	strace s3  }
0x97: {  	_ =	strace $0x8FFFFFFF  }
0x98: {  	s19 =	sld [smem:$0x3FDB];
	_ =	sdelay $0x1  }
0x99: {  	s4 =	simm.s32 $_scs_section_size  }
0x9a: {  	s5 =	simm.s32 $_size__tile_overlayer_lowered;
	s6 =	simm.s32 $_tile_overlayer_lowered  }
0x9b: {  	s22 =	simm.s32 $0x1BFF;
	s21 =	sshll.u32 s6, $0x1;
	s3 =	sadd.s32 s4, s19  }
0x9c: {  	s7 =	simm.s32 $0x0;
	s20 =	sshll.u32 s5, $0x1;
	s5 =	sadd.s32 s21, s3  }
0x9d: {  	[timem:s7], [sflag:s22] =	dma.local [hbm:s5], s20  }
0x9e: {  	_ =	swait.ge [sflag:s22], s20  }
0x9f: {  	s4 =	ssub.s32 $0x0, s20;
	[sflag:s22] =	ssyncset.done $0x0  }
0xa0: {  	[sflag:s22] =	ssyncadd.s32 s4;
	_ =	sdelay $0x1  }
0xa1: {  	s23 =	simm.s32 $0x1B8B  }
0xa2: {  	_ =	swait.ge [sflag:s23], $0x1  }
0xa3: {  	[sflag:s23] =	ssyncset.done $0x0  }
0xa4: {  	s25 =	simm.s32 $0x1B8E;
	s24 =	sld [smem:$0x3FFE];
	[sflag:s23] =	ssyncadd.s32 $0xFFFFFFFF  }
0xa5: {  	s26 =	simm.s32 $execute0_lowered;
	[smem:$0x3FD2] =	sst s25  }
0xa6: {  	s5 =	sshll.u32 s26, $0x1;
	_ =	strace $0x8000004C;
	[dreg:$0x1] =	wrdreg $0xFFFFFFFF  }
0xa7: {  	s28 =	simm.s32 $_size_execute0_lowered;
	s3 =	sadd.s32 s3, s5;
	[dreg:$0x0] =	wrdreg $0x0  }
0xa8: {  	s5 =	sshll.u32 s28, $0x1;
	[dreg:$0x2] =	wrdreg s3  }
0xa9: {  	[dreg:$0x3] =	wrdreg s5  }
0xaa: {  	[dreg:$0x4] =	wrdreg $0xC0  }
0xab: {  	_ =	task [dreg:s7], $0x5FFFF  }
0xac: {  	[dreg:$0x1] =	wrdreg $0xFFFFFFFF  }
0xad: {  	[dreg:$0x0] =	wrdreg $0x60  }
0xae: {  	[dreg:$0x2] =	wrdreg s24  }
0xaf: {  	[dreg:$0x3] =	wrdreg s2  }
0xb0: {  	[dreg:$0x4] =	wrdreg $0xB1000  }
0xb1: {  	[dreg:$0x5] =	wrdreg $0x151000  }
0xb2: {  	[dreg:$0x6] =	wrdreg $0x9  }
0xb3: {  	_ =	task.clear_ibuf [dreg:s7], $0x7FFFF;
	_ =	strace $0x9000004C  }
0xb4: {  	s29 =	simm.s32 $0x9;
	_ =	strace $0x8000004E  }
0xb5: {  	_ =	swait.ge [sflag:s29], $0x1  }
0xb6: {  	[sflag:s29] =	ssyncadd.s32 $0xFFFFFFFF  }
0xb7: {  	_ =	strace $0x9000004E  }
0xb8: {  	_ =	sfence  }
0xb9: {  	s30 =	sld [smem:$0x0];
	_ =	sdelay $0x2  }
0xba: {  	s31 =	sshll.u32 s1, $0xD;
	s1 =	sshrl.u32 s1, $0x2  }
0xbb: {  	s3 =	sand.u32 $0x4000, s31;
	s1 =	sadd.s32 s1, s30  }
0xbc: {  	s0 =	sor.u32 s3, s0;
	s1 =	sshll.u32 s1, $0x11  }
0xbd: {  	s0 =	sor.u32 s1, s0  }
0xbe: {  	s0 =	sadd.s32 $0x8F2B, s0  }
0xbf: {  	[sflag:s0] =	ssyncadd.remote.s32 $0x1  }
0xc0: {  	_ =	sfence.sel $0xFFFF  }
0xc1: {  	[dreg:$0x0] =	wrdreg $0xFFFFFFFF;
	(pc) =	sbr.abs _section_cstart, $3  }
0xc2: {  	[dreg:$0x1] =	wrdreg $0xFFFFFFFF  }
0xc3: {  	_ =	task.clear_ibuf [dreg:s7], $0x2FFFF;
	_ =	strace $0x9FFFFFFF  }
0xc4: {  	(tm) =	ssettm $0x7FFFFFFF  }
0xc5: {  	_ =	shalt  }
tec
execute0_lowered:
.L_overlay_start_1:
0x0: {  	(tag) =	ssettag $0x1  }
0x1: {  	s0 =	rddreg [dreg:$0x0]  }
0x2: {  	s1 =	rddreg [dreg:$0x1]  }
0x3: {  	s2 =	rddreg [dreg:$0x2]  }
0x4: {  	s3 =	rddreg [dreg:$0x3];
	s13 =	stileid.u32  }
0x5: {  	s4 =	simm.s32 $0x0;
	s6 =	srdreg.scid;
	s18 =	simm.s32 $0x7  }
0x6: {  	s28 =	simm.s32 $0x9100;
	s29 =	simm.s32 $0x2;
	s31 =	simm.s32 $0x4  }
0x7: {  	s5 =	smul.u32 $0xA000, s13;
	[smem:$0x7FF] =	sst s4;
	s6 =	sand.u32 $0x1, s6  }
0x8: {  	s11 =	smul.u32 $0x28000, s13;
	s30 =	sshll.u32 s13, $0x6;
	s8 =	sshll.u32 s6, $0x4  }
0x9: {  	s9 =	smul.u32 $0x140000, s6;
	_ =	strace $0x8000004D;
	s6 =	ssub.s32 $0x2, s6  }
0xa: {  	s7 =	sshrl.u32 s5, $0x3;
	s8 =	sor.u32 s13, s8;
	s10 =	sshrl.u32 s6, $0x1  }
0xb: {  	s20 =	sshrl.u32 s11, $0x2;
	s21 =	sadd.s32 s5, s2;
	s24 =	sadd.s32 s5, s3  }
0xc: {  	s11 =	simm.s32 $0x280;
	s13 =	simm.s32 $0x0;
	s7 =	sadd.s32 s7, s0  }
0xd: {  	s8 =	smul.u32 $0x510, s8;
	s9 =	sadd.s32 s5, s9;
	s6 =	ssub.s32 s6, s10  }
0xe: {  	[dreg:$0x9] =	wrdreg s24;
	s21 =	sshrl.u32 s21, $0x3;
	s24 =	simm.s32 $0x7100  }
0xf: {  	s10 =	simm.s32 $0x6;
	s9 =	sshrl.u32 s9, $0x3;
	s22 =	sadd.s32 $0xD400, s7  }
0x10: {  	s25 =	sadd.s32 $0x21400, s7;
	s26 =	smax.u32 s6, $0x1;
	s7 =	simm.s32 $0x100  }
0x11: {  	s6 =	simm.s32 $0x5;
	s12 =	sadd.s32 s8, s0;
	[dreg:$0x7] =	wrdreg s22  }
0x12: {  	s0 =	sadd.s32 s9, s0;
	s1 =	sadd.s32 s1, s8;
	[dreg:$0xa] =	wrdreg s25  }
0x13: {  	s8 =	sadd.s32 s20, s3;
	[dreg:$0xc] =	wrdreg s26;
	s20 =	sor.u32 $0x1C07, s30  }
0x14: {  	s22 =	simm.s32 $0x5100;
	s25 =	simm.s32 $0x1;
	s9 =	simm.s32 $0x2A00  }
0x15: {  	[dreg:$0x5] =	wrdreg s1;
	s19 =	sadd.s32 $0x3200, s12;
	s23 =	sadd.s32 $0x35400, s0  }
0x16: {  	s0 =	sadd.s32 $0x49400, s0;
	s14 =	sadd.s32 $0x2000, s8;
	s15 =	sadd.s32 $0x4000, s8  }
0x17: {  	s16 =	sadd.s32 $0x6000, s8;
	s17 =	sadd.s32 $0x8000, s8;
	[dreg:$0x6] =	wrdreg s19  }
0x18: {  	s1 =	simm.s32 $0x3;
	s12 =	simm.s32 $0x2A80;
	[dreg:$0x8] =	wrdreg s23  }
0x19: {  	v0 =	vimm.f32 $0.0e+00;
	[dreg:$0xb] =	wrdreg s0;
	s19 =	simm.s32 $0x2880;
	s23 =	simm.s32 $0x80  }
.LBB2_1:
0x1a: {  	s0 =	rddreg [dreg:$0x5]  }
0x1b: {  	[tilespmem:s4], [sflag:$0x7] =	stream.linear.gather [hbm4b:s0+s4], $0x2880, $0x38;
	[tilespmem:$0x1F100] =	vst v63  }
0x1c: {  	_ =	swait.ge [sflag:s18], $0x2880  }
0x1d: {  	[sflag:s18] =	ssyncset.done $0x0  }
0x1e: {  	s26 =	rddreg [dreg:$0x6];
	[sflag:s18] =	ssyncadd.s32 $0xFFFFD780  }
0x1f: {  	[tilespmem:s19], [sflag:$0x7] =	stream.linear.gather [hbm4b:s26+s4], $0x2880, $0x38;
	[tilespmem:$0x1F100] =	vst v63  }
0x20: {  	_ =	swait.ge [sflag:s18], $0x2880  }
0x21: {  	[sflag:s18] =	ssyncset.done $0x0  }
0x22: {  	s26 =	sand.u32 $0x7F00, s4;
	s5 =	rddreg [dreg:$0x7];
	[sflag:s18] =	ssyncadd.s32 $0xFFFFD780  }
0x23: {  	[spmem:s21], [sflag:s20] =	dma.local [hbm:s5], $0x1400  }
0x24: {  	s0 =	sshrl.u32 s26, $0x2;
	_ =	swait.ge [sflag:s18], $0x1400  }
0x25: {  	s26 =	simm.s32 $0x40;
	s5 =	sand.u32 $0x30, s4;
	[sflag:s18] =	ssyncset.done $0x0  }
0x26: {  	s30 =	sor.u32 s5, s0;
	s0 =	simm.s32 $0x0;
	[sflag:s18] =	ssyncadd.s32 $0xFFFFEC00  }
.LBB2_2:
0x27: {  	p0 =	sne.s32 s26, $0x7FC0  }
0x28: {  	[tilespmem:s30+$0x5100] =	vst v0;
	s0 =	sadd.s32 $0x10, s0;
	s5 =	smov.u32 s26;
	s26 =	sadd.s32 $0x40, s26  }
.Ltmp0:
0x29: {  	(pc) =	sbr.rel @p0 .LBB2_2-.Ltmp0, $4  }
0x2a: {  	_ = 	snop  }
0x2b: {  	s5 =	sand.u32 $0x7F00, s5  }
0x2c: {  	s30 =	sand.u32 $0x30, s0;
	s5 =	sshrl.u32 s5, $0x2  }
0x2d: {  	s30 =	sor.u32 s30, s5  }
0x2e: {  	[tilespmem:s30+$0x5100] =	vst v0  }
0x2f: {  	[spmem:s8] =	stream.linear.scatter [tilespmem:s22], [sflag:$0x7], $0x2000, $0x38;
	[tilespmem:$0x1F100] =	vst v63  }
0x30: {  	_ =	swait.ge [sflag:s18], $0x2000  }
0x31: {  	[sflag:s18] =	ssyncset.done $0x0  }
0x32: {  	[sflag:s18] =	ssyncadd.s32 $0xFFFFE000  }
0x33: {  	[spmem:s14] =	stream.linear.scatter [tilespmem:s22], [sflag:$0x7], $0x2000, $0x38;
	[tilespmem:$0x1F100] =	vst v63  }
0x34: {  	_ =	swait.ge [sflag:s18], $0x2000  }
0x35: {  	[sflag:s18] =	ssyncset.done $0x0  }
0x36: {  	[sflag:s18] =	ssyncadd.s32 $0xFFFFE000  }
0x37: {  	[spmem:s15] =	stream.linear.scatter [tilespmem:s22], [sflag:$0x7], $0x2000, $0x38;
	[tilespmem:$0x1F100] =	vst v63  }
0x38: {  	_ =	swait.ge [sflag:s18], $0x2000  }
0x39: {  	[sflag:s18] =	ssyncset.done $0x0  }
0x3a: {  	[sflag:s18] =	ssyncadd.s32 $0xFFFFE000  }
0x3b: {  	[spmem:s16] =	stream.linear.scatter [tilespmem:s22], [sflag:$0x7], $0x2000, $0x38;
	[tilespmem:$0x1F100] =	vst v63  }
0x3c: {  	_ =	swait.ge [sflag:s18], $0x2000  }
0x3d: {  	[sflag:s18] =	ssyncset.done $0x0  }
0x3e: {  	[sflag:s18] =	ssyncadd.s32 $0xFFFFE000  }
0x3f: {  	[spmem:s17] =	stream.linear.scatter [tilespmem:s22], [sflag:$0x7], $0x2000, $0x38;
	[tilespmem:$0x1F100] =	vst v63  }
0x40: {  	_ =	swait.ge [sflag:s18], $0x2000  }
0x41: {  	[sflag:s18] =	ssyncset.done $0x0  }
0x42: {  	[sflag:s18] =	ssyncadd.s32 $0xFFFFE000  }
0x43: {  	s0 =	simm.s32 $0x0;
	[bflag:$0x0] =	sbarrier.arrive $0xFFFF  }
0x44: {  	[tilespmem:s22], [sflag:$0x1] =	stream.indirect.gather [spmem:s2], $0x40, s0, s23, $0xb8;
	[tilespmem:$0x1F100] =	vst v63  }
0x45: {  	_ = 	snop  }
0x46: {  	[tilespmem:s24], [sflag:$0x2] =	stream.indirect.gather [spmem:s2], $0x40, s23, s23, $0xb8;
	[tilespmem:$0x1F100] =	vst v63  }
0x47: {  	_ =	swait.ge [sflag:s25], $0x2000  }
0x48: {  	[sflag:s25] =	ssyncset.done $0x0  }
0x49: {  	[sflag:s25] =	ssyncadd.s32 $0xFFFFE000  }
0x4a: {  	[spmem:s3] =	stream.indirect.scatter.add.f32 [tilespmem:s22], [sflag:$0x4], $0x40, s19, s23, $0xb8;
	[tilespmem:$0x1F100] =	vst v63  }
0x4b: {  	_ = 	snop  }
0x4c: {  	[tilespmem:s28], [sflag:$0x3] =	stream.indirect.gather [spmem:s2], $0x40, s7, s23, $0xb8;
	[tilespmem:$0x1F100] =	vst v63  }
0x4d: {  	_ =	swait.ge [sflag:s29], $0x2000  }
0x4e: {  	[sflag:s29] =	ssyncset.done $0x0  }
0x4f: {  	s30 =	simm.s32 $0x2900;
	[sflag:s29] =	ssyncadd.s32 $0xFFFFE000  }
0x50: {  	[spmem:s3] =	stream.indirect.scatter.add.f32 [tilespmem:s24], [sflag:$0x5], $0x40, s30, s23, $0xb8;
	[tilespmem:$0x1F100] =	vst v63  }
0x51: {  	_ =	swait.ge [sflag:s31], $0x2000  }
0x52: {  	[sflag:s31] =	ssyncset.done $0x0  }
0x53: {  	s5 =	simm.s32 $0x180;
	[sflag:s31] =	ssyncadd.s32 $0xFFFFE000  }
0x54: {  	[tilespmem:s22], [sflag:$0x1] =	stream.indirect.gather [spmem:s2], $0x40, s5, s23, $0xb8;
	[tilespmem:$0x1F100] =	vst v63  }
0x55: {  	_ =	swait.ge [sflag:s1], $0x2000  }
0x56: {  	[sflag:s1] =	ssyncset.done $0x0  }
0x57: {  	s7 =	simm.s32 $0x2980;
	[sflag:s1] =	ssyncadd.s32 $0xFFFFE000  }
0x58: {  	[spmem:s3] =	stream.indirect.scatter.add.f32 [tilespmem:s28], [sflag:$0x6], $0x40, s7, s23, $0xb8;
	[tilespmem:$0x1F100] =	vst v63  }
0x59: {  	_ =	swait.ge [sflag:s6], $0x2000  }
0x5a: {  	[sflag:s6] =	ssyncset.done $0x0  }
0x5b: {  	s26 =	simm.s32 $0x200;
	[sflag:s6] =	ssyncadd.s32 $0xFFFFE000  }
0x5c: {  	[tilespmem:s24], [sflag:$0x2] =	stream.indirect.gather [spmem:s2], $0x40, s26, s23, $0xb8;
	[tilespmem:$0x1F100] =	vst v63  }
0x5d: {  	_ =	swait.ge [sflag:s25], $0x2000  }
0x5e: {  	[sflag:s25] =	ssyncset.done $0x0  }
0x5f: {  	[sflag:s25] =	ssyncadd.s32 $0xFFFFE000  }
0x60: {  	[spmem:s3] =	stream.indirect.scatter.add.f32 [tilespmem:s22], [sflag:$0x4], $0x40, s9, s23, $0xb8;
	[tilespmem:$0x1F100] =	vst v63  }
0x61: {  	_ =	swait.ge [sflag:s10], $0x2000  }
0x62: {  	[sflag:s10] =	ssyncset.done $0x0  }
0x63: {  	[sflag:s10] =	ssyncadd.s32 $0xFFFFE000  }
0x64: {  	[tilespmem:s28], [sflag:$0x3] =	stream.indirect.gather [spmem:s2], $0x40, s11, s23, $0xb8;
	[tilespmem:$0x1F100] =	vst v63  }
0x65: {  	_ =	swait.ge [sflag:s29], $0x2000  }
0x66: {  	[sflag:s29] =	ssyncset.done $0x0  }
0x67: {  	[sflag:s29] =	ssyncadd.s32 $0xFFFFE000  }
0x68: {  	[spmem:s3] =	stream.indirect.scatter.add.f32 [tilespmem:s24], [sflag:$0x5], $0x40, s12, s23, $0xb8;
	[tilespmem:$0x1F100] =	vst v63  }
0x69: {  	_ =	swait.ge [sflag:s31], $0x2000  }
0x6a: {  	[sflag:s31] =	ssyncset.done $0x0  }
0x6b: {  	s30 =	simm.s32 $0x300;
	[sflag:s31] =	ssyncadd.s32 $0xFFFFE000  }
0x6c: {  	[tilespmem:s22], [sflag:$0x1] =	stream.indirect.gather [spmem:s2], $0x40, s30, s23, $0xb8;
	[tilespmem:$0x1F100] =	vst v63  }
0x6d: {  	_ =	swait.ge [sflag:s1], $0x2000  }
0x6e: {  	[sflag:s1] =	ssyncset.done $0x0  }
0x6f: {  	s5 =	simm.s32 $0x2B00;
	[sflag:s1] =	ssyncadd.s32 $0xFFFFE000  }
0x70: {  	[spmem:s3] =	stream.indirect.scatter.add.f32 [tilespmem:s28], [sflag:$0x6], $0x40, s5, s23, $0xb8;
	[tilespmem:$0x1F100] =	vst v63  }
0x71: {  	_ =	swait.ge [sflag:s6], $0x2000  }
0x72: {  	[sflag:s6] =	ssyncset.done $0x0  }
0x73: {  	s7 =	simm.s32 $0x380;
	[sflag:s6] =	ssyncadd.s32 $0xFFFFE000  }
0x74: {  	[tilespmem:s24], [sflag:$0x2] =	stream.indirect.gather [spmem:s2], $0x40, s7, s23, $0xb8;
	[tilespmem:$0x1F100] =	vst v63  }
0x75: {  	_ =	swait.ge [sflag:s25], $0x2000  }
0x76: {  	[sflag:s25] =	ssyncset.done $0x0  }
0x77: {  	s26 =	simm.s32 $0x2B80;
	[sflag:s25] =	ssyncadd.s32 $0xFFFFE000  }
0x78: {  	[spmem:s3] =	stream.indirect.scatter.add.f32 [tilespmem:s22], [sflag:$0x4], $0x40, s26, s23, $0xb8;
	[tilespmem:$0x1F100] =	vst v63  }
0x79: {  	_ =	swait.ge [sflag:s10], $0x2000  }
0x7a: {  	[sflag:s10] =	ssyncset.done $0x0  }
0x7b: {  	s30 =	simm.s32 $0x400;
	[sflag:s10] =	ssyncadd.s32 $0xFFFFE000  }
0x7c: {  	[tilespmem:s28], [sflag:$0x3] =	stream.indirect.gather [spmem:s2], $0x40, s30, s23, $0xb8;
	[tilespmem:$0x1F100] =	vst v63  }
0x7d: {  	_ =	swait.ge [sflag:s29], $0x2000  }
0x7e: {  	[sflag:s29] =	ssyncset.done $0x0  }
0x7f: {  	s0 =	simm.s32 $0x2C00;
	s26 =	simm.s32 $0x600;
	[sflag:s29] =	ssyncadd.s32 $0xFFFFE000  }
.LBB2_4:
0x80: {  	[spmem:s3] =	stream.indirect.scatter.add.f32 [tilespmem:s24], [sflag:$0x5], $0x40, s0, s23, $0xb8;
	[tilespmem:$0x1F100] =	vst v63  }
0x81: {  	s0 =	smov.u32 s26;
	s26 =	sadd.s32 $0x600, s26;
	_ =	swait.ge [sflag:s31], $0x2000  }
0x82: {  	s0 =	sshra.s32 s0, $0x2;
	p0 =	sne.s32 s26, $0x9600;
	[sflag:s31] =	ssyncset.done $0x0  }
0x83: {  	s5 =	sadd.s32 $0x300, s0;
	[sflag:s31] =	ssyncadd.s32 $0xFFFFE000  }
0x84: {  	[tilespmem:s22], [sflag:$0x1] =	stream.indirect.gather [spmem:s2], $0x40, s5, s23, $0xb8;
	[tilespmem:$0x1F100] =	vst v63  }
0x85: {  	_ =	swait.ge [sflag:s1], $0x2000  }
0x86: {  	[sflag:s1] =	ssyncset.done $0x0  }
0x87: {  	s5 =	sadd.s32 $0x2B00, s0;
	[sflag:s1] =	ssyncadd.s32 $0xFFFFE000  }
0x88: {  	[spmem:s3] =	stream.indirect.scatter.add.f32 [tilespmem:s28], [sflag:$0x6], $0x40, s5, s23, $0xb8;
	[tilespmem:$0x1F100] =	vst v63  }
0x89: {  	_ =	swait.ge [sflag:s6], $0x2000  }
0x8a: {  	[sflag:s6] =	ssyncset.done $0x0  }
0x8b: {  	s5 =	sadd.s32 $0x380, s0;
	[sflag:s6] =	ssyncadd.s32 $0xFFFFE000  }
0x8c: {  	[tilespmem:s24], [sflag:$0x2] =	stream.indirect.gather [spmem:s2], $0x40, s5, s23, $0xb8;
	[tilespmem:$0x1F100] =	vst v63  }
0x8d: {  	_ =	swait.ge [sflag:s25], $0x2000  }
0x8e: {  	[sflag:s25] =	ssyncset.done $0x0  }
0x8f: {  	s5 =	sadd.s32 $0x2B80, s0;
	[sflag:s25] =	ssyncadd.s32 $0xFFFFE000  }
0x90: {  	[spmem:s3] =	stream.indirect.scatter.add.f32 [tilespmem:s22], [sflag:$0x4], $0x40, s5, s23, $0xb8;
	[tilespmem:$0x1F100] =	vst v63  }
0x91: {  	_ =	swait.ge [sflag:s10], $0x2000  }
0x92: {  	[sflag:s10] =	ssyncset.done $0x0  }
.Ltmp1:
0x93: {  	s5 =	sadd.s32 $0x400, s0;
	[sflag:s10] =	ssyncadd.s32 $0xFFFFE000;
	(pc) =	sbr.rel @p0 .LBB2_4-.Ltmp1, $4  }
0x94: {  	[tilespmem:s28], [sflag:$0x3] =	stream.indirect.gather [spmem:s2], $0x40, s5, s23, $0xb8;
	[tilespmem:$0x1F100] =	vst v63  }
0x95: {  	_ =	swait.ge [sflag:s29], $0x2000  }
0x96: {  	[sflag:s29] =	ssyncset.done $0x0  }
0x97: {  	s0 =	sadd.s32 $0x2C00, s0;
	[sflag:s29] =	ssyncadd.s32 $0xFFFFE000  }
0x98: {  	[spmem:s3] =	stream.indirect.scatter.add.f32 [tilespmem:s24], [sflag:$0x5], $0x40, s0, s23, $0xb8;
	[tilespmem:$0x1F100] =	vst v63  }
0x99: {  	_ =	swait.ge [sflag:s1], $0x2000  }
0x9a: {  	s26 =	sshra.s32 s26, $0x2;
	[sflag:s1] =	ssyncset.done $0x0  }
0x9b: {  	s0 =	sadd.s32 $0x2B00, s26;
	[sflag:s1] =	ssyncadd.s32 $0xFFFFE000  }
0x9c: {  	[spmem:s3] =	stream.indirect.scatter.add.f32 [tilespmem:s28], [sflag:$0x6], $0x40, s0, s23, $0xb8;
	[tilespmem:$0x1F100] =	vst v63  }
0x9d: {  	_ =	swait.ge [sflag:s31], $0x2000  }
0x9e: {  	[sflag:s31] =	ssyncset.done $0x0  }
0x9f: {  	[sflag:s31] =	ssyncadd.s32 $0xFFFFE000  }
0xa0: {  	_ =	swait.ge [sflag:s6], $0x2000  }
0xa1: {  	[sflag:s6] =	ssyncset.done $0x0  }
0xa2: {  	[sflag:s6] =	ssyncadd.s32 $0xFFFFE000  }
0xa3: {  	_ =	swait.ge [sflag:s10], $0x2000  }
0xa4: {  	[sflag:s10] =	ssyncset.done $0x0  }
0xa5: {  	[sflag:s10] =	ssyncadd.s32 $0xFFFFE000  }
0xa6: {  	[bflag:$0x0] =	sbarrier.arrive $0xFFFF  }
0xa7: {  	s5 =	rddreg [dreg:$0x9]  }
0xa8: {  	s7 =	rddreg [dreg:$0x8];
	s26 =	sshrl.u32 s5, $0x3  }
0xa9: {  	[hbm:s7], [sflag:s20] =	dma.local [spmem:s26], $0x1400  }
0xaa: {  	_ =	swait.ge [sflag:s18], $0x1400  }
0xab: {  	[sflag:s18] =	ssyncset.done $0x0  }
0xac: {  	s30 =	simm.s32 $0x0;
	s5 =	rddreg [dreg:$0xa];
	[sflag:s18] =	ssyncadd.s32 $0xFFFFEC00  }
0xad: {  	[spmem:s21], [sflag:s20] =	dma.local [hbm:s5], $0x1400  }
0xae: {  	s7 =	sand.u32 $0x7F00, s30;
	_ =	swait.ge [sflag:s18], $0x1400  }
0xaf: {  	s7 =	sshrl.u32 s7, $0x2;
	s5 =	sand.u32 $0x30, s30;
	[sflag:s18] =	ssyncset.done $0x0  }
0xb0: {  	s0 =	simm.s32 $0x40;
	s5 =	sor.u32 s5, s7;
	[sflag:s18] =	ssyncadd.s32 $0xFFFFEC00  }
.LBB2_6:
0xb1: {  	p0 =	sne.s32 s0, $0x7FC0  }
0xb2: {  	[tilespmem:s5+$0x5100] =	vst v0;
	s30 =	sadd.s32 $0x10, s30;
	s5 =	smov.u32 s0;
	s0 =	sadd.s32 $0x40, s0  }
.Ltmp2:
0xb3: {  	(pc) =	sbr.rel @p0 .LBB2_6-.Ltmp2, $4  }
0xb4: {  	_ = 	snop  }
0xb5: {  	s5 =	sand.u32 $0x7F00, s5  }
0xb6: {  	s7 =	sand.u32 $0x30, s30;
	s5 =	sshrl.u32 s5, $0x2  }
0xb7: {  	s5 =	sor.u32 s7, s5  }
0xb8: {  	[tilespmem:s5+$0x5100] =	vst v0  }
0xb9: {  	[spmem:s8] =	stream.linear.scatter [tilespmem:s22], [sflag:$0x7], $0x2000, $0x38;
	[tilespmem:$0x1F100] =	vst v63  }
0xba: {  	_ =	swait.ge [sflag:s18], $0x2000  }
0xbb: {  	[sflag:s18] =	ssyncset.done $0x0  }
0xbc: {  	[sflag:s18] =	ssyncadd.s32 $0xFFFFE000  }
0xbd: {  	[spmem:s14] =	stream.linear.scatter [tilespmem:s22], [sflag:$0x7], $0x2000, $0x38;
	[tilespmem:$0x1F100] =	vst v63  }
0xbe: {  	_ =	swait.ge [sflag:s18], $0x2000  }
0xbf: {  	[sflag:s18] =	ssyncset.done $0x0  }
0xc0: {  	[sflag:s18] =	ssyncadd.s32 $0xFFFFE000  }
0xc1: {  	[spmem:s15] =	stream.linear.scatter [tilespmem:s22], [sflag:$0x7], $0x2000, $0x38;
	[tilespmem:$0x1F100] =	vst v63  }
0xc2: {  	_ =	swait.ge [sflag:s18], $0x2000  }
0xc3: {  	[sflag:s18] =	ssyncset.done $0x0  }
0xc4: {  	[sflag:s18] =	ssyncadd.s32 $0xFFFFE000  }
0xc5: {  	[spmem:s16] =	stream.linear.scatter [tilespmem:s22], [sflag:$0x7], $0x2000, $0x38;
	[tilespmem:$0x1F100] =	vst v63  }
0xc6: {  	_ =	swait.ge [sflag:s18], $0x2000  }
0xc7: {  	[sflag:s18] =	ssyncset.done $0x0  }
0xc8: {  	[sflag:s18] =	ssyncadd.s32 $0xFFFFE000  }
0xc9: {  	[spmem:s17] =	stream.linear.scatter [tilespmem:s22], [sflag:$0x7], $0x2000, $0x38;
	[tilespmem:$0x1F100] =	vst v63  }
0xca: {  	_ =	swait.ge [sflag:s18], $0x2000  }
0xcb: {  	[sflag:s18] =	ssyncset.done $0x0  }
0xcc: {  	[sflag:s18] =	ssyncadd.s32 $0xFFFFE000  }
0xcd: {  	s0 =	simm.s32 $0x0;
	[bflag:$0x0] =	sbarrier.arrive $0xFFFF  }
0xce: {  	[tilespmem:s22], [sflag:$0x1] =	stream.indirect.gather [spmem:s2], $0x40, s0, s23, $0xb8;
	[tilespmem:$0x1F100] =	vst v63  }
0xcf: {  	_ = 	snop  }
0xd0: {  	[tilespmem:s24], [sflag:$0x2] =	stream.indirect.gather [spmem:s2], $0x40, s23, s23, $0xb8;
	[tilespmem:$0x1F100] =	vst v63  }
0xd1: {  	_ =	swait.ge [sflag:s25], $0x2000  }
0xd2: {  	[sflag:s25] =	ssyncset.done $0x0  }
0xd3: {  	[sflag:s25] =	ssyncadd.s32 $0xFFFFE000  }
0xd4: {  	[spmem:s3] =	stream.indirect.scatter.add.f32 [tilespmem:s22], [sflag:$0x4], $0x40, s19, s23, $0xb8;
	[tilespmem:$0x1F100] =	vst v63  }
0xd5: {  	s7 =	simm.s32 $0x100  }
0xd6: {  	[tilespmem:s28], [sflag:$0x3] =	stream.indirect.gather [spmem:s2], $0x40, s7, s23, $0xb8;
	[tilespmem:$0x1F100] =	vst v63  }
0xd7: {  	_ =	swait.ge [sflag:s29], $0x2000  }
0xd8: {  	[sflag:s29] =	ssyncset.done $0x0  }
0xd9: {  	s5 =	simm.s32 $0x2900;
	[sflag:s29] =	ssyncadd.s32 $0xFFFFE000  }
0xda: {  	[spmem:s3] =	stream.indirect.scatter.add.f32 [tilespmem:s24], [sflag:$0x5], $0x40, s5, s23, $0xb8;
	[tilespmem:$0x1F100] =	vst v63  }
0xdb: {  	_ =	swait.ge [sflag:s31], $0x2000  }
0xdc: {  	[sflag:s31] =	ssyncset.done $0x0  }
0xdd: {  	s5 =	simm.s32 $0x180;
	[sflag:s31] =	ssyncadd.s32 $0xFFFFE000  }
0xde: {  	[tilespmem:s22], [sflag:$0x1] =	stream.indirect.gather [spmem:s2], $0x40, s5, s23, $0xb8;
	[tilespmem:$0x1F100] =	vst v63  }
0xdf: {  	_ =	swait.ge [sflag:s1], $0x2000  }
0xe0: {  	[sflag:s1] =	ssyncset.done $0x0  }
0xe1: {  	s5 =	simm.s32 $0x2980;
	[sflag:s1] =	ssyncadd.s32 $0xFFFFE000  }
0xe2: {  	[spmem:s3] =	stream.indirect.scatter.add.f32 [tilespmem:s28], [sflag:$0x6], $0x40, s5, s23, $0xb8;
	[tilespmem:$0x1F100] =	vst v63  }
0xe3: {  	_ =	swait.ge [sflag:s6], $0x2000  }
0xe4: {  	[sflag:s6] =	ssyncset.done $0x0  }
0xe5: {  	s5 =	simm.s32 $0x200;
	[sflag:s6] =	ssyncadd.s32 $0xFFFFE000  }
0xe6: {  	[tilespmem:s24], [sflag:$0x2] =	stream.indirect.gather [spmem:s2], $0x40, s5, s23, $0xb8;
	[tilespmem:$0x1F100] =	vst v63  }
0xe7: {  	_ =	swait.ge [sflag:s25], $0x2000  }
0xe8: {  	[sflag:s25] =	ssyncset.done $0x0  }
0xe9: {  	[sflag:s25] =	ssyncadd.s32 $0xFFFFE000  }
0xea: {  	[spmem:s3] =	stream.indirect.scatter.add.f32 [tilespmem:s22], [sflag:$0x4], $0x40, s9, s23, $0xb8;
	[tilespmem:$0x1F100] =	vst v63  }
0xeb: {  	_ =	swait.ge [sflag:s10], $0x2000  }
0xec: {  	[sflag:s10] =	ssyncset.done $0x0  }
0xed: {  	[sflag:s10] =	ssyncadd.s32 $0xFFFFE000  }
0xee: {  	[tilespmem:s28], [sflag:$0x3] =	stream.indirect.gather [spmem:s2], $0x40, s11, s23, $0xb8;
	[tilespmem:$0x1F100] =	vst v63  }
0xef: {  	_ =	swait.ge [sflag:s29], $0x2000  }
0xf0: {  	[sflag:s29] =	ssyncset.done $0x0  }
0xf1: {  	[sflag:s29] =	ssyncadd.s32 $0xFFFFE000  }
0xf2: {  	[spmem:s3] =	stream.indirect.scatter.add.f32 [tilespmem:s24], [sflag:$0x5], $0x40, s12, s23, $0xb8;
	[tilespmem:$0x1F100] =	vst v63  }
0xf3: {  	_ =	swait.ge [sflag:s31], $0x2000  }
0xf4: {  	[sflag:s31] =	ssyncset.done $0x0  }
0xf5: {  	s5 =	simm.s32 $0x300;
	[sflag:s31] =	ssyncadd.s32 $0xFFFFE000  }
0xf6: {  	[tilespmem:s22], [sflag:$0x1] =	stream.indirect.gather [spmem:s2], $0x40, s5, s23, $0xb8;
	[tilespmem:$0x1F100] =	vst v63  }
0xf7: {  	_ =	swait.ge [sflag:s1], $0x2000  }
0xf8: {  	[sflag:s1] =	ssyncset.done $0x0  }
0xf9: {  	s5 =	simm.s32 $0x2B00;
	[sflag:s1] =	ssyncadd.s32 $0xFFFFE000  }
0xfa: {  	[spmem:s3] =	stream.indirect.scatter.add.f32 [tilespmem:s28], [sflag:$0x6], $0x40, s5, s23, $0xb8;
	[tilespmem:$0x1F100] =	vst v63  }
0xfb: {  	_ =	swait.ge [sflag:s6], $0x2000  }
0xfc: {  	[sflag:s6] =	ssyncset.done $0x0  }
0xfd: {  	s5 =	simm.s32 $0x380;
	[sflag:s6] =	ssyncadd.s32 $0xFFFFE000  }
0xfe: {  	[tilespmem:s24], [sflag:$0x2] =	stream.indirect.gather [spmem:s2], $0x40, s5, s23, $0xb8;
	[tilespmem:$0x1F100] =	vst v63  }
0xff: {  	_ =	swait.ge [sflag:s25], $0x2000  }
0x100: {  	[sflag:s25] =	ssyncset.done $0x0  }
0x101: {  	s5 =	simm.s32 $0x2B80;
	[sflag:s25] =	ssyncadd.s32 $0xFFFFE000  }
0x102: {  	[spmem:s3] =	stream.indirect.scatter.add.f32 [tilespmem:s22], [sflag:$0x4], $0x40, s5, s23, $0xb8;
	[tilespmem:$0x1F100] =	vst v63  }
0x103: {  	_ =	swait.ge [sflag:s10], $0x2000  }
0x104: {  	[sflag:s10] =	ssyncset.done $0x0  }
0x105: {  	s5 =	simm.s32 $0x400;
	[sflag:s10] =	ssyncadd.s32 $0xFFFFE000  }
0x106: {  	[tilespmem:s28], [sflag:$0x3] =	stream.indirect.gather [spmem:s2], $0x40, s5, s23, $0xb8;
	[tilespmem:$0x1F100] =	vst v63  }
0x107: {  	_ =	swait.ge [sflag:s29], $0x2000  }
0x108: {  	[sflag:s29] =	ssyncset.done $0x0  }
0x109: {  	s30 =	simm.s32 $0x600;
	s0 =	simm.s32 $0x2C00;
	[sflag:s29] =	ssyncadd.s32 $0xFFFFE000  }
.LBB2_8:
0x10a: {  	[spmem:s3] =	stream.indirect.scatter.add.f32 [tilespmem:s24], [sflag:$0x5], $0x40, s0, s23, $0xb8;
	[tilespmem:$0x1F100] =	vst v63  }
0x10b: {  	s0 =	smov.u32 s30;
	s30 =	sadd.s32 $0x600, s30;
	_ =	swait.ge [sflag:s31], $0x2000  }
0x10c: {  	s0 =	sshra.s32 s0, $0x2;
	p0 =	sne.s32 s30, $0x9600;
	[sflag:s31] =	ssyncset.done $0x0  }
0x10d: {  	s5 =	sadd.s32 $0x300, s0;
	[sflag:s31] =	ssyncadd.s32 $0xFFFFE000  }
0x10e: {  	[tilespmem:s22], [sflag:$0x1] =	stream.indirect.gather [spmem:s2], $0x40, s5, s23, $0xb8;
	[tilespmem:$0x1F100] =	vst v63  }
0x10f: {  	_ =	swait.ge [sflag:s1], $0x2000  }
0x110: {  	[sflag:s1] =	ssyncset.done $0x0  }
0x111: {  	s5 =	sadd.s32 $0x2B00, s0;
	[sflag:s1] =	ssyncadd.s32 $0xFFFFE000  }
0x112: {  	[spmem:s3] =	stream.indirect.scatter.add.f32 [tilespmem:s28], [sflag:$0x6], $0x40, s5, s23, $0xb8;
	[tilespmem:$0x1F100] =	vst v63  }
0x113: {  	_ =	swait.ge [sflag:s6], $0x2000  }
0x114: {  	[sflag:s6] =	ssyncset.done $0x0  }
0x115: {  	s5 =	sadd.s32 $0x380, s0;
	[sflag:s6] =	ssyncadd.s32 $0xFFFFE000  }
0x116: {  	[tilespmem:s24], [sflag:$0x2] =	stream.indirect.gather [spmem:s2], $0x40, s5, s23, $0xb8;
	[tilespmem:$0x1F100] =	vst v63  }
0x117: {  	_ =	swait.ge [sflag:s25], $0x2000  }
0x118: {  	[sflag:s25] =	ssyncset.done $0x0  }
0x119: {  	s5 =	sadd.s32 $0x2B80, s0;
	[sflag:s25] =	ssyncadd.s32 $0xFFFFE000  }
0x11a: {  	[spmem:s3] =	stream.indirect.scatter.add.f32 [tilespmem:s22], [sflag:$0x4], $0x40, s5, s23, $0xb8;
	[tilespmem:$0x1F100] =	vst v63  }
0x11b: {  	_ =	swait.ge [sflag:s10], $0x2000  }
0x11c: {  	[sflag:s10] =	ssyncset.done $0x0  }
.Ltmp3:
0x11d: {  	s5 =	sadd.s32 $0x400, s0;
	[sflag:s10] =	ssyncadd.s32 $0xFFFFE000;
	(pc) =	sbr.rel @p0 .LBB2_8-.Ltmp3, $4  }
0x11e: {  	[tilespmem:s28], [sflag:$0x3] =	stream.indirect.gather [spmem:s2], $0x40, s5, s23, $0xb8;
	[tilespmem:$0x1F100] =	vst v63  }
0x11f: {  	_ =	swait.ge [sflag:s29], $0x2000  }
0x120: {  	[sflag:s29] =	ssyncset.done $0x0  }
0x121: {  	s0 =	sadd.s32 $0x2C00, s0;
	[sflag:s29] =	ssyncadd.s32 $0xFFFFE000  }
0x122: {  	[spmem:s3] =	stream.indirect.scatter.add.f32 [tilespmem:s24], [sflag:$0x5], $0x40, s0, s23, $0xb8;
	[tilespmem:$0x1F100] =	vst v63  }
0x123: {  	_ =	swait.ge [sflag:s1], $0x2000  }
0x124: {  	s30 =	sshra.s32 s30, $0x2;
	[sflag:s1] =	ssyncset.done $0x0  }
0x125: {  	s0 =	sadd.s32 $0x2B00, s30;
	[sflag:s1] =	ssyncadd.s32 $0xFFFFE000  }
0x126: {  	[spmem:s3] =	stream.indirect.scatter.add.f32 [tilespmem:s28], [sflag:$0x6], $0x40, s0, s23, $0xb8;
	[tilespmem:$0x1F100] =	vst v63  }
0x127: {  	_ =	swait.ge [sflag:s31], $0x2000  }
0x128: {  	[sflag:s31] =	ssyncset.done $0x0  }
0x129: {  	[sflag:s31] =	ssyncadd.s32 $0xFFFFE000  }
0x12a: {  	_ =	swait.ge [sflag:s6], $0x2000  }
0x12b: {  	[sflag:s6] =	ssyncset.done $0x0  }
0x12c: {  	[sflag:s6] =	ssyncadd.s32 $0xFFFFE000  }
0x12d: {  	_ =	swait.ge [sflag:s10], $0x2000  }
0x12e: {  	[sflag:s10] =	ssyncset.done $0x0  }
0x12f: {  	[sflag:s10] =	ssyncadd.s32 $0xFFFFE000  }
0x130: {  	[bflag:$0x0] =	sbarrier.arrive $0xFFFF  }
0x131: {  	s5 =	rddreg [dreg:$0xb]  }
0x132: {  	[hbm:s5], [sflag:s20] =	dma.local [spmem:s26], $0x1400  }
0x133: {  	_ =	swait.ge [sflag:s18], $0x1400  }
0x134: {  	s13 =	sadd.s32 $0x1, s13;
	s30 =	rddreg [dreg:$0xc]  }
0x135: {  	p0 =	sne.s32 s13, s30  }
.Ltmp4:
0x136: {  	_ = 	snop;
	(pc) =	sbr.rel @p0 .LBB2_1-.Ltmp4, $3  }
0x137: {  	_ =	sdelay $0x1  }
0x138: {  	[sflag:s18] =	ssyncset.done $0x0  }
0x139: {  	[sflag:s18] =	ssyncadd.s32 $0xFFFFEC00  }
0x13a: {  	_ =	sfence.sel $0x180000  }
0x13b: {  	[bflag:$0x0] =	sbarrier.arrive $0xFFFF  }
0x13c: {  	_ =	strace $0x9000004D  }
0x13d: {  	s0 =	stileid.u32;
	[bflag:$0x2] =	sbarrier.arrive $0xFFFF  }
0x13e: {  	p0 =	sne.s32 s0, $0x0;
	s0 =	rddreg [dreg:$0x4]  }
0x13f: {  	s0 =	sadd.s32 @!p0 $0x100000, s0  }
0x140: {  	[sflag:s0] =	ssyncadd.tile.s32 @!p0 $0x1;
	_ =	shalt  }
.Lfunc_end2:
_tile_overlayer_lowered:
.L_overlay_start_2:
0x141: {  	(tag) =	ssettag $0x2  }
0x142: {  	s0 =	rddreg [dreg:$0x0];
	s2 =	stileid.u32  }
0x143: {  	s1 =	rddreg [dreg:$0x1];
	p0 =	sne.s32 s2, $0x0  }
0x144: {  	s3 =	rddreg [dreg:$0x2];
	[bflag:$0x3] =	sbarrier.arrive $0xFFFF;
	s2 =	simm.s32 @!p0 $0x1C07  }
0x145: {  	[timem:s3], [sflag:s2] =	dma.local @!p0 [hbm:s0], s1  }
0x146: {  	s0 =	simm.s32 @!p0 $0x7  }
0x147: {  	_ =	swait.ge @!p0 [sflag:s0], s1  }
0x148: {  	s1 =	ssub.s32 @!p0 $0x0, s1;
	[sflag:s0] =	ssyncset.done @!p0 $0x0  }
0x149: {  	[sflag:s0] =	ssyncadd.s32 @!p0 s1  }
0x14a: {  	[bflag:$0x3] =	sbarrier.arrive $0xFFFF  }
0x14b: {  	_ =	shalt  }

// kernel: kernel.8.cloned.1.call-start
scs
__scs_entry_jumppad:
0x0: {  	(pc) =	sbr.rel $0x88, $3  }
0x1: {  	(tag) =	ssettag $0x0;
	lr =	simm.s32 $0x1  }
0x2: {  	[smem:$0x3F89] =	sst lr;
	_ =	strace $0xD0000000  }
0x3: {  	_ = 	snop  }
0x4: {  	_ = 	snop  }
0x5: {  	_ = 	snop  }
0x6: {  	_ = 	snop  }
0x7: {  	_ = 	snop  }
__scs_overlays_trampoline_lowered:
0x8: {  	[smem:$0x3F98] =	sst s0  }
0x9: {  	[smem:$0x3F99] =	sst s1  }
0xa: {  	[smem:$0x3F9A] =	sst s2  }
0xb: {  	[smem:$0x3F9B] =	sst s3  }
0xc: {  	[smem:$0x3F9C] =	sst s4  }
0xd: {  	[smem:$0x3F9D] =	sst s5  }
0xe: {  	[smem:$0x3F9E] =	sst s6  }
0xf: {  	[smem:$0x3F9F] =	sst s7  }
0x10: {  	[smem:$0x3FA0] =	sst s8  }
0x11: {  	[smem:$0x3FA1] =	sst s9;
	s0 =	simm.s32 @!p0 $0x0  }
0x12: {  	s1 =	sld [smem:$0x3F87];
	s0 =	simm.s32 @p0 $0x1  }
0x13: {  	[smem:$0x3FA2] =	sst s0;
	s0 =	simm.s32 @!p1 $0x0  }
0x14: {  	s2 =	sld [smem:$0x3F86];
	s0 =	simm.s32 @p1 $0x1  }
0x15: {  	[smem:$0x3FA3] =	sst s0;
	s0 =	simm.s32 @!p2 $0x0  }
0x16: {  	s3 =	sld [smem:$0x3FDB];
	s0 =	simm.s32 @p2 $0x1  }
0x17: {  	s4 =	simm.s32 $0x1BF5;
	[smem:$0x3FA5] =	sst s0  }
0x18: {  	s0 =	sld [smem:$0x3F88];
	_ =	swait.ge [sflag:s4], $0x0  }
0x19: {  	s7 =	sld [smem:$0x3F89]  }
0x1a: {  	s8 =	sadd.s32 $0xFFFFE003, lr  }
0x1b: {  	s9 =	sadd.s32 $0xFFFFFEF7, lr;
	s5 =	simm.s32 $0xFFFFFFFF;
	p2 =	slt.u32 s8, $0xFFFFF086  }
0x1c: {  	p1 =	slt.u32 s9, $0xF7A;
	s5 =	simm.s32 @!p2 $0x0  }
0x1d: {  	s5 =	simm.s32 @p1 $0x1;
	p0 =	seq.s32 s7, s2  }
0x1e: {  	s7 =	smul.u32 @!p0 $0xF7A, s2;
	p2 =	seq.s32 @!p0 s5, $0x0  }
0x1f: {  	s9 =	smul.u32 $0xF7A, s1;
	s8 =	simm.s32 @!p0 $0x1BF5;
	p2 =	por !p2, p0  }
0x20: {  	[sflag:s8] =	ssyncset.s32 @!p0 $0xFFFFF086;
	s6 =	sadd.s32 @!p0 s3, s7;
	s7 =	simm.s32 @!p0 $0x108  }
0x21: {  	s3 =	sadd.s32 s3, s9;
	s6 =	sadd.s32 @!p0 $0x88, s6;
	s7 =	simm.s32 @p2 $0x1082  }
0x22: {  	[simem:s7], [sflag:s8] =	dma.local @!p0 [hbm:s6], $0xF7A  }
0x23: {  	s9 =	sor.u32 $0xD0000000, s2;
	s6 =	simm.s32 $0x108;
	_ =	swait.ge @!p0 [sflag:s8], $0x0  }
0x24: {  	s3 =	sadd.s32 $0x88, s3;
	s6 =	simm.s32 @!p1 $0x1082;
	[sflag:s4] =	ssyncset.s32 $0xFFFFF086  }
0x25: {  	[simem:s6], [sflag:s4] =	dma.local [hbm:s3], $0xF7A  }
0x26: {  	[smem:$0x3F89] =	sst s1;
	(tag) =	ssettag s2;
	_ =	strace s9  }
0x27: {  	s1 =	sld [smem:$0x3F99]  }
0x28: {  	s2 =	sld [smem:$0x3F9A]  }
0x29: {  	s4 =	sld [smem:$0x3F9C]  }
0x2a: {  	p0 =	seq.s32 s5, $0x0;
	s5 =	sld [smem:$0x3F9D]  }
0x2b: {  	s6 =	sld [smem:$0x3F9E]  }
0x2c: {  	s7 =	sld [smem:$0x3F9F]  }
0x2d: {  	s3 =	simm.s32 $0x108;
	s8 =	sld [smem:$0x3FA0]  }
0x2e: {  	s3 =	simm.s32 @!p0 $0x1082;
	s9 =	sld [smem:$0x3FA1]  }
0x2f: {  	lr =	sadd.s32 s0, s3;
	s0 =	sld [smem:$0x3F98]  }
0x30: {  	s3 =	sld [smem:$0x3F9B]  }
0x31: {  	[smem:$0x3FA4] =	sst s10  }
0x32: {  	s10 =	sld [smem:$0x3FA2];
	_ =	sdelay $0x3  }
0x33: {  	p0 =	seq.s32 s10, $0x1;
	s10 =	sld [smem:$0x3FA4];
	_ =	sdelay $0x3  }
0x34: {  	[smem:$0x3FA4] =	sst s10  }
0x35: {  	s10 =	sld [smem:$0x3FA3];
	_ =	sdelay $0x3  }
0x36: {  	p1 =	seq.s32 s10, $0x1;
	s10 =	sld [smem:$0x3FA4];
	_ =	sdelay $0x3  }
0x37: {  	[smem:$0x3FA4] =	sst s10  }
0x38: {  	s10 =	sld [smem:$0x3FA5]  }
0x39: {  	_ = 	snop;
	(pc) =	sbr.ind lr, $3  }
0x3a: {  	_ = 	snop  }
0x3b: {  	_ = 	snop  }
0x3c: {  	p2 =	seq.s32 s10, $0x1;
	s10 =	sld [smem:$0x3FA4]  }
0x3d: {  	_ =	shalt  }
0x3e: {  	_ =	shalt  }
0x3f: {  	_ =	shalt  }
0x40: {  	_ =	shalt  }
0x41: {  	_ =	shalt  }
0x42: {  	_ =	shalt  }
0x43: {  	_ =	shalt  }
0x44: {  	_ =	shalt  }
0x45: {  	_ =	shalt  }
0x46: {  	_ =	shalt  }
0x47: {  	_ =	shalt  }
0x48: {  	_ =	shalt  }
0x49: {  	_ =	shalt  }
0x4a: {  	_ =	shalt  }
0x4b: {  	_ =	shalt  }
0x4c: {  	_ =	shalt  }
0x4d: {  	_ =	shalt  }
0x4e: {  	_ =	shalt  }
0x4f: {  	_ =	shalt  }
0x50: {  	_ =	shalt  }
0x51: {  	_ =	shalt  }
0x52: {  	_ =	shalt  }
0x53: {  	_ =	shalt  }
0x54: {  	_ =	shalt  }
0x55: {  	_ =	shalt  }
0x56: {  	_ =	shalt  }
0x57: {  	_ =	shalt  }
0x58: {  	_ =	shalt  }
0x59: {  	_ =	shalt  }
0x5a: {  	_ =	shalt  }
0x5b: {  	_ =	shalt  }
0x5c: {  	_ =	shalt  }
0x5d: {  	_ =	shalt  }
0x5e: {  	_ =	shalt  }
0x5f: {  	_ =	shalt  }
0x60: {  	_ =	shalt  }
0x61: {  	_ =	shalt  }
0x62: {  	_ =	shalt  }
0x63: {  	_ =	shalt  }
0x64: {  	_ =	shalt  }
0x65: {  	_ =	shalt  }
0x66: {  	_ =	shalt  }
0x67: {  	_ =	shalt  }
0x68: {  	_ =	shalt  }
0x69: {  	_ =	shalt  }
0x6a: {  	_ =	shalt  }
0x6b: {  	_ =	shalt  }
0x6c: {  	_ =	shalt  }
0x6d: {  	_ =	shalt  }
0x6e: {  	_ =	shalt  }
0x6f: {  	_ =	shalt  }
0x70: {  	_ =	shalt  }
0x71: {  	_ =	shalt  }
0x72: {  	_ =	shalt  }
0x73: {  	_ =	shalt  }
0x74: {  	_ =	shalt  }
0x75: {  	_ =	shalt  }
0x76: {  	_ =	shalt  }
0x77: {  	_ =	shalt  }
0x78: {  	_ =	shalt  }
0x79: {  	_ =	shalt  }
0x7a: {  	_ =	shalt  }
0x7b: {  	_ =	shalt  }
0x7c: {  	_ =	shalt  }
0x7d: {  	_ =	shalt  }
0x7e: {  	_ =	shalt  }
0x7f: {  	_ =	shalt  }
0x80: {  	_ =	shalt  }
0x81: {  	_ =	shalt  }
0x82: {  	_ =	shalt  }
0x83: {  	_ =	shalt  }
0x84: {  	_ =	shalt  }
0x85: {  	_ =	shalt  }
0x86: {  	_ =	shalt  }
0x87: {  	_ =	shalt  }
.Lfunc_end0:
.L_simem_size_0:
called_computation_lowered:
.L_overlay_start_0:
0x88: {  	s2 =	sld [smem:$0x3FD9]  }
0x89: {  	s3 =	sld [smem:$0x3FFE];
	_ =	sdelay $0x1  }
0x8a: {  	s1 =	srdreg.scid  }
0x8b: {  	s0 =	sand.u32 $0x1, s1  }
0x8c: {  	s17 =	sshll.u32 s0, $0xA;
	s2 =	sadd.s32 s3, s2  }
0x8d: {  	s2 =	sadd.s32 s2, s17  }
0x8e: {  	[smem:$0x3FB0] =	sst s2  }
0x8f: {  	_ = 	snop  }
0x90: {  	s2 =	sld [smem:$0x3FD0];
	(tm) =	ssettm $0x1  }
0x91: {  	s18 =	sld [smem:$0x3FFB];
	_ =	sdelay $0x3  }
0x92: {  	_ =	strace s18  }
0x93: {  	s3 =	sld [smem:$0x3FFC];
	_ =	sdelay $0x3  }
0x94: {  	_ =	strace s3  }
0x95: {  	s3 =	sld [smem:$0x3FFD];
	_ =	sdelay $0x3  }
0x96: {  	_ =	strace s3  }
0x97: {  	_ =	strace $0x8FFFFFFF  }
0x98: {  	s19 =	sld [smem:$0x3FDB];
	_ =	sdelay $0x1  }
0x99: {  	s4 =	simm.s32 $_scs_section_size  }
0x9a: {  	s5 =	simm.s32 $_size__tile_overlayer_lowered;
	s6 =	simm.s32 $_tile_overlayer_lowered  }
0x9b: {  	s22 =	simm.s32 $0x1BFF;
	s21 =	sshll.u32 s6, $0x1;
	s3 =	sadd.s32 s4, s19  }
0x9c: {  	s7 =	simm.s32 $0x0;
	s20 =	sshll.u32 s5, $0x1;
	s5 =	sadd.s32 s21, s3  }
0x9d: {  	[timem:s7], [sflag:s22] =	dma.local [hbm:s5], s20  }
0x9e: {  	_ =	swait.ge [sflag:s22], s20  }
0x9f: {  	s4 =	ssub.s32 $0x0, s20;
	[sflag:s22] =	ssyncset.done $0x0  }
0xa0: {  	[sflag:s22] =	ssyncadd.s32 s4;
	_ =	sdelay $0x1  }
0xa1: {  	s23 =	simm.s32 $0x1B8B  }
0xa2: {  	_ =	swait.ge [sflag:s23], $0x1  }
0xa3: {  	[sflag:s23] =	ssyncset.done $0x0  }
0xa4: {  	s25 =	simm.s32 $0x1B8E;
	s24 =	sld [smem:$0x3FFE];
	[sflag:s23] =	ssyncadd.s32 $0xFFFFFFFF  }
0xa5: {  	s26 =	simm.s32 $execute0_lowered;
	[smem:$0x3FD2] =	sst s25  }
0xa6: {  	s5 =	sshll.u32 s26, $0x1;
	_ =	strace $0x80000046;
	[dreg:$0x1] =	wrdreg $0xFFFFFFFF  }
0xa7: {  	s28 =	simm.s32 $_size_execute0_lowered;
	s3 =	sadd.s32 s3, s5;
	[dreg:$0x0] =	wrdreg $0x0  }
0xa8: {  	s5 =	sshll.u32 s28, $0x1;
	[dreg:$0x2] =	wrdreg s3  }
0xa9: {  	[dreg:$0x3] =	wrdreg s5  }
0xaa: {  	[dreg:$0x4] =	wrdreg $0xC0  }
0xab: {  	_ =	task [dreg:s7], $0x5FFFF  }
0xac: {  	[dreg:$0x1] =	wrdreg $0xFFFFFFFF  }
0xad: {  	[dreg:$0x0] =	wrdreg $0x60  }
0xae: {  	[dreg:$0x2] =	wrdreg s24  }
0xaf: {  	[dreg:$0x3] =	wrdreg s2  }
0xb0: {  	[dreg:$0x4] =	wrdreg $0xB1000  }
0xb1: {  	[dreg:$0x5] =	wrdreg $0x151000  }
0xb2: {  	[dreg:$0x6] =	wrdreg $0x9  }
0xb3: {  	_ =	task.clear_ibuf [dreg:s7], $0x7FFFF;
	_ =	strace $0x90000046  }
0xb4: {  	s29 =	simm.s32 $0x9;
	_ =	strace $0x80000048  }
0xb5: {  	_ =	swait.ge [sflag:s29], $0x1  }
0xb6: {  	[sflag:s29] =	ssyncadd.s32 $0xFFFFFFFF  }
0xb7: {  	_ =	strace $0x90000048  }
0xb8: {  	_ =	sfence  }
0xb9: {  	s30 =	sld [smem:$0x0];
	_ =	sdelay $0x2  }
0xba: {  	s31 =	sshll.u32 s1, $0xD;
	s1 =	sshrl.u32 s1, $0x2  }
0xbb: {  	s3 =	sand.u32 $0x4000, s31;
	s1 =	sadd.s32 s1, s30  }
0xbc: {  	s0 =	sor.u32 s3, s0;
	s1 =	sshll.u32 s1, $0x11  }
0xbd: {  	s0 =	sor.u32 s1, s0  }
0xbe: {  	s0 =	sadd.s32 $0x8F2B, s0  }
0xbf: {  	[sflag:s0] =	ssyncadd.remote.s32 $0x1  }
0xc0: {  	_ =	sfence.sel $0xFFFF  }
0xc1: {  	[dreg:$0x0] =	wrdreg $0xFFFFFFFF;
	(pc) =	sbr.abs _section_cstart, $3  }
0xc2: {  	[dreg:$0x1] =	wrdreg $0xFFFFFFFF  }
0xc3: {  	_ =	task.clear_ibuf [dreg:s7], $0x2FFFF;
	_ =	strace $0x9FFFFFFF  }
0xc4: {  	(tm) =	ssettm $0x7FFFFFFF  }
0xc5: {  	_ =	shalt  }
tec
execute0_lowered:
.L_overlay_start_1:
0x0: {  	(tag) =	ssettag $0x1  }
0x1: {  	s0 =	rddreg [dreg:$0x0]  }
0x2: {  	s1 =	rddreg [dreg:$0x1]  }
0x3: {  	s2 =	rddreg [dreg:$0x2]  }
0x4: {  	s3 =	rddreg [dreg:$0x3];
	s13 =	stileid.u32  }
0x5: {  	s4 =	simm.s32 $0x0;
	s6 =	srdreg.scid;
	s18 =	simm.s32 $0x7  }
0x6: {  	s28 =	simm.s32 $0x9100;
	s29 =	simm.s32 $0x2;
	s31 =	simm.s32 $0x4  }
0x7: {  	s5 =	smul.u32 $0xA000, s13;
	[smem:$0x7FF] =	sst s4;
	s6 =	sand.u32 $0x1, s6  }
0x8: {  	s11 =	smul.u32 $0x28000, s13;
	s30 =	sshll.u32 s13, $0x6;
	s8 =	sshll.u32 s6, $0x4  }
0x9: {  	s9 =	smul.u32 $0x140000, s6;
	_ =	strace $0x80000047;
	s6 =	ssub.s32 $0x2, s6  }
0xa: {  	s7 =	sshrl.u32 s5, $0x3;
	s8 =	sor.u32 s13, s8;
	s10 =	sshrl.u32 s6, $0x1  }
0xb: {  	s20 =	sshrl.u32 s11, $0x2;
	s21 =	sadd.s32 s5, s2;
	s24 =	sadd.s32 s5, s3  }
0xc: {  	s11 =	simm.s32 $0x280;
	s13 =	simm.s32 $0x0;
	s7 =	sadd.s32 s7, s0  }
0xd: {  	s8 =	smul.u32 $0x510, s8;
	s9 =	sadd.s32 s5, s9;
	s6 =	ssub.s32 s6, s10  }
0xe: {  	[dreg:$0x9] =	wrdreg s24;
	s21 =	sshrl.u32 s21, $0x3;
	s24 =	simm.s32 $0x7100  }
0xf: {  	s10 =	simm.s32 $0x6;
	s9 =	sshrl.u32 s9, $0x3;
	s22 =	sadd.s32 $0xD400, s7  }
0x10: {  	s25 =	sadd.s32 $0x21400, s7;
	s26 =	smax.u32 s6, $0x1;
	s7 =	simm.s32 $0x100  }
0x11: {  	s6 =	simm.s32 $0x5;
	s12 =	sadd.s32 s8, s0;
	[dreg:$0x7] =	wrdreg s22  }
0x12: {  	s0 =	sadd.s32 s9, s0;
	s1 =	sadd.s32 s1, s8;
	[dreg:$0xa] =	wrdreg s25  }
0x13: {  	s8 =	sadd.s32 s20, s3;
	[dreg:$0xc] =	wrdreg s26;
	s20 =	sor.u32 $0x1C07, s30  }
0x14: {  	s22 =	simm.s32 $0x5100;
	s25 =	simm.s32 $0x1;
	s9 =	simm.s32 $0x2A00  }
0x15: {  	[dreg:$0x5] =	wrdreg s1;
	s19 =	sadd.s32 $0x3200, s12;
	s23 =	sadd.s32 $0x35400, s0  }
0x16: {  	s0 =	sadd.s32 $0x49400, s0;
	s14 =	sadd.s32 $0x2000, s8;
	s15 =	sadd.s32 $0x4000, s8  }
0x17: {  	s16 =	sadd.s32 $0x6000, s8;
	s17 =	sadd.s32 $0x8000, s8;
	[dreg:$0x6] =	wrdreg s19  }
0x18: {  	s1 =	simm.s32 $0x3;
	s12 =	simm.s32 $0x2A80;
	[dreg:$0x8] =	wrdreg s23  }
0x19: {  	v0 =	vimm.f32 $0.0e+00;
	[dreg:$0xb] =	wrdreg s0;
	s19 =	simm.s32 $0x2880;
	s23 =	simm.s32 $0x80  }
.LBB2_1:
0x1a: {  	s0 =	rddreg [dreg:$0x5]  }
0x1b: {  	[tilespmem:s4], [sflag:$0x7] =	stream.linear.gather [hbm4b:s0+s4], $0x2880, $0x38;
	[tilespmem:$0x1F100] =	vst v63  }
0x1c: {  	_ =	swait.ge [sflag:s18], $0x2880  }
0x1d: {  	[sflag:s18] =	ssyncset.done $0x0  }
0x1e: {  	s26 =	rddreg [dreg:$0x6];
	[sflag:s18] =	ssyncadd.s32 $0xFFFFD780  }
0x1f: {  	[tilespmem:s19], [sflag:$0x7] =	stream.linear.gather [hbm4b:s26+s4], $0x2880, $0x38;
	[tilespmem:$0x1F100] =	vst v63  }
0x20: {  	_ =	swait.ge [sflag:s18], $0x2880  }
0x21: {  	[sflag:s18] =	ssyncset.done $0x0  }
0x22: {  	s26 =	sand.u32 $0x7F00, s4;
	s5 =	rddreg [dreg:$0x7];
	[sflag:s18] =	ssyncadd.s32 $0xFFFFD780  }
0x23: {  	[spmem:s21], [sflag:s20] =	dma.local [hbm:s5], $0x1400  }
0x24: {  	s0 =	sshrl.u32 s26, $0x2;
	_ =	swait.ge [sflag:s18], $0x1400  }
0x25: {  	s26 =	simm.s32 $0x40;
	s5 =	sand.u32 $0x30, s4;
	[sflag:s18] =	ssyncset.done $0x0  }
0x26: {  	s30 =	sor.u32 s5, s0;
	s0 =	simm.s32 $0x0;
	[sflag:s18] =	ssyncadd.s32 $0xFFFFEC00  }
.LBB2_2:
0x27: {  	p0 =	sne.s32 s26, $0x7FC0  }
0x28: {  	[tilespmem:s30+$0x5100] =	vst v0;
	s0 =	sadd.s32 $0x10, s0;
	s5 =	smov.u32 s26;
	s26 =	sadd.s32 $0x40, s26  }
.Ltmp0:
0x29: {  	(pc) =	sbr.rel @p0 .LBB2_2-.Ltmp0, $4  }
0x2a: {  	_ = 	snop  }
0x2b: {  	s5 =	sand.u32 $0x7F00, s5  }
0x2c: {  	s30 =	sand.u32 $0x30, s0;
	s5 =	sshrl.u32 s5, $0x2  }
0x2d: {  	s30 =	sor.u32 s30, s5  }
0x2e: {  	[tilespmem:s30+$0x5100] =	vst v0  }
0x2f: {  	[spmem:s8] =	stream.linear.scatter [tilespmem:s22], [sflag:$0x7], $0x2000, $0x38;
	[tilespmem:$0x1F100] =	vst v63  }
0x30: {  	_ =	swait.ge [sflag:s18], $0x2000  }
0x31: {  	[sflag:s18] =	ssyncset.done $0x0  }
0x32: {  	[sflag:s18] =	ssyncadd.s32 $0xFFFFE000  }
0x33: {  	[spmem:s14] =	stream.linear.scatter [tilespmem:s22], [sflag:$0x7], $0x2000, $0x38;
	[tilespmem:$0x1F100] =	vst v63  }
0x34: {  	_ =	swait.ge [sflag:s18], $0x2000  }
0x35: {  	[sflag:s18] =	ssyncset.done $0x0  }
0x36: {  	[sflag:s18] =	ssyncadd.s32 $0xFFFFE000  }
0x37: {  	[spmem:s15] =	stream.linear.scatter [tilespmem:s22], [sflag:$0x7], $0x2000, $0x38;
	[tilespmem:$0x1F100] =	vst v63  }
0x38: {  	_ =	swait.ge [sflag:s18], $0x2000  }
0x39: {  	[sflag:s18] =	ssyncset.done $0x0  }
0x3a: {  	[sflag:s18] =	ssyncadd.s32 $0xFFFFE000  }
0x3b: {  	[spmem:s16] =	stream.linear.scatter [tilespmem:s22], [sflag:$0x7], $0x2000, $0x38;
	[tilespmem:$0x1F100] =	vst v63  }
0x3c: {  	_ =	swait.ge [sflag:s18], $0x2000  }
0x3d: {  	[sflag:s18] =	ssyncset.done $0x0  }
0x3e: {  	[sflag:s18] =	ssyncadd.s32 $0xFFFFE000  }
0x3f: {  	[spmem:s17] =	stream.linear.scatter [tilespmem:s22], [sflag:$0x7], $0x2000, $0x38;
	[tilespmem:$0x1F100] =	vst v63  }
0x40: {  	_ =	swait.ge [sflag:s18], $0x2000  }
0x41: {  	[sflag:s18] =	ssyncset.done $0x0  }
0x42: {  	[sflag:s18] =	ssyncadd.s32 $0xFFFFE000  }
0x43: {  	s0 =	simm.s32 $0x0;
	[bflag:$0x0] =	sbarrier.arrive $0xFFFF  }
0x44: {  	[tilespmem:s22], [sflag:$0x1] =	stream.indirect.gather [spmem:s2], $0x40, s0, s23, $0xb8;
	[tilespmem:$0x1F100] =	vst v63  }
0x45: {  	_ = 	snop  }
0x46: {  	[tilespmem:s24], [sflag:$0x2] =	stream.indirect.gather [spmem:s2], $0x40, s23, s23, $0xb8;
	[tilespmem:$0x1F100] =	vst v63  }
0x47: {  	_ =	swait.ge [sflag:s25], $0x2000  }
0x48: {  	[sflag:s25] =	ssyncset.done $0x0  }
0x49: {  	[sflag:s25] =	ssyncadd.s32 $0xFFFFE000  }
0x4a: {  	[spmem:s3] =	stream.indirect.scatter.add.f32 [tilespmem:s22], [sflag:$0x4], $0x40, s19, s23, $0xb8;
	[tilespmem:$0x1F100] =	vst v63  }
0x4b: {  	_ = 	snop  }
0x4c: {  	[tilespmem:s28], [sflag:$0x3] =	stream.indirect.gather [spmem:s2], $0x40, s7, s23, $0xb8;
	[tilespmem:$0x1F100] =	vst v63  }
0x4d: {  	_ =	swait.ge [sflag:s29], $0x2000  }
0x4e: {  	[sflag:s29] =	ssyncset.done $0x0  }
0x4f: {  	s30 =	simm.s32 $0x2900;
	[sflag:s29] =	ssyncadd.s32 $0xFFFFE000  }
0x50: {  	[spmem:s3] =	stream.indirect.scatter.add.f32 [tilespmem:s24], [sflag:$0x5], $0x40, s30, s23, $0xb8;
	[tilespmem:$0x1F100] =	vst v63  }
0x51: {  	_ =	swait.ge [sflag:s31], $0x2000  }
0x52: {  	[sflag:s31] =	ssyncset.done $0x0  }
0x53: {  	s5 =	simm.s32 $0x180;
	[sflag:s31] =	ssyncadd.s32 $0xFFFFE000  }
0x54: {  	[tilespmem:s22], [sflag:$0x1] =	stream.indirect.gather [spmem:s2], $0x40, s5, s23, $0xb8;
	[tilespmem:$0x1F100] =	vst v63  }
0x55: {  	_ =	swait.ge [sflag:s1], $0x2000  }
0x56: {  	[sflag:s1] =	ssyncset.done $0x0  }
0x57: {  	s7 =	simm.s32 $0x2980;
	[sflag:s1] =	ssyncadd.s32 $0xFFFFE000  }
0x58: {  	[spmem:s3] =	stream.indirect.scatter.add.f32 [tilespmem:s28], [sflag:$0x6], $0x40, s7, s23, $0xb8;
	[tilespmem:$0x1F100] =	vst v63  }
0x59: {  	_ =	swait.ge [sflag:s6], $0x2000  }
0x5a: {  	[sflag:s6] =	ssyncset.done $0x0  }
0x5b: {  	s26 =	simm.s32 $0x200;
	[sflag:s6] =	ssyncadd.s32 $0xFFFFE000  }
0x5c: {  	[tilespmem:s24], [sflag:$0x2] =	stream.indirect.gather [spmem:s2], $0x40, s26, s23, $0xb8;
	[tilespmem:$0x1F100] =	vst v63  }
0x5d: {  	_ =	swait.ge [sflag:s25], $0x2000  }
0x5e: {  	[sflag:s25] =	ssyncset.done $0x0  }
0x5f: {  	[sflag:s25] =	ssyncadd.s32 $0xFFFFE000  }
0x60: {  	[spmem:s3] =	stream.indirect.scatter.add.f32 [tilespmem:s22], [sflag:$0x4], $0x40, s9, s23, $0xb8;
	[tilespmem:$0x1F100] =	vst v63  }
0x61: {  	_ =	swait.ge [sflag:s10], $0x2000  }
0x62: {  	[sflag:s10] =	ssyncset.done $0x0  }
0x63: {  	[sflag:s10] =	ssyncadd.s32 $0xFFFFE000  }
0x64: {  	[tilespmem:s28], [sflag:$0x3] =	stream.indirect.gather [spmem:s2], $0x40, s11, s23, $0xb8;
	[tilespmem:$0x1F100] =	vst v63  }
0x65: {  	_ =	swait.ge [sflag:s29], $0x2000  }
0x66: {  	[sflag:s29] =	ssyncset.done $0x0  }
0x67: {  	[sflag:s29] =	ssyncadd.s32 $0xFFFFE000  }
0x68: {  	[spmem:s3] =	stream.indirect.scatter.add.f32 [tilespmem:s24], [sflag:$0x5], $0x40, s12, s23, $0xb8;
	[tilespmem:$0x1F100] =	vst v63  }
0x69: {  	_ =	swait.ge [sflag:s31], $0x2000  }
0x6a: {  	[sflag:s31] =	ssyncset.done $0x0  }
0x6b: {  	s30 =	simm.s32 $0x300;
	[sflag:s31] =	ssyncadd.s32 $0xFFFFE000  }
0x6c: {  	[tilespmem:s22], [sflag:$0x1] =	stream.indirect.gather [spmem:s2], $0x40, s30, s23, $0xb8;
	[tilespmem:$0x1F100] =	vst v63  }
0x6d: {  	_ =	swait.ge [sflag:s1], $0x2000  }
0x6e: {  	[sflag:s1] =	ssyncset.done $0x0  }
0x6f: {  	s5 =	simm.s32 $0x2B00;
	[sflag:s1] =	ssyncadd.s32 $0xFFFFE000  }
0x70: {  	[spmem:s3] =	stream.indirect.scatter.add.f32 [tilespmem:s28], [sflag:$0x6], $0x40, s5, s23, $0xb8;
	[tilespmem:$0x1F100] =	vst v63  }
0x71: {  	_ =	swait.ge [sflag:s6], $0x2000  }
0x72: {  	[sflag:s6] =	ssyncset.done $0x0  }
0x73: {  	s7 =	simm.s32 $0x380;
	[sflag:s6] =	ssyncadd.s32 $0xFFFFE000  }
0x74: {  	[tilespmem:s24], [sflag:$0x2] =	stream.indirect.gather [spmem:s2], $0x40, s7, s23, $0xb8;
	[tilespmem:$0x1F100] =	vst v63  }
0x75: {  	_ =	swait.ge [sflag:s25], $0x2000  }
0x76: {  	[sflag:s25] =	ssyncset.done $0x0  }
0x77: {  	s26 =	simm.s32 $0x2B80;
	[sflag:s25] =	ssyncadd.s32 $0xFFFFE000  }
0x78: {  	[spmem:s3] =	stream.indirect.scatter.add.f32 [tilespmem:s22], [sflag:$0x4], $0x40, s26, s23, $0xb8;
	[tilespmem:$0x1F100] =	vst v63  }
0x79: {  	_ =	swait.ge [sflag:s10], $0x2000  }
0x7a: {  	[sflag:s10] =	ssyncset.done $0x0  }
0x7b: {  	s30 =	simm.s32 $0x400;
	[sflag:s10] =	ssyncadd.s32 $0xFFFFE000  }
0x7c: {  	[tilespmem:s28], [sflag:$0x3] =	stream.indirect.gather [spmem:s2], $0x40, s30, s23, $0xb8;
	[tilespmem:$0x1F100] =	vst v63  }
0x7d: {  	_ =	swait.ge [sflag:s29], $0x2000  }
0x7e: {  	[sflag:s29] =	ssyncset.done $0x0  }
0x7f: {  	s0 =	simm.s32 $0x2C00;
	s26 =	simm.s32 $0x600;
	[sflag:s29] =	ssyncadd.s32 $0xFFFFE000  }
.LBB2_4:
0x80: {  	[spmem:s3] =	stream.indirect.scatter.add.f32 [tilespmem:s24], [sflag:$0x5], $0x40, s0, s23, $0xb8;
	[tilespmem:$0x1F100] =	vst v63  }
0x81: {  	s0 =	smov.u32 s26;
	s26 =	sadd.s32 $0x600, s26;
	_ =	swait.ge [sflag:s31], $0x2000  }
0x82: {  	s0 =	sshra.s32 s0, $0x2;
	p0 =	sne.s32 s26, $0x9600;
	[sflag:s31] =	ssyncset.done $0x0  }
0x83: {  	s5 =	sadd.s32 $0x300, s0;
	[sflag:s31] =	ssyncadd.s32 $0xFFFFE000  }
0x84: {  	[tilespmem:s22], [sflag:$0x1] =	stream.indirect.gather [spmem:s2], $0x40, s5, s23, $0xb8;
	[tilespmem:$0x1F100] =	vst v63  }
0x85: {  	_ =	swait.ge [sflag:s1], $0x2000  }
0x86: {  	[sflag:s1] =	ssyncset.done $0x0  }
0x87: {  	s5 =	sadd.s32 $0x2B00, s0;
	[sflag:s1] =	ssyncadd.s32 $0xFFFFE000  }
0x88: {  	[spmem:s3] =	stream.indirect.scatter.add.f32 [tilespmem:s28], [sflag:$0x6], $0x40, s5, s23, $0xb8;
	[tilespmem:$0x1F100] =	vst v63  }
0x89: {  	_ =	swait.ge [sflag:s6], $0x2000  }
0x8a: {  	[sflag:s6] =	ssyncset.done $0x0  }
0x8b: {  	s5 =	sadd.s32 $0x380, s0;
	[sflag:s6] =	ssyncadd.s32 $0xFFFFE000  }
0x8c: {  	[tilespmem:s24], [sflag:$0x2] =	stream.indirect.gather [spmem:s2], $0x40, s5, s23, $0xb8;
	[tilespmem:$0x1F100] =	vst v63  }
0x8d: {  	_ =	swait.ge [sflag:s25], $0x2000  }
0x8e: {  	[sflag:s25] =	ssyncset.done $0x0  }
0x8f: {  	s5 =	sadd.s32 $0x2B80, s0;
	[sflag:s25] =	ssyncadd.s32 $0xFFFFE000  }
0x90: {  	[spmem:s3] =	stream.indirect.scatter.add.f32 [tilespmem:s22], [sflag:$0x4], $0x40, s5, s23, $0xb8;
	[tilespmem:$0x1F100] =	vst v63  }
0x91: {  	_ =	swait.ge [sflag:s10], $0x2000  }
0x92: {  	[sflag:s10] =	ssyncset.done $0x0  }
.Ltmp1:
0x93: {  	s5 =	sadd.s32 $0x400, s0;
	[sflag:s10] =	ssyncadd.s32 $0xFFFFE000;
	(pc) =	sbr.rel @p0 .LBB2_4-.Ltmp1, $4  }
0x94: {  	[tilespmem:s28], [sflag:$0x3] =	stream.indirect.gather [spmem:s2], $0x40, s5, s23, $0xb8;
	[tilespmem:$0x1F100] =	vst v63  }
0x95: {  	_ =	swait.ge [sflag:s29], $0x2000  }
0x96: {  	[sflag:s29] =	ssyncset.done $0x0  }
0x97: {  	s0 =	sadd.s32 $0x2C00, s0;
	[sflag:s29] =	ssyncadd.s32 $0xFFFFE000  }
0x98: {  	[spmem:s3] =	stream.indirect.scatter.add.f32 [tilespmem:s24], [sflag:$0x5], $0x40, s0, s23, $0xb8;
	[tilespmem:$0x1F100] =	vst v63  }
0x99: {  	_ =	swait.ge [sflag:s1], $0x2000  }
0x9a: {  	s26 =	sshra.s32 s26, $0x2;
	[sflag:s1] =	ssyncset.done $0x0  }
0x9b: {  	s0 =	sadd.s32 $0x2B00, s26;
	[sflag:s1] =	ssyncadd.s32 $0xFFFFE000  }
0x9c: {  	[spmem:s3] =	stream.indirect.scatter.add.f32 [tilespmem:s28], [sflag:$0x6], $0x40, s0, s23, $0xb8;
	[tilespmem:$0x1F100] =	vst v63  }
0x9d: {  	_ =	swait.ge [sflag:s31], $0x2000  }
0x9e: {  	[sflag:s31] =	ssyncset.done $0x0  }
0x9f: {  	[sflag:s31] =	ssyncadd.s32 $0xFFFFE000  }
0xa0: {  	_ =	swait.ge [sflag:s6], $0x2000  }
0xa1: {  	[sflag:s6] =	ssyncset.done $0x0  }
0xa2: {  	[sflag:s6] =	ssyncadd.s32 $0xFFFFE000  }
0xa3: {  	_ =	swait.ge [sflag:s10], $0x2000  }
0xa4: {  	[sflag:s10] =	ssyncset.done $0x0  }
0xa5: {  	[sflag:s10] =	ssyncadd.s32 $0xFFFFE000  }
0xa6: {  	[bflag:$0x0] =	sbarrier.arrive $0xFFFF  }
0xa7: {  	s5 =	rddreg [dreg:$0x9]  }
0xa8: {  	s7 =	rddreg [dreg:$0x8];
	s26 =	sshrl.u32 s5, $0x3  }
0xa9: {  	[hbm:s7], [sflag:s20] =	dma.local [spmem:s26], $0x1400  }
0xaa: {  	_ =	swait.ge [sflag:s18], $0x1400  }
0xab: {  	[sflag:s18] =	ssyncset.done $0x0  }
0xac: {  	s30 =	simm.s32 $0x0;
	s5 =	rddreg [dreg:$0xa];
	[sflag:s18] =	ssyncadd.s32 $0xFFFFEC00  }
0xad: {  	[spmem:s21], [sflag:s20] =	dma.local [hbm:s5], $0x1400  }
0xae: {  	s7 =	sand.u32 $0x7F00, s30;
	_ =	swait.ge [sflag:s18], $0x1400  }
0xaf: {  	s7 =	sshrl.u32 s7, $0x2;
	s5 =	sand.u32 $0x30, s30;
	[sflag:s18] =	ssyncset.done $0x0  }
0xb0: {  	s0 =	simm.s32 $0x40;
	s5 =	sor.u32 s5, s7;
	[sflag:s18] =	ssyncadd.s32 $0xFFFFEC00  }
.LBB2_6:
0xb1: {  	p0 =	sne.s32 s0, $0x7FC0  }
0xb2: {  	[tilespmem:s5+$0x5100] =	vst v0;
	s30 =	sadd.s32 $0x10, s30;
	s5 =	smov.u32 s0;
	s0 =	sadd.s32 $0x40, s0  }
.Ltmp2:
0xb3: {  	(pc) =	sbr.rel @p0 .LBB2_6-.Ltmp2, $4  }
0xb4: {  	_ = 	snop  }
0xb5: {  	s5 =	sand.u32 $0x7F00, s5  }
0xb6: {  	s7 =	sand.u32 $0x30, s30;
	s5 =	sshrl.u32 s5, $0x2  }
0xb7: {  	s5 =	sor.u32 s7, s5  }
0xb8: {  	[tilespmem:s5+$0x5100] =	vst v0  }
0xb9: {  	[spmem:s8] =	stream.linear.scatter [tilespmem:s22], [sflag:$0x7], $0x2000, $0x38;
	[tilespmem:$0x1F100] =	vst v63  }
0xba: {  	_ =	swait.ge [sflag:s18], $0x2000  }
0xbb: {  	[sflag:s18] =	ssyncset.done $0x0  }
0xbc: {  	[sflag:s18] =	ssyncadd.s32 $0xFFFFE000  }
0xbd: {  	[spmem:s14] =	stream.linear.scatter [tilespmem:s22], [sflag:$0x7], $0x2000, $0x38;
	[tilespmem:$0x1F100] =	vst v63  }
0xbe: {  	_ =	swait.ge [sflag:s18], $0x2000  }
0xbf: {  	[sflag:s18] =	ssyncset.done $0x0  }
0xc0: {  	[sflag:s18] =	ssyncadd.s32 $0xFFFFE000  }
0xc1: {  	[spmem:s15] =	stream.linear.scatter [tilespmem:s22], [sflag:$0x7], $0x2000, $0x38;
	[tilespmem:$0x1F100] =	vst v63  }
0xc2: {  	_ =	swait.ge [sflag:s18], $0x2000  }
0xc3: {  	[sflag:s18] =	ssyncset.done $0x0  }
0xc4: {  	[sflag:s18] =	ssyncadd.s32 $0xFFFFE000  }
0xc5: {  	[spmem:s16] =	stream.linear.scatter [tilespmem:s22], [sflag:$0x7], $0x2000, $0x38;
	[tilespmem:$0x1F100] =	vst v63  }
0xc6: {  	_ =	swait.ge [sflag:s18], $0x2000  }
0xc7: {  	[sflag:s18] =	ssyncset.done $0x0  }
0xc8: {  	[sflag:s18] =	ssyncadd.s32 $0xFFFFE000  }
0xc9: {  	[spmem:s17] =	stream.linear.scatter [tilespmem:s22], [sflag:$0x7], $0x2000, $0x38;
	[tilespmem:$0x1F100] =	vst v63  }
0xca: {  	_ =	swait.ge [sflag:s18], $0x2000  }
0xcb: {  	[sflag:s18] =	ssyncset.done $0x0  }
0xcc: {  	[sflag:s18] =	ssyncadd.s32 $0xFFFFE000  }
0xcd: {  	s0 =	simm.s32 $0x0;
	[bflag:$0x0] =	sbarrier.arrive $0xFFFF  }
0xce: {  	[tilespmem:s22], [sflag:$0x1] =	stream.indirect.gather [spmem:s2], $0x40, s0, s23, $0xb8;
	[tilespmem:$0x1F100] =	vst v63  }
0xcf: {  	_ = 	snop  }
0xd0: {  	[tilespmem:s24], [sflag:$0x2] =	stream.indirect.gather [spmem:s2], $0x40, s23, s23, $0xb8;
	[tilespmem:$0x1F100] =	vst v63  }
0xd1: {  	_ =	swait.ge [sflag:s25], $0x2000  }
0xd2: {  	[sflag:s25] =	ssyncset.done $0x0  }
0xd3: {  	[sflag:s25] =	ssyncadd.s32 $0xFFFFE000  }
0xd4: {  	[spmem:s3] =	stream.indirect.scatter.add.f32 [tilespmem:s22], [sflag:$0x4], $0x40, s19, s23, $0xb8;
	[tilespmem:$0x1F100] =	vst v63  }
0xd5: {  	s7 =	simm.s32 $0x100  }
0xd6: {  	[tilespmem:s28], [sflag:$0x3] =	stream.indirect.gather [spmem:s2], $0x40, s7, s23, $0xb8;
	[tilespmem:$0x1F100] =	vst v63  }
0xd7: {  	_ =	swait.ge [sflag:s29], $0x2000  }
0xd8: {  	[sflag:s29] =	ssyncset.done $0x0  }
0xd9: {  	s5 =	simm.s32 $0x2900;
	[sflag:s29] =	ssyncadd.s32 $0xFFFFE000  }
0xda: {  	[spmem:s3] =	stream.indirect.scatter.add.f32 [tilespmem:s24], [sflag:$0x5], $0x40, s5, s23, $0xb8;
	[tilespmem:$0x1F100] =	vst v63  }
0xdb: {  	_ =	swait.ge [sflag:s31], $0x2000  }
0xdc: {  	[sflag:s31] =	ssyncset.done $0x0  }
0xdd: {  	s5 =	simm.s32 $0x180;
	[sflag:s31] =	ssyncadd.s32 $0xFFFFE000  }
0xde: {  	[tilespmem:s22], [sflag:$0x1] =	stream.indirect.gather [spmem:s2], $0x40, s5, s23, $0xb8;
	[tilespmem:$0x1F100] =	vst v63  }
0xdf: {  	_ =	swait.ge [sflag:s1], $0x2000  }
0xe0: {  	[sflag:s1] =	ssyncset.done $0x0  }
0xe1: {  	s5 =	simm.s32 $0x2980;
	[sflag:s1] =	ssyncadd.s32 $0xFFFFE000  }
0xe2: {  	[spmem:s3] =	stream.indirect.scatter.add.f32 [tilespmem:s28], [sflag:$0x6], $0x40, s5, s23, $0xb8;
	[tilespmem:$0x1F100] =	vst v63  }
0xe3: {  	_ =	swait.ge [sflag:s6], $0x2000  }
0xe4: {  	[sflag:s6] =	ssyncset.done $0x0  }
0xe5: {  	s5 =	simm.s32 $0x200;
	[sflag:s6] =	ssyncadd.s32 $0xFFFFE000  }
0xe6: {  	[tilespmem:s24], [sflag:$0x2] =	stream.indirect.gather [spmem:s2], $0x40, s5, s23, $0xb8;
	[tilespmem:$0x1F100] =	vst v63  }
0xe7: {  	_ =	swait.ge [sflag:s25], $0x2000  }
0xe8: {  	[sflag:s25] =	ssyncset.done $0x0  }
0xe9: {  	[sflag:s25] =	ssyncadd.s32 $0xFFFFE000  }
0xea: {  	[spmem:s3] =	stream.indirect.scatter.add.f32 [tilespmem:s22], [sflag:$0x4], $0x40, s9, s23, $0xb8;
	[tilespmem:$0x1F100] =	vst v63  }
0xeb: {  	_ =	swait.ge [sflag:s10], $0x2000  }
0xec: {  	[sflag:s10] =	ssyncset.done $0x0  }
0xed: {  	[sflag:s10] =	ssyncadd.s32 $0xFFFFE000  }
0xee: {  	[tilespmem:s28], [sflag:$0x3] =	stream.indirect.gather [spmem:s2], $0x40, s11, s23, $0xb8;
	[tilespmem:$0x1F100] =	vst v63  }
0xef: {  	_ =	swait.ge [sflag:s29], $0x2000  }
0xf0: {  	[sflag:s29] =	ssyncset.done $0x0  }
0xf1: {  	[sflag:s29] =	ssyncadd.s32 $0xFFFFE000  }
0xf2: {  	[spmem:s3] =	stream.indirect.scatter.add.f32 [tilespmem:s24], [sflag:$0x5], $0x40, s12, s23, $0xb8;
	[tilespmem:$0x1F100] =	vst v63  }
0xf3: {  	_ =	swait.ge [sflag:s31], $0x2000  }
0xf4: {  	[sflag:s31] =	ssyncset.done $0x0  }
0xf5: {  	s5 =	simm.s32 $0x300;
	[sflag:s31] =	ssyncadd.s32 $0xFFFFE000  }
0xf6: {  	[tilespmem:s22], [sflag:$0x1] =	stream.indirect.gather [spmem:s2], $0x40, s5, s23, $0xb8;
	[tilespmem:$0x1F100] =	vst v63  }
0xf7: {  	_ =	swait.ge [sflag:s1], $0x2000  }
0xf8: {  	[sflag:s1] =	ssyncset.done $0x0  }
0xf9: {  	s5 =	simm.s32 $0x2B00;
	[sflag:s1] =	ssyncadd.s32 $0xFFFFE000  }
0xfa: {  	[spmem:s3] =	stream.indirect.scatter.add.f32 [tilespmem:s28], [sflag:$0x6], $0x40, s5, s23, $0xb8;
	[tilespmem:$0x1F100] =	vst v63  }
0xfb: {  	_ =	swait.ge [sflag:s6], $0x2000  }
0xfc: {  	[sflag:s6] =	ssyncset.done $0x0  }
0xfd: {  	s5 =	simm.s32 $0x380;
	[sflag:s6] =	ssyncadd.s32 $0xFFFFE000  }
0xfe: {  	[tilespmem:s24], [sflag:$0x2] =	stream.indirect.gather [spmem:s2], $0x40, s5, s23, $0xb8;
	[tilespmem:$0x1F100] =	vst v63  }
0xff: {  	_ =	swait.ge [sflag:s25], $0x2000  }
0x100: {  	[sflag:s25] =	ssyncset.done $0x0  }
0x101: {  	s5 =	simm.s32 $0x2B80;
	[sflag:s25] =	ssyncadd.s32 $0xFFFFE000  }
0x102: {  	[spmem:s3] =	stream.indirect.scatter.add.f32 [tilespmem:s22], [sflag:$0x4], $0x40, s5, s23, $0xb8;
	[tilespmem:$0x1F100] =	vst v63  }
0x103: {  	_ =	swait.ge [sflag:s10], $0x2000  }
0x104: {  	[sflag:s10] =	ssyncset.done $0x0  }
0x105: {  	s5 =	simm.s32 $0x400;
	[sflag:s10] =	ssyncadd.s32 $0xFFFFE000  }
0x106: {  	[tilespmem:s28], [sflag:$0x3] =	stream.indirect.gather [spmem:s2], $0x40, s5, s23, $0xb8;
	[tilespmem:$0x1F100] =	vst v63  }
0x107: {  	_ =	swait.ge [sflag:s29], $0x2000  }
0x108: {  	[sflag:s29] =	ssyncset.done $0x0  }
0x109: {  	s30 =	simm.s32 $0x600;
	s0 =	simm.s32 $0x2C00;
	[sflag:s29] =	ssyncadd.s32 $0xFFFFE000  }
.LBB2_8:
0x10a: {  	[spmem:s3] =	stream.indirect.scatter.add.f32 [tilespmem:s24], [sflag:$0x5], $0x40, s0, s23, $0xb8;
	[tilespmem:$0x1F100] =	vst v63  }
0x10b: {  	s0 =	smov.u32 s30;
	s30 =	sadd.s32 $0x600, s30;
	_ =	swait.ge [sflag:s31], $0x2000  }
0x10c: {  	s0 =	sshra.s32 s0, $0x2;
	p0 =	sne.s32 s30, $0x9600;
	[sflag:s31] =	ssyncset.done $0x0  }
0x10d: {  	s5 =	sadd.s32 $0x300, s0;
	[sflag:s31] =	ssyncadd.s32 $0xFFFFE000  }
0x10e: {  	[tilespmem:s22], [sflag:$0x1] =	stream.indirect.gather [spmem:s2], $0x40, s5, s23, $0xb8;
	[tilespmem:$0x1F100] =	vst v63  }
0x10f: {  	_ =	swait.ge [sflag:s1], $0x2000  }
0x110: {  	[sflag:s1] =	ssyncset.done $0x0  }
0x111: {  	s5 =	sadd.s32 $0x2B00, s0;
	[sflag:s1] =	ssyncadd.s32 $0xFFFFE000  }
0x112: {  	[spmem:s3] =	stream.indirect.scatter.add.f32 [tilespmem:s28], [sflag:$0x6], $0x40, s5, s23, $0xb8;
	[tilespmem:$0x1F100] =	vst v63  }
0x113: {  	_ =	swait.ge [sflag:s6], $0x2000  }
0x114: {  	[sflag:s6] =	ssyncset.done $0x0  }
0x115: {  	s5 =	sadd.s32 $0x380, s0;
	[sflag:s6] =	ssyncadd.s32 $0xFFFFE000  }
0x116: {  	[tilespmem:s24], [sflag:$0x2] =	stream.indirect.gather [spmem:s2], $0x40, s5, s23, $0xb8;
	[tilespmem:$0x1F100] =	vst v63  }
0x117: {  	_ =	swait.ge [sflag:s25], $0x2000  }
0x118: {  	[sflag:s25] =	ssyncset.done $0x0  }
0x119: {  	s5 =	sadd.s32 $0x2B80, s0;
	[sflag:s25] =	ssyncadd.s32 $0xFFFFE000  }
0x11a: {  	[spmem:s3] =	stream.indirect.scatter.add.f32 [tilespmem:s22], [sflag:$0x4], $0x40, s5, s23, $0xb8;
	[tilespmem:$0x1F100] =	vst v63  }
0x11b: {  	_ =	swait.ge [sflag:s10], $0x2000  }
0x11c: {  	[sflag:s10] =	ssyncset.done $0x0  }
.Ltmp3:
0x11d: {  	s5 =	sadd.s32 $0x400, s0;
	[sflag:s10] =	ssyncadd.s32 $0xFFFFE000;
	(pc) =	sbr.rel @p0 .LBB2_8-.Ltmp3, $4  }
0x11e: {  	[tilespmem:s28], [sflag:$0x3] =	stream.indirect.gather [spmem:s2], $0x40, s5, s23, $0xb8;
	[tilespmem:$0x1F100] =	vst v63  }
0x11f: {  	_ =	swait.ge [sflag:s29], $0x2000  }
0x120: {  	[sflag:s29] =	ssyncset.done $0x0  }
0x121: {  	s0 =	sadd.s32 $0x2C00, s0;
	[sflag:s29] =	ssyncadd.s32 $0xFFFFE000  }
0x122: {  	[spmem:s3] =	stream.indirect.scatter.add.f32 [tilespmem:s24], [sflag:$0x5], $0x40, s0, s23, $0xb8;
	[tilespmem:$0x1F100] =	vst v63  }
0x123: {  	_ =	swait.ge [sflag:s1], $0x2000  }
0x124: {  	s30 =	sshra.s32 s30, $0x2;
	[sflag:s1] =	ssyncset.done $0x0  }
0x125: {  	s0 =	sadd.s32 $0x2B00, s30;
	[sflag:s1] =	ssyncadd.s32 $0xFFFFE000  }
0x126: {  	[spmem:s3] =	stream.indirect.scatter.add.f32 [tilespmem:s28], [sflag:$0x6], $0x40, s0, s23, $0xb8;
	[tilespmem:$0x1F100] =	vst v63  }
0x127: {  	_ =	swait.ge [sflag:s31], $0x2000  }
0x128: {  	[sflag:s31] =	ssyncset.done $0x0  }
0x129: {  	[sflag:s31] =	ssyncadd.s32 $0xFFFFE000  }
0x12a: {  	_ =	swait.ge [sflag:s6], $0x2000  }
0x12b: {  	[sflag:s6] =	ssyncset.done $0x0  }
0x12c: {  	[sflag:s6] =	ssyncadd.s32 $0xFFFFE000  }
0x12d: {  	_ =	swait.ge [sflag:s10], $0x2000  }
0x12e: {  	[sflag:s10] =	ssyncset.done $0x0  }
0x12f: {  	[sflag:s10] =	ssyncadd.s32 $0xFFFFE000  }
0x130: {  	[bflag:$0x0] =	sbarrier.arrive $0xFFFF  }
0x131: {  	s5 =	rddreg [dreg:$0xb]  }
0x132: {  	[hbm:s5], [sflag:s20] =	dma.local [spmem:s26], $0x1400  }
0x133: {  	_ =	swait.ge [sflag:s18], $0x1400  }
0x134: {  	s13 =	sadd.s32 $0x1, s13;
	s30 =	rddreg [dreg:$0xc]  }
0x135: {  	p0 =	sne.s32 s13, s30  }
.Ltmp4:
0x136: {  	_ = 	snop;
	(pc) =	sbr.rel @p0 .LBB2_1-.Ltmp4, $3  }
0x137: {  	_ =	sdelay $0x1  }
0x138: {  	[sflag:s18] =	ssyncset.done $0x0  }
0x139: {  	[sflag:s18] =	ssyncadd.s32 $0xFFFFEC00  }
0x13a: {  	_ =	sfence.sel $0x180000  }
0x13b: {  	[bflag:$0x0] =	sbarrier.arrive $0xFFFF  }
0x13c: {  	_ =	strace $0x90000047  }
0x13d: {  	s0 =	stileid.u32;
	[bflag:$0x2] =	sbarrier.arrive $0xFFFF  }
0x13e: {  	p0 =	sne.s32 s0, $0x0;
	s0 =	rddreg [dreg:$0x4]  }
0x13f: {  	s0 =	sadd.s32 @!p0 $0x100000, s0  }
0x140: {  	[sflag:s0] =	ssyncadd.tile.s32 @!p0 $0x1;
	_ =	shalt  }
.Lfunc_end2:
_tile_overlayer_lowered:
.L_overlay_start_2:
0x141: {  	(tag) =	ssettag $0x2  }
0x142: {  	s0 =	rddreg [dreg:$0x0];
	s2 =	stileid.u32  }
0x143: {  	s1 =	rddreg [dreg:$0x1];
	p0 =	sne.s32 s2, $0x0  }
0x144: {  	s3 =	rddreg [dreg:$0x2];
	[bflag:$0x3] =	sbarrier.arrive $0xFFFF;
	s2 =	simm.s32 @!p0 $0x1C07  }
0x145: {  	[timem:s3], [sflag:s2] =	dma.local @!p0 [hbm:s0], s1  }
0x146: {  	s0 =	simm.s32 @!p0 $0x7  }
0x147: {  	_ =	swait.ge @!p0 [sflag:s0], s1  }
0x148: {  	s1 =	ssub.s32 @!p0 $0x0, s1;
	[sflag:s0] =	ssyncset.done @!p0 $0x0  }
0x149: {  	[sflag:s0] =	ssyncadd.s32 @!p0 s1  }
0x14a: {  	[bflag:$0x3] =	sbarrier.arrive $0xFFFF  }
0x14b: {  	_ =	shalt  }

</sc_bundles>
